<compile_context>
chip_gen: v7x
topology: tpu7x:2x2x1
jax: 0.10.2.dev20260603
libtpu: 0.0.44.dev20260713+nightly
codegen_flags: <defaults>
</compile_context>

<pallas_src>
import jax
import jax.numpy as jnp
from jax import lax
from jax.experimental import pallas as pl
from jax.experimental.pallas import tpu as pltpu
from jax.experimental.pallas import tpu_sc as plsc

N = 50000
E = 800000
DIM = 32

BN = 400
GRID = N // BN

EPB = 128
GRP = 8
EPG = GRP * EPB
NG = -(-E // (EPG * 16)) * 16
EPAD = NG * EPG
NTILE = 16
HN = N // 2
RPT = 1568
HNPAD = RPT * NTILE

_MESH = dict(
    mesh=plsc.VectorSubcoreMesh(
        core_axis_name="c", subcore_axis_name="s", num_cores=2,
        num_subcores=NTILE),
    compiler_params=pltpu.CompilerParams(use_tc_tiling_on_sc=False))


def _zero_spmem(zbuf, spm, row0):
    def zrow(i, _):
        zbuf[i, pl.ds(0, 16)] = jnp.zeros((16,), jnp.float32)
        zbuf[i, pl.ds(16, 16)] = jnp.zeros((16,), jnp.float32)
        return 0
    lax.fori_loop(0, 128, zrow, 0)
    nfull = RPT // 128
    rem = RPT - nfull * 128
    def zcp(k, _):
        pltpu.sync_copy(zbuf, spm.at[pl.ds(row0 + k * 128, 128)])
        return 0
    lax.fori_loop(0, nfull, zcp, 0)
    pltpu.sync_copy(zbuf.at[pl.ds(0, rem)], spm.at[pl.ds(row0 + nfull * 128, rem)])


def _sc_agg(src4d, dst4d, nsub, x):

    def body(src_hbm, dst_hbm, cnt_hbm, x_hbm, out_hbm,
             cnts, srcg, dstg, rows, zbuf, spm, *sems):
        c = lax.axis_index("c")
        s = lax.axis_index("s")
        row0 = s * RPT
        pltpu.sync_copy(cnt_hbm.at[c].at[s], cnts)
        _zero_spmem(zbuf, spm, row0)
        plsc.subcore_barrier()
        gsem = sems[:GRP]
        ssem = sems[GRP:]
        myn = cnts[...][0]

        def group(k, _):
            g = s + k * NTILE
            pltpu.sync_copy(src_hbm.at[c].at[g], srcg)
            pltpu.sync_copy(dst_hbm.at[c].at[g], dstg)
            descs = [pltpu.async_copy(x_hbm.at[srcg.at[j]],
                                      rows.at[j], gsem[j])
                     for j in range(GRP)]
            scats = []
            for j in range(GRP):
                descs[j].wait()
                scats.append(pltpu.async_copy(
                    rows.at[j], spm.at[dstg.at[j]], ssem[j],
                    add=True))
            for sd in scats:
                sd.wait()
            return 0
        lax.fori_loop(0, myn, group, 0)

        plsc.subcore_barrier()
        pltpu.sync_copy(spm.at[pl.ds(row0, RPT)],
                        out_hbm.at[c].at[pl.ds(row0, RPT)])

    f = pl.kernel(
        body,
        out_type=jax.ShapeDtypeStruct((2, HNPAD, DIM), jnp.float32),
        scratch_types=[
            pltpu.VMEM((NTILE,), jnp.int32),
            pltpu.VMEM((GRP, EPB), jnp.int32),
            pltpu.VMEM((GRP, EPB), jnp.int32),
            pltpu.VMEM((GRP, EPB, DIM), jnp.float32),
            pltpu.VMEM((128, DIM), jnp.float32),
            pltpu.VMEM_SHARED((HNPAD, DIM), jnp.float32),
        ] + [pltpu.SemaphoreType.DMA] * (2 * GRP),
        **_MESH,
    )
    return f(src4d, dst4d, nsub, x)



def _row_spec():
    return pl.BlockSpec((BN, DIM), lambda i: (i, 0))


def _const_spec(shape):
    return pl.BlockSpec(shape, lambda i: tuple(0 for _ in shape))


def _embed_body(deg_ref, lab_ref, tdeg_ref, tlab_ref, wa_ref, wb_ref,
                lo_ref, hi_ref, t1_ref):
    d = deg_ref[...]
    l = lab_ref[...]
    oh_d = (d == lax.broadcasted_iota(jnp.int32, (BN, 64), 1)).astype(jnp.float32)
    oh_l = (l == lax.broadcasted_iota(jnp.int32, (BN, 16), 1)).astype(jnp.float32)
    lo = jnp.dot(oh_d, tdeg_ref[...], preferred_element_type=jnp.float32)
    hi = jnp.dot(oh_l, tlab_ref[...], preferred_element_type=jnp.float32)
    lo_ref[...] = lo
    hi_ref[...] = hi
    t1_ref[...] = (jnp.dot(lo, wa_ref[...], preferred_element_type=jnp.float32)
                   + jnp.dot(hi, wb_ref[...], preferred_element_type=jnp.float32))


def _embed(nd, nl, embed_deg, embed_lab, wa, wb):
    return pl.pallas_call(
        _embed_body,
        grid=(GRID,),
        in_specs=[pl.BlockSpec((BN, 1), lambda i: (i, 0)),
                  pl.BlockSpec((BN, 1), lambda i: (i, 0)),
                  _const_spec((64, DIM)),
                  _const_spec((16, DIM)),
                  _const_spec((DIM, DIM)),
                  _const_spec((DIM, DIM))],
        out_specs=[_row_spec(), _row_spec(), _row_spec()],
        out_shape=[jax.ShapeDtypeStruct((N, DIM), jnp.float32),
                   jax.ShapeDtypeStruct((N, DIM), jnp.float32),
                   jax.ShapeDtypeStruct((N, DIM), jnp.float32)],
    )(nd, nl, embed_deg, embed_lab, wa, wb)


def _accum_stats(st_ref, y):
    part = jnp.concatenate(
        [jnp.sum(y, 0, keepdims=True), jnp.sum(y * y, 0, keepdims=True)], 0)
    i = pl.program_id(0)

    @pl.when(i == 0)
    def _():
        st_ref[...] = part

    @pl.when(i > 0)
    def _():
        st_ref[...] += part


def _add_stats_body(t_ref, a_ref, b_ref, y_ref, st_ref):
    y = t_ref[...] + a_ref[...] + b_ref[...]
    y_ref[...] = y
    _accum_stats(st_ref, y)


def _add_stats(t, a, b):
    return pl.pallas_call(
        _add_stats_body,
        grid=(GRID,),
        in_specs=[_row_spec(), _row_spec(), _const_spec((1, DIM))],
        out_specs=[_row_spec(), _const_spec((2, DIM))],
        out_shape=[jax.ShapeDtypeStruct((N, DIM), jnp.float32),
                   jax.ShapeDtypeStruct((2, DIM), jnp.float32)],
    )(t, a, b)


def _bn_leaky(y, st_ref, g_ref, be_ref):
    stv = st_ref[...]
    mu = stv[0:1, :] * (1.0 / N)
    var = stv[1:2, :] * (1.0 / N) - mu * mu
    sc = g_ref[...] * lax.rsqrt(var + 1e-5)
    sh = be_ref[...] - mu * sc
    x = y * sc + sh
    return jnp.where(x >= 0, x, 0.01 * x)


def _bnact_mm_body(y_ref, st_ref, g_ref, be_ref, w_ref, x_ref, t_ref):
    x = _bn_leaky(y_ref[...], st_ref, g_ref, be_ref)
    x_ref[...] = x
    t_ref[...] = jnp.dot(x, w_ref[...], preferred_element_type=jnp.float32)


def _bnact_mm(y, st, g, be, w):
    return pl.pallas_call(
        _bnact_mm_body,
        grid=(GRID,),
        in_specs=[_row_spec(), _const_spec((2, DIM)),
                  _const_spec((1, DIM)), _const_spec((1, DIM)),
                  _const_spec((DIM, DIM))],
        out_specs=[_row_spec(), _row_spec()],
        out_shape=[jax.ShapeDtypeStruct((N, DIM), jnp.float32),
                   jax.ShapeDtypeStruct((N, DIM), jnp.float32)],
    )(y, st, g, be, w)


def _final_mm_body(y2_ref, st2_ref, g2_ref, be2_ref, tlo_ref, thi_ref, x1_ref,
                   fa_ref, fb_ref, fc_ref, fd_ref, b_ref, y3_ref, st3_ref):
    x2 = _bn_leaky(y2_ref[...], st2_ref, g2_ref, be2_ref)
    y3 = (jnp.dot(tlo_ref[...], fa_ref[...], preferred_element_type=jnp.float32)
          + jnp.dot(thi_ref[...], fb_ref[...], preferred_element_type=jnp.float32)
          + jnp.dot(x1_ref[...], fc_ref[...], preferred_element_type=jnp.float32)
          + jnp.dot(x2, fd_ref[...], preferred_element_type=jnp.float32)
          + b_ref[...])
    y3_ref[...] = y3
    _accum_stats(st3_ref, y3)


def _final_mm(y2, st2, g2, be2, tlo, thi, x1, fa, fb, fc, fd, b):
    return pl.pallas_call(
        _final_mm_body,
        grid=(GRID,),
        in_specs=[_row_spec(), _const_spec((2, DIM)),
                  _const_spec((1, DIM)), _const_spec((1, DIM)),
                  _row_spec(), _row_spec(), _row_spec(),
                  _const_spec((DIM, DIM)), _const_spec((DIM, DIM)),
                  _const_spec((DIM, DIM)), _const_spec((DIM, DIM)),
                  _const_spec((1, DIM))],
        out_specs=[_row_spec(), _const_spec((2, DIM))],
        out_shape=[jax.ShapeDtypeStruct((N, DIM), jnp.float32),
                   jax.ShapeDtypeStruct((2, DIM), jnp.float32)],
    )(y2, st2, g2, be2, tlo, thi, x1, fa, fb, fc, fd, b)


def _head_body(y3_ref, st3_ref, g_ref, be_ref, w_ref, b_ref, o_ref):
    x3 = _bn_leaky(y3_ref[...], st3_ref, g_ref, be_ref)
    o = jnp.dot(x3, w_ref[...], preferred_element_type=jnp.float32) + b_ref[...]
    o_ref[...] = 1.0 / (1.0 + jnp.exp(-o))


def _head(y3, st3, g, be, w, b):
    return pl.pallas_call(
        _head_body,
        grid=(GRID,),
        in_specs=[_row_spec(), _const_spec((2, DIM)),
                  _const_spec((1, DIM)), _const_spec((1, DIM)),
                  _const_spec((DIM, 1)), _const_spec((1, 1))],
        out_specs=pl.BlockSpec((BN, 1), lambda i: (i, 0)),
        out_shape=jax.ShapeDtypeStruct((N, 1), jnp.float32),
    )(y3, st3, g, be, w, b)


def kernel(node_deg, node_lab, edge_index, embed_deg, embed_lab, W1, b1, g1,
           be1, W2, b2, g2, be2, fcW1, fcb1, fcg, fcbe, fcW2, fcb2):
    nd = node_deg.astype(jnp.int32).reshape(N, 1)
    nl = node_lab.astype(jnp.int32).reshape(N, 1)

    src = edge_index[0].astype(jnp.int32)
    dst = edge_index[1].astype(jnp.int32)
    pred = dst < HN
    csum = jnp.cumsum(pred.astype(jnp.int32))
    n0 = csum[-1]
    pos = jnp.where(pred, csum - 1,
                    EPAD + (jnp.arange(E, dtype=jnp.int32) + 1 - csum) - 1)
    dstloc = jnp.where(pred, dst, dst - HN)
    payload = jnp.stack([src, dstloc], 1)
    init = jnp.tile(jnp.array([[0, HN]], jnp.int32), (2 * EPAD, 1))
    buf = init.at[pos].set(payload)
    src4d = buf[:, 0].reshape(2, NG, GRP, EPB)
    dst4d = buf[:, 1].reshape(2, NG, GRP, EPB)
    gc = jnp.stack([-(-n0 // EPG), -(-(E - n0) // EPG)])
    sarr = jnp.arange(NTILE, dtype=jnp.int32)
    nsub = jnp.maximum(0, (gc[:, None] - sarr[None, :] + NTILE - 1)
                       // NTILE).astype(jnp.int32)
    cnt3 = jnp.zeros((2, NTILE, 16), jnp.int32).at[:, :, 0].set(nsub)

    tlo, thi, t1 = _embed(nd, nl, embed_deg, embed_lab, W1[:DIM], W1[DIM:])

    agg1 = _sc_agg(src4d, dst4d, cnt3, t1)
    a1 = jnp.concatenate([agg1[0, :HN], agg1[1, :HN]], 0)
    y1, st1 = _add_stats(t1, a1, b1.reshape(1, DIM))
    x1, t2 = _bnact_mm(y1, st1, g1.reshape(1, DIM), be1.reshape(1, DIM), W2)

    agg2 = _sc_agg(src4d, dst4d, cnt3, t2)
    a2 = jnp.concatenate([agg2[0, :HN], agg2[1, :HN]], 0)
    y2, st2 = _add_stats(t2, a2, b2.reshape(1, DIM))

    y3, st3 = _final_mm(y2, st2, g2.reshape(1, DIM), be2.reshape(1, DIM),
                        tlo, thi, x1,
                        fcW1[0:DIM], fcW1[DIM:2 * DIM],
                        fcW1[2 * DIM:3 * DIM], fcW1[3 * DIM:],
                        fcb1.reshape(1, DIM))
    out = _head(y3, st3, fcg.reshape(1, DIM), fcbe.reshape(1, DIM),
                fcW2, fcb2.reshape(1, 1))
    return out.reshape(N)

# --- scband reference (transcript-rebuilt; emitter-appended) ---
"""Pipeline reference for scband-filtration-82222853914919 (READ-ONLY COPY).

The authoritative reference and input builder live on the scoring server;
editing this copy changes nothing except your own understanding.
"""

import jax, jax.numpy as jnp
import numpy as np

N = 50000
E = 800000
DIM = 32
MAX_DEG = 64
NUM_LAB = 16

def leaky_relu(x):
    return jnp.where(x >= 0, x, 0.01 * x)

def batchnorm(x, gamma, beta, eps=1e-5):
    mu = jnp.mean(x, axis=0)
    var = jnp.var(x, axis=0)
    return gamma * (x - mu) / jnp.sqrt(var + eps) + beta

def gin_conv(x, edge_index, W, b):
    # PyG GINConv with eps=0: out = Linear(x + sum_{j in N(i)} x_j)
    src = edge_index[0]
    dst = edge_index[1]
    agg = jnp.zeros_like(x).at[dst].add(x[src])
    return (x + agg) @ W + b

def setup_inputs(seed: int = 0) -> dict:
    key = jax.random.key(seed)
    ks = jax.random.split(key, 12)
    inp = {}
    inp['node_deg'] = jax.random.randint(ks[0], (N,), 0, MAX_DEG)
    inp['node_lab'] = jax.random.randint(ks[1], (N,), 0, NUM_LAB)
    inp['edge_index'] = jax.random.randint(ks[2], (2, E), 0, N)
    # learned params
    inp['embed_deg'] = jax.random.normal(ks[3], (MAX_DEG, DIM), dtype=jnp.float32) * 0.1
    inp['embed_lab'] = jax.random.normal(ks[4], (NUM_LAB, DIM), dtype=jnp.float32) * 0.1
    inp['W1'] = jax.random.normal(ks[5], (2 * DIM, DIM), dtype=jnp.float32) * 0.05
    inp['b1'] = jnp.zeros((DIM,), jnp.float32)
    inp['g1'] = jnp.ones((DIM,), jnp.float32)
    inp['be1'] = jnp.zeros((DIM,), jnp.float32)
    inp['W2'] = jax.random.normal(ks[6], (DIM, DIM), dtype=jnp.float32) * 0.05
    inp['b2'] = jnp.zeros((DIM,), jnp.float32)
    inp['g2'] = jnp.ones((DIM,), jnp.float32)
    inp['be2'] = jnp.zeros((DIM,), jnp.float32)
    inp['fcW1'] = jax.random.normal(ks[7], (4 * DIM, DIM), dtype=jnp.float32) * 0.05
    inp['fcb1'] = jnp.zeros((DIM,), jnp.float32)
    inp['fcg'] = jnp.ones((DIM,), jnp.float32)
    inp['fcbe'] = jnp.zeros((DIM,), jnp.float32)
    inp['fcW2'] = jax.random.normal(ks[8], (DIM, 1), dtype=jnp.float32) * 0.05
    inp['fcb2'] = jnp.zeros((1,), jnp.float32)
    return inp

def reference(node_deg, node_lab, edge_index, embed_deg, embed_lab, W1, b1, g1, be1, W2, b2, g2, be2, fcW1, fcb1, fcg, fcbe, fcW2, fcb2):
    tmp = jnp.concatenate([jnp.take(embed_deg, node_deg, axis=0), jnp.take(embed_lab, node_lab, axis=0)], axis=1)
    z = [tmp]
    x = gin_conv(z[-1], edge_index, W1, b1)
    x = leaky_relu(batchnorm(x, g1, be1))
    z.append(x)
    x = gin_conv(z[-1], edge_index, W2, b2)
    x = leaky_relu(batchnorm(x, g2, be2))
    z.append(x)
    x = jnp.concatenate(z, axis=1)  # [N, 64+32+32=128]
    h = leaky_relu(batchnorm(x @ fcW1 + fcb1, fcg, fcbe))
    out = jax.nn.sigmoid(h @ fcW2 + fcb2)
    return jnp.squeeze(out)

if __name__ == "__main__":
    import jax
    _d = setup_inputs()
    print(jax.jit(kernel)(*tuple(_d.values())))

</pallas_src>

<mosaic_0001>
#map = affine_map<(d0, d1) -> (0, 0, 0, 0)>
#map1 = affine_map<(d0, d1) -> (0, 0, 0)>
#map2 = affine_map<(d0, d1) -> (0, 0)>
module attributes {stable_mosaic.version = 14 : i64} {
  func.func @body(%arg0: i32, %arg1: i32, %arg2: memref<2x784x8x128xi32, #tpu.memory_space<hbm>>, %arg3: memref<2x784x8x128xi32, #tpu.memory_space<hbm>>, %arg4: memref<2x16x16xi32, #tpu.memory_space<hbm>>, %arg5: memref<50000x32xf32, #tpu.memory_space<hbm>>, %arg6: memref<2x25088x32xf32, #tpu.memory_space<hbm>>, %arg7: memref<16xi32, #tpu.memory_space<vmem>>, %arg8: memref<8x128xi32, #tpu.memory_space<vmem>>, %arg9: memref<8x128xi32, #tpu.memory_space<vmem>>, %arg10: memref<8x128x32xf32, #tpu.memory_space<vmem>>, %arg11: memref<128x32xf32, #tpu.memory_space<vmem>>, %arg12: memref<25088x32xf32, #tpu.memory_space<vmem_shared>>, %arg13: memref<!tpu.dma_semaphore, #tpu.memory_space<semaphore_mem>>, %arg14: memref<!tpu.dma_semaphore, #tpu.memory_space<semaphore_mem>>, %arg15: memref<!tpu.dma_semaphore, #tpu.memory_space<semaphore_mem>>, %arg16: memref<!tpu.dma_semaphore, #tpu.memory_space<semaphore_mem>>, %arg17: memref<!tpu.dma_semaphore, #tpu.memory_space<semaphore_mem>>, %arg18: memref<!tpu.dma_semaphore, #tpu.memory_space<semaphore_mem>>, %arg19: memref<!tpu.dma_semaphore, #tpu.memory_space<semaphore_mem>>, %arg20: memref<!tpu.dma_semaphore, #tpu.memory_space<semaphore_mem>>, %arg21: memref<!tpu.dma_semaphore, #tpu.memory_space<semaphore_mem>>, %arg22: memref<!tpu.dma_semaphore, #tpu.memory_space<semaphore_mem>>, %arg23: memref<!tpu.dma_semaphore, #tpu.memory_space<semaphore_mem>>, %arg24: memref<!tpu.dma_semaphore, #tpu.memory_space<semaphore_mem>>, %arg25: memref<!tpu.dma_semaphore, #tpu.memory_space<semaphore_mem>>, %arg26: memref<!tpu.dma_semaphore, #tpu.memory_space<semaphore_mem>>, %arg27: memref<!tpu.dma_semaphore, #tpu.memory_space<semaphore_mem>>, %arg28: memref<!tpu.dma_semaphore, #tpu.memory_space<semaphore_mem>>) attributes {dimension_semantics = [#tpu.dimension_semantics<core_parallel>, #tpu.dimension_semantics<subcore_parallel>], iteration_bounds = array<i64: 2, 16>, scalar_prefetch = 0 : i64, scratch_operands = 22 : i64, tpu.core_type = #tpu.core_type<sc_vector_subcore>, window_params = [{transform_indices = #map}, {transform_indices = #map}, {transform_indices = #map1}, {transform_indices = #map2}, {transform_indices = #map1}]} {
    %mul3A = arith.constant 1568 : i32
    %mul3A_0 = arith.muli %arg1, %mul3A : i32
    "tpu.region"() ({
      %run_scoped3A = tpu.sem_alloc : memref<!tpu.dma_semaphore, #tpu.memory_space<semaphore_mem>>
      %dma_start3A = arith.constant 0 : i32
      %dma_start3A_29 = arith.constant 0 : i32
      %dma_start3A_30 = tpu.memref_slice %arg4[%arg0, %dma_start3A, %dma_start3A_29] : memref<2x16x16xi32, #tpu.memory_space<hbm>> -> memref<1x16x16xi32, #tpu.memory_space<hbm>>
      %dma_start3A_31 = tpu.memref_squeeze %dma_start3A_30 : memref<1x16x16xi32, #tpu.memory_space<hbm>> -> memref<16x16xi32, #tpu.memory_space<hbm>>
      %dma_start3A_32 = arith.constant 0 : i32
      %dma_start3A_33 = tpu.memref_slice %dma_start3A_31[%arg1, %dma_start3A_32] : memref<16x16xi32, #tpu.memory_space<hbm>> -> memref<1x16xi32, #tpu.memory_space<hbm>>
      %dma_start3A_34 = tpu.memref_squeeze %dma_start3A_33 : memref<1x16xi32, #tpu.memory_space<hbm>> -> memref<16xi32, #tpu.memory_space<hbm>>
      %dma_start3A_35 = arith.constant 0 : i32
      %dma_start3A_36 = arith.constant 0 : i32
      %dma_start3A_37 = tpu.memref_slice %arg4[%arg0, %dma_start3A_35, %dma_start3A_36] : memref<2x16x16xi32, #tpu.memory_space<hbm>> -> memref<1x16x16xi32, #tpu.memory_space<hbm>>
      %dma_start3A_38 = tpu.memref_squeeze %dma_start3A_37 : memref<1x16x16xi32, #tpu.memory_space<hbm>> -> memref<16x16xi32, #tpu.memory_space<hbm>>
      %dma_start3A_39 = arith.constant 0 : i32
      %dma_start3A_40 = tpu.memref_slice %dma_start3A_38[%arg1, %dma_start3A_39] : memref<16x16xi32, #tpu.memory_space<hbm>> -> memref<1x16xi32, #tpu.memory_space<hbm>>
      %dma_start3A_41 = tpu.memref_squeeze %dma_start3A_40 : memref<1x16xi32, #tpu.memory_space<hbm>> -> memref<16xi32, #tpu.memory_space<hbm>>
      tpu.enqueue_dma source(%dma_start3A_41 : memref<16xi32, #tpu.memory_space<hbm>>) target(%arg7 : memref<16xi32, #tpu.memory_space<vmem>>) target_semaphore(%run_scoped3A : memref<!tpu.dma_semaphore, #tpu.memory_space<semaphore_mem>>)
      %dma_wait3A = arith.constant 0 : i32
      %dma_wait3A_42 = arith.constant 0 : i32
      %dma_wait3A_43 = tpu.memref_slice %arg4[%arg0, %dma_wait3A, %dma_wait3A_42] : memref<2x16x16xi32, #tpu.memory_space<hbm>> -> memref<1x16x16xi32, #tpu.memory_space<hbm>>
      %dma_wait3A_44 = tpu.memref_squeeze %dma_wait3A_43 : memref<1x16x16xi32, #tpu.memory_space<hbm>> -> memref<16x16xi32, #tpu.memory_space<hbm>>
      %dma_wait3A_45 = arith.constant 0 : i32
      %dma_wait3A_46 = tpu.memref_slice %dma_wait3A_44[%arg1, %dma_wait3A_45] : memref<16x16xi32, #tpu.memory_space<hbm>> -> memref<1x16xi32, #tpu.memory_space<hbm>>
      %dma_wait3A_47 = tpu.memref_squeeze %dma_wait3A_46 : memref<1x16xi32, #tpu.memory_space<hbm>> -> memref<16xi32, #tpu.memory_space<hbm>>
      %dma_wait3A_48 = arith.constant 0 : i32
      %dma_wait3A_49 = arith.constant 0 : i32
      %dma_wait3A_50 = tpu.memref_slice %arg4[%arg0, %dma_wait3A_48, %dma_wait3A_49] : memref<2x16x16xi32, #tpu.memory_space<hbm>> -> memref<1x16x16xi32, #tpu.memory_space<hbm>>
      %dma_wait3A_51 = tpu.memref_squeeze %dma_wait3A_50 : memref<1x16x16xi32, #tpu.memory_space<hbm>> -> memref<16x16xi32, #tpu.memory_space<hbm>>
      %dma_wait3A_52 = arith.constant 0 : i32
      %dma_wait3A_53 = tpu.memref_slice %dma_wait3A_51[%arg1, %dma_wait3A_52] : memref<16x16xi32, #tpu.memory_space<hbm>> -> memref<1x16xi32, #tpu.memory_space<hbm>>
      %dma_wait3A_54 = tpu.memref_squeeze %dma_wait3A_53 : memref<1x16xi32, #tpu.memory_space<hbm>> -> memref<16xi32, #tpu.memory_space<hbm>>
      tpu.wait_dma2 semaphore(%run_scoped3A : memref<!tpu.dma_semaphore, #tpu.memory_space<semaphore_mem>>) src(%dma_wait3A_54 : memref<16xi32, #tpu.memory_space<hbm>>) dst(%arg7 : memref<16xi32, #tpu.memory_space<vmem>>)
      tpu.yield
    }) : () -> ()
    %scan3A = arith.constant 0 : i32
    %scan3A_1 = arith.constant 0 : i32
    %scan3A_2 = arith.constant 128 : i32
    %scan3A_3 = arith.addi %scan3A_1, %scan3A_2 : i32
    %scan3A_4 = arith.constant 1 : i32
    %scan3A_5 = scf.for %scan3A_29 = %scan3A_1 to %scan3A_3 step %scan3A_4 iter_args(%scan3A_30 = %scan3A) -> (i32)  : i32 {
      %broadcast_in_dim3A = arith.constant 0.000000e+00 : f32
      %broadcast_in_dim3A_31 = vector.broadcast %broadcast_in_dim3A : f32 to vector<16xf32>
      %swap3A = arith.index_cast %scan3A_29 : i32 to index
      %swap3A_32 = arith.constant 0 : index
      %swap3A_33 = tpu.vector_load %arg11[%swap3A, %swap3A_32] {strides = array<i32>} : memref<128x32xf32, #tpu.memory_space<vmem>>, vector<1x16xf32>,
      %swap3A_34 = vector.shape_cast %swap3A_33 : vector<1x16xf32> to vector<16xf32>
      %swap3A_35 = vector.shape_cast %broadcast_in_dim3A_31 : vector<16xf32> to vector<1x16xf32>
      tpu.vector_store %arg11[%swap3A, %swap3A_32], %swap3A_35 {strides = array<i32>} : memref<128x32xf32, #tpu.memory_space<vmem>>, vector<1x16xf32>,
      %broadcast_in_dim3A_36 = arith.constant 0.000000e+00 : f32
      %broadcast_in_dim3A_37 = vector.broadcast %broadcast_in_dim3A_36 : f32 to vector<16xf32>
      %swap3A_38 = arith.index_cast %scan3A_29 : i32 to index
      %swap3A_39 = arith.constant 16 : index
      %swap3A_40 = tpu.vector_load %arg11[%swap3A_38, %swap3A_39] {strides = array<i32>} : memref<128x32xf32, #tpu.memory_space<vmem>>, vector<1x16xf32>,
      %swap3A_41 = vector.shape_cast %swap3A_40 : vector<1x16xf32> to vector<16xf32>
      %swap3A_42 = vector.shape_cast %broadcast_in_dim3A_37 : vector<16xf32> to vector<1x16xf32>
      tpu.vector_store %arg11[%swap3A_38, %swap3A_39], %swap3A_42 {strides = array<i32>} : memref<128x32xf32, #tpu.memory_space<vmem>>, vector<1x16xf32>,
      %scan3A_43 = arith.constant 0 : i32
      scf.yield %scan3A_43 : i32
    }
    %scan3A_6 = arith.constant 128 : i32
    %scan3A_7 = arith.constant 0 : i32
    %scan3A_8 = arith.constant 0 : i32
    %scan3A_9 = arith.constant 12 : i32
    %scan3A_10 = arith.addi %scan3A_8, %scan3A_9 : i32
    %scan3A_11 = arith.constant 1 : i32
    %scan3A_12 = scf.for %scan3A_29 = %scan3A_8 to %scan3A_10 step %scan3A_11 iter_args(%scan3A_30 = %scan3A_7) -> (i32)  : i32 {
      %mul3A_31 = arith.constant 128 : i32
      %mul3A_32 = arith.muli %scan3A_29, %mul3A_31 : i32
      %add3A_33 = arith.addi %mul3A_0, %mul3A_32 : i32
      "tpu.region"() ({
        %run_scoped3A = tpu.sem_alloc : memref<!tpu.dma_semaphore, #tpu.memory_space<semaphore_mem>>
        %dma_start3A = arith.constant 0 : i32
        %dma_start3A_35 = tpu.memref_slice %arg12[%add3A_33, %dma_start3A] : memref<25088x32xf32, #tpu.memory_space<vmem_shared>> -> memref<128x32xf32, #tpu.memory_space<vmem_shared>>
        %dma_start3A_36 = arith.constant 0 : i32
        %dma_start3A_37 = tpu.memref_slice %arg12[%add3A_33, %dma_start3A_36] : memref<25088x32xf32, #tpu.memory_space<vmem_shared>> -> memref<128x32xf32, #tpu.memory_space<vmem_shared>>
        tpu.enqueue_dma source(%arg11 : memref<128x32xf32, #tpu.memory_space<vmem>>) target(%dma_start3A_37 : memref<128x32xf32, #tpu.memory_space<vmem_shared>>) target_semaphore(%run_scoped3A : memref<!tpu.dma_semaphore, #tpu.memory_space<semaphore_mem>>)
        %dma_wait3A = arith.constant 0 : i32
        %dma_wait3A_38 = tpu.memref_slice %arg12[%add3A_33, %dma_wait3A] : memref<25088x32xf32, #tpu.memory_space<vmem_shared>> -> memref<128x32xf32, #tpu.memory_space<vmem_shared>>
        %dma_wait3A_39 = arith.constant 0 : i32
        %dma_wait3A_40 = tpu.memref_slice %arg12[%add3A_33, %dma_wait3A_39] : memref<25088x32xf32, #tpu.memory_space<vmem_shared>> -> memref<128x32xf32, #tpu.memory_space<vmem_shared>>
        tpu.wait_dma2 semaphore(%run_scoped3A : memref<!tpu.dma_semaphore, #tpu.memory_space<semaphore_mem>>) src(%arg11 : memref<128x32xf32, #tpu.memory_space<vmem>>) dst(%dma_wait3A_40 : memref<128x32xf32, #tpu.memory_space<vmem_shared>>)
        tpu.yield
      }) : () -> ()
      %scan3A_34 = arith.constant 0 : i32
      scf.yield %scan3A_34 : i32
    }
    %scan3A_13 = arith.constant 12 : i32
    %add3A = arith.constant 1536 : i32
    %add3A_14 = arith.addi %mul3A_0, %add3A : i32
    "tpu.region"() ({
      %run_scoped3A = tpu.sem_alloc : memref<!tpu.dma_semaphore, #tpu.memory_space<semaphore_mem>>
      %dma_start3A = arith.constant 0 : i32
      %dma_start3A_29 = arith.constant 0 : i32
      %dma_start3A_30 = tpu.memref_slice %arg11[%dma_start3A, %dma_start3A_29] : memref<128x32xf32, #tpu.memory_space<vmem>> -> memref<32x32xf32, #tpu.memory_space<vmem>>
      %dma_start3A_31 = arith.constant 0 : i32
      %dma_start3A_32 = tpu.memref_slice %arg12[%add3A_14, %dma_start3A_31] : memref<25088x32xf32, #tpu.memory_space<vmem_shared>> -> memref<32x32xf32, #tpu.memory_space<vmem_shared>>
      %dma_start3A_33 = arith.constant 0 : i32
      %dma_start3A_34 = tpu.memref_slice %arg12[%add3A_14, %dma_start3A_33] : memref<25088x32xf32, #tpu.memory_space<vmem_shared>> -> memref<32x32xf32, #tpu.memory_space<vmem_shared>>
      %dma_start3A_35 = arith.constant 0 : i32
      %dma_start3A_36 = arith.constant 0 : i32
      %dma_start3A_37 = tpu.memref_slice %arg11[%dma_start3A_35, %dma_start3A_36] : memref<128x32xf32, #tpu.memory_space<vmem>> -> memref<32x32xf32, #tpu.memory_space<vmem>>
      tpu.enqueue_dma source(%dma_start3A_37 : memref<32x32xf32, #tpu.memory_space<vmem>>) target(%dma_start3A_34 : memref<32x32xf32, #tpu.memory_space<vmem_shared>>) target_semaphore(%run_scoped3A : memref<!tpu.dma_semaphore, #tpu.memory_space<semaphore_mem>>)
      %dma_wait3A = arith.constant 0 : i32
      %dma_wait3A_38 = arith.constant 0 : i32
      %dma_wait3A_39 = tpu.memref_slice %arg11[%dma_wait3A, %dma_wait3A_38] : memref<128x32xf32, #tpu.memory_space<vmem>> -> memref<32x32xf32, #tpu.memory_space<vmem>>
      %dma_wait3A_40 = arith.constant 0 : i32
      %dma_wait3A_41 = tpu.memref_slice %arg12[%add3A_14, %dma_wait3A_40] : memref<25088x32xf32, #tpu.memory_space<vmem_shared>> -> memref<32x32xf32, #tpu.memory_space<vmem_shared>>
      %dma_wait3A_42 = arith.constant 0 : i32
      %dma_wait3A_43 = tpu.memref_slice %arg12[%add3A_14, %dma_wait3A_42] : memref<25088x32xf32, #tpu.memory_space<vmem_shared>> -> memref<32x32xf32, #tpu.memory_space<vmem_shared>>
      %dma_wait3A_44 = arith.constant 0 : i32
      %dma_wait3A_45 = arith.constant 0 : i32
      %dma_wait3A_46 = tpu.memref_slice %arg11[%dma_wait3A_44, %dma_wait3A_45] : memref<128x32xf32, #tpu.memory_space<vmem>> -> memref<32x32xf32, #tpu.memory_space<vmem>>
      tpu.wait_dma2 semaphore(%run_scoped3A : memref<!tpu.dma_semaphore, #tpu.memory_space<semaphore_mem>>) src(%dma_wait3A_46 : memref<32x32xf32, #tpu.memory_space<vmem>>) dst(%dma_wait3A_43 : memref<32x32xf32, #tpu.memory_space<vmem_shared>>)
      tpu.yield
    }) : () -> ()
    %barrier3A = arith.constant 0 : index
    tpu.barrier barrier_id(%barrier3A)
    %get3A = arith.constant 0 : index
    %get3A_15 = tpu.vector_load %arg7[%get3A] {strides = array<i32>} : memref<16xi32, #tpu.memory_space<vmem>>, vector<16xi32>,
    %get3A_16 = vector.shape_cast %get3A_15 : vector<16xi32> to vector<16xi32>
    %slice3A = vector.extract_strided_slice %get3A_16 {offsets = [0], sizes = [1], strides = [1]} : vector<16xi32> to vector<1xi32>
    %squeeze3A = vector.extract %slice3A[0] : i32 from vector<1xi32>
    %while3A = arith.constant 0 : i32
    %while3A_17 = arith.constant 0 : i32
    %while3A_18 = arith.subi %squeeze3A, %while3A : i32
    %while3A_19 = arith.addi %while3A, %while3A_18 : i32
    %while3A_20 = arith.constant 1 : i32
    %while3A_21 = arith.divsi %while3A_18, %while3A_20 : i32
    %while3A_22 = arith.muli %while3A_21, %while3A_20 : i32
    %while3A_23 = arith.addi %while3A, %while3A_22 : i32
    %while3A_24 = arith.constant 1 : i32
    %while3A_25 = scf.for %while3A_29 = %while3A to %while3A_23 step %while3A_24 iter_args(%while3A_30 = %while3A_17) -> (i32)  : i32 {
      %mul3A_31 = arith.constant 16 : i32
      %mul3A_32 = arith.muli %while3A_29, %mul3A_31 : i32
      %add3A_33 = arith.addi %arg1, %mul3A_32 : i32
      "tpu.region"() ({
        %run_scoped3A = tpu.sem_alloc : memref<!tpu.dma_semaphore, #tpu.memory_space<semaphore_mem>>
        %dma_start3A_417 = arith.constant 0 : i32
        %dma_start3A_418 = arith.constant 0 : i32
        %dma_start3A_419 = arith.constant 0 : i32
        %dma_start3A_420 = tpu.memref_slice %arg2[%arg0, %dma_start3A_417, %dma_start3A_418, %dma_start3A_419] : memref<2x784x8x128xi32, #tpu.memory_space<hbm>> -> memref<1x784x8x128xi32, #tpu.memory_space<hbm>>
        %dma_start3A_421 = tpu.memref_squeeze %dma_start3A_420 : memref<1x784x8x128xi32, #tpu.memory_space<hbm>> -> memref<784x8x128xi32, #tpu.memory_space<hbm>>
        %dma_start3A_422 = arith.constant 0 : i32
        %dma_start3A_423 = arith.constant 0 : i32
        %dma_start3A_424 = tpu.memref_slice %dma_start3A_421[%add3A_33, %dma_start3A_422, %dma_start3A_423] : memref<784x8x128xi32, #tpu.memory_space<hbm>> -> memref<1x8x128xi32, #tpu.memory_space<hbm>>
        %dma_start3A_425 = tpu.memref_squeeze %dma_start3A_424 : memref<1x8x128xi32, #tpu.memory_space<hbm>> -> memref<8x128xi32, #tpu.memory_space<hbm>>
        %dma_start3A_426 = arith.constant 0 : i32
        %dma_start3A_427 = arith.constant 0 : i32
        %dma_start3A_428 = arith.constant 0 : i32
        %dma_start3A_429 = tpu.memref_slice %arg2[%arg0, %dma_start3A_426, %dma_start3A_427, %dma_start3A_428] : memref<2x784x8x128xi32, #tpu.memory_space<hbm>> -> memref<1x784x8x128xi32, #tpu.memory_space<hbm>>
        %dma_start3A_430 = tpu.memref_squeeze %dma_start3A_429 : memref<1x784x8x128xi32, #tpu.memory_space<hbm>> -> memref<784x8x128xi32, #tpu.memory_space<hbm>>
        %dma_start3A_431 = arith.constant 0 : i32
        %dma_start3A_432 = arith.constant 0 : i32
        %dma_start3A_433 = tpu.memref_slice %dma_start3A_430[%add3A_33, %dma_start3A_431, %dma_start3A_432] : memref<784x8x128xi32, #tpu.memory_space<hbm>> -> memref<1x8x128xi32, #tpu.memory_space<hbm>>
        %dma_start3A_434 = tpu.memref_squeeze %dma_start3A_433 : memref<1x8x128xi32, #tpu.memory_space<hbm>> -> memref<8x128xi32, #tpu.memory_space<hbm>>
        tpu.enqueue_dma source(%dma_start3A_434 : memref<8x128xi32, #tpu.memory_space<hbm>>) target(%arg8 : memref<8x128xi32, #tpu.memory_space<vmem>>) target_semaphore(%run_scoped3A : memref<!tpu.dma_semaphore, #tpu.memory_space<semaphore_mem>>)
        %dma_wait3A_435 = arith.constant 0 : i32
        %dma_wait3A_436 = arith.constant 0 : i32
        %dma_wait3A_437 = arith.constant 0 : i32
        %dma_wait3A_438 = tpu.memref_slice %arg2[%arg0, %dma_wait3A_435, %dma_wait3A_436, %dma_wait3A_437] : memref<2x784x8x128xi32, #tpu.memory_space<hbm>> -> memref<1x784x8x128xi32, #tpu.memory_space<hbm>>
        %dma_wait3A_439 = tpu.memref_squeeze %dma_wait3A_438 : memref<1x784x8x128xi32, #tpu.memory_space<hbm>> -> memref<784x8x128xi32, #tpu.memory_space<hbm>>
        %dma_wait3A_440 = arith.constant 0 : i32
        %dma_wait3A_441 = arith.constant 0 : i32
        %dma_wait3A_442 = tpu.memref_slice %dma_wait3A_439[%add3A_33, %dma_wait3A_440, %dma_wait3A_441] : memref<784x8x128xi32, #tpu.memory_space<hbm>> -> memref<1x8x128xi32, #tpu.memory_space<hbm>>
        %dma_wait3A_443 = tpu.memref_squeeze %dma_wait3A_442 : memref<1x8x128xi32, #tpu.memory_space<hbm>> -> memref<8x128xi32, #tpu.memory_space<hbm>>
        %dma_wait3A_444 = arith.constant 0 : i32
        %dma_wait3A_445 = arith.constant 0 : i32
        %dma_wait3A_446 = arith.constant 0 : i32
        %dma_wait3A_447 = tpu.memref_slice %arg2[%arg0, %dma_wait3A_444, %dma_wait3A_445, %dma_wait3A_446] : memref<2x784x8x128xi32, #tpu.memory_space<hbm>> -> memref<1x784x8x128xi32, #tpu.memory_space<hbm>>
        %dma_wait3A_448 = tpu.memref_squeeze %dma_wait3A_447 : memref<1x784x8x128xi32, #tpu.memory_space<hbm>> -> memref<784x8x128xi32, #tpu.memory_space<hbm>>
        %dma_wait3A_449 = arith.constant 0 : i32
        %dma_wait3A_450 = arith.constant 0 : i32
        %dma_wait3A_451 = tpu.memref_slice %dma_wait3A_448[%add3A_33, %dma_wait3A_449, %dma_wait3A_450] : memref<784x8x128xi32, #tpu.memory_space<hbm>> -> memref<1x8x128xi32, #tpu.memory_space<hbm>>
        %dma_wait3A_452 = tpu.memref_squeeze %dma_wait3A_451 : memref<1x8x128xi32, #tpu.memory_space<hbm>> -> memref<8x128xi32, #tpu.memory_space<hbm>>
        tpu.wait_dma2 semaphore(%run_scoped3A : memref<!tpu.dma_semaphore, #tpu.memory_space<semaphore_mem>>) src(%dma_wait3A_452 : memref<8x128xi32, #tpu.memory_space<hbm>>) dst(%arg8 : memref<8x128xi32, #tpu.memory_space<vmem>>)
        tpu.yield
      }) : () -> ()
      "tpu.region"() ({
        %run_scoped3A = tpu.sem_alloc : memref<!tpu.dma_semaphore, #tpu.memory_space<semaphore_mem>>
        %dma_start3A_417 = arith.constant 0 : i32
        %dma_start3A_418 = arith.constant 0 : i32
        %dma_start3A_419 = arith.constant 0 : i32
        %dma_start3A_420 = tpu.memref_slice %arg3[%arg0, %dma_start3A_417, %dma_start3A_418, %dma_start3A_419] : memref<2x784x8x128xi32, #tpu.memory_space<hbm>> -> memref<1x784x8x128xi32, #tpu.memory_space<hbm>>
        %dma_start3A_421 = tpu.memref_squeeze %dma_start3A_420 : memref<1x784x8x128xi32, #tpu.memory_space<hbm>> -> memref<784x8x128xi32, #tpu.memory_space<hbm>>
        %dma_start3A_422 = arith.constant 0 : i32
        %dma_start3A_423 = arith.constant 0 : i32
        %dma_start3A_424 = tpu.memref_slice %dma_start3A_421[%add3A_33, %dma_start3A_422, %dma_start3A_423] : memref<784x8x128xi32, #tpu.memory_space<hbm>> -> memref<1x8x128xi32, #tpu.memory_space<hbm>>
        %dma_start3A_425 = tpu.memref_squeeze %dma_start3A_424 : memref<1x8x128xi32, #tpu.memory_space<hbm>> -> memref<8x128xi32, #tpu.memory_space<hbm>>
        %dma_start3A_426 = arith.constant 0 : i32
        %dma_start3A_427 = arith.constant 0 : i32
        %dma_start3A_428 = arith.constant 0 : i32
        %dma_start3A_429 = tpu.memref_slice %arg3[%arg0, %dma_start3A_426, %dma_start3A_427, %dma_start3A_428] : memref<2x784x8x128xi32, #tpu.memory_space<hbm>> -> memref<1x784x8x128xi32, #tpu.memory_space<hbm>>
        %dma_start3A_430 = tpu.memref_squeeze %dma_start3A_429 : memref<1x784x8x128xi32, #tpu.memory_space<hbm>> -> memref<784x8x128xi32, #tpu.memory_space<hbm>>
        %dma_start3A_431 = arith.constant 0 : i32
        %dma_start3A_432 = arith.constant 0 : i32
        %dma_start3A_433 = tpu.memref_slice %dma_start3A_430[%add3A_33, %dma_start3A_431, %dma_start3A_432] : memref<784x8x128xi32, #tpu.memory_space<hbm>> -> memref<1x8x128xi32, #tpu.memory_space<hbm>>
        %dma_start3A_434 = tpu.memref_squeeze %dma_start3A_433 : memref<1x8x128xi32, #tpu.memory_space<hbm>> -> memref<8x128xi32, #tpu.memory_space<hbm>>
        tpu.enqueue_dma source(%dma_start3A_434 : memref<8x128xi32, #tpu.memory_space<hbm>>) target(%arg9 : memref<8x128xi32, #tpu.memory_space<vmem>>) target_semaphore(%run_scoped3A : memref<!tpu.dma_semaphore, #tpu.memory_space<semaphore_mem>>)
        %dma_wait3A_435 = arith.constant 0 : i32
        %dma_wait3A_436 = arith.constant 0 : i32
        %dma_wait3A_437 = arith.constant 0 : i32
        %dma_wait3A_438 = tpu.memref_slice %arg3[%arg0, %dma_wait3A_435, %dma_wait3A_436, %dma_wait3A_437] : memref<2x784x8x128xi32, #tpu.memory_space<hbm>> -> memref<1x784x8x128xi32, #tpu.memory_space<hbm>>
        %dma_wait3A_439 = tpu.memref_squeeze %dma_wait3A_438 : memref<1x784x8x128xi32, #tpu.memory_space<hbm>> -> memref<784x8x128xi32, #tpu.memory_space<hbm>>
        %dma_wait3A_440 = arith.constant 0 : i32
        %dma_wait3A_441 = arith.constant 0 : i32
        %dma_wait3A_442 = tpu.memref_slice %dma_wait3A_439[%add3A_33, %dma_wait3A_440, %dma_wait3A_441] : memref<784x8x128xi32, #tpu.memory_space<hbm>> -> memref<1x8x128xi32, #tpu.memory_space<hbm>>
        %dma_wait3A_443 = tpu.memref_squeeze %dma_wait3A_442 : memref<1x8x128xi32, #tpu.memory_space<hbm>> -> memref<8x128xi32, #tpu.memory_space<hbm>>
        %dma_wait3A_444 = arith.constant 0 : i32
        %dma_wait3A_445 = arith.constant 0 : i32
        %dma_wait3A_446 = arith.constant 0 : i32
        %dma_wait3A_447 = tpu.memref_slice %arg3[%arg0, %dma_wait3A_444, %dma_wait3A_445, %dma_wait3A_446] : memref<2x784x8x128xi32, #tpu.memory_space<hbm>> -> memref<1x784x8x128xi32, #tpu.memory_space<hbm>>
        %dma_wait3A_448 = tpu.memref_squeeze %dma_wait3A_447 : memref<1x784x8x128xi32, #tpu.memory_space<hbm>> -> memref<784x8x128xi32, #tpu.memory_space<hbm>>
        %dma_wait3A_449 = arith.constant 0 : i32
        %dma_wait3A_450 = arith.constant 0 : i32
        %dma_wait3A_451 = tpu.memref_slice %dma_wait3A_448[%add3A_33, %dma_wait3A_449, %dma_wait3A_450] : memref<784x8x128xi32, #tpu.memory_space<hbm>> -> memref<1x8x128xi32, #tpu.memory_space<hbm>>
        %dma_wait3A_452 = tpu.memref_squeeze %dma_wait3A_451 : memref<1x8x128xi32, #tpu.memory_space<hbm>> -> memref<8x128xi32, #tpu.memory_space<hbm>>
        tpu.wait_dma2 semaphore(%run_scoped3A : memref<!tpu.dma_semaphore, #tpu.memory_space<semaphore_mem>>) src(%dma_wait3A_452 : memref<8x128xi32, #tpu.memory_space<hbm>>) dst(%arg9 : memref<8x128xi32, #tpu.memory_space<vmem>>)
        tpu.yield
      }) : () -> ()
      %dma_start3A = arith.constant 0 : i32
      %dma_start3A_34 = arith.constant 0 : i32
      %dma_start3A_35 = arith.constant 0 : i32
      %dma_start3A_36 = arith.constant 0 : i32
      %dma_start3A_37 = tpu.memref_slice %arg10[%dma_start3A_34, %dma_start3A_35, %dma_start3A_36] : memref<8x128x32xf32, #tpu.memory_space<vmem>> -> memref<1x128x32xf32, #tpu.memory_space<vmem>>
      %dma_start3A_38 = tpu.memref_squeeze %dma_start3A_37 : memref<1x128x32xf32, #tpu.memory_space<vmem>> -> memref<128x32xf32, #tpu.memory_space<vmem>>
      %dma_start3A_39 = arith.constant 0 : i32
      %dma_start3A_40 = tpu.memref_slice %arg8[%dma_start3A, %dma_start3A_39] : memref<8x128xi32, #tpu.memory_space<vmem>> -> memref<1x128xi32, #tpu.memory_space<vmem>>
      %dma_start3A_41 = tpu.memref_squeeze %dma_start3A_40 : memref<1x128xi32, #tpu.memory_space<vmem>> -> memref<128xi32, #tpu.memory_space<vmem>>
      %dma_start3A_42 = arith.constant 0 : i32
      %dma_start3A_43 = arith.constant 0 : i32
      %dma_start3A_44 = tpu.memref_slice %arg5[%dma_start3A_42, %dma_start3A_43] : memref<50000x32xf32, #tpu.memory_space<hbm>> -> memref<50000x32xf32, #tpu.memory_space<hbm>>
      tpu.enqueue_indirect_dma source(%dma_start3A_44 : memref<50000x32xf32, #tpu.memory_space<hbm>>) target(%dma_start3A_38 : memref<128x32xf32, #tpu.memory_space<vmem>>) offsets(%dma_start3A_41 : memref<128xi32, #tpu.memory_space<vmem>>) semaphore(%arg13 : memref<!tpu.dma_semaphore, #tpu.memory_space<semaphore_mem>>)
      %dma_start3A_45 = arith.constant 1 : i32
      %dma_start3A_46 = arith.constant 1 : i32
      %dma_start3A_47 = arith.constant 0 : i32
      %dma_start3A_48 = arith.constant 0 : i32
      %dma_start3A_49 = tpu.memref_slice %arg10[%dma_start3A_46, %dma_start3A_47, %dma_start3A_48] : memref<8x128x32xf32, #tpu.memory_space<vmem>> -> memref<1x128x32xf32, #tpu.memory_space<vmem>>
      %dma_start3A_50 = tpu.memref_squeeze %dma_start3A_49 : memref<1x128x32xf32, #tpu.memory_space<vmem>> -> memref<128x32xf32, #tpu.memory_space<vmem>>
      %dma_start3A_51 = arith.constant 0 : i32
      %dma_start3A_52 = tpu.memref_slice %arg8[%dma_start3A_45, %dma_start3A_51] : memref<8x128xi32, #tpu.memory_space<vmem>> -> memref<1x128xi32, #tpu.memory_space<vmem>>
      %dma_start3A_53 = tpu.memref_squeeze %dma_start3A_52 : memref<1x128xi32, #tpu.memory_space<vmem>> -> memref<128xi32, #tpu.memory_space<vmem>>
      %dma_start3A_54 = arith.constant 0 : i32
      %dma_start3A_55 = arith.constant 0 : i32
      %dma_start3A_56 = tpu.memref_slice %arg5[%dma_start3A_54, %dma_start3A_55] : memref<50000x32xf32, #tpu.memory_space<hbm>> -> memref<50000x32xf32, #tpu.memory_space<hbm>>
      tpu.enqueue_indirect_dma source(%dma_start3A_56 : memref<50000x32xf32, #tpu.memory_space<hbm>>) target(%dma_start3A_50 : memref<128x32xf32, #tpu.memory_space<vmem>>) offsets(%dma_start3A_53 : memref<128xi32, #tpu.memory_space<vmem>>) semaphore(%arg14 : memref<!tpu.dma_semaphore, #tpu.memory_space<semaphore_mem>>)
      %dma_start3A_57 = arith.constant 2 : i32
      %dma_start3A_58 = arith.constant 2 : i32
      %dma_start3A_59 = arith.constant 0 : i32
      %dma_start3A_60 = arith.constant 0 : i32
      %dma_start3A_61 = tpu.memref_slice %arg10[%dma_start3A_58, %dma_start3A_59, %dma_start3A_60] : memref<8x128x32xf32, #tpu.memory_space<vmem>> -> memref<1x128x32xf32, #tpu.memory_space<vmem>>
      %dma_start3A_62 = tpu.memref_squeeze %dma_start3A_61 : memref<1x128x32xf32, #tpu.memory_space<vmem>> -> memref<128x32xf32, #tpu.memory_space<vmem>>
      %dma_start3A_63 = arith.constant 0 : i32
      %dma_start3A_64 = tpu.memref_slice %arg8[%dma_start3A_57, %dma_start3A_63] : memref<8x128xi32, #tpu.memory_space<vmem>> -> memref<1x128xi32, #tpu.memory_space<vmem>>
      %dma_start3A_65 = tpu.memref_squeeze %dma_start3A_64 : memref<1x128xi32, #tpu.memory_space<vmem>> -> memref<128xi32, #tpu.memory_space<vmem>>
      %dma_start3A_66 = arith.constant 0 : i32
      %dma_start3A_67 = arith.constant 0 : i32
      %dma_start3A_68 = tpu.memref_slice %arg5[%dma_start3A_66, %dma_start3A_67] : memref<50000x32xf32, #tpu.memory_space<hbm>> -> memref<50000x32xf32, #tpu.memory_space<hbm>>
      tpu.enqueue_indirect_dma source(%dma_start3A_68 : memref<50000x32xf32, #tpu.memory_space<hbm>>) target(%dma_start3A_62 : memref<128x32xf32, #tpu.memory_space<vmem>>) offsets(%dma_start3A_65 : memref<128xi32, #tpu.memory_space<vmem>>) semaphore(%arg15 : memref<!tpu.dma_semaphore, #tpu.memory_space<semaphore_mem>>)
      %dma_start3A_69 = arith.constant 3 : i32
      %dma_start3A_70 = arith.constant 3 : i32
      %dma_start3A_71 = arith.constant 0 : i32
      %dma_start3A_72 = arith.constant 0 : i32
      %dma_start3A_73 = tpu.memref_slice %arg10[%dma_start3A_70, %dma_start3A_71, %dma_start3A_72] : memref<8x128x32xf32, #tpu.memory_space<vmem>> -> memref<1x128x32xf32, #tpu.memory_space<vmem>>
      %dma_start3A_74 = tpu.memref_squeeze %dma_start3A_73 : memref<1x128x32xf32, #tpu.memory_space<vmem>> -> memref<128x32xf32, #tpu.memory_space<vmem>>
      %dma_start3A_75 = arith.constant 0 : i32
      %dma_start3A_76 = tpu.memref_slice %arg8[%dma_start3A_69, %dma_start3A_75] : memref<8x128xi32, #tpu.memory_space<vmem>> -> memref<1x128xi32, #tpu.memory_space<vmem>>
      %dma_start3A_77 = tpu.memref_squeeze %dma_start3A_76 : memref<1x128xi32, #tpu.memory_space<vmem>> -> memref<128xi32, #tpu.memory_space<vmem>>
      %dma_start3A_78 = arith.constant 0 : i32
      %dma_start3A_79 = arith.constant 0 : i32
      %dma_start3A_80 = tpu.memref_slice %arg5[%dma_start3A_78, %dma_start3A_79] : memref<50000x32xf32, #tpu.memory_space<hbm>> -> memref<50000x32xf32, #tpu.memory_space<hbm>>
      tpu.enqueue_indirect_dma source(%dma_start3A_80 : memref<50000x32xf32, #tpu.memory_space<hbm>>) target(%dma_start3A_74 : memref<128x32xf32, #tpu.memory_space<vmem>>) offsets(%dma_start3A_77 : memref<128xi32, #tpu.memory_space<vmem>>) semaphore(%arg16 : memref<!tpu.dma_semaphore, #tpu.memory_space<semaphore_mem>>)
      %dma_start3A_81 = arith.constant 4 : i32
      %dma_start3A_82 = arith.constant 4 : i32
      %dma_start3A_83 = arith.constant 0 : i32
      %dma_start3A_84 = arith.constant 0 : i32
      %dma_start3A_85 = tpu.memref_slice %arg10[%dma_start3A_82, %dma_start3A_83, %dma_start3A_84] : memref<8x128x32xf32, #tpu.memory_space<vmem>> -> memref<1x128x32xf32, #tpu.memory_space<vmem>>
      %dma_start3A_86 = tpu.memref_squeeze %dma_start3A_85 : memref<1x128x32xf32, #tpu.memory_space<vmem>> -> memref<128x32xf32, #tpu.memory_space<vmem>>
      %dma_start3A_87 = arith.constant 0 : i32
      %dma_start3A_88 = tpu.memref_slice %arg8[%dma_start3A_81, %dma_start3A_87] : memref<8x128xi32, #tpu.memory_space<vmem>> -> memref<1x128xi32, #tpu.memory_space<vmem>>
      %dma_start3A_89 = tpu.memref_squeeze %dma_start3A_88 : memref<1x128xi32, #tpu.memory_space<vmem>> -> memref<128xi32, #tpu.memory_space<vmem>>
      %dma_start3A_90 = arith.constant 0 : i32
      %dma_start3A_91 = arith.constant 0 : i32
      %dma_start3A_92 = tpu.memref_slice %arg5[%dma_start3A_90, %dma_start3A_91] : memref<50000x32xf32, #tpu.memory_space<hbm>> -> memref<50000x32xf32, #tpu.memory_space<hbm>>
      tpu.enqueue_indirect_dma source(%dma_start3A_92 : memref<50000x32xf32, #tpu.memory_space<hbm>>) target(%dma_start3A_86 : memref<128x32xf32, #tpu.memory_space<vmem>>) offsets(%dma_start3A_89 : memref<128xi32, #tpu.memory_space<vmem>>) semaphore(%arg17 : memref<!tpu.dma_semaphore, #tpu.memory_space<semaphore_mem>>)
      %dma_start3A_93 = arith.constant 5 : i32
      %dma_start3A_94 = arith.constant 5 : i32
      %dma_start3A_95 = arith.constant 0 : i32
      %dma_start3A_96 = arith.constant 0 : i32
      %dma_start3A_97 = tpu.memref_slice %arg10[%dma_start3A_94, %dma_start3A_95, %dma_start3A_96] : memref<8x128x32xf32, #tpu.memory_space<vmem>> -> memref<1x128x32xf32, #tpu.memory_space<vmem>>
      %dma_start3A_98 = tpu.memref_squeeze %dma_start3A_97 : memref<1x128x32xf32, #tpu.memory_space<vmem>> -> memref<128x32xf32, #tpu.memory_space<vmem>>
      %dma_start3A_99 = arith.constant 0 : i32
      %dma_start3A_100 = tpu.memref_slice %arg8[%dma_start3A_93, %dma_start3A_99] : memref<8x128xi32, #tpu.memory_space<vmem>> -> memref<1x128xi32, #tpu.memory_space<vmem>>
      %dma_start3A_101 = tpu.memref_squeeze %dma_start3A_100 : memref<1x128xi32, #tpu.memory_space<vmem>> -> memref<128xi32, #tpu.memory_space<vmem>>
      %dma_start3A_102 = arith.constant 0 : i32
      %dma_start3A_103 = arith.constant 0 : i32
      %dma_start3A_104 = tpu.memref_slice %arg5[%dma_start3A_102, %dma_start3A_103] : memref<50000x32xf32, #tpu.memory_space<hbm>> -> memref<50000x32xf32, #tpu.memory_space<hbm>>
      tpu.enqueue_indirect_dma source(%dma_start3A_104 : memref<50000x32xf32, #tpu.memory_space<hbm>>) target(%dma_start3A_98 : memref<128x32xf32, #tpu.memory_space<vmem>>) offsets(%dma_start3A_101 : memref<128xi32, #tpu.memory_space<vmem>>) semaphore(%arg18 : memref<!tpu.dma_semaphore, #tpu.memory_space<semaphore_mem>>)
      %dma_start3A_105 = arith.constant 6 : i32
      %dma_start3A_106 = arith.constant 6 : i32
      %dma_start3A_107 = arith.constant 0 : i32
      %dma_start3A_108 = arith.constant 0 : i32
      %dma_start3A_109 = tpu.memref_slice %arg10[%dma_start3A_106, %dma_start3A_107, %dma_start3A_108] : memref<8x128x32xf32, #tpu.memory_space<vmem>> -> memref<1x128x32xf32, #tpu.memory_space<vmem>>
      %dma_start3A_110 = tpu.memref_squeeze %dma_start3A_109 : memref<1x128x32xf32, #tpu.memory_space<vmem>> -> memref<128x32xf32, #tpu.memory_space<vmem>>
      %dma_start3A_111 = arith.constant 0 : i32
      %dma_start3A_112 = tpu.memref_slice %arg8[%dma_start3A_105, %dma_start3A_111] : memref<8x128xi32, #tpu.memory_space<vmem>> -> memref<1x128xi32, #tpu.memory_space<vmem>>
      %dma_start3A_113 = tpu.memref_squeeze %dma_start3A_112 : memref<1x128xi32, #tpu.memory_space<vmem>> -> memref<128xi32, #tpu.memory_space<vmem>>
      %dma_start3A_114 = arith.constant 0 : i32
      %dma_start3A_115 = arith.constant 0 : i32
      %dma_start3A_116 = tpu.memref_slice %arg5[%dma_start3A_114, %dma_start3A_115] : memref<50000x32xf32, #tpu.memory_space<hbm>> -> memref<50000x32xf32, #tpu.memory_space<hbm>>
      tpu.enqueue_indirect_dma source(%dma_start3A_116 : memref<50000x32xf32, #tpu.memory_space<hbm>>) target(%dma_start3A_110 : memref<128x32xf32, #tpu.memory_space<vmem>>) offsets(%dma_start3A_113 : memref<128xi32, #tpu.memory_space<vmem>>) semaphore(%arg19 : memref<!tpu.dma_semaphore, #tpu.memory_space<semaphore_mem>>)
      %dma_start3A_117 = arith.constant 7 : i32
      %dma_start3A_118 = arith.constant 7 : i32
      %dma_start3A_119 = arith.constant 0 : i32
      %dma_start3A_120 = arith.constant 0 : i32
      %dma_start3A_121 = tpu.memref_slice %arg10[%dma_start3A_118, %dma_start3A_119, %dma_start3A_120] : memref<8x128x32xf32, #tpu.memory_space<vmem>> -> memref<1x128x32xf32, #tpu.memory_space<vmem>>
      %dma_start3A_122 = tpu.memref_squeeze %dma_start3A_121 : memref<1x128x32xf32, #tpu.memory_space<vmem>> -> memref<128x32xf32, #tpu.memory_space<vmem>>
      %dma_start3A_123 = arith.constant 0 : i32
      %dma_start3A_124 = tpu.memref_slice %arg8[%dma_start3A_117, %dma_start3A_123] : memref<8x128xi32, #tpu.memory_space<vmem>> -> memref<1x128xi32, #tpu.memory_space<vmem>>
      %dma_start3A_125 = tpu.memref_squeeze %dma_start3A_124 : memref<1x128xi32, #tpu.memory_space<vmem>> -> memref<128xi32, #tpu.memory_space<vmem>>
      %dma_start3A_126 = arith.constant 0 : i32
      %dma_start3A_127 = arith.constant 0 : i32
      %dma_start3A_128 = tpu.memref_slice %arg5[%dma_start3A_126, %dma_start3A_127] : memref<50000x32xf32, #tpu.memory_space<hbm>> -> memref<50000x32xf32, #tpu.memory_space<hbm>>
      tpu.enqueue_indirect_dma source(%dma_start3A_128 : memref<50000x32xf32, #tpu.memory_space<hbm>>) target(%dma_start3A_122 : memref<128x32xf32, #tpu.memory_space<vmem>>) offsets(%dma_start3A_125 : memref<128xi32, #tpu.memory_space<vmem>>) semaphore(%arg20 : memref<!tpu.dma_semaphore, #tpu.memory_space<semaphore_mem>>)
      %dma_wait3A = arith.constant 0 : i32
      %dma_wait3A_129 = arith.constant 0 : i32
      %dma_wait3A_130 = arith.constant 0 : i32
      %dma_wait3A_131 = arith.constant 0 : i32
      %dma_wait3A_132 = tpu.memref_slice %arg10[%dma_wait3A_129, %dma_wait3A_130, %dma_wait3A_131] : memref<8x128x32xf32, #tpu.memory_space<vmem>> -> memref<1x128x32xf32, #tpu.memory_space<vmem>>
      %dma_wait3A_133 = tpu.memref_squeeze %dma_wait3A_132 : memref<1x128x32xf32, #tpu.memory_space<vmem>> -> memref<128x32xf32, #tpu.memory_space<vmem>>
      %dma_wait3A_134 = arith.constant 0 : i32
      %dma_wait3A_135 = tpu.memref_slice %arg8[%dma_wait3A, %dma_wait3A_134] : memref<8x128xi32, #tpu.memory_space<vmem>> -> memref<1x128xi32, #tpu.memory_space<vmem>>
      %dma_wait3A_136 = tpu.memref_squeeze %dma_wait3A_135 : memref<1x128xi32, #tpu.memory_space<vmem>> -> memref<128xi32, #tpu.memory_space<vmem>>
      %dma_wait3A_137 = arith.constant 0 : i32
      %dma_wait3A_138 = arith.constant 0 : i32
      %dma_wait3A_139 = tpu.memref_slice %arg5[%dma_wait3A_137, %dma_wait3A_138] : memref<50000x32xf32, #tpu.memory_space<hbm>> -> memref<50000x32xf32, #tpu.memory_space<hbm>>
      tpu.wait_indirect_dma semaphore(%arg13 : memref<!tpu.dma_semaphore, #tpu.memory_space<semaphore_mem>>) src(%dma_wait3A_139 : memref<50000x32xf32, #tpu.memory_space<hbm>>) dst(%dma_wait3A_133 : memref<128x32xf32, #tpu.memory_space<vmem>>)
      %dma_start3A_140 = arith.constant 0 : i32
      %dma_start3A_141 = arith.constant 0 : i32
      %dma_start3A_142 = arith.constant 0 : i32
      %dma_start3A_143 = arith.constant 0 : i32
      %dma_start3A_144 = tpu.memref_slice %arg10[%dma_start3A_140, %dma_start3A_142, %dma_start3A_143] : memref<8x128x32xf32, #tpu.memory_space<vmem>> -> memref<1x128x32xf32, #tpu.memory_space<vmem>>
      %dma_start3A_145 = tpu.memref_squeeze %dma_start3A_144 : memref<1x128x32xf32, #tpu.memory_space<vmem>> -> memref<128x32xf32, #tpu.memory_space<vmem>>
      %dma_start3A_146 = arith.constant 0 : i32
      %dma_start3A_147 = tpu.memref_slice %arg9[%dma_start3A_141, %dma_start3A_146] : memref<8x128xi32, #tpu.memory_space<vmem>> -> memref<1x128xi32, #tpu.memory_space<vmem>>
      %dma_start3A_148 = tpu.memref_squeeze %dma_start3A_147 : memref<1x128xi32, #tpu.memory_space<vmem>> -> memref<128xi32, #tpu.memory_space<vmem>>
      %dma_start3A_149 = arith.constant 0 : i32
      %dma_start3A_150 = arith.constant 0 : i32
      %dma_start3A_151 = tpu.memref_slice %arg12[%dma_start3A_149, %dma_start3A_150] : memref<25088x32xf32, #tpu.memory_space<vmem_shared>> -> memref<25088x32xf32, #tpu.memory_space<vmem_shared>>
      tpu.enqueue_indirect_dma source(%dma_start3A_145 : memref<128x32xf32, #tpu.memory_space<vmem>>) target(%dma_start3A_151 : memref<25088x32xf32, #tpu.memory_space<vmem_shared>>) offsets(%dma_start3A_148 : memref<128xi32, #tpu.memory_space<vmem>>) semaphore(%arg21 : memref<!tpu.dma_semaphore, #tpu.memory_space<semaphore_mem>>) {add = true}
      %dma_wait3A_152 = arith.constant 1 : i32
      %dma_wait3A_153 = arith.constant 1 : i32
      %dma_wait3A_154 = arith.constant 0 : i32
      %dma_wait3A_155 = arith.constant 0 : i32
      %dma_wait3A_156 = tpu.memref_slice %arg10[%dma_wait3A_153, %dma_wait3A_154, %dma_wait3A_155] : memref<8x128x32xf32, #tpu.memory_space<vmem>> -> memref<1x128x32xf32, #tpu.memory_space<vmem>>
      %dma_wait3A_157 = tpu.memref_squeeze %dma_wait3A_156 : memref<1x128x32xf32, #tpu.memory_space<vmem>> -> memref<128x32xf32, #tpu.memory_space<vmem>>
      %dma_wait3A_158 = arith.constant 0 : i32
      %dma_wait3A_159 = tpu.memref_slice %arg8[%dma_wait3A_152, %dma_wait3A_158] : memref<8x128xi32, #tpu.memory_space<vmem>> -> memref<1x128xi32, #tpu.memory_space<vmem>>
      %dma_wait3A_160 = tpu.memref_squeeze %dma_wait3A_159 : memref<1x128xi32, #tpu.memory_space<vmem>> -> memref<128xi32, #tpu.memory_space<vmem>>
      %dma_wait3A_161 = arith.constant 0 : i32
      %dma_wait3A_162 = arith.constant 0 : i32
      %dma_wait3A_163 = tpu.memref_slice %arg5[%dma_wait3A_161, %dma_wait3A_162] : memref<50000x32xf32, #tpu.memory_space<hbm>> -> memref<50000x32xf32, #tpu.memory_space<hbm>>
      tpu.wait_indirect_dma semaphore(%arg14 : memref<!tpu.dma_semaphore, #tpu.memory_space<semaphore_mem>>) src(%dma_wait3A_163 : memref<50000x32xf32, #tpu.memory_space<hbm>>) dst(%dma_wait3A_157 : memref<128x32xf32, #tpu.memory_space<vmem>>)
      %dma_start3A_164 = arith.constant 1 : i32
      %dma_start3A_165 = arith.constant 1 : i32
      %dma_start3A_166 = arith.constant 0 : i32
      %dma_start3A_167 = arith.constant 0 : i32
      %dma_start3A_168 = tpu.memref_slice %arg10[%dma_start3A_164, %dma_start3A_166, %dma_start3A_167] : memref<8x128x32xf32, #tpu.memory_space<vmem>> -> memref<1x128x32xf32, #tpu.memory_space<vmem>>
      %dma_start3A_169 = tpu.memref_squeeze %dma_start3A_168 : memref<1x128x32xf32, #tpu.memory_space<vmem>> -> memref<128x32xf32, #tpu.memory_space<vmem>>
      %dma_start3A_170 = arith.constant 0 : i32
      %dma_start3A_171 = tpu.memref_slice %arg9[%dma_start3A_165, %dma_start3A_170] : memref<8x128xi32, #tpu.memory_space<vmem>> -> memref<1x128xi32, #tpu.memory_space<vmem>>
      %dma_start3A_172 = tpu.memref_squeeze %dma_start3A_171 : memref<1x128xi32, #tpu.memory_space<vmem>> -> memref<128xi32, #tpu.memory_space<vmem>>
      %dma_start3A_173 = arith.constant 0 : i32
      %dma_start3A_174 = arith.constant 0 : i32
      %dma_start3A_175 = tpu.memref_slice %arg12[%dma_start3A_173, %dma_start3A_174] : memref<25088x32xf32, #tpu.memory_space<vmem_shared>> -> memref<25088x32xf32, #tpu.memory_space<vmem_shared>>
      tpu.enqueue_indirect_dma source(%dma_start3A_169 : memref<128x32xf32, #tpu.memory_space<vmem>>) target(%dma_start3A_175 : memref<25088x32xf32, #tpu.memory_space<vmem_shared>>) offsets(%dma_start3A_172 : memref<128xi32, #tpu.memory_space<vmem>>) semaphore(%arg22 : memref<!tpu.dma_semaphore, #tpu.memory_space<semaphore_mem>>) {add = true}
      %dma_wait3A_176 = arith.constant 2 : i32
      %dma_wait3A_177 = arith.constant 2 : i32
      %dma_wait3A_178 = arith.constant 0 : i32
      %dma_wait3A_179 = arith.constant 0 : i32
      %dma_wait3A_180 = tpu.memref_slice %arg10[%dma_wait3A_177, %dma_wait3A_178, %dma_wait3A_179] : memref<8x128x32xf32, #tpu.memory_space<vmem>> -> memref<1x128x32xf32, #tpu.memory_space<vmem>>
      %dma_wait3A_181 = tpu.memref_squeeze %dma_wait3A_180 : memref<1x128x32xf32, #tpu.memory_space<vmem>> -> memref<128x32xf32, #tpu.memory_space<vmem>>
      %dma_wait3A_182 = arith.constant 0 : i32
      %dma_wait3A_183 = tpu.memref_slice %arg8[%dma_wait3A_176, %dma_wait3A_182] : memref<8x128xi32, #tpu.memory_space<vmem>> -> memref<1x128xi32, #tpu.memory_space<vmem>>
      %dma_wait3A_184 = tpu.memref_squeeze %dma_wait3A_183 : memref<1x128xi32, #tpu.memory_space<vmem>> -> memref<128xi32, #tpu.memory_space<vmem>>
      %dma_wait3A_185 = arith.constant 0 : i32
      %dma_wait3A_186 = arith.constant 0 : i32
      %dma_wait3A_187 = tpu.memref_slice %arg5[%dma_wait3A_185, %dma_wait3A_186] : memref<50000x32xf32, #tpu.memory_space<hbm>> -> memref<50000x32xf32, #tpu.memory_space<hbm>>
      tpu.wait_indirect_dma semaphore(%arg15 : memref<!tpu.dma_semaphore, #tpu.memory_space<semaphore_mem>>) src(%dma_wait3A_187 : memref<50000x32xf32, #tpu.memory_space<hbm>>) dst(%dma_wait3A_181 : memref<128x32xf32, #tpu.memory_space<vmem>>)
      %dma_start3A_188 = arith.constant 2 : i32
      %dma_start3A_189 = arith.constant 2 : i32
      %dma_start3A_190 = arith.constant 0 : i32
      %dma_start3A_191 = arith.constant 0 : i32
      %dma_start3A_192 = tpu.memref_slice %arg10[%dma_start3A_188, %dma_start3A_190, %dma_start3A_191] : memref<8x128x32xf32, #tpu.memory_space<vmem>> -> memref<1x128x32xf32, #tpu.memory_space<vmem>>
      %dma_start3A_193 = tpu.memref_squeeze %dma_start3A_192 : memref<1x128x32xf32, #tpu.memory_space<vmem>> -> memref<128x32xf32, #tpu.memory_space<vmem>>
      %dma_start3A_194 = arith.constant 0 : i32
      %dma_start3A_195 = tpu.memref_slice %arg9[%dma_start3A_189, %dma_start3A_194] : memref<8x128xi32, #tpu.memory_space<vmem>> -> memref<1x128xi32, #tpu.memory_space<vmem>>
      %dma_start3A_196 = tpu.memref_squeeze %dma_start3A_195 : memref<1x128xi32, #tpu.memory_space<vmem>> -> memref<128xi32, #tpu.memory_space<vmem>>
      %dma_start3A_197 = arith.constant 0 : i32
      %dma_start3A_198 = arith.constant 0 : i32
      %dma_start3A_199 = tpu.memref_slice %arg12[%dma_start3A_197, %dma_start3A_198] : memref<25088x32xf32, #tpu.memory_space<vmem_shared>> -> memref<25088x32xf32, #tpu.memory_space<vmem_shared>>
      tpu.enqueue_indirect_dma source(%dma_start3A_193 : memref<128x32xf32, #tpu.memory_space<vmem>>) target(%dma_start3A_199 : memref<25088x32xf32, #tpu.memory_space<vmem_shared>>) offsets(%dma_start3A_196 : memref<128xi32, #tpu.memory_space<vmem>>) semaphore(%arg23 : memref<!tpu.dma_semaphore, #tpu.memory_space<semaphore_mem>>) {add = true}
      %dma_wait3A_200 = arith.constant 3 : i32
      %dma_wait3A_201 = arith.constant 3 : i32
      %dma_wait3A_202 = arith.constant 0 : i32
      %dma_wait3A_203 = arith.constant 0 : i32
      %dma_wait3A_204 = tpu.memref_slice %arg10[%dma_wait3A_201, %dma_wait3A_202, %dma_wait3A_203] : memref<8x128x32xf32, #tpu.memory_space<vmem>> -> memref<1x128x32xf32, #tpu.memory_space<vmem>>
      %dma_wait3A_205 = tpu.memref_squeeze %dma_wait3A_204 : memref<1x128x32xf32, #tpu.memory_space<vmem>> -> memref<128x32xf32, #tpu.memory_space<vmem>>
      %dma_wait3A_206 = arith.constant 0 : i32
      %dma_wait3A_207 = tpu.memref_slice %arg8[%dma_wait3A_200, %dma_wait3A_206] : memref<8x128xi32, #tpu.memory_space<vmem>> -> memref<1x128xi32, #tpu.memory_space<vmem>>
      %dma_wait3A_208 = tpu.memref_squeeze %dma_wait3A_207 : memref<1x128xi32, #tpu.memory_space<vmem>> -> memref<128xi32, #tpu.memory_space<vmem>>
      %dma_wait3A_209 = arith.constant 0 : i32
      %dma_wait3A_210 = arith.constant 0 : i32
      %dma_wait3A_211 = tpu.memref_slice %arg5[%dma_wait3A_209, %dma_wait3A_210] : memref<50000x32xf32, #tpu.memory_space<hbm>> -> memref<50000x32xf32, #tpu.memory_space<hbm>>
      tpu.wait_indirect_dma semaphore(%arg16 : memref<!tpu.dma_semaphore, #tpu.memory_space<semaphore_mem>>) src(%dma_wait3A_211 : memref<50000x32xf32, #tpu.memory_space<hbm>>) dst(%dma_wait3A_205 : memref<128x32xf32, #tpu.memory_space<vmem>>)
      %dma_start3A_212 = arith.constant 3 : i32
      %dma_start3A_213 = arith.constant 3 : i32
      %dma_start3A_214 = arith.constant 0 : i32
      %dma_start3A_215 = arith.constant 0 : i32
      %dma_start3A_216 = tpu.memref_slice %arg10[%dma_start3A_212, %dma_start3A_214, %dma_start3A_215] : memref<8x128x32xf32, #tpu.memory_space<vmem>> -> memref<1x128x32xf32, #tpu.memory_space<vmem>>
      %dma_start3A_217 = tpu.memref_squeeze %dma_start3A_216 : memref<1x128x32xf32, #tpu.memory_space<vmem>> -> memref<128x32xf32, #tpu.memory_space<vmem>>
      %dma_start3A_218 = arith.constant 0 : i32
      %dma_start3A_219 = tpu.memref_slice %arg9[%dma_start3A_213, %dma_start3A_218] : memref<8x128xi32, #tpu.memory_space<vmem>> -> memref<1x128xi32, #tpu.memory_space<vmem>>
      %dma_start3A_220 = tpu.memref_squeeze %dma_start3A_219 : memref<1x128xi32, #tpu.memory_space<vmem>> -> memref<128xi32, #tpu.memory_space<vmem>>
      %dma_start3A_221 = arith.constant 0 : i32
      %dma_start3A_222 = arith.constant 0 : i32
      %dma_start3A_223 = tpu.memref_slice %arg12[%dma_start3A_221, %dma_start3A_222] : memref<25088x32xf32, #tpu.memory_space<vmem_shared>> -> memref<25088x32xf32, #tpu.memory_space<vmem_shared>>
      tpu.enqueue_indirect_dma source(%dma_start3A_217 : memref<128x32xf32, #tpu.memory_space<vmem>>) target(%dma_start3A_223 : memref<25088x32xf32, #tpu.memory_space<vmem_shared>>) offsets(%dma_start3A_220 : memref<128xi32, #tpu.memory_space<vmem>>) semaphore(%arg24 : memref<!tpu.dma_semaphore, #tpu.memory_space<semaphore_mem>>) {add = true}
      %dma_wait3A_224 = arith.constant 4 : i32
      %dma_wait3A_225 = arith.constant 4 : i32
      %dma_wait3A_226 = arith.constant 0 : i32
      %dma_wait3A_227 = arith.constant 0 : i32
      %dma_wait3A_228 = tpu.memref_slice %arg10[%dma_wait3A_225, %dma_wait3A_226, %dma_wait3A_227] : memref<8x128x32xf32, #tpu.memory_space<vmem>> -> memref<1x128x32xf32, #tpu.memory_space<vmem>>
      %dma_wait3A_229 = tpu.memref_squeeze %dma_wait3A_228 : memref<1x128x32xf32, #tpu.memory_space<vmem>> -> memref<128x32xf32, #tpu.memory_space<vmem>>
      %dma_wait3A_230 = arith.constant 0 : i32
      %dma_wait3A_231 = tpu.memref_slice %arg8[%dma_wait3A_224, %dma_wait3A_230] : memref<8x128xi32, #tpu.memory_space<vmem>> -> memref<1x128xi32, #tpu.memory_space<vmem>>
      %dma_wait3A_232 = tpu.memref_squeeze %dma_wait3A_231 : memref<1x128xi32, #tpu.memory_space<vmem>> -> memref<128xi32, #tpu.memory_space<vmem>>
      %dma_wait3A_233 = arith.constant 0 : i32
      %dma_wait3A_234 = arith.constant 0 : i32
      %dma_wait3A_235 = tpu.memref_slice %arg5[%dma_wait3A_233, %dma_wait3A_234] : memref<50000x32xf32, #tpu.memory_space<hbm>> -> memref<50000x32xf32, #tpu.memory_space<hbm>>
      tpu.wait_indirect_dma semaphore(%arg17 : memref<!tpu.dma_semaphore, #tpu.memory_space<semaphore_mem>>) src(%dma_wait3A_235 : memref<50000x32xf32, #tpu.memory_space<hbm>>) dst(%dma_wait3A_229 : memref<128x32xf32, #tpu.memory_space<vmem>>)
      %dma_start3A_236 = arith.constant 4 : i32
      %dma_start3A_237 = arith.constant 4 : i32
      %dma_start3A_238 = arith.constant 0 : i32
      %dma_start3A_239 = arith.constant 0 : i32
      %dma_start3A_240 = tpu.memref_slice %arg10[%dma_start3A_236, %dma_start3A_238, %dma_start3A_239] : memref<8x128x32xf32, #tpu.memory_space<vmem>> -> memref<1x128x32xf32, #tpu.memory_space<vmem>>
      %dma_start3A_241 = tpu.memref_squeeze %dma_start3A_240 : memref<1x128x32xf32, #tpu.memory_space<vmem>> -> memref<128x32xf32, #tpu.memory_space<vmem>>
      %dma_start3A_242 = arith.constant 0 : i32
      %dma_start3A_243 = tpu.memref_slice %arg9[%dma_start3A_237, %dma_start3A_242] : memref<8x128xi32, #tpu.memory_space<vmem>> -> memref<1x128xi32, #tpu.memory_space<vmem>>
      %dma_start3A_244 = tpu.memref_squeeze %dma_start3A_243 : memref<1x128xi32, #tpu.memory_space<vmem>> -> memref<128xi32, #tpu.memory_space<vmem>>
      %dma_start3A_245 = arith.constant 0 : i32
      %dma_start3A_246 = arith.constant 0 : i32
      %dma_start3A_247 = tpu.memref_slice %arg12[%dma_start3A_245, %dma_start3A_246] : memref<25088x32xf32, #tpu.memory_space<vmem_shared>> -> memref<25088x32xf32, #tpu.memory_space<vmem_shared>>
      tpu.enqueue_indirect_dma source(%dma_start3A_241 : memref<128x32xf32, #tpu.memory_space<vmem>>) target(%dma_start3A_247 : memref<25088x32xf32, #tpu.memory_space<vmem_shared>>) offsets(%dma_start3A_244 : memref<128xi32, #tpu.memory_space<vmem>>) semaphore(%arg25 : memref<!tpu.dma_semaphore, #tpu.memory_space<semaphore_mem>>) {add = true}
      %dma_wait3A_248 = arith.constant 5 : i32
      %dma_wait3A_249 = arith.constant 5 : i32
      %dma_wait3A_250 = arith.constant 0 : i32
      %dma_wait3A_251 = arith.constant 0 : i32
      %dma_wait3A_252 = tpu.memref_slice %arg10[%dma_wait3A_249, %dma_wait3A_250, %dma_wait3A_251] : memref<8x128x32xf32, #tpu.memory_space<vmem>> -> memref<1x128x32xf32, #tpu.memory_space<vmem>>
      %dma_wait3A_253 = tpu.memref_squeeze %dma_wait3A_252 : memref<1x128x32xf32, #tpu.memory_space<vmem>> -> memref<128x32xf32, #tpu.memory_space<vmem>>
      %dma_wait3A_254 = arith.constant 0 : i32
      %dma_wait3A_255 = tpu.memref_slice %arg8[%dma_wait3A_248, %dma_wait3A_254] : memref<8x128xi32, #tpu.memory_space<vmem>> -> memref<1x128xi32, #tpu.memory_space<vmem>>
      %dma_wait3A_256 = tpu.memref_squeeze %dma_wait3A_255 : memref<1x128xi32, #tpu.memory_space<vmem>> -> memref<128xi32, #tpu.memory_space<vmem>>
      %dma_wait3A_257 = arith.constant 0 : i32
      %dma_wait3A_258 = arith.constant 0 : i32
      %dma_wait3A_259 = tpu.memref_slice %arg5[%dma_wait3A_257, %dma_wait3A_258] : memref<50000x32xf32, #tpu.memory_space<hbm>> -> memref<50000x32xf32, #tpu.memory_space<hbm>>
      tpu.wait_indirect_dma semaphore(%arg18 : memref<!tpu.dma_semaphore, #tpu.memory_space<semaphore_mem>>) src(%dma_wait3A_259 : memref<50000x32xf32, #tpu.memory_space<hbm>>) dst(%dma_wait3A_253 : memref<128x32xf32, #tpu.memory_space<vmem>>)
      %dma_start3A_260 = arith.constant 5 : i32
      %dma_start3A_261 = arith.constant 5 : i32
      %dma_start3A_262 = arith.constant 0 : i32
      %dma_start3A_263 = arith.constant 0 : i32
      %dma_start3A_264 = tpu.memref_slice %arg10[%dma_start3A_260, %dma_start3A_262, %dma_start3A_263] : memref<8x128x32xf32, #tpu.memory_space<vmem>> -> memref<1x128x32xf32, #tpu.memory_space<vmem>>
      %dma_start3A_265 = tpu.memref_squeeze %dma_start3A_264 : memref<1x128x32xf32, #tpu.memory_space<vmem>> -> memref<128x32xf32, #tpu.memory_space<vmem>>
      %dma_start3A_266 = arith.constant 0 : i32
      %dma_start3A_267 = tpu.memref_slice %arg9[%dma_start3A_261, %dma_start3A_266] : memref<8x128xi32, #tpu.memory_space<vmem>> -> memref<1x128xi32, #tpu.memory_space<vmem>>
      %dma_start3A_268 = tpu.memref_squeeze %dma_start3A_267 : memref<1x128xi32, #tpu.memory_space<vmem>> -> memref<128xi32, #tpu.memory_space<vmem>>
      %dma_start3A_269 = arith.constant 0 : i32
      %dma_start3A_270 = arith.constant 0 : i32
      %dma_start3A_271 = tpu.memref_slice %arg12[%dma_start3A_269, %dma_start3A_270] : memref<25088x32xf32, #tpu.memory_space<vmem_shared>> -> memref<25088x32xf32, #tpu.memory_space<vmem_shared>>
      tpu.enqueue_indirect_dma source(%dma_start3A_265 : memref<128x32xf32, #tpu.memory_space<vmem>>) target(%dma_start3A_271 : memref<25088x32xf32, #tpu.memory_space<vmem_shared>>) offsets(%dma_start3A_268 : memref<128xi32, #tpu.memory_space<vmem>>) semaphore(%arg26 : memref<!tpu.dma_semaphore, #tpu.memory_space<semaphore_mem>>) {add = true}
      %dma_wait3A_272 = arith.constant 6 : i32
      %dma_wait3A_273 = arith.constant 6 : i32
      %dma_wait3A_274 = arith.constant 0 : i32
      %dma_wait3A_275 = arith.constant 0 : i32
      %dma_wait3A_276 = tpu.memref_slice %arg10[%dma_wait3A_273, %dma_wait3A_274, %dma_wait3A_275] : memref<8x128x32xf32, #tpu.memory_space<vmem>> -> memref<1x128x32xf32, #tpu.memory_space<vmem>>
      %dma_wait3A_277 = tpu.memref_squeeze %dma_wait3A_276 : memref<1x128x32xf32, #tpu.memory_space<vmem>> -> memref<128x32xf32, #tpu.memory_space<vmem>>
      %dma_wait3A_278 = arith.constant 0 : i32
      %dma_wait3A_279 = tpu.memref_slice %arg8[%dma_wait3A_272, %dma_wait3A_278] : memref<8x128xi32, #tpu.memory_space<vmem>> -> memref<1x128xi32, #tpu.memory_space<vmem>>
      %dma_wait3A_280 = tpu.memref_squeeze %dma_wait3A_279 : memref<1x128xi32, #tpu.memory_space<vmem>> -> memref<128xi32, #tpu.memory_space<vmem>>
      %dma_wait3A_281 = arith.constant 0 : i32
      %dma_wait3A_282 = arith.constant 0 : i32
      %dma_wait3A_283 = tpu.memref_slice %arg5[%dma_wait3A_281, %dma_wait3A_282] : memref<50000x32xf32, #tpu.memory_space<hbm>> -> memref<50000x32xf32, #tpu.memory_space<hbm>>
      tpu.wait_indirect_dma semaphore(%arg19 : memref<!tpu.dma_semaphore, #tpu.memory_space<semaphore_mem>>) src(%dma_wait3A_283 : memref<50000x32xf32, #tpu.memory_space<hbm>>) dst(%dma_wait3A_277 : memref<128x32xf32, #tpu.memory_space<vmem>>)
      %dma_start3A_284 = arith.constant 6 : i32
      %dma_start3A_285 = arith.constant 6 : i32
      %dma_start3A_286 = arith.constant 0 : i32
      %dma_start3A_287 = arith.constant 0 : i32
      %dma_start3A_288 = tpu.memref_slice %arg10[%dma_start3A_284, %dma_start3A_286, %dma_start3A_287] : memref<8x128x32xf32, #tpu.memory_space<vmem>> -> memref<1x128x32xf32, #tpu.memory_space<vmem>>
      %dma_start3A_289 = tpu.memref_squeeze %dma_start3A_288 : memref<1x128x32xf32, #tpu.memory_space<vmem>> -> memref<128x32xf32, #tpu.memory_space<vmem>>
      %dma_start3A_290 = arith.constant 0 : i32
      %dma_start3A_291 = tpu.memref_slice %arg9[%dma_start3A_285, %dma_start3A_290] : memref<8x128xi32, #tpu.memory_space<vmem>> -> memref<1x128xi32, #tpu.memory_space<vmem>>
      %dma_start3A_292 = tpu.memref_squeeze %dma_start3A_291 : memref<1x128xi32, #tpu.memory_space<vmem>> -> memref<128xi32, #tpu.memory_space<vmem>>
      %dma_start3A_293 = arith.constant 0 : i32
      %dma_start3A_294 = arith.constant 0 : i32
      %dma_start3A_295 = tpu.memref_slice %arg12[%dma_start3A_293, %dma_start3A_294] : memref<25088x32xf32, #tpu.memory_space<vmem_shared>> -> memref<25088x32xf32, #tpu.memory_space<vmem_shared>>
      tpu.enqueue_indirect_dma source(%dma_start3A_289 : memref<128x32xf32, #tpu.memory_space<vmem>>) target(%dma_start3A_295 : memref<25088x32xf32, #tpu.memory_space<vmem_shared>>) offsets(%dma_start3A_292 : memref<128xi32, #tpu.memory_space<vmem>>) semaphore(%arg27 : memref<!tpu.dma_semaphore, #tpu.memory_space<semaphore_mem>>) {add = true}
      %dma_wait3A_296 = arith.constant 7 : i32
      %dma_wait3A_297 = arith.constant 7 : i32
      %dma_wait3A_298 = arith.constant 0 : i32
      %dma_wait3A_299 = arith.constant 0 : i32
      %dma_wait3A_300 = tpu.memref_slice %arg10[%dma_wait3A_297, %dma_wait3A_298, %dma_wait3A_299] : memref<8x128x32xf32, #tpu.memory_space<vmem>> -> memref<1x128x32xf32, #tpu.memory_space<vmem>>
      %dma_wait3A_301 = tpu.memref_squeeze %dma_wait3A_300 : memref<1x128x32xf32, #tpu.memory_space<vmem>> -> memref<128x32xf32, #tpu.memory_space<vmem>>
      %dma_wait3A_302 = arith.constant 0 : i32
      %dma_wait3A_303 = tpu.memref_slice %arg8[%dma_wait3A_296, %dma_wait3A_302] : memref<8x128xi32, #tpu.memory_space<vmem>> -> memref<1x128xi32, #tpu.memory_space<vmem>>
      %dma_wait3A_304 = tpu.memref_squeeze %dma_wait3A_303 : memref<1x128xi32, #tpu.memory_space<vmem>> -> memref<128xi32, #tpu.memory_space<vmem>>
      %dma_wait3A_305 = arith.constant 0 : i32
      %dma_wait3A_306 = arith.constant 0 : i32
      %dma_wait3A_307 = tpu.memref_slice %arg5[%dma_wait3A_305, %dma_wait3A_306] : memref<50000x32xf32, #tpu.memory_space<hbm>> -> memref<50000x32xf32, #tpu.memory_space<hbm>>
      tpu.wait_indirect_dma semaphore(%arg20 : memref<!tpu.dma_semaphore, #tpu.memory_space<semaphore_mem>>) src(%dma_wait3A_307 : memref<50000x32xf32, #tpu.memory_space<hbm>>) dst(%dma_wait3A_301 : memref<128x32xf32, #tpu.memory_space<vmem>>)
      %dma_start3A_308 = arith.constant 7 : i32
      %dma_start3A_309 = arith.constant 7 : i32
      %dma_start3A_310 = arith.constant 0 : i32
      %dma_start3A_311 = arith.constant 0 : i32
      %dma_start3A_312 = tpu.memref_slice %arg10[%dma_start3A_308, %dma_start3A_310, %dma_start3A_311] : memref<8x128x32xf32, #tpu.memory_space<vmem>> -> memref<1x128x32xf32, #tpu.memory_space<vmem>>
      %dma_start3A_313 = tpu.memref_squeeze %dma_start3A_312 : memref<1x128x32xf32, #tpu.memory_space<vmem>> -> memref<128x32xf32, #tpu.memory_space<vmem>>
      %dma_start3A_314 = arith.constant 0 : i32
      %dma_start3A_315 = tpu.memref_slice %arg9[%dma_start3A_309, %dma_start3A_314] : memref<8x128xi32, #tpu.memory_space<vmem>> -> memref<1x128xi32, #tpu.memory_space<vmem>>
      %dma_start3A_316 = tpu.memref_squeeze %dma_start3A_315 : memref<1x128xi32, #tpu.memory_space<vmem>> -> memref<128xi32, #tpu.memory_space<vmem>>
      %dma_start3A_317 = arith.constant 0 : i32
      %dma_start3A_318 = arith.constant 0 : i32
      %dma_start3A_319 = tpu.memref_slice %arg12[%dma_start3A_317, %dma_start3A_318] : memref<25088x32xf32, #tpu.memory_space<vmem_shared>> -> memref<25088x32xf32, #tpu.memory_space<vmem_shared>>
      tpu.enqueue_indirect_dma source(%dma_start3A_313 : memref<128x32xf32, #tpu.memory_space<vmem>>) target(%dma_start3A_319 : memref<25088x32xf32, #tpu.memory_space<vmem_shared>>) offsets(%dma_start3A_316 : memref<128xi32, #tpu.memory_space<vmem>>) semaphore(%arg28 : memref<!tpu.dma_semaphore, #tpu.memory_space<semaphore_mem>>) {add = true}
      %dma_wait3A_320 = arith.constant 0 : i32
      %dma_wait3A_321 = arith.constant 0 : i32
      %dma_wait3A_322 = arith.constant 0 : i32
      %dma_wait3A_323 = arith.constant 0 : i32
      %dma_wait3A_324 = tpu.memref_slice %arg10[%dma_wait3A_320, %dma_wait3A_322, %dma_wait3A_323] : memref<8x128x32xf32, #tpu.memory_space<vmem>> -> memref<1x128x32xf32, #tpu.memory_space<vmem>>
      %dma_wait3A_325 = tpu.memref_squeeze %dma_wait3A_324 : memref<1x128x32xf32, #tpu.memory_space<vmem>> -> memref<128x32xf32, #tpu.memory_space<vmem>>
      %dma_wait3A_326 = arith.constant 0 : i32
      %dma_wait3A_327 = tpu.memref_slice %arg9[%dma_wait3A_321, %dma_wait3A_326] : memref<8x128xi32, #tpu.memory_space<vmem>> -> memref<1x128xi32, #tpu.memory_space<vmem>>
      %dma_wait3A_328 = tpu.memref_squeeze %dma_wait3A_327 : memref<1x128xi32, #tpu.memory_space<vmem>> -> memref<128xi32, #tpu.memory_space<vmem>>
      %dma_wait3A_329 = arith.constant 0 : i32
      %dma_wait3A_330 = arith.constant 0 : i32
      %dma_wait3A_331 = tpu.memref_slice %arg12[%dma_wait3A_329, %dma_wait3A_330] : memref<25088x32xf32, #tpu.memory_space<vmem_shared>> -> memref<25088x32xf32, #tpu.memory_space<vmem_shared>>
      tpu.wait_indirect_dma semaphore(%arg21 : memref<!tpu.dma_semaphore, #tpu.memory_space<semaphore_mem>>) src(%dma_wait3A_325 : memref<128x32xf32, #tpu.memory_space<vmem>>) dst(%dma_wait3A_331 : memref<25088x32xf32, #tpu.memory_space<vmem_shared>>)
      %dma_wait3A_332 = arith.constant 1 : i32
      %dma_wait3A_333 = arith.constant 1 : i32
      %dma_wait3A_334 = arith.constant 0 : i32
      %dma_wait3A_335 = arith.constant 0 : i32
      %dma_wait3A_336 = tpu.memref_slice %arg10[%dma_wait3A_332, %dma_wait3A_334, %dma_wait3A_335] : memref<8x128x32xf32, #tpu.memory_space<vmem>> -> memref<1x128x32xf32, #tpu.memory_space<vmem>>
      %dma_wait3A_337 = tpu.memref_squeeze %dma_wait3A_336 : memref<1x128x32xf32, #tpu.memory_space<vmem>> -> memref<128x32xf32, #tpu.memory_space<vmem>>
      %dma_wait3A_338 = arith.constant 0 : i32
      %dma_wait3A_339 = tpu.memref_slice %arg9[%dma_wait3A_333, %dma_wait3A_338] : memref<8x128xi32, #tpu.memory_space<vmem>> -> memref<1x128xi32, #tpu.memory_space<vmem>>
      %dma_wait3A_340 = tpu.memref_squeeze %dma_wait3A_339 : memref<1x128xi32, #tpu.memory_space<vmem>> -> memref<128xi32, #tpu.memory_space<vmem>>
      %dma_wait3A_341 = arith.constant 0 : i32
      %dma_wait3A_342 = arith.constant 0 : i32
      %dma_wait3A_343 = tpu.memref_slice %arg12[%dma_wait3A_341, %dma_wait3A_342] : memref<25088x32xf32, #tpu.memory_space<vmem_shared>> -> memref<25088x32xf32, #tpu.memory_space<vmem_shared>>
      tpu.wait_indirect_dma semaphore(%arg22 : memref<!tpu.dma_semaphore, #tpu.memory_space<semaphore_mem>>) src(%dma_wait3A_337 : memref<128x32xf32, #tpu.memory_space<vmem>>) dst(%dma_wait3A_343 : memref<25088x32xf32, #tpu.memory_space<vmem_shared>>)
      %dma_wait3A_344 = arith.constant 2 : i32
      %dma_wait3A_345 = arith.constant 2 : i32
      %dma_wait3A_346 = arith.constant 0 : i32
      %dma_wait3A_347 = arith.constant 0 : i32
      %dma_wait3A_348 = tpu.memref_slice %arg10[%dma_wait3A_344, %dma_wait3A_346, %dma_wait3A_347] : memref<8x128x32xf32, #tpu.memory_space<vmem>> -> memref<1x128x32xf32, #tpu.memory_space<vmem>>
      %dma_wait3A_349 = tpu.memref_squeeze %dma_wait3A_348 : memref<1x128x32xf32, #tpu.memory_space<vmem>> -> memref<128x32xf32, #tpu.memory_space<vmem>>
      %dma_wait3A_350 = arith.constant 0 : i32
      %dma_wait3A_351 = tpu.memref_slice %arg9[%dma_wait3A_345, %dma_wait3A_350] : memref<8x128xi32, #tpu.memory_space<vmem>> -> memref<1x128xi32, #tpu.memory_space<vmem>>
      %dma_wait3A_352 = tpu.memref_squeeze %dma_wait3A_351 : memref<1x128xi32, #tpu.memory_space<vmem>> -> memref<128xi32, #tpu.memory_space<vmem>>
      %dma_wait3A_353 = arith.constant 0 : i32
      %dma_wait3A_354 = arith.constant 0 : i32
      %dma_wait3A_355 = tpu.memref_slice %arg12[%dma_wait3A_353, %dma_wait3A_354] : memref<25088x32xf32, #tpu.memory_space<vmem_shared>> -> memref<25088x32xf32, #tpu.memory_space<vmem_shared>>
      tpu.wait_indirect_dma semaphore(%arg23 : memref<!tpu.dma_semaphore, #tpu.memory_space<semaphore_mem>>) src(%dma_wait3A_349 : memref<128x32xf32, #tpu.memory_space<vmem>>) dst(%dma_wait3A_355 : memref<25088x32xf32, #tpu.memory_space<vmem_shared>>)
      %dma_wait3A_356 = arith.constant 3 : i32
      %dma_wait3A_357 = arith.constant 3 : i32
      %dma_wait3A_358 = arith.constant 0 : i32
      %dma_wait3A_359 = arith.constant 0 : i32
      %dma_wait3A_360 = tpu.memref_slice %arg10[%dma_wait3A_356, %dma_wait3A_358, %dma_wait3A_359] : memref<8x128x32xf32, #tpu.memory_space<vmem>> -> memref<1x128x32xf32, #tpu.memory_space<vmem>>
      %dma_wait3A_361 = tpu.memref_squeeze %dma_wait3A_360 : memref<1x128x32xf32, #tpu.memory_space<vmem>> -> memref<128x32xf32, #tpu.memory_space<vmem>>
      %dma_wait3A_362 = arith.constant 0 : i32
      %dma_wait3A_363 = tpu.memref_slice %arg9[%dma_wait3A_357, %dma_wait3A_362] : memref<8x128xi32, #tpu.memory_space<vmem>> -> memref<1x128xi32, #tpu.memory_space<vmem>>
      %dma_wait3A_364 = tpu.memref_squeeze %dma_wait3A_363 : memref<1x128xi32, #tpu.memory_space<vmem>> -> memref<128xi32, #tpu.memory_space<vmem>>
      %dma_wait3A_365 = arith.constant 0 : i32
      %dma_wait3A_366 = arith.constant 0 : i32
      %dma_wait3A_367 = tpu.memref_slice %arg12[%dma_wait3A_365, %dma_wait3A_366] : memref<25088x32xf32, #tpu.memory_space<vmem_shared>> -> memref<25088x32xf32, #tpu.memory_space<vmem_shared>>
      tpu.wait_indirect_dma semaphore(%arg24 : memref<!tpu.dma_semaphore, #tpu.memory_space<semaphore_mem>>) src(%dma_wait3A_361 : memref<128x32xf32, #tpu.memory_space<vmem>>) dst(%dma_wait3A_367 : memref<25088x32xf32, #tpu.memory_space<vmem_shared>>)
      %dma_wait3A_368 = arith.constant 4 : i32
      %dma_wait3A_369 = arith.constant 4 : i32
      %dma_wait3A_370 = arith.constant 0 : i32
      %dma_wait3A_371 = arith.constant 0 : i32
      %dma_wait3A_372 = tpu.memref_slice %arg10[%dma_wait3A_368, %dma_wait3A_370, %dma_wait3A_371] : memref<8x128x32xf32, #tpu.memory_space<vmem>> -> memref<1x128x32xf32, #tpu.memory_space<vmem>>
      %dma_wait3A_373 = tpu.memref_squeeze %dma_wait3A_372 : memref<1x128x32xf32, #tpu.memory_space<vmem>> -> memref<128x32xf32, #tpu.memory_space<vmem>>
      %dma_wait3A_374 = arith.constant 0 : i32
      %dma_wait3A_375 = tpu.memref_slice %arg9[%dma_wait3A_369, %dma_wait3A_374] : memref<8x128xi32, #tpu.memory_space<vmem>> -> memref<1x128xi32, #tpu.memory_space<vmem>>
      %dma_wait3A_376 = tpu.memref_squeeze %dma_wait3A_375 : memref<1x128xi32, #tpu.memory_space<vmem>> -> memref<128xi32, #tpu.memory_space<vmem>>
      %dma_wait3A_377 = arith.constant 0 : i32
      %dma_wait3A_378 = arith.constant 0 : i32
      %dma_wait3A_379 = tpu.memref_slice %arg12[%dma_wait3A_377, %dma_wait3A_378] : memref<25088x32xf32, #tpu.memory_space<vmem_shared>> -> memref<25088x32xf32, #tpu.memory_space<vmem_shared>>
      tpu.wait_indirect_dma semaphore(%arg25 : memref<!tpu.dma_semaphore, #tpu.memory_space<semaphore_mem>>) src(%dma_wait3A_373 : memref<128x32xf32, #tpu.memory_space<vmem>>) dst(%dma_wait3A_379 : memref<25088x32xf32, #tpu.memory_space<vmem_shared>>)
      %dma_wait3A_380 = arith.constant 5 : i32
      %dma_wait3A_381 = arith.constant 5 : i32
      %dma_wait3A_382 = arith.constant 0 : i32
      %dma_wait3A_383 = arith.constant 0 : i32
      %dma_wait3A_384 = tpu.memref_slice %arg10[%dma_wait3A_380, %dma_wait3A_382, %dma_wait3A_383] : memref<8x128x32xf32, #tpu.memory_space<vmem>> -> memref<1x128x32xf32, #tpu.memory_space<vmem>>
      %dma_wait3A_385 = tpu.memref_squeeze %dma_wait3A_384 : memref<1x128x32xf32, #tpu.memory_space<vmem>> -> memref<128x32xf32, #tpu.memory_space<vmem>>
      %dma_wait3A_386 = arith.constant 0 : i32
      %dma_wait3A_387 = tpu.memref_slice %arg9[%dma_wait3A_381, %dma_wait3A_386] : memref<8x128xi32, #tpu.memory_space<vmem>> -> memref<1x128xi32, #tpu.memory_space<vmem>>
      %dma_wait3A_388 = tpu.memref_squeeze %dma_wait3A_387 : memref<1x128xi32, #tpu.memory_space<vmem>> -> memref<128xi32, #tpu.memory_space<vmem>>
      %dma_wait3A_389 = arith.constant 0 : i32
      %dma_wait3A_390 = arith.constant 0 : i32
      %dma_wait3A_391 = tpu.memref_slice %arg12[%dma_wait3A_389, %dma_wait3A_390] : memref<25088x32xf32, #tpu.memory_space<vmem_shared>> -> memref<25088x32xf32, #tpu.memory_space<vmem_shared>>
      tpu.wait_indirect_dma semaphore(%arg26 : memref<!tpu.dma_semaphore, #tpu.memory_space<semaphore_mem>>) src(%dma_wait3A_385 : memref<128x32xf32, #tpu.memory_space<vmem>>) dst(%dma_wait3A_391 : memref<25088x32xf32, #tpu.memory_space<vmem_shared>>)
      %dma_wait3A_392 = arith.constant 6 : i32
      %dma_wait3A_393 = arith.constant 6 : i32
      %dma_wait3A_394 = arith.constant 0 : i32
      %dma_wait3A_395 = arith.constant 0 : i32
      %dma_wait3A_396 = tpu.memref_slice %arg10[%dma_wait3A_392, %dma_wait3A_394, %dma_wait3A_395] : memref<8x128x32xf32, #tpu.memory_space<vmem>> -> memref<1x128x32xf32, #tpu.memory_space<vmem>>
      %dma_wait3A_397 = tpu.memref_squeeze %dma_wait3A_396 : memref<1x128x32xf32, #tpu.memory_space<vmem>> -> memref<128x32xf32, #tpu.memory_space<vmem>>
      %dma_wait3A_398 = arith.constant 0 : i32
      %dma_wait3A_399 = tpu.memref_slice %arg9[%dma_wait3A_393, %dma_wait3A_398] : memref<8x128xi32, #tpu.memory_space<vmem>> -> memref<1x128xi32, #tpu.memory_space<vmem>>
      %dma_wait3A_400 = tpu.memref_squeeze %dma_wait3A_399 : memref<1x128xi32, #tpu.memory_space<vmem>> -> memref<128xi32, #tpu.memory_space<vmem>>
      %dma_wait3A_401 = arith.constant 0 : i32
      %dma_wait3A_402 = arith.constant 0 : i32
      %dma_wait3A_403 = tpu.memref_slice %arg12[%dma_wait3A_401, %dma_wait3A_402] : memref<25088x32xf32, #tpu.memory_space<vmem_shared>> -> memref<25088x32xf32, #tpu.memory_space<vmem_shared>>
      tpu.wait_indirect_dma semaphore(%arg27 : memref<!tpu.dma_semaphore, #tpu.memory_space<semaphore_mem>>) src(%dma_wait3A_397 : memref<128x32xf32, #tpu.memory_space<vmem>>) dst(%dma_wait3A_403 : memref<25088x32xf32, #tpu.memory_space<vmem_shared>>)
      %dma_wait3A_404 = arith.constant 7 : i32
      %dma_wait3A_405 = arith.constant 7 : i32
      %dma_wait3A_406 = arith.constant 0 : i32
      %dma_wait3A_407 = arith.constant 0 : i32
      %dma_wait3A_408 = tpu.memref_slice %arg10[%dma_wait3A_404, %dma_wait3A_406, %dma_wait3A_407] : memref<8x128x32xf32, #tpu.memory_space<vmem>> -> memref<1x128x32xf32, #tpu.memory_space<vmem>>
      %dma_wait3A_409 = tpu.memref_squeeze %dma_wait3A_408 : memref<1x128x32xf32, #tpu.memory_space<vmem>> -> memref<128x32xf32, #tpu.memory_space<vmem>>
      %dma_wait3A_410 = arith.constant 0 : i32
      %dma_wait3A_411 = tpu.memref_slice %arg9[%dma_wait3A_405, %dma_wait3A_410] : memref<8x128xi32, #tpu.memory_space<vmem>> -> memref<1x128xi32, #tpu.memory_space<vmem>>
      %dma_wait3A_412 = tpu.memref_squeeze %dma_wait3A_411 : memref<1x128xi32, #tpu.memory_space<vmem>> -> memref<128xi32, #tpu.memory_space<vmem>>
      %dma_wait3A_413 = arith.constant 0 : i32
      %dma_wait3A_414 = arith.constant 0 : i32
      %dma_wait3A_415 = tpu.memref_slice %arg12[%dma_wait3A_413, %dma_wait3A_414] : memref<25088x32xf32, #tpu.memory_space<vmem_shared>> -> memref<25088x32xf32, #tpu.memory_space<vmem_shared>>
      tpu.wait_indirect_dma semaphore(%arg28 : memref<!tpu.dma_semaphore, #tpu.memory_space<semaphore_mem>>) src(%dma_wait3A_409 : memref<128x32xf32, #tpu.memory_space<vmem>>) dst(%dma_wait3A_415 : memref<25088x32xf32, #tpu.memory_space<vmem_shared>>)
      %while3A_416 = arith.constant 0 : i32
      scf.yield %while3A_416 : i32
    }
    %while3A_26 = arith.constant 1 : i32
    %while3A_27 = scf.for %while3A_29 = %while3A_23 to %while3A_19 step %while3A_26 iter_args(%while3A_30 = %while3A_25) -> (i32)  : i32 {
      %mul3A_31 = arith.constant 16 : i32
      %mul3A_32 = arith.muli %while3A_29, %mul3A_31 : i32
      %add3A_33 = arith.addi %arg1, %mul3A_32 : i32
      "tpu.region"() ({
        %run_scoped3A = tpu.sem_alloc : memref<!tpu.dma_semaphore, #tpu.memory_space<semaphore_mem>>
        %dma_start3A_417 = arith.constant 0 : i32
        %dma_start3A_418 = arith.constant 0 : i32
        %dma_start3A_419 = arith.constant 0 : i32
        %dma_start3A_420 = tpu.memref_slice %arg2[%arg0, %dma_start3A_417, %dma_start3A_418, %dma_start3A_419] : memref<2x784x8x128xi32, #tpu.memory_space<hbm>> -> memref<1x784x8x128xi32, #tpu.memory_space<hbm>>
        %dma_start3A_421 = tpu.memref_squeeze %dma_start3A_420 : memref<1x784x8x128xi32, #tpu.memory_space<hbm>> -> memref<784x8x128xi32, #tpu.memory_space<hbm>>
        %dma_start3A_422 = arith.constant 0 : i32
        %dma_start3A_423 = arith.constant 0 : i32
        %dma_start3A_424 = tpu.memref_slice %dma_start3A_421[%add3A_33, %dma_start3A_422, %dma_start3A_423] : memref<784x8x128xi32, #tpu.memory_space<hbm>> -> memref<1x8x128xi32, #tpu.memory_space<hbm>>
        %dma_start3A_425 = tpu.memref_squeeze %dma_start3A_424 : memref<1x8x128xi32, #tpu.memory_space<hbm>> -> memref<8x128xi32, #tpu.memory_space<hbm>>
        %dma_start3A_426 = arith.constant 0 : i32
        %dma_start3A_427 = arith.constant 0 : i32
        %dma_start3A_428 = arith.constant 0 : i32
        %dma_start3A_429 = tpu.memref_slice %arg2[%arg0, %dma_start3A_426, %dma_start3A_427, %dma_start3A_428] : memref<2x784x8x128xi32, #tpu.memory_space<hbm>> -> memref<1x784x8x128xi32, #tpu.memory_space<hbm>>
        %dma_start3A_430 = tpu.memref_squeeze %dma_start3A_429 : memref<1x784x8x128xi32, #tpu.memory_space<hbm>> -> memref<784x8x128xi32, #tpu.memory_space<hbm>>
        %dma_start3A_431 = arith.constant 0 : i32
        %dma_start3A_432 = arith.constant 0 : i32
        %dma_start3A_433 = tpu.memref_slice %dma_start3A_430[%add3A_33, %dma_start3A_431, %dma_start3A_432] : memref<784x8x128xi32, #tpu.memory_space<hbm>> -> memref<1x8x128xi32, #tpu.memory_space<hbm>>
        %dma_start3A_434 = tpu.memref_squeeze %dma_start3A_433 : memref<1x8x128xi32, #tpu.memory_space<hbm>> -> memref<8x128xi32, #tpu.memory_space<hbm>>
        tpu.enqueue_dma source(%dma_start3A_434 : memref<8x128xi32, #tpu.memory_space<hbm>>) target(%arg8 : memref<8x128xi32, #tpu.memory_space<vmem>>) target_semaphore(%run_scoped3A : memref<!tpu.dma_semaphore, #tpu.memory_space<semaphore_mem>>)
        %dma_wait3A_435 = arith.constant 0 : i32
        %dma_wait3A_436 = arith.constant 0 : i32
        %dma_wait3A_437 = arith.constant 0 : i32
        %dma_wait3A_438 = tpu.memref_slice %arg2[%arg0, %dma_wait3A_435, %dma_wait3A_436, %dma_wait3A_437] : memref<2x784x8x128xi32, #tpu.memory_space<hbm>> -> memref<1x784x8x128xi32, #tpu.memory_space<hbm>>
        %dma_wait3A_439 = tpu.memref_squeeze %dma_wait3A_438 : memref<1x784x8x128xi32, #tpu.memory_space<hbm>> -> memref<784x8x128xi32, #tpu.memory_space<hbm>>
        %dma_wait3A_440 = arith.constant 0 : i32
        %dma_wait3A_441 = arith.constant 0 : i32
        %dma_wait3A_442 = tpu.memref_slice %dma_wait3A_439[%add3A_33, %dma_wait3A_440, %dma_wait3A_441] : memref<784x8x128xi32, #tpu.memory_space<hbm>> -> memref<1x8x128xi32, #tpu.memory_space<hbm>>
        %dma_wait3A_443 = tpu.memref_squeeze %dma_wait3A_442 : memref<1x8x128xi32, #tpu.memory_space<hbm>> -> memref<8x128xi32, #tpu.memory_space<hbm>>
        %dma_wait3A_444 = arith.constant 0 : i32
        %dma_wait3A_445 = arith.constant 0 : i32
        %dma_wait3A_446 = arith.constant 0 : i32
        %dma_wait3A_447 = tpu.memref_slice %arg2[%arg0, %dma_wait3A_444, %dma_wait3A_445, %dma_wait3A_446] : memref<2x784x8x128xi32, #tpu.memory_space<hbm>> -> memref<1x784x8x128xi32, #tpu.memory_space<hbm>>
        %dma_wait3A_448 = tpu.memref_squeeze %dma_wait3A_447 : memref<1x784x8x128xi32, #tpu.memory_space<hbm>> -> memref<784x8x128xi32, #tpu.memory_space<hbm>>
        %dma_wait3A_449 = arith.constant 0 : i32
        %dma_wait3A_450 = arith.constant 0 : i32
        %dma_wait3A_451 = tpu.memref_slice %dma_wait3A_448[%add3A_33, %dma_wait3A_449, %dma_wait3A_450] : memref<784x8x128xi32, #tpu.memory_space<hbm>> -> memref<1x8x128xi32, #tpu.memory_space<hbm>>
        %dma_wait3A_452 = tpu.memref_squeeze %dma_wait3A_451 : memref<1x8x128xi32, #tpu.memory_space<hbm>> -> memref<8x128xi32, #tpu.memory_space<hbm>>
        tpu.wait_dma2 semaphore(%run_scoped3A : memref<!tpu.dma_semaphore, #tpu.memory_space<semaphore_mem>>) src(%dma_wait3A_452 : memref<8x128xi32, #tpu.memory_space<hbm>>) dst(%arg8 : memref<8x128xi32, #tpu.memory_space<vmem>>)
        tpu.yield
      }) : () -> ()
      "tpu.region"() ({
        %run_scoped3A = tpu.sem_alloc : memref<!tpu.dma_semaphore, #tpu.memory_space<semaphore_mem>>
        %dma_start3A_417 = arith.constant 0 : i32
        %dma_start3A_418 = arith.constant 0 : i32
        %dma_start3A_419 = arith.constant 0 : i32
        %dma_start3A_420 = tpu.memref_slice %arg3[%arg0, %dma_start3A_417, %dma_start3A_418, %dma_start3A_419] : memref<2x784x8x128xi32, #tpu.memory_space<hbm>> -> memref<1x784x8x128xi32, #tpu.memory_space<hbm>>
        %dma_start3A_421 = tpu.memref_squeeze %dma_start3A_420 : memref<1x784x8x128xi32, #tpu.memory_space<hbm>> -> memref<784x8x128xi32, #tpu.memory_space<hbm>>
        %dma_start3A_422 = arith.constant 0 : i32
        %dma_start3A_423 = arith.constant 0 : i32
        %dma_start3A_424 = tpu.memref_slice %dma_start3A_421[%add3A_33, %dma_start3A_422, %dma_start3A_423] : memref<784x8x128xi32, #tpu.memory_space<hbm>> -> memref<1x8x128xi32, #tpu.memory_space<hbm>>
        %dma_start3A_425 = tpu.memref_squeeze %dma_start3A_424 : memref<1x8x128xi32, #tpu.memory_space<hbm>> -> memref<8x128xi32, #tpu.memory_space<hbm>>
        %dma_start3A_426 = arith.constant 0 : i32
        %dma_start3A_427 = arith.constant 0 : i32
        %dma_start3A_428 = arith.constant 0 : i32
        %dma_start3A_429 = tpu.memref_slice %arg3[%arg0, %dma_start3A_426, %dma_start3A_427, %dma_start3A_428] : memref<2x784x8x128xi32, #tpu.memory_space<hbm>> -> memref<1x784x8x128xi32, #tpu.memory_space<hbm>>
        %dma_start3A_430 = tpu.memref_squeeze %dma_start3A_429 : memref<1x784x8x128xi32, #tpu.memory_space<hbm>> -> memref<784x8x128xi32, #tpu.memory_space<hbm>>
        %dma_start3A_431 = arith.constant 0 : i32
        %dma_start3A_432 = arith.constant 0 : i32
        %dma_start3A_433 = tpu.memref_slice %dma_start3A_430[%add3A_33, %dma_start3A_431, %dma_start3A_432] : memref<784x8x128xi32, #tpu.memory_space<hbm>> -> memref<1x8x128xi32, #tpu.memory_space<hbm>>
        %dma_start3A_434 = tpu.memref_squeeze %dma_start3A_433 : memref<1x8x128xi32, #tpu.memory_space<hbm>> -> memref<8x128xi32, #tpu.memory_space<hbm>>
        tpu.enqueue_dma source(%dma_start3A_434 : memref<8x128xi32, #tpu.memory_space<hbm>>) target(%arg9 : memref<8x128xi32, #tpu.memory_space<vmem>>) target_semaphore(%run_scoped3A : memref<!tpu.dma_semaphore, #tpu.memory_space<semaphore_mem>>)
        %dma_wait3A_435 = arith.constant 0 : i32
        %dma_wait3A_436 = arith.constant 0 : i32
        %dma_wait3A_437 = arith.constant 0 : i32
        %dma_wait3A_438 = tpu.memref_slice %arg3[%arg0, %dma_wait3A_435, %dma_wait3A_436, %dma_wait3A_437] : memref<2x784x8x128xi32, #tpu.memory_space<hbm>> -> memref<1x784x8x128xi32, #tpu.memory_space<hbm>>
        %dma_wait3A_439 = tpu.memref_squeeze %dma_wait3A_438 : memref<1x784x8x128xi32, #tpu.memory_space<hbm>> -> memref<784x8x128xi32, #tpu.memory_space<hbm>>
        %dma_wait3A_440 = arith.constant 0 : i32
        %dma_wait3A_441 = arith.constant 0 : i32
        %dma_wait3A_442 = tpu.memref_slice %dma_wait3A_439[%add3A_33, %dma_wait3A_440, %dma_wait3A_441] : memref<784x8x128xi32, #tpu.memory_space<hbm>> -> memref<1x8x128xi32, #tpu.memory_space<hbm>>
        %dma_wait3A_443 = tpu.memref_squeeze %dma_wait3A_442 : memref<1x8x128xi32, #tpu.memory_space<hbm>> -> memref<8x128xi32, #tpu.memory_space<hbm>>
        %dma_wait3A_444 = arith.constant 0 : i32
        %dma_wait3A_445 = arith.constant 0 : i32
        %dma_wait3A_446 = arith.constant 0 : i32
        %dma_wait3A_447 = tpu.memref_slice %arg3[%arg0, %dma_wait3A_444, %dma_wait3A_445, %dma_wait3A_446] : memref<2x784x8x128xi32, #tpu.memory_space<hbm>> -> memref<1x784x8x128xi32, #tpu.memory_space<hbm>>
        %dma_wait3A_448 = tpu.memref_squeeze %dma_wait3A_447 : memref<1x784x8x128xi32, #tpu.memory_space<hbm>> -> memref<784x8x128xi32, #tpu.memory_space<hbm>>
        %dma_wait3A_449 = arith.constant 0 : i32
        %dma_wait3A_450 = arith.constant 0 : i32
        %dma_wait3A_451 = tpu.memref_slice %dma_wait3A_448[%add3A_33, %dma_wait3A_449, %dma_wait3A_450] : memref<784x8x128xi32, #tpu.memory_space<hbm>> -> memref<1x8x128xi32, #tpu.memory_space<hbm>>
        %dma_wait3A_452 = tpu.memref_squeeze %dma_wait3A_451 : memref<1x8x128xi32, #tpu.memory_space<hbm>> -> memref<8x128xi32, #tpu.memory_space<hbm>>
        tpu.wait_dma2 semaphore(%run_scoped3A : memref<!tpu.dma_semaphore, #tpu.memory_space<semaphore_mem>>) src(%dma_wait3A_452 : memref<8x128xi32, #tpu.memory_space<hbm>>) dst(%arg9 : memref<8x128xi32, #tpu.memory_space<vmem>>)
        tpu.yield
      }) : () -> ()
      %dma_start3A = arith.constant 0 : i32
      %dma_start3A_34 = arith.constant 0 : i32
      %dma_start3A_35 = arith.constant 0 : i32
      %dma_start3A_36 = arith.constant 0 : i32
      %dma_start3A_37 = tpu.memref_slice %arg10[%dma_start3A_34, %dma_start3A_35, %dma_start3A_36] : memref<8x128x32xf32, #tpu.memory_space<vmem>> -> memref<1x128x32xf32, #tpu.memory_space<vmem>>
      %dma_start3A_38 = tpu.memref_squeeze %dma_start3A_37 : memref<1x128x32xf32, #tpu.memory_space<vmem>> -> memref<128x32xf32, #tpu.memory_space<vmem>>
      %dma_start3A_39 = arith.constant 0 : i32
      %dma_start3A_40 = tpu.memref_slice %arg8[%dma_start3A, %dma_start3A_39] : memref<8x128xi32, #tpu.memory_space<vmem>> -> memref<1x128xi32, #tpu.memory_space<vmem>>
      %dma_start3A_41 = tpu.memref_squeeze %dma_start3A_40 : memref<1x128xi32, #tpu.memory_space<vmem>> -> memref<128xi32, #tpu.memory_space<vmem>>
      %dma_start3A_42 = arith.constant 0 : i32
      %dma_start3A_43 = arith.constant 0 : i32
      %dma_start3A_44 = tpu.memref_slice %arg5[%dma_start3A_42, %dma_start3A_43] : memref<50000x32xf32, #tpu.memory_space<hbm>> -> memref<50000x32xf32, #tpu.memory_space<hbm>>
      tpu.enqueue_indirect_dma source(%dma_start3A_44 : memref<50000x32xf32, #tpu.memory_space<hbm>>) target(%dma_start3A_38 : memref<128x32xf32, #tpu.memory_space<vmem>>) offsets(%dma_start3A_41 : memref<128xi32, #tpu.memory_space<vmem>>) semaphore(%arg13 : memref<!tpu.dma_semaphore, #tpu.memory_space<semaphore_mem>>)
      %dma_start3A_45 = arith.constant 1 : i32
      %dma_start3A_46 = arith.constant 1 : i32
      %dma_start3A_47 = arith.constant 0 : i32
      %dma_start3A_48 = arith.constant 0 : i32
      %dma_start3A_49 = tpu.memref_slice %arg10[%dma_start3A_46, %dma_start3A_47, %dma_start3A_48] : memref<8x128x32xf32, #tpu.memory_space<vmem>> -> memref<1x128x32xf32, #tpu.memory_space<vmem>>
      %dma_start3A_50 = tpu.memref_squeeze %dma_start3A_49 : memref<1x128x32xf32, #tpu.memory_space<vmem>> -> memref<128x32xf32, #tpu.memory_space<vmem>>
      %dma_start3A_51 = arith.constant 0 : i32
      %dma_start3A_52 = tpu.memref_slice %arg8[%dma_start3A_45, %dma_start3A_51] : memref<8x128xi32, #tpu.memory_space<vmem>> -> memref<1x128xi32, #tpu.memory_space<vmem>>
      %dma_start3A_53 = tpu.memref_squeeze %dma_start3A_52 : memref<1x128xi32, #tpu.memory_space<vmem>> -> memref<128xi32, #tpu.memory_space<vmem>>
      %dma_start3A_54 = arith.constant 0 : i32
      %dma_start3A_55 = arith.constant 0 : i32
      %dma_start3A_56 = tpu.memref_slice %arg5[%dma_start3A_54, %dma_start3A_55] : memref<50000x32xf32, #tpu.memory_space<hbm>> -> memref<50000x32xf32, #tpu.memory_space<hbm>>
      tpu.enqueue_indirect_dma source(%dma_start3A_56 : memref<50000x32xf32, #tpu.memory_space<hbm>>) target(%dma_start3A_50 : memref<128x32xf32, #tpu.memory_space<vmem>>) offsets(%dma_start3A_53 : memref<128xi32, #tpu.memory_space<vmem>>) semaphore(%arg14 : memref<!tpu.dma_semaphore, #tpu.memory_space<semaphore_mem>>)
      %dma_start3A_57 = arith.constant 2 : i32
      %dma_start3A_58 = arith.constant 2 : i32
      %dma_start3A_59 = arith.constant 0 : i32
      %dma_start3A_60 = arith.constant 0 : i32
      %dma_start3A_61 = tpu.memref_slice %arg10[%dma_start3A_58, %dma_start3A_59, %dma_start3A_60] : memref<8x128x32xf32, #tpu.memory_space<vmem>> -> memref<1x128x32xf32, #tpu.memory_space<vmem>>
      %dma_start3A_62 = tpu.memref_squeeze %dma_start3A_61 : memref<1x128x32xf32, #tpu.memory_space<vmem>> -> memref<128x32xf32, #tpu.memory_space<vmem>>
      %dma_start3A_63 = arith.constant 0 : i32
      %dma_start3A_64 = tpu.memref_slice %arg8[%dma_start3A_57, %dma_start3A_63] : memref<8x128xi32, #tpu.memory_space<vmem>> -> memref<1x128xi32, #tpu.memory_space<vmem>>
      %dma_start3A_65 = tpu.memref_squeeze %dma_start3A_64 : memref<1x128xi32, #tpu.memory_space<vmem>> -> memref<128xi32, #tpu.memory_space<vmem>>
      %dma_start3A_66 = arith.constant 0 : i32
      %dma_start3A_67 = arith.constant 0 : i32
      %dma_start3A_68 = tpu.memref_slice %arg5[%dma_start3A_66, %dma_start3A_67] : memref<50000x32xf32, #tpu.memory_space<hbm>> -> memref<50000x32xf32, #tpu.memory_space<hbm>>
      tpu.enqueue_indirect_dma source(%dma_start3A_68 : memref<50000x32xf32, #tpu.memory_space<hbm>>) target(%dma_start3A_62 : memref<128x32xf32, #tpu.memory_space<vmem>>) offsets(%dma_start3A_65 : memref<128xi32, #tpu.memory_space<vmem>>) semaphore(%arg15 : memref<!tpu.dma_semaphore, #tpu.memory_space<semaphore_mem>>)
      %dma_start3A_69 = arith.constant 3 : i32
      %dma_start3A_70 = arith.constant 3 : i32
      %dma_start3A_71 = arith.constant 0 : i32
      %dma_start3A_72 = arith.constant 0 : i32
      %dma_start3A_73 = tpu.memref_slice %arg10[%dma_start3A_70, %dma_start3A_71, %dma_start3A_72] : memref<8x128x32xf32, #tpu.memory_space<vmem>> -> memref<1x128x32xf32, #tpu.memory_space<vmem>>
      %dma_start3A_74 = tpu.memref_squeeze %dma_start3A_73 : memref<1x128x32xf32, #tpu.memory_space<vmem>> -> memref<128x32xf32, #tpu.memory_space<vmem>>
      %dma_start3A_75 = arith.constant 0 : i32
      %dma_start3A_76 = tpu.memref_slice %arg8[%dma_start3A_69, %dma_start3A_75] : memref<8x128xi32, #tpu.memory_space<vmem>> -> memref<1x128xi32, #tpu.memory_space<vmem>>
      %dma_start3A_77 = tpu.memref_squeeze %dma_start3A_76 : memref<1x128xi32, #tpu.memory_space<vmem>> -> memref<128xi32, #tpu.memory_space<vmem>>
      %dma_start3A_78 = arith.constant 0 : i32
      %dma_start3A_79 = arith.constant 0 : i32
      %dma_start3A_80 = tpu.memref_slice %arg5[%dma_start3A_78, %dma_start3A_79] : memref<50000x32xf32, #tpu.memory_space<hbm>> -> memref<50000x32xf32, #tpu.memory_space<hbm>>
      tpu.enqueue_indirect_dma source(%dma_start3A_80 : memref<50000x32xf32, #tpu.memory_space<hbm>>) target(%dma_start3A_74 : memref<128x32xf32, #tpu.memory_space<vmem>>) offsets(%dma_start3A_77 : memref<128xi32, #tpu.memory_space<vmem>>) semaphore(%arg16 : memref<!tpu.dma_semaphore, #tpu.memory_space<semaphore_mem>>)
      %dma_start3A_81 = arith.constant 4 : i32
      %dma_start3A_82 = arith.constant 4 : i32
      %dma_start3A_83 = arith.constant 0 : i32
      %dma_start3A_84 = arith.constant 0 : i32
      %dma_start3A_85 = tpu.memref_slice %arg10[%dma_start3A_82, %dma_start3A_83, %dma_start3A_84] : memref<8x128x32xf32, #tpu.memory_space<vmem>> -> memref<1x128x32xf32, #tpu.memory_space<vmem>>
      %dma_start3A_86 = tpu.memref_squeeze %dma_start3A_85 : memref<1x128x32xf32, #tpu.memory_space<vmem>> -> memref<128x32xf32, #tpu.memory_space<vmem>>
      %dma_start3A_87 = arith.constant 0 : i32
      %dma_start3A_88 = tpu.memref_slice %arg8[%dma_start3A_81, %dma_start3A_87] : memref<8x128xi32, #tpu.memory_space<vmem>> -> memref<1x128xi32, #tpu.memory_space<vmem>>
      %dma_start3A_89 = tpu.memref_squeeze %dma_start3A_88 : memref<1x128xi32, #tpu.memory_space<vmem>> -> memref<128xi32, #tpu.memory_space<vmem>>
      %dma_start3A_90 = arith.constant 0 : i32
      %dma_start3A_91 = arith.constant 0 : i32
      %dma_start3A_92 = tpu.memref_slice %arg5[%dma_start3A_90, %dma_start3A_91] : memref<50000x32xf32, #tpu.memory_space<hbm>> -> memref<50000x32xf32, #tpu.memory_space<hbm>>
      tpu.enqueue_indirect_dma source(%dma_start3A_92 : memref<50000x32xf32, #tpu.memory_space<hbm>>) target(%dma_start3A_86 : memref<128x32xf32, #tpu.memory_space<vmem>>) offsets(%dma_start3A_89 : memref<128xi32, #tpu.memory_space<vmem>>) semaphore(%arg17 : memref<!tpu.dma_semaphore, #tpu.memory_space<semaphore_mem>>)
      %dma_start3A_93 = arith.constant 5 : i32
      %dma_start3A_94 = arith.constant 5 : i32
      %dma_start3A_95 = arith.constant 0 : i32
      %dma_start3A_96 = arith.constant 0 : i32
      %dma_start3A_97 = tpu.memref_slice %arg10[%dma_start3A_94, %dma_start3A_95, %dma_start3A_96] : memref<8x128x32xf32, #tpu.memory_space<vmem>> -> memref<1x128x32xf32, #tpu.memory_space<vmem>>
      %dma_start3A_98 = tpu.memref_squeeze %dma_start3A_97 : memref<1x128x32xf32, #tpu.memory_space<vmem>> -> memref<128x32xf32, #tpu.memory_space<vmem>>
      %dma_start3A_99 = arith.constant 0 : i32
      %dma_start3A_100 = tpu.memref_slice %arg8[%dma_start3A_93, %dma_start3A_99] : memref<8x128xi32, #tpu.memory_space<vmem>> -> memref<1x128xi32, #tpu.memory_space<vmem>>
      %dma_start3A_101 = tpu.memref_squeeze %dma_start3A_100 : memref<1x128xi32, #tpu.memory_space<vmem>> -> memref<128xi32, #tpu.memory_space<vmem>>
      %dma_start3A_102 = arith.constant 0 : i32
      %dma_start3A_103 = arith.constant 0 : i32
      %dma_start3A_104 = tpu.memref_slice %arg5[%dma_start3A_102, %dma_start3A_103] : memref<50000x32xf32, #tpu.memory_space<hbm>> -> memref<50000x32xf32, #tpu.memory_space<hbm>>
      tpu.enqueue_indirect_dma source(%dma_start3A_104 : memref<50000x32xf32, #tpu.memory_space<hbm>>) target(%dma_start3A_98 : memref<128x32xf32, #tpu.memory_space<vmem>>) offsets(%dma_start3A_101 : memref<128xi32, #tpu.memory_space<vmem>>) semaphore(%arg18 : memref<!tpu.dma_semaphore, #tpu.memory_space<semaphore_mem>>)
      %dma_start3A_105 = arith.constant 6 : i32
      %dma_start3A_106 = arith.constant 6 : i32
      %dma_start3A_107 = arith.constant 0 : i32
      %dma_start3A_108 = arith.constant 0 : i32
      %dma_start3A_109 = tpu.memref_slice %arg10[%dma_start3A_106, %dma_start3A_107, %dma_start3A_108] : memref<8x128x32xf32, #tpu.memory_space<vmem>> -> memref<1x128x32xf32, #tpu.memory_space<vmem>>
      %dma_start3A_110 = tpu.memref_squeeze %dma_start3A_109 : memref<1x128x32xf32, #tpu.memory_space<vmem>> -> memref<128x32xf32, #tpu.memory_space<vmem>>
      %dma_start3A_111 = arith.constant 0 : i32
      %dma_start3A_112 = tpu.memref_slice %arg8[%dma_start3A_105, %dma_start3A_111] : memref<8x128xi32, #tpu.memory_space<vmem>> -> memref<1x128xi32, #tpu.memory_space<vmem>>
      %dma_start3A_113 = tpu.memref_squeeze %dma_start3A_112 : memref<1x128xi32, #tpu.memory_space<vmem>> -> memref<128xi32, #tpu.memory_space<vmem>>
      %dma_start3A_114 = arith.constant 0 : i32
      %dma_start3A_115 = arith.constant 0 : i32
      %dma_start3A_116 = tpu.memref_slice %arg5[%dma_start3A_114, %dma_start3A_115] : memref<50000x32xf32, #tpu.memory_space<hbm>> -> memref<50000x32xf32, #tpu.memory_space<hbm>>
      tpu.enqueue_indirect_dma source(%dma_start3A_116 : memref<50000x32xf32, #tpu.memory_space<hbm>>) target(%dma_start3A_110 : memref<128x32xf32, #tpu.memory_space<vmem>>) offsets(%dma_start3A_113 : memref<128xi32, #tpu.memory_space<vmem>>) semaphore(%arg19 : memref<!tpu.dma_semaphore, #tpu.memory_space<semaphore_mem>>)
      %dma_start3A_117 = arith.constant 7 : i32
      %dma_start3A_118 = arith.constant 7 : i32
      %dma_start3A_119 = arith.constant 0 : i32
      %dma_start3A_120 = arith.constant 0 : i32
      %dma_start3A_121 = tpu.memref_slice %arg10[%dma_start3A_118, %dma_start3A_119, %dma_start3A_120] : memref<8x128x32xf32, #tpu.memory_space<vmem>> -> memref<1x128x32xf32, #tpu.memory_space<vmem>>
      %dma_start3A_122 = tpu.memref_squeeze %dma_start3A_121 : memref<1x128x32xf32, #tpu.memory_space<vmem>> -> memref<128x32xf32, #tpu.memory_space<vmem>>
      %dma_start3A_123 = arith.constant 0 : i32
      %dma_start3A_124 = tpu.memref_slice %arg8[%dma_start3A_117, %dma_start3A_123] : memref<8x128xi32, #tpu.memory_space<vmem>> -> memref<1x128xi32, #tpu.memory_space<vmem>>
      %dma_start3A_125 = tpu.memref_squeeze %dma_start3A_124 : memref<1x128xi32, #tpu.memory_space<vmem>> -> memref<128xi32, #tpu.memory_space<vmem>>
      %dma_start3A_126 = arith.constant 0 : i32
      %dma_start3A_127 = arith.constant 0 : i32
      %dma_start3A_128 = tpu.memref_slice %arg5[%dma_start3A_126, %dma_start3A_127] : memref<50000x32xf32, #tpu.memory_space<hbm>> -> memref<50000x32xf32, #tpu.memory_space<hbm>>
      tpu.enqueue_indirect_dma source(%dma_start3A_128 : memref<50000x32xf32, #tpu.memory_space<hbm>>) target(%dma_start3A_122 : memref<128x32xf32, #tpu.memory_space<vmem>>) offsets(%dma_start3A_125 : memref<128xi32, #tpu.memory_space<vmem>>) semaphore(%arg20 : memref<!tpu.dma_semaphore, #tpu.memory_space<semaphore_mem>>)
      %dma_wait3A = arith.constant 0 : i32
      %dma_wait3A_129 = arith.constant 0 : i32
      %dma_wait3A_130 = arith.constant 0 : i32
      %dma_wait3A_131 = arith.constant 0 : i32
      %dma_wait3A_132 = tpu.memref_slice %arg10[%dma_wait3A_129, %dma_wait3A_130, %dma_wait3A_131] : memref<8x128x32xf32, #tpu.memory_space<vmem>> -> memref<1x128x32xf32, #tpu.memory_space<vmem>>
      %dma_wait3A_133 = tpu.memref_squeeze %dma_wait3A_132 : memref<1x128x32xf32, #tpu.memory_space<vmem>> -> memref<128x32xf32, #tpu.memory_space<vmem>>
      %dma_wait3A_134 = arith.constant 0 : i32
      %dma_wait3A_135 = tpu.memref_slice %arg8[%dma_wait3A, %dma_wait3A_134] : memref<8x128xi32, #tpu.memory_space<vmem>> -> memref<1x128xi32, #tpu.memory_space<vmem>>
      %dma_wait3A_136 = tpu.memref_squeeze %dma_wait3A_135 : memref<1x128xi32, #tpu.memory_space<vmem>> -> memref<128xi32, #tpu.memory_space<vmem>>
      %dma_wait3A_137 = arith.constant 0 : i32
      %dma_wait3A_138 = arith.constant 0 : i32
      %dma_wait3A_139 = tpu.memref_slice %arg5[%dma_wait3A_137, %dma_wait3A_138] : memref<50000x32xf32, #tpu.memory_space<hbm>> -> memref<50000x32xf32, #tpu.memory_space<hbm>>
      tpu.wait_indirect_dma semaphore(%arg13 : memref<!tpu.dma_semaphore, #tpu.memory_space<semaphore_mem>>) src(%dma_wait3A_139 : memref<50000x32xf32, #tpu.memory_space<hbm>>) dst(%dma_wait3A_133 : memref<128x32xf32, #tpu.memory_space<vmem>>)
      %dma_start3A_140 = arith.constant 0 : i32
      %dma_start3A_141 = arith.constant 0 : i32
      %dma_start3A_142 = arith.constant 0 : i32
      %dma_start3A_143 = arith.constant 0 : i32
      %dma_start3A_144 = tpu.memref_slice %arg10[%dma_start3A_140, %dma_start3A_142, %dma_start3A_143] : memref<8x128x32xf32, #tpu.memory_space<vmem>> -> memref<1x128x32xf32, #tpu.memory_space<vmem>>
      %dma_start3A_145 = tpu.memref_squeeze %dma_start3A_144 : memref<1x128x32xf32, #tpu.memory_space<vmem>> -> memref<128x32xf32, #tpu.memory_space<vmem>>
      %dma_start3A_146 = arith.constant 0 : i32
      %dma_start3A_147 = tpu.memref_slice %arg9[%dma_start3A_141, %dma_start3A_146] : memref<8x128xi32, #tpu.memory_space<vmem>> -> memref<1x128xi32, #tpu.memory_space<vmem>>
      %dma_start3A_148 = tpu.memref_squeeze %dma_start3A_147 : memref<1x128xi32, #tpu.memory_space<vmem>> -> memref<128xi32, #tpu.memory_space<vmem>>
      %dma_start3A_149 = arith.constant 0 : i32
      %dma_start3A_150 = arith.constant 0 : i32
      %dma_start3A_151 = tpu.memref_slice %arg12[%dma_start3A_149, %dma_start3A_150] : memref<25088x32xf32, #tpu.memory_space<vmem_shared>> -> memref<25088x32xf32, #tpu.memory_space<vmem_shared>>
      tpu.enqueue_indirect_dma source(%dma_start3A_145 : memref<128x32xf32, #tpu.memory_space<vmem>>) target(%dma_start3A_151 : memref<25088x32xf32, #tpu.memory_space<vmem_shared>>) offsets(%dma_start3A_148 : memref<128xi32, #tpu.memory_space<vmem>>) semaphore(%arg21 : memref<!tpu.dma_semaphore, #tpu.memory_space<semaphore_mem>>) {add = true}
      %dma_wait3A_152 = arith.constant 1 : i32
      %dma_wait3A_153 = arith.constant 1 : i32
      %dma_wait3A_154 = arith.constant 0 : i32
      %dma_wait3A_155 = arith.constant 0 : i32
      %dma_wait3A_156 = tpu.memref_slice %arg10[%dma_wait3A_153, %dma_wait3A_154, %dma_wait3A_155] : memref<8x128x32xf32, #tpu.memory_space<vmem>> -> memref<1x128x32xf32, #tpu.memory_space<vmem>>
      %dma_wait3A_157 = tpu.memref_squeeze %dma_wait3A_156 : memref<1x128x32xf32, #tpu.memory_space<vmem>> -> memref<128x32xf32, #tpu.memory_space<vmem>>
      %dma_wait3A_158 = arith.constant 0 : i32
      %dma_wait3A_159 = tpu.memref_slice %arg8[%dma_wait3A_152, %dma_wait3A_158] : memref<8x128xi32, #tpu.memory_space<vmem>> -> memref<1x128xi32, #tpu.memory_space<vmem>>
      %dma_wait3A_160 = tpu.memref_squeeze %dma_wait3A_159 : memref<1x128xi32, #tpu.memory_space<vmem>> -> memref<128xi32, #tpu.memory_space<vmem>>
      %dma_wait3A_161 = arith.constant 0 : i32
      %dma_wait3A_162 = arith.constant 0 : i32
      %dma_wait3A_163 = tpu.memref_slice %arg5[%dma_wait3A_161, %dma_wait3A_162] : memref<50000x32xf32, #tpu.memory_space<hbm>> -> memref<50000x32xf32, #tpu.memory_space<hbm>>
      tpu.wait_indirect_dma semaphore(%arg14 : memref<!tpu.dma_semaphore, #tpu.memory_space<semaphore_mem>>) src(%dma_wait3A_163 : memref<50000x32xf32, #tpu.memory_space<hbm>>) dst(%dma_wait3A_157 : memref<128x32xf32, #tpu.memory_space<vmem>>)
      %dma_start3A_164 = arith.constant 1 : i32
      %dma_start3A_165 = arith.constant 1 : i32
      %dma_start3A_166 = arith.constant 0 : i32
      %dma_start3A_167 = arith.constant 0 : i32
      %dma_start3A_168 = tpu.memref_slice %arg10[%dma_start3A_164, %dma_start3A_166, %dma_start3A_167] : memref<8x128x32xf32, #tpu.memory_space<vmem>> -> memref<1x128x32xf32, #tpu.memory_space<vmem>>
      %dma_start3A_169 = tpu.memref_squeeze %dma_start3A_168 : memref<1x128x32xf32, #tpu.memory_space<vmem>> -> memref<128x32xf32, #tpu.memory_space<vmem>>
      %dma_start3A_170 = arith.constant 0 : i32
      %dma_start3A_171 = tpu.memref_slice %arg9[%dma_start3A_165, %dma_start3A_170] : memref<8x128xi32, #tpu.memory_space<vmem>> -> memref<1x128xi32, #tpu.memory_space<vmem>>
      %dma_start3A_172 = tpu.memref_squeeze %dma_start3A_171 : memref<1x128xi32, #tpu.memory_space<vmem>> -> memref<128xi32, #tpu.memory_space<vmem>>
      %dma_start3A_173 = arith.constant 0 : i32
      %dma_start3A_174 = arith.constant 0 : i32
      %dma_start3A_175 = tpu.memref_slice %arg12[%dma_start3A_173, %dma_start3A_174] : memref<25088x32xf32, #tpu.memory_space<vmem_shared>> -> memref<25088x32xf32, #tpu.memory_space<vmem_shared>>
      tpu.enqueue_indirect_dma source(%dma_start3A_169 : memref<128x32xf32, #tpu.memory_space<vmem>>) target(%dma_start3A_175 : memref<25088x32xf32, #tpu.memory_space<vmem_shared>>) offsets(%dma_start3A_172 : memref<128xi32, #tpu.memory_space<vmem>>) semaphore(%arg22 : memref<!tpu.dma_semaphore, #tpu.memory_space<semaphore_mem>>) {add = true}
      %dma_wait3A_176 = arith.constant 2 : i32
      %dma_wait3A_177 = arith.constant 2 : i32
      %dma_wait3A_178 = arith.constant 0 : i32
      %dma_wait3A_179 = arith.constant 0 : i32
      %dma_wait3A_180 = tpu.memref_slice %arg10[%dma_wait3A_177, %dma_wait3A_178, %dma_wait3A_179] : memref<8x128x32xf32, #tpu.memory_space<vmem>> -> memref<1x128x32xf32, #tpu.memory_space<vmem>>
      %dma_wait3A_181 = tpu.memref_squeeze %dma_wait3A_180 : memref<1x128x32xf32, #tpu.memory_space<vmem>> -> memref<128x32xf32, #tpu.memory_space<vmem>>
      %dma_wait3A_182 = arith.constant 0 : i32
      %dma_wait3A_183 = tpu.memref_slice %arg8[%dma_wait3A_176, %dma_wait3A_182] : memref<8x128xi32, #tpu.memory_space<vmem>> -> memref<1x128xi32, #tpu.memory_space<vmem>>
      %dma_wait3A_184 = tpu.memref_squeeze %dma_wait3A_183 : memref<1x128xi32, #tpu.memory_space<vmem>> -> memref<128xi32, #tpu.memory_space<vmem>>
      %dma_wait3A_185 = arith.constant 0 : i32
      %dma_wait3A_186 = arith.constant 0 : i32
      %dma_wait3A_187 = tpu.memref_slice %arg5[%dma_wait3A_185, %dma_wait3A_186] : memref<50000x32xf32, #tpu.memory_space<hbm>> -> memref<50000x32xf32, #tpu.memory_space<hbm>>
      tpu.wait_indirect_dma semaphore(%arg15 : memref<!tpu.dma_semaphore, #tpu.memory_space<semaphore_mem>>) src(%dma_wait3A_187 : memref<50000x32xf32, #tpu.memory_space<hbm>>) dst(%dma_wait3A_181 : memref<128x32xf32, #tpu.memory_space<vmem>>)
      %dma_start3A_188 = arith.constant 2 : i32
      %dma_start3A_189 = arith.constant 2 : i32
      %dma_start3A_190 = arith.constant 0 : i32
      %dma_start3A_191 = arith.constant 0 : i32
      %dma_start3A_192 = tpu.memref_slice %arg10[%dma_start3A_188, %dma_start3A_190, %dma_start3A_191] : memref<8x128x32xf32, #tpu.memory_space<vmem>> -> memref<1x128x32xf32, #tpu.memory_space<vmem>>
      %dma_start3A_193 = tpu.memref_squeeze %dma_start3A_192 : memref<1x128x32xf32, #tpu.memory_space<vmem>> -> memref<128x32xf32, #tpu.memory_space<vmem>>
      %dma_start3A_194 = arith.constant 0 : i32
      %dma_start3A_195 = tpu.memref_slice %arg9[%dma_start3A_189, %dma_start3A_194] : memref<8x128xi32, #tpu.memory_space<vmem>> -> memref<1x128xi32, #tpu.memory_space<vmem>>
      %dma_start3A_196 = tpu.memref_squeeze %dma_start3A_195 : memref<1x128xi32, #tpu.memory_space<vmem>> -> memref<128xi32, #tpu.memory_space<vmem>>
      %dma_start3A_197 = arith.constant 0 : i32
      %dma_start3A_198 = arith.constant 0 : i32
      %dma_start3A_199 = tpu.memref_slice %arg12[%dma_start3A_197, %dma_start3A_198] : memref<25088x32xf32, #tpu.memory_space<vmem_shared>> -> memref<25088x32xf32, #tpu.memory_space<vmem_shared>>
      tpu.enqueue_indirect_dma source(%dma_start3A_193 : memref<128x32xf32, #tpu.memory_space<vmem>>) target(%dma_start3A_199 : memref<25088x32xf32, #tpu.memory_space<vmem_shared>>) offsets(%dma_start3A_196 : memref<128xi32, #tpu.memory_space<vmem>>) semaphore(%arg23 : memref<!tpu.dma_semaphore, #tpu.memory_space<semaphore_mem>>) {add = true}
      %dma_wait3A_200 = arith.constant 3 : i32
      %dma_wait3A_201 = arith.constant 3 : i32
      %dma_wait3A_202 = arith.constant 0 : i32
      %dma_wait3A_203 = arith.constant 0 : i32
      %dma_wait3A_204 = tpu.memref_slice %arg10[%dma_wait3A_201, %dma_wait3A_202, %dma_wait3A_203] : memref<8x128x32xf32, #tpu.memory_space<vmem>> -> memref<1x128x32xf32, #tpu.memory_space<vmem>>
      %dma_wait3A_205 = tpu.memref_squeeze %dma_wait3A_204 : memref<1x128x32xf32, #tpu.memory_space<vmem>> -> memref<128x32xf32, #tpu.memory_space<vmem>>
      %dma_wait3A_206 = arith.constant 0 : i32
      %dma_wait3A_207 = tpu.memref_slice %arg8[%dma_wait3A_200, %dma_wait3A_206] : memref<8x128xi32, #tpu.memory_space<vmem>> -> memref<1x128xi32, #tpu.memory_space<vmem>>
      %dma_wait3A_208 = tpu.memref_squeeze %dma_wait3A_207 : memref<1x128xi32, #tpu.memory_space<vmem>> -> memref<128xi32, #tpu.memory_space<vmem>>
      %dma_wait3A_209 = arith.constant 0 : i32
      %dma_wait3A_210 = arith.constant 0 : i32
      %dma_wait3A_211 = tpu.memref_slice %arg5[%dma_wait3A_209, %dma_wait3A_210] : memref<50000x32xf32, #tpu.memory_space<hbm>> -> memref<50000x32xf32, #tpu.memory_space<hbm>>
      tpu.wait_indirect_dma semaphore(%arg16 : memref<!tpu.dma_semaphore, #tpu.memory_space<semaphore_mem>>) src(%dma_wait3A_211 : memref<50000x32xf32, #tpu.memory_space<hbm>>) dst(%dma_wait3A_205 : memref<128x32xf32, #tpu.memory_space<vmem>>)
      %dma_start3A_212 = arith.constant 3 : i32
      %dma_start3A_213 = arith.constant 3 : i32
      %dma_start3A_214 = arith.constant 0 : i32
      %dma_start3A_215 = arith.constant 0 : i32
      %dma_start3A_216 = tpu.memref_slice %arg10[%dma_start3A_212, %dma_start3A_214, %dma_start3A_215] : memref<8x128x32xf32, #tpu.memory_space<vmem>> -> memref<1x128x32xf32, #tpu.memory_space<vmem>>
      %dma_start3A_217 = tpu.memref_squeeze %dma_start3A_216 : memref<1x128x32xf32, #tpu.memory_space<vmem>> -> memref<128x32xf32, #tpu.memory_space<vmem>>
      %dma_start3A_218 = arith.constant 0 : i32
      %dma_start3A_219 = tpu.memref_slice %arg9[%dma_start3A_213, %dma_start3A_218] : memref<8x128xi32, #tpu.memory_space<vmem>> -> memref<1x128xi32, #tpu.memory_space<vmem>>
      %dma_start3A_220 = tpu.memref_squeeze %dma_start3A_219 : memref<1x128xi32, #tpu.memory_space<vmem>> -> memref<128xi32, #tpu.memory_space<vmem>>
      %dma_start3A_221 = arith.constant 0 : i32
      %dma_start3A_222 = arith.constant 0 : i32
      %dma_start3A_223 = tpu.memref_slice %arg12[%dma_start3A_221, %dma_start3A_222] : memref<25088x32xf32, #tpu.memory_space<vmem_shared>> -> memref<25088x32xf32, #tpu.memory_space<vmem_shared>>
      tpu.enqueue_indirect_dma source(%dma_start3A_217 : memref<128x32xf32, #tpu.memory_space<vmem>>) target(%dma_start3A_223 : memref<25088x32xf32, #tpu.memory_space<vmem_shared>>) offsets(%dma_start3A_220 : memref<128xi32, #tpu.memory_space<vmem>>) semaphore(%arg24 : memref<!tpu.dma_semaphore, #tpu.memory_space<semaphore_mem>>) {add = true}
      %dma_wait3A_224 = arith.constant 4 : i32
      %dma_wait3A_225 = arith.constant 4 : i32
      %dma_wait3A_226 = arith.constant 0 : i32
      %dma_wait3A_227 = arith.constant 0 : i32
      %dma_wait3A_228 = tpu.memref_slice %arg10[%dma_wait3A_225, %dma_wait3A_226, %dma_wait3A_227] : memref<8x128x32xf32, #tpu.memory_space<vmem>> -> memref<1x128x32xf32, #tpu.memory_space<vmem>>
      %dma_wait3A_229 = tpu.memref_squeeze %dma_wait3A_228 : memref<1x128x32xf32, #tpu.memory_space<vmem>> -> memref<128x32xf32, #tpu.memory_space<vmem>>
      %dma_wait3A_230 = arith.constant 0 : i32
      %dma_wait3A_231 = tpu.memref_slice %arg8[%dma_wait3A_224, %dma_wait3A_230] : memref<8x128xi32, #tpu.memory_space<vmem>> -> memref<1x128xi32, #tpu.memory_space<vmem>>
      %dma_wait3A_232 = tpu.memref_squeeze %dma_wait3A_231 : memref<1x128xi32, #tpu.memory_space<vmem>> -> memref<128xi32, #tpu.memory_space<vmem>>
      %dma_wait3A_233 = arith.constant 0 : i32
      %dma_wait3A_234 = arith.constant 0 : i32
      %dma_wait3A_235 = tpu.memref_slice %arg5[%dma_wait3A_233, %dma_wait3A_234] : memref<50000x32xf32, #tpu.memory_space<hbm>> -> memref<50000x32xf32, #tpu.memory_space<hbm>>
      tpu.wait_indirect_dma semaphore(%arg17 : memref<!tpu.dma_semaphore, #tpu.memory_space<semaphore_mem>>) src(%dma_wait3A_235 : memref<50000x32xf32, #tpu.memory_space<hbm>>) dst(%dma_wait3A_229 : memref<128x32xf32, #tpu.memory_space<vmem>>)
      %dma_start3A_236 = arith.constant 4 : i32
      %dma_start3A_237 = arith.constant 4 : i32
      %dma_start3A_238 = arith.constant 0 : i32
      %dma_start3A_239 = arith.constant 0 : i32
      %dma_start3A_240 = tpu.memref_slice %arg10[%dma_start3A_236, %dma_start3A_238, %dma_start3A_239] : memref<8x128x32xf32, #tpu.memory_space<vmem>> -> memref<1x128x32xf32, #tpu.memory_space<vmem>>
      %dma_start3A_241 = tpu.memref_squeeze %dma_start3A_240 : memref<1x128x32xf32, #tpu.memory_space<vmem>> -> memref<128x32xf32, #tpu.memory_space<vmem>>
      %dma_start3A_242 = arith.constant 0 : i32
      %dma_start3A_243 = tpu.memref_slice %arg9[%dma_start3A_237, %dma_start3A_242] : memref<8x128xi32, #tpu.memory_space<vmem>> -> memref<1x128xi32, #tpu.memory_space<vmem>>
      %dma_start3A_244 = tpu.memref_squeeze %dma_start3A_243 : memref<1x128xi32, #tpu.memory_space<vmem>> -> memref<128xi32, #tpu.memory_space<vmem>>
      %dma_start3A_245 = arith.constant 0 : i32
      %dma_start3A_246 = arith.constant 0 : i32
      %dma_start3A_247 = tpu.memref_slice %arg12[%dma_start3A_245, %dma_start3A_246] : memref<25088x32xf32, #tpu.memory_space<vmem_shared>> -> memref<25088x32xf32, #tpu.memory_space<vmem_shared>>
      tpu.enqueue_indirect_dma source(%dma_start3A_241 : memref<128x32xf32, #tpu.memory_space<vmem>>) target(%dma_start3A_247 : memref<25088x32xf32, #tpu.memory_space<vmem_shared>>) offsets(%dma_start3A_244 : memref<128xi32, #tpu.memory_space<vmem>>) semaphore(%arg25 : memref<!tpu.dma_semaphore, #tpu.memory_space<semaphore_mem>>) {add = true}
      %dma_wait3A_248 = arith.constant 5 : i32
      %dma_wait3A_249 = arith.constant 5 : i32
      %dma_wait3A_250 = arith.constant 0 : i32
      %dma_wait3A_251 = arith.constant 0 : i32
      %dma_wait3A_252 = tpu.memref_slice %arg10[%dma_wait3A_249, %dma_wait3A_250, %dma_wait3A_251] : memref<8x128x32xf32, #tpu.memory_space<vmem>> -> memref<1x128x32xf32, #tpu.memory_space<vmem>>
      %dma_wait3A_253 = tpu.memref_squeeze %dma_wait3A_252 : memref<1x128x32xf32, #tpu.memory_space<vmem>> -> memref<128x32xf32, #tpu.memory_space<vmem>>
      %dma_wait3A_254 = arith.constant 0 : i32
      %dma_wait3A_255 = tpu.memref_slice %arg8[%dma_wait3A_248, %dma_wait3A_254] : memref<8x128xi32, #tpu.memory_space<vmem>> -> memref<1x128xi32, #tpu.memory_space<vmem>>
      %dma_wait3A_256 = tpu.memref_squeeze %dma_wait3A_255 : memref<1x128xi32, #tpu.memory_space<vmem>> -> memref<128xi32, #tpu.memory_space<vmem>>
      %dma_wait3A_257 = arith.constant 0 : i32
      %dma_wait3A_258 = arith.constant 0 : i32
      %dma_wait3A_259 = tpu.memref_slice %arg5[%dma_wait3A_257, %dma_wait3A_258] : memref<50000x32xf32, #tpu.memory_space<hbm>> -> memref<50000x32xf32, #tpu.memory_space<hbm>>
      tpu.wait_indirect_dma semaphore(%arg18 : memref<!tpu.dma_semaphore, #tpu.memory_space<semaphore_mem>>) src(%dma_wait3A_259 : memref<50000x32xf32, #tpu.memory_space<hbm>>) dst(%dma_wait3A_253 : memref<128x32xf32, #tpu.memory_space<vmem>>)
      %dma_start3A_260 = arith.constant 5 : i32
      %dma_start3A_261 = arith.constant 5 : i32
      %dma_start3A_262 = arith.constant 0 : i32
      %dma_start3A_263 = arith.constant 0 : i32
      %dma_start3A_264 = tpu.memref_slice %arg10[%dma_start3A_260, %dma_start3A_262, %dma_start3A_263] : memref<8x128x32xf32, #tpu.memory_space<vmem>> -> memref<1x128x32xf32, #tpu.memory_space<vmem>>
      %dma_start3A_265 = tpu.memref_squeeze %dma_start3A_264 : memref<1x128x32xf32, #tpu.memory_space<vmem>> -> memref<128x32xf32, #tpu.memory_space<vmem>>
      %dma_start3A_266 = arith.constant 0 : i32
      %dma_start3A_267 = tpu.memref_slice %arg9[%dma_start3A_261, %dma_start3A_266] : memref<8x128xi32, #tpu.memory_space<vmem>> -> memref<1x128xi32, #tpu.memory_space<vmem>>
      %dma_start3A_268 = tpu.memref_squeeze %dma_start3A_267 : memref<1x128xi32, #tpu.memory_space<vmem>> -> memref<128xi32, #tpu.memory_space<vmem>>
      %dma_start3A_269 = arith.constant 0 : i32
      %dma_start3A_270 = arith.constant 0 : i32
      %dma_start3A_271 = tpu.memref_slice %arg12[%dma_start3A_269, %dma_start3A_270] : memref<25088x32xf32, #tpu.memory_space<vmem_shared>> -> memref<25088x32xf32, #tpu.memory_space<vmem_shared>>
      tpu.enqueue_indirect_dma source(%dma_start3A_265 : memref<128x32xf32, #tpu.memory_space<vmem>>) target(%dma_start3A_271 : memref<25088x32xf32, #tpu.memory_space<vmem_shared>>) offsets(%dma_start3A_268 : memref<128xi32, #tpu.memory_space<vmem>>) semaphore(%arg26 : memref<!tpu.dma_semaphore, #tpu.memory_space<semaphore_mem>>) {add = true}
      %dma_wait3A_272 = arith.constant 6 : i32
      %dma_wait3A_273 = arith.constant 6 : i32
      %dma_wait3A_274 = arith.constant 0 : i32
      %dma_wait3A_275 = arith.constant 0 : i32
      %dma_wait3A_276 = tpu.memref_slice %arg10[%dma_wait3A_273, %dma_wait3A_274, %dma_wait3A_275] : memref<8x128x32xf32, #tpu.memory_space<vmem>> -> memref<1x128x32xf32, #tpu.memory_space<vmem>>
      %dma_wait3A_277 = tpu.memref_squeeze %dma_wait3A_276 : memref<1x128x32xf32, #tpu.memory_space<vmem>> -> memref<128x32xf32, #tpu.memory_space<vmem>>
      %dma_wait3A_278 = arith.constant 0 : i32
      %dma_wait3A_279 = tpu.memref_slice %arg8[%dma_wait3A_272, %dma_wait3A_278] : memref<8x128xi32, #tpu.memory_space<vmem>> -> memref<1x128xi32, #tpu.memory_space<vmem>>
      %dma_wait3A_280 = tpu.memref_squeeze %dma_wait3A_279 : memref<1x128xi32, #tpu.memory_space<vmem>> -> memref<128xi32, #tpu.memory_space<vmem>>
      %dma_wait3A_281 = arith.constant 0 : i32
      %dma_wait3A_282 = arith.constant 0 : i32
      %dma_wait3A_283 = tpu.memref_slice %arg5[%dma_wait3A_281, %dma_wait3A_282] : memref<50000x32xf32, #tpu.memory_space<hbm>> -> memref<50000x32xf32, #tpu.memory_space<hbm>>
      tpu.wait_indirect_dma semaphore(%arg19 : memref<!tpu.dma_semaphore, #tpu.memory_space<semaphore_mem>>) src(%dma_wait3A_283 : memref<50000x32xf32, #tpu.memory_space<hbm>>) dst(%dma_wait3A_277 : memref<128x32xf32, #tpu.memory_space<vmem>>)
      %dma_start3A_284 = arith.constant 6 : i32
      %dma_start3A_285 = arith.constant 6 : i32
      %dma_start3A_286 = arith.constant 0 : i32
      %dma_start3A_287 = arith.constant 0 : i32
      %dma_start3A_288 = tpu.memref_slice %arg10[%dma_start3A_284, %dma_start3A_286, %dma_start3A_287] : memref<8x128x32xf32, #tpu.memory_space<vmem>> -> memref<1x128x32xf32, #tpu.memory_space<vmem>>
      %dma_start3A_289 = tpu.memref_squeeze %dma_start3A_288 : memref<1x128x32xf32, #tpu.memory_space<vmem>> -> memref<128x32xf32, #tpu.memory_space<vmem>>
      %dma_start3A_290 = arith.constant 0 : i32
      %dma_start3A_291 = tpu.memref_slice %arg9[%dma_start3A_285, %dma_start3A_290] : memref<8x128xi32, #tpu.memory_space<vmem>> -> memref<1x128xi32, #tpu.memory_space<vmem>>
      %dma_start3A_292 = tpu.memref_squeeze %dma_start3A_291 : memref<1x128xi32, #tpu.memory_space<vmem>> -> memref<128xi32, #tpu.memory_space<vmem>>
      %dma_start3A_293 = arith.constant 0 : i32
      %dma_start3A_294 = arith.constant 0 : i32
      %dma_start3A_295 = tpu.memref_slice %arg12[%dma_start3A_293, %dma_start3A_294] : memref<25088x32xf32, #tpu.memory_space<vmem_shared>> -> memref<25088x32xf32, #tpu.memory_space<vmem_shared>>
      tpu.enqueue_indirect_dma source(%dma_start3A_289 : memref<128x32xf32, #tpu.memory_space<vmem>>) target(%dma_start3A_295 : memref<25088x32xf32, #tpu.memory_space<vmem_shared>>) offsets(%dma_start3A_292 : memref<128xi32, #tpu.memory_space<vmem>>) semaphore(%arg27 : memref<!tpu.dma_semaphore, #tpu.memory_space<semaphore_mem>>) {add = true}
      %dma_wait3A_296 = arith.constant 7 : i32
      %dma_wait3A_297 = arith.constant 7 : i32
      %dma_wait3A_298 = arith.constant 0 : i32
      %dma_wait3A_299 = arith.constant 0 : i32
      %dma_wait3A_300 = tpu.memref_slice %arg10[%dma_wait3A_297, %dma_wait3A_298, %dma_wait3A_299] : memref<8x128x32xf32, #tpu.memory_space<vmem>> -> memref<1x128x32xf32, #tpu.memory_space<vmem>>
      %dma_wait3A_301 = tpu.memref_squeeze %dma_wait3A_300 : memref<1x128x32xf32, #tpu.memory_space<vmem>> -> memref<128x32xf32, #tpu.memory_space<vmem>>
      %dma_wait3A_302 = arith.constant 0 : i32
      %dma_wait3A_303 = tpu.memref_slice %arg8[%dma_wait3A_296, %dma_wait3A_302] : memref<8x128xi32, #tpu.memory_space<vmem>> -> memref<1x128xi32, #tpu.memory_space<vmem>>
      %dma_wait3A_304 = tpu.memref_squeeze %dma_wait3A_303 : memref<1x128xi32, #tpu.memory_space<vmem>> -> memref<128xi32, #tpu.memory_space<vmem>>
      %dma_wait3A_305 = arith.constant 0 : i32
      %dma_wait3A_306 = arith.constant 0 : i32
      %dma_wait3A_307 = tpu.memref_slice %arg5[%dma_wait3A_305, %dma_wait3A_306] : memref<50000x32xf32, #tpu.memory_space<hbm>> -> memref<50000x32xf32, #tpu.memory_space<hbm>>
      tpu.wait_indirect_dma semaphore(%arg20 : memref<!tpu.dma_semaphore, #tpu.memory_space<semaphore_mem>>) src(%dma_wait3A_307 : memref<50000x32xf32, #tpu.memory_space<hbm>>) dst(%dma_wait3A_301 : memref<128x32xf32, #tpu.memory_space<vmem>>)
      %dma_start3A_308 = arith.constant 7 : i32
      %dma_start3A_309 = arith.constant 7 : i32
      %dma_start3A_310 = arith.constant 0 : i32
      %dma_start3A_311 = arith.constant 0 : i32
      %dma_start3A_312 = tpu.memref_slice %arg10[%dma_start3A_308, %dma_start3A_310, %dma_start3A_311] : memref<8x128x32xf32, #tpu.memory_space<vmem>> -> memref<1x128x32xf32, #tpu.memory_space<vmem>>
      %dma_start3A_313 = tpu.memref_squeeze %dma_start3A_312 : memref<1x128x32xf32, #tpu.memory_space<vmem>> -> memref<128x32xf32, #tpu.memory_space<vmem>>
      %dma_start3A_314 = arith.constant 0 : i32
      %dma_start3A_315 = tpu.memref_slice %arg9[%dma_start3A_309, %dma_start3A_314] : memref<8x128xi32, #tpu.memory_space<vmem>> -> memref<1x128xi32, #tpu.memory_space<vmem>>
      %dma_start3A_316 = tpu.memref_squeeze %dma_start3A_315 : memref<1x128xi32, #tpu.memory_space<vmem>> -> memref<128xi32, #tpu.memory_space<vmem>>
      %dma_start3A_317 = arith.constant 0 : i32
      %dma_start3A_318 = arith.constant 0 : i32
      %dma_start3A_319 = tpu.memref_slice %arg12[%dma_start3A_317, %dma_start3A_318] : memref<25088x32xf32, #tpu.memory_space<vmem_shared>> -> memref<25088x32xf32, #tpu.memory_space<vmem_shared>>
      tpu.enqueue_indirect_dma source(%dma_start3A_313 : memref<128x32xf32, #tpu.memory_space<vmem>>) target(%dma_start3A_319 : memref<25088x32xf32, #tpu.memory_space<vmem_shared>>) offsets(%dma_start3A_316 : memref<128xi32, #tpu.memory_space<vmem>>) semaphore(%arg28 : memref<!tpu.dma_semaphore, #tpu.memory_space<semaphore_mem>>) {add = true}
      %dma_wait3A_320 = arith.constant 0 : i32
      %dma_wait3A_321 = arith.constant 0 : i32
      %dma_wait3A_322 = arith.constant 0 : i32
      %dma_wait3A_323 = arith.constant 0 : i32
      %dma_wait3A_324 = tpu.memref_slice %arg10[%dma_wait3A_320, %dma_wait3A_322, %dma_wait3A_323] : memref<8x128x32xf32, #tpu.memory_space<vmem>> -> memref<1x128x32xf32, #tpu.memory_space<vmem>>
      %dma_wait3A_325 = tpu.memref_squeeze %dma_wait3A_324 : memref<1x128x32xf32, #tpu.memory_space<vmem>> -> memref<128x32xf32, #tpu.memory_space<vmem>>
      %dma_wait3A_326 = arith.constant 0 : i32
      %dma_wait3A_327 = tpu.memref_slice %arg9[%dma_wait3A_321, %dma_wait3A_326] : memref<8x128xi32, #tpu.memory_space<vmem>> -> memref<1x128xi32, #tpu.memory_space<vmem>>
      %dma_wait3A_328 = tpu.memref_squeeze %dma_wait3A_327 : memref<1x128xi32, #tpu.memory_space<vmem>> -> memref<128xi32, #tpu.memory_space<vmem>>
      %dma_wait3A_329 = arith.constant 0 : i32
      %dma_wait3A_330 = arith.constant 0 : i32
      %dma_wait3A_331 = tpu.memref_slice %arg12[%dma_wait3A_329, %dma_wait3A_330] : memref<25088x32xf32, #tpu.memory_space<vmem_shared>> -> memref<25088x32xf32, #tpu.memory_space<vmem_shared>>
      tpu.wait_indirect_dma semaphore(%arg21 : memref<!tpu.dma_semaphore, #tpu.memory_space<semaphore_mem>>) src(%dma_wait3A_325 : memref<128x32xf32, #tpu.memory_space<vmem>>) dst(%dma_wait3A_331 : memref<25088x32xf32, #tpu.memory_space<vmem_shared>>)
      %dma_wait3A_332 = arith.constant 1 : i32
      %dma_wait3A_333 = arith.constant 1 : i32
      %dma_wait3A_334 = arith.constant 0 : i32
      %dma_wait3A_335 = arith.constant 0 : i32
      %dma_wait3A_336 = tpu.memref_slice %arg10[%dma_wait3A_332, %dma_wait3A_334, %dma_wait3A_335] : memref<8x128x32xf32, #tpu.memory_space<vmem>> -> memref<1x128x32xf32, #tpu.memory_space<vmem>>
      %dma_wait3A_337 = tpu.memref_squeeze %dma_wait3A_336 : memref<1x128x32xf32, #tpu.memory_space<vmem>> -> memref<128x32xf32, #tpu.memory_space<vmem>>
      %dma_wait3A_338 = arith.constant 0 : i32
      %dma_wait3A_339 = tpu.memref_slice %arg9[%dma_wait3A_333, %dma_wait3A_338] : memref<8x128xi32, #tpu.memory_space<vmem>> -> memref<1x128xi32, #tpu.memory_space<vmem>>
      %dma_wait3A_340 = tpu.memref_squeeze %dma_wait3A_339 : memref<1x128xi32, #tpu.memory_space<vmem>> -> memref<128xi32, #tpu.memory_space<vmem>>
      %dma_wait3A_341 = arith.constant 0 : i32
      %dma_wait3A_342 = arith.constant 0 : i32
      %dma_wait3A_343 = tpu.memref_slice %arg12[%dma_wait3A_341, %dma_wait3A_342] : memref<25088x32xf32, #tpu.memory_space<vmem_shared>> -> memref<25088x32xf32, #tpu.memory_space<vmem_shared>>
      tpu.wait_indirect_dma semaphore(%arg22 : memref<!tpu.dma_semaphore, #tpu.memory_space<semaphore_mem>>) src(%dma_wait3A_337 : memref<128x32xf32, #tpu.memory_space<vmem>>) dst(%dma_wait3A_343 : memref<25088x32xf32, #tpu.memory_space<vmem_shared>>)
      %dma_wait3A_344 = arith.constant 2 : i32
      %dma_wait3A_345 = arith.constant 2 : i32
      %dma_wait3A_346 = arith.constant 0 : i32
      %dma_wait3A_347 = arith.constant 0 : i32
      %dma_wait3A_348 = tpu.memref_slice %arg10[%dma_wait3A_344, %dma_wait3A_346, %dma_wait3A_347] : memref<8x128x32xf32, #tpu.memory_space<vmem>> -> memref<1x128x32xf32, #tpu.memory_space<vmem>>
      %dma_wait3A_349 = tpu.memref_squeeze %dma_wait3A_348 : memref<1x128x32xf32, #tpu.memory_space<vmem>> -> memref<128x32xf32, #tpu.memory_space<vmem>>
      %dma_wait3A_350 = arith.constant 0 : i32
      %dma_wait3A_351 = tpu.memref_slice %arg9[%dma_wait3A_345, %dma_wait3A_350] : memref<8x128xi32, #tpu.memory_space<vmem>> -> memref<1x128xi32, #tpu.memory_space<vmem>>
      %dma_wait3A_352 = tpu.memref_squeeze %dma_wait3A_351 : memref<1x128xi32, #tpu.memory_space<vmem>> -> memref<128xi32, #tpu.memory_space<vmem>>
      %dma_wait3A_353 = arith.constant 0 : i32
      %dma_wait3A_354 = arith.constant 0 : i32
      %dma_wait3A_355 = tpu.memref_slice %arg12[%dma_wait3A_353, %dma_wait3A_354] : memref<25088x32xf32, #tpu.memory_space<vmem_shared>> -> memref<25088x32xf32, #tpu.memory_space<vmem_shared>>
      tpu.wait_indirect_dma semaphore(%arg23 : memref<!tpu.dma_semaphore, #tpu.memory_space<semaphore_mem>>) src(%dma_wait3A_349 : memref<128x32xf32, #tpu.memory_space<vmem>>) dst(%dma_wait3A_355 : memref<25088x32xf32, #tpu.memory_space<vmem_shared>>)
      %dma_wait3A_356 = arith.constant 3 : i32
      %dma_wait3A_357 = arith.constant 3 : i32
      %dma_wait3A_358 = arith.constant 0 : i32
      %dma_wait3A_359 = arith.constant 0 : i32
      %dma_wait3A_360 = tpu.memref_slice %arg10[%dma_wait3A_356, %dma_wait3A_358, %dma_wait3A_359] : memref<8x128x32xf32, #tpu.memory_space<vmem>> -> memref<1x128x32xf32, #tpu.memory_space<vmem>>
      %dma_wait3A_361 = tpu.memref_squeeze %dma_wait3A_360 : memref<1x128x32xf32, #tpu.memory_space<vmem>> -> memref<128x32xf32, #tpu.memory_space<vmem>>
      %dma_wait3A_362 = arith.constant 0 : i32
      %dma_wait3A_363 = tpu.memref_slice %arg9[%dma_wait3A_357, %dma_wait3A_362] : memref<8x128xi32, #tpu.memory_space<vmem>> -> memref<1x128xi32, #tpu.memory_space<vmem>>
      %dma_wait3A_364 = tpu.memref_squeeze %dma_wait3A_363 : memref<1x128xi32, #tpu.memory_space<vmem>> -> memref<128xi32, #tpu.memory_space<vmem>>
      %dma_wait3A_365 = arith.constant 0 : i32
      %dma_wait3A_366 = arith.constant 0 : i32
      %dma_wait3A_367 = tpu.memref_slice %arg12[%dma_wait3A_365, %dma_wait3A_366] : memref<25088x32xf32, #tpu.memory_space<vmem_shared>> -> memref<25088x32xf32, #tpu.memory_space<vmem_shared>>
      tpu.wait_indirect_dma semaphore(%arg24 : memref<!tpu.dma_semaphore, #tpu.memory_space<semaphore_mem>>) src(%dma_wait3A_361 : memref<128x32xf32, #tpu.memory_space<vmem>>) dst(%dma_wait3A_367 : memref<25088x32xf32, #tpu.memory_space<vmem_shared>>)
      %dma_wait3A_368 = arith.constant 4 : i32
      %dma_wait3A_369 = arith.constant 4 : i32
      %dma_wait3A_370 = arith.constant 0 : i32
      %dma_wait3A_371 = arith.constant 0 : i32
      %dma_wait3A_372 = tpu.memref_slice %arg10[%dma_wait3A_368, %dma_wait3A_370, %dma_wait3A_371] : memref<8x128x32xf32, #tpu.memory_space<vmem>> -> memref<1x128x32xf32, #tpu.memory_space<vmem>>
      %dma_wait3A_373 = tpu.memref_squeeze %dma_wait3A_372 : memref<1x128x32xf32, #tpu.memory_space<vmem>> -> memref<128x32xf32, #tpu.memory_space<vmem>>
      %dma_wait3A_374 = arith.constant 0 : i32
      %dma_wait3A_375 = tpu.memref_slice %arg9[%dma_wait3A_369, %dma_wait3A_374] : memref<8x128xi32, #tpu.memory_space<vmem>> -> memref<1x128xi32, #tpu.memory_space<vmem>>
      %dma_wait3A_376 = tpu.memref_squeeze %dma_wait3A_375 : memref<1x128xi32, #tpu.memory_space<vmem>> -> memref<128xi32, #tpu.memory_space<vmem>>
      %dma_wait3A_377 = arith.constant 0 : i32
      %dma_wait3A_378 = arith.constant 0 : i32
      %dma_wait3A_379 = tpu.memref_slice %arg12[%dma_wait3A_377, %dma_wait3A_378] : memref<25088x32xf32, #tpu.memory_space<vmem_shared>> -> memref<25088x32xf32, #tpu.memory_space<vmem_shared>>
      tpu.wait_indirect_dma semaphore(%arg25 : memref<!tpu.dma_semaphore, #tpu.memory_space<semaphore_mem>>) src(%dma_wait3A_373 : memref<128x32xf32, #tpu.memory_space<vmem>>) dst(%dma_wait3A_379 : memref<25088x32xf32, #tpu.memory_space<vmem_shared>>)
      %dma_wait3A_380 = arith.constant 5 : i32
      %dma_wait3A_381 = arith.constant 5 : i32
      %dma_wait3A_382 = arith.constant 0 : i32
      %dma_wait3A_383 = arith.constant 0 : i32
      %dma_wait3A_384 = tpu.memref_slice %arg10[%dma_wait3A_380, %dma_wait3A_382, %dma_wait3A_383] : memref<8x128x32xf32, #tpu.memory_space<vmem>> -> memref<1x128x32xf32, #tpu.memory_space<vmem>>
      %dma_wait3A_385 = tpu.memref_squeeze %dma_wait3A_384 : memref<1x128x32xf32, #tpu.memory_space<vmem>> -> memref<128x32xf32, #tpu.memory_space<vmem>>
      %dma_wait3A_386 = arith.constant 0 : i32
      %dma_wait3A_387 = tpu.memref_slice %arg9[%dma_wait3A_381, %dma_wait3A_386] : memref<8x128xi32, #tpu.memory_space<vmem>> -> memref<1x128xi32, #tpu.memory_space<vmem>>
      %dma_wait3A_388 = tpu.memref_squeeze %dma_wait3A_387 : memref<1x128xi32, #tpu.memory_space<vmem>> -> memref<128xi32, #tpu.memory_space<vmem>>
      %dma_wait3A_389 = arith.constant 0 : i32
      %dma_wait3A_390 = arith.constant 0 : i32
      %dma_wait3A_391 = tpu.memref_slice %arg12[%dma_wait3A_389, %dma_wait3A_390] : memref<25088x32xf32, #tpu.memory_space<vmem_shared>> -> memref<25088x32xf32, #tpu.memory_space<vmem_shared>>
      tpu.wait_indirect_dma semaphore(%arg26 : memref<!tpu.dma_semaphore, #tpu.memory_space<semaphore_mem>>) src(%dma_wait3A_385 : memref<128x32xf32, #tpu.memory_space<vmem>>) dst(%dma_wait3A_391 : memref<25088x32xf32, #tpu.memory_space<vmem_shared>>)
      %dma_wait3A_392 = arith.constant 6 : i32
      %dma_wait3A_393 = arith.constant 6 : i32
      %dma_wait3A_394 = arith.constant 0 : i32
      %dma_wait3A_395 = arith.constant 0 : i32
      %dma_wait3A_396 = tpu.memref_slice %arg10[%dma_wait3A_392, %dma_wait3A_394, %dma_wait3A_395] : memref<8x128x32xf32, #tpu.memory_space<vmem>> -> memref<1x128x32xf32, #tpu.memory_space<vmem>>
      %dma_wait3A_397 = tpu.memref_squeeze %dma_wait3A_396 : memref<1x128x32xf32, #tpu.memory_space<vmem>> -> memref<128x32xf32, #tpu.memory_space<vmem>>
      %dma_wait3A_398 = arith.constant 0 : i32
      %dma_wait3A_399 = tpu.memref_slice %arg9[%dma_wait3A_393, %dma_wait3A_398] : memref<8x128xi32, #tpu.memory_space<vmem>> -> memref<1x128xi32, #tpu.memory_space<vmem>>
      %dma_wait3A_400 = tpu.memref_squeeze %dma_wait3A_399 : memref<1x128xi32, #tpu.memory_space<vmem>> -> memref<128xi32, #tpu.memory_space<vmem>>
      %dma_wait3A_401 = arith.constant 0 : i32
      %dma_wait3A_402 = arith.constant 0 : i32
      %dma_wait3A_403 = tpu.memref_slice %arg12[%dma_wait3A_401, %dma_wait3A_402] : memref<25088x32xf32, #tpu.memory_space<vmem_shared>> -> memref<25088x32xf32, #tpu.memory_space<vmem_shared>>
      tpu.wait_indirect_dma semaphore(%arg27 : memref<!tpu.dma_semaphore, #tpu.memory_space<semaphore_mem>>) src(%dma_wait3A_397 : memref<128x32xf32, #tpu.memory_space<vmem>>) dst(%dma_wait3A_403 : memref<25088x32xf32, #tpu.memory_space<vmem_shared>>)
      %dma_wait3A_404 = arith.constant 7 : i32
      %dma_wait3A_405 = arith.constant 7 : i32
      %dma_wait3A_406 = arith.constant 0 : i32
      %dma_wait3A_407 = arith.constant 0 : i32
      %dma_wait3A_408 = tpu.memref_slice %arg10[%dma_wait3A_404, %dma_wait3A_406, %dma_wait3A_407] : memref<8x128x32xf32, #tpu.memory_space<vmem>> -> memref<1x128x32xf32, #tpu.memory_space<vmem>>
      %dma_wait3A_409 = tpu.memref_squeeze %dma_wait3A_408 : memref<1x128x32xf32, #tpu.memory_space<vmem>> -> memref<128x32xf32, #tpu.memory_space<vmem>>
      %dma_wait3A_410 = arith.constant 0 : i32
      %dma_wait3A_411 = tpu.memref_slice %arg9[%dma_wait3A_405, %dma_wait3A_410] : memref<8x128xi32, #tpu.memory_space<vmem>> -> memref<1x128xi32, #tpu.memory_space<vmem>>
      %dma_wait3A_412 = tpu.memref_squeeze %dma_wait3A_411 : memref<1x128xi32, #tpu.memory_space<vmem>> -> memref<128xi32, #tpu.memory_space<vmem>>
      %dma_wait3A_413 = arith.constant 0 : i32
      %dma_wait3A_414 = arith.constant 0 : i32
      %dma_wait3A_415 = tpu.memref_slice %arg12[%dma_wait3A_413, %dma_wait3A_414] : memref<25088x32xf32, #tpu.memory_space<vmem_shared>> -> memref<25088x32xf32, #tpu.memory_space<vmem_shared>>
      tpu.wait_indirect_dma semaphore(%arg28 : memref<!tpu.dma_semaphore, #tpu.memory_space<semaphore_mem>>) src(%dma_wait3A_409 : memref<128x32xf32, #tpu.memory_space<vmem>>) dst(%dma_wait3A_415 : memref<25088x32xf32, #tpu.memory_space<vmem_shared>>)
      %while3A_416 = arith.constant 0 : i32
      scf.yield %while3A_416 : i32
    }
    %barrier3A_28 = arith.constant 0 : index
    tpu.barrier barrier_id(%barrier3A_28)
    "tpu.region"() ({
      %run_scoped3A = tpu.sem_alloc : memref<!tpu.dma_semaphore, #tpu.memory_space<semaphore_mem>>
      %dma_start3A = arith.constant 0 : i32
      %dma_start3A_29 = arith.constant 0 : i32
      %dma_start3A_30 = tpu.memref_slice %arg6[%arg0, %dma_start3A, %dma_start3A_29] : memref<2x25088x32xf32, #tpu.memory_space<hbm>> -> memref<1x25088x32xf32, #tpu.memory_space<hbm>>
      %dma_start3A_31 = tpu.memref_squeeze %dma_start3A_30 : memref<1x25088x32xf32, #tpu.memory_space<hbm>> -> memref<25088x32xf32, #tpu.memory_space<hbm>>
      %dma_start3A_32 = arith.constant 0 : i32
      %dma_start3A_33 = tpu.memref_slice %dma_start3A_31[%mul3A_0, %dma_start3A_32] : memref<25088x32xf32, #tpu.memory_space<hbm>> -> memref<1568x32xf32, #tpu.memory_space<hbm>>
      %dma_start3A_34 = arith.constant 0 : i32
      %dma_start3A_35 = tpu.memref_slice %arg12[%mul3A_0, %dma_start3A_34] : memref<25088x32xf32, #tpu.memory_space<vmem_shared>> -> memref<1568x32xf32, #tpu.memory_space<vmem_shared>>
      tpu.enqueue_dma source(%dma_start3A_35 : memref<1568x32xf32, #tpu.memory_space<vmem_shared>>) target(%dma_start3A_33 : memref<1568x32xf32, #tpu.memory_space<hbm>>) target_semaphore(%run_scoped3A : memref<!tpu.dma_semaphore, #tpu.memory_space<semaphore_mem>>)
      %dma_wait3A = arith.constant 0 : i32
      %dma_wait3A_36 = arith.constant 0 : i32
      %dma_wait3A_37 = tpu.memref_slice %arg6[%arg0, %dma_wait3A, %dma_wait3A_36] : memref<2x25088x32xf32, #tpu.memory_space<hbm>> -> memref<1x25088x32xf32, #tpu.memory_space<hbm>>
      %dma_wait3A_38 = tpu.memref_squeeze %dma_wait3A_37 : memref<1x25088x32xf32, #tpu.memory_space<hbm>> -> memref<25088x32xf32, #tpu.memory_space<hbm>>
      %dma_wait3A_39 = arith.constant 0 : i32
      %dma_wait3A_40 = tpu.memref_slice %dma_wait3A_38[%mul3A_0, %dma_wait3A_39] : memref<25088x32xf32, #tpu.memory_space<hbm>> -> memref<1568x32xf32, #tpu.memory_space<hbm>>
      %dma_wait3A_41 = arith.constant 0 : i32
      %dma_wait3A_42 = tpu.memref_slice %arg12[%mul3A_0, %dma_wait3A_41] : memref<25088x32xf32, #tpu.memory_space<vmem_shared>> -> memref<1568x32xf32, #tpu.memory_space<vmem_shared>>
      tpu.wait_dma2 semaphore(%run_scoped3A : memref<!tpu.dma_semaphore, #tpu.memory_space<semaphore_mem>>) src(%dma_wait3A_42 : memref<1568x32xf32, #tpu.memory_space<vmem_shared>>) dst(%dma_wait3A_40 : memref<1568x32xf32, #tpu.memory_space<hbm>>)
      tpu.yield
    }) : () -> ()
    return
  }
}

#map = affine_map<(d0, d1) -> (0, 0, 0, 0)>
#map1 = affine_map<(d0, d1) -> (0, 0, 0)>
#map2 = affine_map<(d0, d1) -> (0, 0)>
module attributes {stable_mosaic.version = 14 : i64} {
  func.func @body(%arg0: i32, %arg1: i32, %arg2: memref<2x784x8x128xi32, #tpu.memory_space<hbm>>, %arg3: memref<2x784x8x128xi32, #tpu.memory_space<hbm>>, %arg4: memref<2x16x16xi32, #tpu.memory_space<hbm>>, %arg5: memref<50000x32xf32, #tpu.memory_space<hbm>>, %arg6: memref<2x25088x32xf32, #tpu.memory_space<hbm>>, %arg7: memref<16xi32, #tpu.memory_space<vmem>>, %arg8: memref<8x128xi32, #tpu.memory_space<vmem>>, %arg9: memref<8x128xi32, #tpu.memory_space<vmem>>, %arg10: memref<8x128x32xf32, #tpu.memory_space<vmem>>, %arg11: memref<128x32xf32, #tpu.memory_space<vmem>>, %arg12: memref<25088x32xf32, #tpu.memory_space<vmem_shared>>, %arg13: memref<!tpu.dma_semaphore, #tpu.memory_space<semaphore_mem>>, %arg14: memref<!tpu.dma_semaphore, #tpu.memory_space<semaphore_mem>>, %arg15: memref<!tpu.dma_semaphore, #tpu.memory_space<semaphore_mem>>, %arg16: memref<!tpu.dma_semaphore, #tpu.memory_space<semaphore_mem>>, %arg17: memref<!tpu.dma_semaphore, #tpu.memory_space<semaphore_mem>>, %arg18: memref<!tpu.dma_semaphore, #tpu.memory_space<semaphore_mem>>, %arg19: memref<!tpu.dma_semaphore, #tpu.memory_space<semaphore_mem>>, %arg20: memref<!tpu.dma_semaphore, #tpu.memory_space<semaphore_mem>>, %arg21: memref<!tpu.dma_semaphore, #tpu.memory_space<semaphore_mem>>, %arg22: memref<!tpu.dma_semaphore, #tpu.memory_space<semaphore_mem>>, %arg23: memref<!tpu.dma_semaphore, #tpu.memory_space<semaphore_mem>>, %arg24: memref<!tpu.dma_semaphore, #tpu.memory_space<semaphore_mem>>, %arg25: memref<!tpu.dma_semaphore, #tpu.memory_space<semaphore_mem>>, %arg26: memref<!tpu.dma_semaphore, #tpu.memory_space<semaphore_mem>>, %arg27: memref<!tpu.dma_semaphore, #tpu.memory_space<semaphore_mem>>, %arg28: memref<!tpu.dma_semaphore, #tpu.memory_space<semaphore_mem>>) attributes {dimension_semantics = [#tpu.dimension_semantics<core_parallel>, #tpu.dimension_semantics<subcore_parallel>], iteration_bounds = array<i64: 2, 16>, scalar_prefetch = 0 : i64, scratch_operands = 22 : i64, tpu.core_type = #tpu.core_type<sc_vector_subcore>, window_params = [{transform_indices = #map}, {transform_indices = #map}, {transform_indices = #map1}, {transform_indices = #map2}, {transform_indices = #map1}]} {
    %mul3A = arith.constant 1568 : i32
    %mul3A_0 = arith.muli %arg1, %mul3A : i32
    "tpu.region"() ({
      %run_scoped3A = tpu.sem_alloc : memref<!tpu.dma_semaphore, #tpu.memory_space<semaphore_mem>>
      %dma_start3A = arith.constant 0 : i32
      %dma_start3A_29 = arith.constant 0 : i32
      %dma_start3A_30 = tpu.memref_slice %arg4[%arg0, %dma_start3A, %dma_start3A_29] : memref<2x16x16xi32, #tpu.memory_space<hbm>> -> memref<1x16x16xi32, #tpu.memory_space<hbm>>
      %dma_start3A_31 = tpu.memref_squeeze %dma_start3A_30 : memref<1x16x16xi32, #tpu.memory_space<hbm>> -> memref<16x16xi32, #tpu.memory_space<hbm>>
      %dma_start3A_32 = arith.constant 0 : i32
      %dma_start3A_33 = tpu.memref_slice %dma_start3A_31[%arg1, %dma_start3A_32] : memref<16x16xi32, #tpu.memory_space<hbm>> -> memref<1x16xi32, #tpu.memory_space<hbm>>
      %dma_start3A_34 = tpu.memref_squeeze %dma_start3A_33 : memref<1x16xi32, #tpu.memory_space<hbm>> -> memref<16xi32, #tpu.memory_space<hbm>>
      %dma_start3A_35 = arith.constant 0 : i32
      %dma_start3A_36 = arith.constant 0 : i32
      %dma_start3A_37 = tpu.memref_slice %arg4[%arg0, %dma_start3A_35, %dma_start3A_36] : memref<2x16x16xi32, #tpu.memory_space<hbm>> -> memref<1x16x16xi32, #tpu.memory_space<hbm>>
      %dma_start3A_38 = tpu.memref_squeeze %dma_start3A_37 : memref<1x16x16xi32, #tpu.memory_space<hbm>> -> memref<16x16xi32, #tpu.memory_space<hbm>>
      %dma_start3A_39 = arith.constant 0 : i32
      %dma_start3A_40 = tpu.memref_slice %dma_start3A_38[%arg1, %dma_start3A_39] : memref<16x16xi32, #tpu.memory_space<hbm>> -> memref<1x16xi32, #tpu.memory_space<hbm>>
      %dma_start3A_41 = tpu.memref_squeeze %dma_start3A_40 : memref<1x16xi32, #tpu.memory_space<hbm>> -> memref<16xi32, #tpu.memory_space<hbm>>
      tpu.enqueue_dma source(%dma_start3A_41 : memref<16xi32, #tpu.memory_space<hbm>>) target(%arg7 : memref<16xi32, #tpu.memory_space<vmem>>) target_semaphore(%run_scoped3A : memref<!tpu.dma_semaphore, #tpu.memory_space<semaphore_mem>>)
      %dma_wait3A = arith.constant 0 : i32
      %dma_wait3A_42 = arith.constant 0 : i32
      %dma_wait3A_43 = tpu.memref_slice %arg4[%arg0, %dma_wait3A, %dma_wait3A_42] : memref<2x16x16xi32, #tpu.memory_space<hbm>> -> memref<1x16x16xi32, #tpu.memory_space<hbm>>
      %dma_wait3A_44 = tpu.memref_squeeze %dma_wait3A_43 : memref<1x16x16xi32, #tpu.memory_space<hbm>> -> memref<16x16xi32, #tpu.memory_space<hbm>>
      %dma_wait3A_45 = arith.constant 0 : i32
      %dma_wait3A_46 = tpu.memref_slice %dma_wait3A_44[%arg1, %dma_wait3A_45] : memref<16x16xi32, #tpu.memory_space<hbm>> -> memref<1x16xi32, #tpu.memory_space<hbm>>
      %dma_wait3A_47 = tpu.memref_squeeze %dma_wait3A_46 : memref<1x16xi32, #tpu.memory_space<hbm>> -> memref<16xi32, #tpu.memory_space<hbm>>
      %dma_wait3A_48 = arith.constant 0 : i32
      %dma_wait3A_49 = arith.constant 0 : i32
      %dma_wait3A_50 = tpu.memref_slice %arg4[%arg0, %dma_wait3A_48, %dma_wait3A_49] : memref<2x16x16xi32, #tpu.memory_space<hbm>> -> memref<1x16x16xi32, #tpu.memory_space<hbm>>
      %dma_wait3A_51 = tpu.memref_squeeze %dma_wait3A_50 : memref<1x16x16xi32, #tpu.memory_space<hbm>> -> memref<16x16xi32, #tpu.memory_space<hbm>>
      %dma_wait3A_52 = arith.constant 0 : i32
      %dma_wait3A_53 = tpu.memref_slice %dma_wait3A_51[%arg1, %dma_wait3A_52] : memref<16x16xi32, #tpu.memory_space<hbm>> -> memref<1x16xi32, #tpu.memory_space<hbm>>
      %dma_wait3A_54 = tpu.memref_squeeze %dma_wait3A_53 : memref<1x16xi32, #tpu.memory_space<hbm>> -> memref<16xi32, #tpu.memory_space<hbm>>
      tpu.wait_dma2 semaphore(%run_scoped3A : memref<!tpu.dma_semaphore, #tpu.memory_space<semaphore_mem>>) src(%dma_wait3A_54 : memref<16xi32, #tpu.memory_space<hbm>>) dst(%arg7 : memref<16xi32, #tpu.memory_space<vmem>>)
      tpu.yield
    }) : () -> ()
    %scan3A = arith.constant 0 : i32
    %scan3A_1 = arith.constant 0 : i32
    %scan3A_2 = arith.constant 128 : i32
    %scan3A_3 = arith.addi %scan3A_1, %scan3A_2 : i32
    %scan3A_4 = arith.constant 1 : i32
    %scan3A_5 = scf.for %scan3A_29 = %scan3A_1 to %scan3A_3 step %scan3A_4 iter_args(%scan3A_30 = %scan3A) -> (i32)  : i32 {
      %broadcast_in_dim3A = arith.constant 0.000000e+00 : f32
      %broadcast_in_dim3A_31 = vector.broadcast %broadcast_in_dim3A : f32 to vector<16xf32>
      %swap3A = arith.index_cast %scan3A_29 : i32 to index
      %swap3A_32 = arith.constant 0 : index
      %swap3A_33 = tpu.vector_load %arg11[%swap3A, %swap3A_32] {strides = array<i32>} : memref<128x32xf32, #tpu.memory_space<vmem>>, vector<1x16xf32>,
      %swap3A_34 = vector.shape_cast %swap3A_33 : vector<1x16xf32> to vector<16xf32>
      %swap3A_35 = vector.shape_cast %broadcast_in_dim3A_31 : vector<16xf32> to vector<1x16xf32>
      tpu.vector_store %arg11[%swap3A, %swap3A_32], %swap3A_35 {strides = array<i32>} : memref<128x32xf32, #tpu.memory_space<vmem>>, vector<1x16xf32>,
      %broadcast_in_dim3A_36 = arith.constant 0.000000e+00 : f32
      %broadcast_in_dim3A_37 = vector.broadcast %broadcast_in_dim3A_36 : f32 to vector<16xf32>
      %swap3A_38 = arith.index_cast %scan3A_29 : i32 to index
      %swap3A_39 = arith.constant 16 : index
      %swap3A_40 = tpu.vector_load %arg11[%swap3A_38, %swap3A_39] {strides = array<i32>} : memref<128x32xf32, #tpu.memory_space<vmem>>, vector<1x16xf32>,
      %swap3A_41 = vector.shape_cast %swap3A_40 : vector<1x16xf32> to vector<16xf32>
      %swap3A_42 = vector.shape_cast %broadcast_in_dim3A_37 : vector<16xf32> to vector<1x16xf32>
      tpu.vector_store %arg11[%swap3A_38, %swap3A_39], %swap3A_42 {strides = array<i32>} : memref<128x32xf32, #tpu.memory_space<vmem>>, vector<1x16xf32>,
      %scan3A_43 = arith.constant 0 : i32
      scf.yield %scan3A_43 : i32
    }
    %scan3A_6 = arith.constant 128 : i32
    %scan3A_7 = arith.constant 0 : i32
    %scan3A_8 = arith.constant 0 : i32
    %scan3A_9 = arith.constant 12 : i32
    %scan3A_10 = arith.addi %scan3A_8, %scan3A_9 : i32
    %scan3A_11 = arith.constant 1 : i32
    %scan3A_12 = scf.for %scan3A_29 = %scan3A_8 to %scan3A_10 step %scan3A_11 iter_args(%scan3A_30 = %scan3A_7) -> (i32)  : i32 {
      %mul3A_31 = arith.constant 128 : i32
      %mul3A_32 = arith.muli %scan3A_29, %mul3A_31 : i32
      %add3A_33 = arith.addi %mul3A_0, %mul3A_32 : i32
      "tpu.region"() ({
        %run_scoped3A = tpu.sem_alloc : memref<!tpu.dma_semaphore, #tpu.memory_space<semaphore_mem>>
        %dma_start3A = arith.constant 0 : i32
        %dma_start3A_35 = tpu.memref_slice %arg12[%add3A_33, %dma_start3A] : memref<25088x32xf32, #tpu.memory_space<vmem_shared>> -> memref<128x32xf32, #tpu.memory_space<vmem_shared>>
        %dma_start3A_36 = arith.constant 0 : i32
        %dma_start3A_37 = tpu.memref_slice %arg12[%add3A_33, %dma_start3A_36] : memref<25088x32xf32, #tpu.memory_space<vmem_shared>> -> memref<128x32xf32, #tpu.memory_space<vmem_shared>>
        tpu.enqueue_dma source(%arg11 : memref<128x32xf32, #tpu.memory_space<vmem>>) target(%dma_start3A_37 : memref<128x32xf32, #tpu.memory_space<vmem_shared>>) target_semaphore(%run_scoped3A : memref<!tpu.dma_semaphore, #tpu.memory_space<semaphore_mem>>)
        %dma_wait3A = arith.constant 0 : i32
        %dma_wait3A_38 = tpu.memref_slice %arg12[%add3A_33, %dma_wait3A] : memref<25088x32xf32, #tpu.memory_space<vmem_shared>> -> memref<128x32xf32, #tpu.memory_space<vmem_shared>>
        %dma_wait3A_39 = arith.constant 0 : i32
        %dma_wait3A_40 = tpu.memref_slice %arg12[%add3A_33, %dma_wait3A_39] : memref<25088x32xf32, #tpu.memory_space<vmem_shared>> -> memref<128x32xf32, #tpu.memory_space<vmem_shared>>
        tpu.wait_dma2 semaphore(%run_scoped3A : memref<!tpu.dma_semaphore, #tpu.memory_space<semaphore_mem>>) src(%arg11 : memref<128x32xf32, #tpu.memory_space<vmem>>) dst(%dma_wait3A_40 : memref<128x32xf32, #tpu.memory_space<vmem_shared>>)
        tpu.yield
      }) : () -> ()
      %scan3A_34 = arith.constant 0 : i32
      scf.yield %scan3A_34 : i32
    }
    %scan3A_13 = arith.constant 12 : i32
    %add3A = arith.constant 1536 : i32
    %add3A_14 = arith.addi %mul3A_0, %add3A : i32
    "tpu.region"() ({
      %run_scoped3A = tpu.sem_alloc : memref<!tpu.dma_semaphore, #tpu.memory_space<semaphore_mem>>
      %dma_start3A = arith.constant 0 : i32
      %dma_start3A_29 = arith.constant 0 : i32
      %dma_start3A_30 = tpu.memref_slice %arg11[%dma_start3A, %dma_start3A_29] : memref<128x32xf32, #tpu.memory_space<vmem>> -> memref<32x32xf32, #tpu.memory_space<vmem>>
      %dma_start3A_31 = arith.constant 0 : i32
      %dma_start3A_32 = tpu.memref_slice %arg12[%add3A_14, %dma_start3A_31] : memref<25088x32xf32, #tpu.memory_space<vmem_shared>> -> memref<32x32xf32, #tpu.memory_space<vmem_shared>>
      %dma_start3A_33 = arith.constant 0 : i32
      %dma_start3A_34 = tpu.memref_slice %arg12[%add3A_14, %dma_start3A_33] : memref<25088x32xf32, #tpu.memory_space<vmem_shared>> -> memref<32x32xf32, #tpu.memory_space<vmem_shared>>
      %dma_start3A_35 = arith.constant 0 : i32
      %dma_start3A_36 = arith.constant 0 : i32
      %dma_start3A_37 = tpu.memref_slice %arg11[%dma_start3A_35, %dma_start3A_36] : memref<128x32xf32, #tpu.memory_space<vmem>> -> memref<32x32xf32, #tpu.memory_space<vmem>>
      tpu.enqueue_dma source(%dma_start3A_37 : memref<32x32xf32, #tpu.memory_space<vmem>>) target(%dma_start3A_34 : memref<32x32xf32, #tpu.memory_space<vmem_shared>>) target_semaphore(%run_scoped3A : memref<!tpu.dma_semaphore, #tpu.memory_space<semaphore_mem>>)
      %dma_wait3A = arith.constant 0 : i32
      %dma_wait3A_38 = arith.constant 0 : i32
      %dma_wait3A_39 = tpu.memref_slice %arg11[%dma_wait3A, %dma_wait3A_38] : memref<128x32xf32, #tpu.memory_space<vmem>> -> memref<32x32xf32, #tpu.memory_space<vmem>>
      %dma_wait3A_40 = arith.constant 0 : i32
      %dma_wait3A_41 = tpu.memref_slice %arg12[%add3A_14, %dma_wait3A_40] : memref<25088x32xf32, #tpu.memory_space<vmem_shared>> -> memref<32x32xf32, #tpu.memory_space<vmem_shared>>
      %dma_wait3A_42 = arith.constant 0 : i32
      %dma_wait3A_43 = tpu.memref_slice %arg12[%add3A_14, %dma_wait3A_42] : memref<25088x32xf32, #tpu.memory_space<vmem_shared>> -> memref<32x32xf32, #tpu.memory_space<vmem_shared>>
      %dma_wait3A_44 = arith.constant 0 : i32
      %dma_wait3A_45 = arith.constant 0 : i32
      %dma_wait3A_46 = tpu.memref_slice %arg11[%dma_wait3A_44, %dma_wait3A_45] : memref<128x32xf32, #tpu.memory_space<vmem>> -> memref<32x32xf32, #tpu.memory_space<vmem>>
      tpu.wait_dma2 semaphore(%run_scoped3A : memref<!tpu.dma_semaphore, #tpu.memory_space<semaphore_mem>>) src(%dma_wait3A_46 : memref<32x32xf32, #tpu.memory_space<vmem>>) dst(%dma_wait3A_43 : memref<32x32xf32, #tpu.memory_space<vmem_shared>>)
      tpu.yield
    }) : () -> ()
    %barrier3A = arith.constant 0 : index
    tpu.barrier barrier_id(%barrier3A)
    %get3A = arith.constant 0 : index
    %get3A_15 = tpu.vector_load %arg7[%get3A] {strides = array<i32>} : memref<16xi32, #tpu.memory_space<vmem>>, vector<16xi32>,
    %get3A_16 = vector.shape_cast %get3A_15 : vector<16xi32> to vector<16xi32>
    %slice3A = vector.extract_strided_slice %get3A_16 {offsets = [0], sizes = [1], strides = [1]} : vector<16xi32> to vector<1xi32>
    %squeeze3A = vector.extract %slice3A[0] : i32 from vector<1xi32>
    %while3A = arith.constant 0 : i32
    %while3A_17 = arith.constant 0 : i32
    %while3A_18 = arith.subi %squeeze3A, %while3A : i32
    %while3A_19 = arith.addi %while3A, %while3A_18 : i32
    %while3A_20 = arith.constant 1 : i32
    %while3A_21 = arith.divsi %while3A_18, %while3A_20 : i32
    %while3A_22 = arith.muli %while3A_21, %while3A_20 : i32
    %while3A_23 = arith.addi %while3A, %while3A_22 : i32
    %while3A_24 = arith.constant 1 : i32
    %while3A_25 = scf.for %while3A_29 = %while3A to %while3A_23 step %while3A_24 iter_args(%while3A_30 = %while3A_17) -> (i32)  : i32 {
      %mul3A_31 = arith.constant 16 : i32
      %mul3A_32 = arith.muli %while3A_29, %mul3A_31 : i32
      %add3A_33 = arith.addi %arg1, %mul3A_32 : i32
      "tpu.region"() ({
        %run_scoped3A = tpu.sem_alloc : memref<!tpu.dma_semaphore, #tpu.memory_space<semaphore_mem>>
        %dma_start3A_417 = arith.constant 0 : i32
        %dma_start3A_418 = arith.constant 0 : i32
        %dma_start3A_419 = arith.constant 0 : i32
        %dma_start3A_420 = tpu.memref_slice %arg2[%arg0, %dma_start3A_417, %dma_start3A_418, %dma_start3A_419] : memref<2x784x8x128xi32, #tpu.memory_space<hbm>> -> memref<1x784x8x128xi32, #tpu.memory_space<hbm>>
        %dma_start3A_421 = tpu.memref_squeeze %dma_start3A_420 : memref<1x784x8x128xi32, #tpu.memory_space<hbm>> -> memref<784x8x128xi32, #tpu.memory_space<hbm>>
        %dma_start3A_422 = arith.constant 0 : i32
        %dma_start3A_423 = arith.constant 0 : i32
        %dma_start3A_424 = tpu.memref_slice %dma_start3A_421[%add3A_33, %dma_start3A_422, %dma_start3A_423] : memref<784x8x128xi32, #tpu.memory_space<hbm>> -> memref<1x8x128xi32, #tpu.memory_space<hbm>>
        %dma_start3A_425 = tpu.memref_squeeze %dma_start3A_424 : memref<1x8x128xi32, #tpu.memory_space<hbm>> -> memref<8x128xi32, #tpu.memory_space<hbm>>
        %dma_start3A_426 = arith.constant 0 : i32
        %dma_start3A_427 = arith.constant 0 : i32
        %dma_start3A_428 = arith.constant 0 : i32
        %dma_start3A_429 = tpu.memref_slice %arg2[%arg0, %dma_start3A_426, %dma_start3A_427, %dma_start3A_428] : memref<2x784x8x128xi32, #tpu.memory_space<hbm>> -> memref<1x784x8x128xi32, #tpu.memory_space<hbm>>
        %dma_start3A_430 = tpu.memref_squeeze %dma_start3A_429 : memref<1x784x8x128xi32, #tpu.memory_space<hbm>> -> memref<784x8x128xi32, #tpu.memory_space<hbm>>
        %dma_start3A_431 = arith.constant 0 : i32
        %dma_start3A_432 = arith.constant 0 : i32
        %dma_start3A_433 = tpu.memref_slice %dma_start3A_430[%add3A_33, %dma_start3A_431, %dma_start3A_432] : memref<784x8x128xi32, #tpu.memory_space<hbm>> -> memref<1x8x128xi32, #tpu.memory_space<hbm>>
        %dma_start3A_434 = tpu.memref_squeeze %dma_start3A_433 : memref<1x8x128xi32, #tpu.memory_space<hbm>> -> memref<8x128xi32, #tpu.memory_space<hbm>>
        tpu.enqueue_dma source(%dma_start3A_434 : memref<8x128xi32, #tpu.memory_space<hbm>>) target(%arg8 : memref<8x128xi32, #tpu.memory_space<vmem>>) target_semaphore(%run_scoped3A : memref<!tpu.dma_semaphore, #tpu.memory_space<semaphore_mem>>)
        %dma_wait3A_435 = arith.constant 0 : i32
        %dma_wait3A_436 = arith.constant 0 : i32
        %dma_wait3A_437 = arith.constant 0 : i32
        %dma_wait3A_438 = tpu.memref_slice %arg2[%arg0, %dma_wait3A_435, %dma_wait3A_436, %dma_wait3A_437] : memref<2x784x8x128xi32, #tpu.memory_space<hbm>> -> memref<1x784x8x128xi32, #tpu.memory_space<hbm>>
        %dma_wait3A_439 = tpu.memref_squeeze %dma_wait3A_438 : memref<1x784x8x128xi32, #tpu.memory_space<hbm>> -> memref<784x8x128xi32, #tpu.memory_space<hbm>>
        %dma_wait3A_440 = arith.constant 0 : i32
        %dma_wait3A_441 = arith.constant 0 : i32
        %dma_wait3A_442 = tpu.memref_slice %dma_wait3A_439[%add3A_33, %dma_wait3A_440, %dma_wait3A_441] : memref<784x8x128xi32, #tpu.memory_space<hbm>> -> memref<1x8x128xi32, #tpu.memory_space<hbm>>
        %dma_wait3A_443 = tpu.memref_squeeze %dma_wait3A_442 : memref<1x8x128xi32, #tpu.memory_space<hbm>> -> memref<8x128xi32, #tpu.memory_space<hbm>>
        %dma_wait3A_444 = arith.constant 0 : i32
        %dma_wait3A_445 = arith.constant 0 : i32
        %dma_wait3A_446 = arith.constant 0 : i32
        %dma_wait3A_447 = tpu.memref_slice %arg2[%arg0, %dma_wait3A_444, %dma_wait3A_445, %dma_wait3A_446] : memref<2x784x8x128xi32, #tpu.memory_space<hbm>> -> memref<1x784x8x128xi32, #tpu.memory_space<hbm>>
        %dma_wait3A_448 = tpu.memref_squeeze %dma_wait3A_447 : memref<1x784x8x128xi32, #tpu.memory_space<hbm>> -> memref<784x8x128xi32, #tpu.memory_space<hbm>>
        %dma_wait3A_449 = arith.constant 0 : i32
        %dma_wait3A_450 = arith.constant 0 : i32
        %dma_wait3A_451 = tpu.memref_slice %dma_wait3A_448[%add3A_33, %dma_wait3A_449, %dma_wait3A_450] : memref<784x8x128xi32, #tpu.memory_space<hbm>> -> memref<1x8x128xi32, #tpu.memory_space<hbm>>
        %dma_wait3A_452 = tpu.memref_squeeze %dma_wait3A_451 : memref<1x8x128xi32, #tpu.memory_space<hbm>> -> memref<8x128xi32, #tpu.memory_space<hbm>>
        tpu.wait_dma2 semaphore(%run_scoped3A : memref<!tpu.dma_semaphore, #tpu.memory_space<semaphore_mem>>) src(%dma_wait3A_452 : memref<8x128xi32, #tpu.memory_space<hbm>>) dst(%arg8 : memref<8x128xi32, #tpu.memory_space<vmem>>)
        tpu.yield
      }) : () -> ()
      "tpu.region"() ({
        %run_scoped3A = tpu.sem_alloc : memref<!tpu.dma_semaphore, #tpu.memory_space<semaphore_mem>>
        %dma_start3A_417 = arith.constant 0 : i32
        %dma_start3A_418 = arith.constant 0 : i32
        %dma_start3A_419 = arith.constant 0 : i32
        %dma_start3A_420 = tpu.memref_slice %arg3[%arg0, %dma_start3A_417, %dma_start3A_418, %dma_start3A_419] : memref<2x784x8x128xi32, #tpu.memory_space<hbm>> -> memref<1x784x8x128xi32, #tpu.memory_space<hbm>>
        %dma_start3A_421 = tpu.memref_squeeze %dma_start3A_420 : memref<1x784x8x128xi32, #tpu.memory_space<hbm>> -> memref<784x8x128xi32, #tpu.memory_space<hbm>>
        %dma_start3A_422 = arith.constant 0 : i32
        %dma_start3A_423 = arith.constant 0 : i32
        %dma_start3A_424 = tpu.memref_slice %dma_start3A_421[%add3A_33, %dma_start3A_422, %dma_start3A_423] : memref<784x8x128xi32, #tpu.memory_space<hbm>> -> memref<1x8x128xi32, #tpu.memory_space<hbm>>
        %dma_start3A_425 = tpu.memref_squeeze %dma_start3A_424 : memref<1x8x128xi32, #tpu.memory_space<hbm>> -> memref<8x128xi32, #tpu.memory_space<hbm>>
        %dma_start3A_426 = arith.constant 0 : i32
        %dma_start3A_427 = arith.constant 0 : i32
        %dma_start3A_428 = arith.constant 0 : i32
        %dma_start3A_429 = tpu.memref_slice %arg3[%arg0, %dma_start3A_426, %dma_start3A_427, %dma_start3A_428] : memref<2x784x8x128xi32, #tpu.memory_space<hbm>> -> memref<1x784x8x128xi32, #tpu.memory_space<hbm>>
        %dma_start3A_430 = tpu.memref_squeeze %dma_start3A_429 : memref<1x784x8x128xi32, #tpu.memory_space<hbm>> -> memref<784x8x128xi32, #tpu.memory_space<hbm>>
        %dma_start3A_431 = arith.constant 0 : i32
        %dma_start3A_432 = arith.constant 0 : i32
        %dma_start3A_433 = tpu.memref_slice %dma_start3A_430[%add3A_33, %dma_start3A_431, %dma_start3A_432] : memref<784x8x128xi32, #tpu.memory_space<hbm>> -> memref<1x8x128xi32, #tpu.memory_space<hbm>>
        %dma_start3A_434 = tpu.memref_squeeze %dma_start3A_433 : memref<1x8x128xi32, #tpu.memory_space<hbm>> -> memref<8x128xi32, #tpu.memory_space<hbm>>
        tpu.enqueue_dma source(%dma_start3A_434 : memref<8x128xi32, #tpu.memory_space<hbm>>) target(%arg9 : memref<8x128xi32, #tpu.memory_space<vmem>>) target_semaphore(%run_scoped3A : memref<!tpu.dma_semaphore, #tpu.memory_space<semaphore_mem>>)
        %dma_wait3A_435 = arith.constant 0 : i32
        %dma_wait3A_436 = arith.constant 0 : i32
        %dma_wait3A_437 = arith.constant 0 : i32
        %dma_wait3A_438 = tpu.memref_slice %arg3[%arg0, %dma_wait3A_435, %dma_wait3A_436, %dma_wait3A_437] : memref<2x784x8x128xi32, #tpu.memory_space<hbm>> -> memref<1x784x8x128xi32, #tpu.memory_space<hbm>>
        %dma_wait3A_439 = tpu.memref_squeeze %dma_wait3A_438 : memref<1x784x8x128xi32, #tpu.memory_space<hbm>> -> memref<784x8x128xi32, #tpu.memory_space<hbm>>
        %dma_wait3A_440 = arith.constant 0 : i32
        %dma_wait3A_441 = arith.constant 0 : i32
        %dma_wait3A_442 = tpu.memref_slice %dma_wait3A_439[%add3A_33, %dma_wait3A_440, %dma_wait3A_441] : memref<784x8x128xi32, #tpu.memory_space<hbm>> -> memref<1x8x128xi32, #tpu.memory_space<hbm>>
        %dma_wait3A_443 = tpu.memref_squeeze %dma_wait3A_442 : memref<1x8x128xi32, #tpu.memory_space<hbm>> -> memref<8x128xi32, #tpu.memory_space<hbm>>
        %dma_wait3A_444 = arith.constant 0 : i32
        %dma_wait3A_445 = arith.constant 0 : i32
        %dma_wait3A_446 = arith.constant 0 : i32
        %dma_wait3A_447 = tpu.memref_slice %arg3[%arg0, %dma_wait3A_444, %dma_wait3A_445, %dma_wait3A_446] : memref<2x784x8x128xi32, #tpu.memory_space<hbm>> -> memref<1x784x8x128xi32, #tpu.memory_space<hbm>>
        %dma_wait3A_448 = tpu.memref_squeeze %dma_wait3A_447 : memref<1x784x8x128xi32, #tpu.memory_space<hbm>> -> memref<784x8x128xi32, #tpu.memory_space<hbm>>
        %dma_wait3A_449 = arith.constant 0 : i32
        %dma_wait3A_450 = arith.constant 0 : i32
        %dma_wait3A_451 = tpu.memref_slice %dma_wait3A_448[%add3A_33, %dma_wait3A_449, %dma_wait3A_450] : memref<784x8x128xi32, #tpu.memory_space<hbm>> -> memref<1x8x128xi32, #tpu.memory_space<hbm>>
        %dma_wait3A_452 = tpu.memref_squeeze %dma_wait3A_451 : memref<1x8x128xi32, #tpu.memory_space<hbm>> -> memref<8x128xi32, #tpu.memory_space<hbm>>
        tpu.wait_dma2 semaphore(%run_scoped3A : memref<!tpu.dma_semaphore, #tpu.memory_space<semaphore_mem>>) src(%dma_wait3A_452 : memref<8x128xi32, #tpu.memory_space<hbm>>) dst(%arg9 : memref<8x128xi32, #tpu.memory_space<vmem>>)
        tpu.yield
      }) : () -> ()
      %dma_start3A = arith.constant 0 : i32
      %dma_start3A_34 = arith.constant 0 : i32
      %dma_start3A_35 = arith.constant 0 : i32
      %dma_start3A_36 = arith.constant 0 : i32
      %dma_start3A_37 = tpu.memref_slice %arg10[%dma_start3A_34, %dma_start3A_35, %dma_start3A_36] : memref<8x128x32xf32, #tpu.memory_space<vmem>> -> memref<1x128x32xf32, #tpu.memory_space<vmem>>
      %dma_start3A_38 = tpu.memref_squeeze %dma_start3A_37 : memref<1x128x32xf32, #tpu.memory_space<vmem>> -> memref<128x32xf32, #tpu.memory_space<vmem>>
      %dma_start3A_39 = arith.constant 0 : i32
      %dma_start3A_40 = tpu.memref_slice %arg8[%dma_start3A, %dma_start3A_39] : memref<8x128xi32, #tpu.memory_space<vmem>> -> memref<1x128xi32, #tpu.memory_space<vmem>>
      %dma_start3A_41 = tpu.memref_squeeze %dma_start3A_40 : memref<1x128xi32, #tpu.memory_space<vmem>> -> memref<128xi32, #tpu.memory_space<vmem>>
      %dma_start3A_42 = arith.constant 0 : i32
      %dma_start3A_43 = arith.constant 0 : i32
      %dma_start3A_44 = tpu.memref_slice %arg5[%dma_start3A_42, %dma_start3A_43] : memref<50000x32xf32, #tpu.memory_space<hbm>> -> memref<50000x32xf32, #tpu.memory_space<hbm>>
      tpu.enqueue_indirect_dma source(%dma_start3A_44 : memref<50000x32xf32, #tpu.memory_space<hbm>>) target(%dma_start3A_38 : memref<128x32xf32, #tpu.memory_space<vmem>>) offsets(%dma_start3A_41 : memref<128xi32, #tpu.memory_space<vmem>>) semaphore(%arg13 : memref<!tpu.dma_semaphore, #tpu.memory_space<semaphore_mem>>)
      %dma_start3A_45 = arith.constant 1 : i32
      %dma_start3A_46 = arith.constant 1 : i32
      %dma_start3A_47 = arith.constant 0 : i32
      %dma_start3A_48 = arith.constant 0 : i32
      %dma_start3A_49 = tpu.memref_slice %arg10[%dma_start3A_46, %dma_start3A_47, %dma_start3A_48] : memref<8x128x32xf32, #tpu.memory_space<vmem>> -> memref<1x128x32xf32, #tpu.memory_space<vmem>>
      %dma_start3A_50 = tpu.memref_squeeze %dma_start3A_49 : memref<1x128x32xf32, #tpu.memory_space<vmem>> -> memref<128x32xf32, #tpu.memory_space<vmem>>
      %dma_start3A_51 = arith.constant 0 : i32
      %dma_start3A_52 = tpu.memref_slice %arg8[%dma_start3A_45, %dma_start3A_51] : memref<8x128xi32, #tpu.memory_space<vmem>> -> memref<1x128xi32, #tpu.memory_space<vmem>>
      %dma_start3A_53 = tpu.memref_squeeze %dma_start3A_52 : memref<1x128xi32, #tpu.memory_space<vmem>> -> memref<128xi32, #tpu.memory_space<vmem>>
      %dma_start3A_54 = arith.constant 0 : i32
      %dma_start3A_55 = arith.constant 0 : i32
      %dma_start3A_56 = tpu.memref_slice %arg5[%dma_start3A_54, %dma_start3A_55] : memref<50000x32xf32, #tpu.memory_space<hbm>> -> memref<50000x32xf32, #tpu.memory_space<hbm>>
      tpu.enqueue_indirect_dma source(%dma_start3A_56 : memref<50000x32xf32, #tpu.memory_space<hbm>>) target(%dma_start3A_50 : memref<128x32xf32, #tpu.memory_space<vmem>>) offsets(%dma_start3A_53 : memref<128xi32, #tpu.memory_space<vmem>>) semaphore(%arg14 : memref<!tpu.dma_semaphore, #tpu.memory_space<semaphore_mem>>)
      %dma_start3A_57 = arith.constant 2 : i32
      %dma_start3A_58 = arith.constant 2 : i32
      %dma_start3A_59 = arith.constant 0 : i32
      %dma_start3A_60 = arith.constant 0 : i32
      %dma_start3A_61 = tpu.memref_slice %arg10[%dma_start3A_58, %dma_start3A_59, %dma_start3A_60] : memref<8x128x32xf32, #tpu.memory_space<vmem>> -> memref<1x128x32xf32, #tpu.memory_space<vmem>>
      %dma_start3A_62 = tpu.memref_squeeze %dma_start3A_61 : memref<1x128x32xf32, #tpu.memory_space<vmem>> -> memref<128x32xf32, #tpu.memory_space<vmem>>
      %dma_start3A_63 = arith.constant 0 : i32
      %dma_start3A_64 = tpu.memref_slice %arg8[%dma_start3A_57, %dma_start3A_63] : memref<8x128xi32, #tpu.memory_space<vmem>> -> memref<1x128xi32, #tpu.memory_space<vmem>>
      %dma_start3A_65 = tpu.memref_squeeze %dma_start3A_64 : memref<1x128xi32, #tpu.memory_space<vmem>> -> memref<128xi32, #tpu.memory_space<vmem>>
      %dma_start3A_66 = arith.constant 0 : i32
      %dma_start3A_67 = arith.constant 0 : i32
      %dma_start3A_68 = tpu.memref_slice %arg5[%dma_start3A_66, %dma_start3A_67] : memref<50000x32xf32, #tpu.memory_space<hbm>> -> memref<50000x32xf32, #tpu.memory_space<hbm>>
      tpu.enqueue_indirect_dma source(%dma_start3A_68 : memref<50000x32xf32, #tpu.memory_space<hbm>>) target(%dma_start3A_62 : memref<128x32xf32, #tpu.memory_space<vmem>>) offsets(%dma_start3A_65 : memref<128xi32, #tpu.memory_space<vmem>>) semaphore(%arg15 : memref<!tpu.dma_semaphore, #tpu.memory_space<semaphore_mem>>)
      %dma_start3A_69 = arith.constant 3 : i32
      %dma_start3A_70 = arith.constant 3 : i32
      %dma_start3A_71 = arith.constant 0 : i32
      %dma_start3A_72 = arith.constant 0 : i32
      %dma_start3A_73 = tpu.memref_slice %arg10[%dma_start3A_70, %dma_start3A_71, %dma_start3A_72] : memref<8x128x32xf32, #tpu.memory_space<vmem>> -> memref<1x128x32xf32, #tpu.memory_space<vmem>>
      %dma_start3A_74 = tpu.memref_squeeze %dma_start3A_73 : memref<1x128x32xf32, #tpu.memory_space<vmem>> -> memref<128x32xf32, #tpu.memory_space<vmem>>
      %dma_start3A_75 = arith.constant 0 : i32
      %dma_start3A_76 = tpu.memref_slice %arg8[%dma_start3A_69, %dma_start3A_75] : memref<8x128xi32, #tpu.memory_space<vmem>> -> memref<1x128xi32, #tpu.memory_space<vmem>>
      %dma_start3A_77 = tpu.memref_squeeze %dma_start3A_76 : memref<1x128xi32, #tpu.memory_space<vmem>> -> memref<128xi32, #tpu.memory_space<vmem>>
      %dma_start3A_78 = arith.constant 0 : i32
      %dma_start3A_79 = arith.constant 0 : i32
      %dma_start3A_80 = tpu.memref_slice %arg5[%dma_start3A_78, %dma_start3A_79] : memref<50000x32xf32, #tpu.memory_space<hbm>> -> memref<50000x32xf32, #tpu.memory_space<hbm>>
      tpu.enqueue_indirect_dma source(%dma_start3A_80 : memref<50000x32xf32, #tpu.memory_space<hbm>>) target(%dma_start3A_74 : memref<128x32xf32, #tpu.memory_space<vmem>>) offsets(%dma_start3A_77 : memref<128xi32, #tpu.memory_space<vmem>>) semaphore(%arg16 : memref<!tpu.dma_semaphore, #tpu.memory_space<semaphore_mem>>)
      %dma_start3A_81 = arith.constant 4 : i32
      %dma_start3A_82 = arith.constant 4 : i32
      %dma_start3A_83 = arith.constant 0 : i32
      %dma_start3A_84 = arith.constant 0 : i32
      %dma_start3A_85 = tpu.memref_slice %arg10[%dma_start3A_82, %dma_start3A_83, %dma_start3A_84] : memref<8x128x32xf32, #tpu.memory_space<vmem>> -> memref<1x128x32xf32, #tpu.memory_space<vmem>>
      %dma_start3A_86 = tpu.memref_squeeze %dma_start3A_85 : memref<1x128x32xf32, #tpu.memory_space<vmem>> -> memref<128x32xf32, #tpu.memory_space<vmem>>
      %dma_start3A_87 = arith.constant 0 : i32
      %dma_start3A_88 = tpu.memref_slice %arg8[%dma_start3A_81, %dma_start3A_87] : memref<8x128xi32, #tpu.memory_space<vmem>> -> memref<1x128xi32, #tpu.memory_space<vmem>>
      %dma_start3A_89 = tpu.memref_squeeze %dma_start3A_88 : memref<1x128xi32, #tpu.memory_space<vmem>> -> memref<128xi32, #tpu.memory_space<vmem>>
      %dma_start3A_90 = arith.constant 0 : i32
      %dma_start3A_91 = arith.constant 0 : i32
      %dma_start3A_92 = tpu.memref_slice %arg5[%dma_start3A_90, %dma_start3A_91] : memref<50000x32xf32, #tpu.memory_space<hbm>> -> memref<50000x32xf32, #tpu.memory_space<hbm>>
      tpu.enqueue_indirect_dma source(%dma_start3A_92 : memref<50000x32xf32, #tpu.memory_space<hbm>>) target(%dma_start3A_86 : memref<128x32xf32, #tpu.memory_space<vmem>>) offsets(%dma_start3A_89 : memref<128xi32, #tpu.memory_space<vmem>>) semaphore(%arg17 : memref<!tpu.dma_semaphore, #tpu.memory_space<semaphore_mem>>)
      %dma_start3A_93 = arith.constant 5 : i32
      %dma_start3A_94 = arith.constant 5 : i32
      %dma_start3A_95 = arith.constant 0 : i32
      %dma_start3A_96 = arith.constant 0 : i32
      %dma_start3A_97 = tpu.memref_slice %arg10[%dma_start3A_94, %dma_start3A_95, %dma_start3A_96] : memref<8x128x32xf32, #tpu.memory_space<vmem>> -> memref<1x128x32xf32, #tpu.memory_space<vmem>>
      %dma_start3A_98 = tpu.memref_squeeze %dma_start3A_97 : memref<1x128x32xf32, #tpu.memory_space<vmem>> -> memref<128x32xf32, #tpu.memory_space<vmem>>
      %dma_start3A_99 = arith.constant 0 : i32
      %dma_start3A_100 = tpu.memref_slice %arg8[%dma_start3A_93, %dma_start3A_99] : memref<8x128xi32, #tpu.memory_space<vmem>> -> memref<1x128xi32, #tpu.memory_space<vmem>>
      %dma_start3A_101 = tpu.memref_squeeze %dma_start3A_100 : memref<1x128xi32, #tpu.memory_space<vmem>> -> memref<128xi32, #tpu.memory_space<vmem>>
      %dma_start3A_102 = arith.constant 0 : i32
      %dma_start3A_103 = arith.constant 0 : i32
      %dma_start3A_104 = tpu.memref_slice %arg5[%dma_start3A_102, %dma_start3A_103] : memref<50000x32xf32, #tpu.memory_space<hbm>> -> memref<50000x32xf32, #tpu.memory_space<hbm>>
      tpu.enqueue_indirect_dma source(%dma_start3A_104 : memref<50000x32xf32, #tpu.memory_space<hbm>>) target(%dma_start3A_98 : memref<128x32xf32, #tpu.memory_space<vmem>>) offsets(%dma_start3A_101 : memref<128xi32, #tpu.memory_space<vmem>>) semaphore(%arg18 : memref<!tpu.dma_semaphore, #tpu.memory_space<semaphore_mem>>)
      %dma_start3A_105 = arith.constant 6 : i32
      %dma_start3A_106 = arith.constant 6 : i32
      %dma_start3A_107 = arith.constant 0 : i32
      %dma_start3A_108 = arith.constant 0 : i32
      %dma_start3A_109 = tpu.memref_slice %arg10[%dma_start3A_106, %dma_start3A_107, %dma_start3A_108] : memref<8x128x32xf32, #tpu.memory_space<vmem>> -> memref<1x128x32xf32, #tpu.memory_space<vmem>>
      %dma_start3A_110 = tpu.memref_squeeze %dma_start3A_109 : memref<1x128x32xf32, #tpu.memory_space<vmem>> -> memref<128x32xf32, #tpu.memory_space<vmem>>
      %dma_start3A_111 = arith.constant 0 : i32
      %dma_start3A_112 = tpu.memref_slice %arg8[%dma_start3A_105, %dma_start3A_111] : memref<8x128xi32, #tpu.memory_space<vmem>> -> memref<1x128xi32, #tpu.memory_space<vmem>>
      %dma_start3A_113 = tpu.memref_squeeze %dma_start3A_112 : memref<1x128xi32, #tpu.memory_space<vmem>> -> memref<128xi32, #tpu.memory_space<vmem>>
      %dma_start3A_114 = arith.constant 0 : i32
      %dma_start3A_115 = arith.constant 0 : i32
      %dma_start3A_116 = tpu.memref_slice %arg5[%dma_start3A_114, %dma_start3A_115] : memref<50000x32xf32, #tpu.memory_space<hbm>> -> memref<50000x32xf32, #tpu.memory_space<hbm>>
      tpu.enqueue_indirect_dma source(%dma_start3A_116 : memref<50000x32xf32, #tpu.memory_space<hbm>>) target(%dma_start3A_110 : memref<128x32xf32, #tpu.memory_space<vmem>>) offsets(%dma_start3A_113 : memref<128xi32, #tpu.memory_space<vmem>>) semaphore(%arg19 : memref<!tpu.dma_semaphore, #tpu.memory_space<semaphore_mem>>)
      %dma_start3A_117 = arith.constant 7 : i32
      %dma_start3A_118 = arith.constant 7 : i32
      %dma_start3A_119 = arith.constant 0 : i32
      %dma_start3A_120 = arith.constant 0 : i32
      %dma_start3A_121 = tpu.memref_slice %arg10[%dma_start3A_118, %dma_start3A_119, %dma_start3A_120] : memref<8x128x32xf32, #tpu.memory_space<vmem>> -> memref<1x128x32xf32, #tpu.memory_space<vmem>>
      %dma_start3A_122 = tpu.memref_squeeze %dma_start3A_121 : memref<1x128x32xf32, #tpu.memory_space<vmem>> -> memref<128x32xf32, #tpu.memory_space<vmem>>
      %dma_start3A_123 = arith.constant 0 : i32
      %dma_start3A_124 = tpu.memref_slice %arg8[%dma_start3A_117, %dma_start3A_123] : memref<8x128xi32, #tpu.memory_space<vmem>> -> memref<1x128xi32, #tpu.memory_space<vmem>>
      %dma_start3A_125 = tpu.memref_squeeze %dma_start3A_124 : memref<1x128xi32, #tpu.memory_space<vmem>> -> memref<128xi32, #tpu.memory_space<vmem>>
      %dma_start3A_126 = arith.constant 0 : i32
      %dma_start3A_127 = arith.constant 0 : i32
      %dma_start3A_128 = tpu.memref_slice %arg5[%dma_start3A_126, %dma_start3A_127] : memref<50000x32xf32, #tpu.memory_space<hbm>> -> memref<50000x32xf32, #tpu.memory_space<hbm>>
      tpu.enqueue_indirect_dma source(%dma_start3A_128 : memref<50000x32xf32, #tpu.memory_space<hbm>>) target(%dma_start3A_122 : memref<128x32xf32, #tpu.memory_space<vmem>>) offsets(%dma_start3A_125 : memref<128xi32, #tpu.memory_space<vmem>>) semaphore(%arg20 : memref<!tpu.dma_semaphore, #tpu.memory_space<semaphore_mem>>)
      %dma_wait3A = arith.constant 0 : i32
      %dma_wait3A_129 = arith.constant 0 : i32
      %dma_wait3A_130 = arith.constant 0 : i32
      %dma_wait3A_131 = arith.constant 0 : i32
      %dma_wait3A_132 = tpu.memref_slice %arg10[%dma_wait3A_129, %dma_wait3A_130, %dma_wait3A_131] : memref<8x128x32xf32, #tpu.memory_space<vmem>> -> memref<1x128x32xf32, #tpu.memory_space<vmem>>
      %dma_wait3A_133 = tpu.memref_squeeze %dma_wait3A_132 : memref<1x128x32xf32, #tpu.memory_space<vmem>> -> memref<128x32xf32, #tpu.memory_space<vmem>>
      %dma_wait3A_134 = arith.constant 0 : i32
      %dma_wait3A_135 = tpu.memref_slice %arg8[%dma_wait3A, %dma_wait3A_134] : memref<8x128xi32, #tpu.memory_space<vmem>> -> memref<1x128xi32, #tpu.memory_space<vmem>>
      %dma_wait3A_136 = tpu.memref_squeeze %dma_wait3A_135 : memref<1x128xi32, #tpu.memory_space<vmem>> -> memref<128xi32, #tpu.memory_space<vmem>>
      %dma_wait3A_137 = arith.constant 0 : i32
      %dma_wait3A_138 = arith.constant 0 : i32
      %dma_wait3A_139 = tpu.memref_slice %arg5[%dma_wait3A_137, %dma_wait3A_138] : memref<50000x32xf32, #tpu.memory_space<hbm>> -> memref<50000x32xf32, #tpu.memory_space<hbm>>
      tpu.wait_indirect_dma semaphore(%arg13 : memref<!tpu.dma_semaphore, #tpu.memory_space<semaphore_mem>>) src(%dma_wait3A_139 : memref<50000x32xf32, #tpu.memory_space<hbm>>) dst(%dma_wait3A_133 : memref<128x32xf32, #tpu.memory_space<vmem>>)
      %dma_start3A_140 = arith.constant 0 : i32
      %dma_start3A_141 = arith.constant 0 : i32
      %dma_start3A_142 = arith.constant 0 : i32
      %dma_start3A_143 = arith.constant 0 : i32
      %dma_start3A_144 = tpu.memref_slice %arg10[%dma_start3A_140, %dma_start3A_142, %dma_start3A_143] : memref<8x128x32xf32, #tpu.memory_space<vmem>> -> memref<1x128x32xf32, #tpu.memory_space<vmem>>
      %dma_start3A_145 = tpu.memref_squeeze %dma_start3A_144 : memref<1x128x32xf32, #tpu.memory_space<vmem>> -> memref<128x32xf32, #tpu.memory_space<vmem>>
      %dma_start3A_146 = arith.constant 0 : i32
      %dma_start3A_147 = tpu.memref_slice %arg9[%dma_start3A_141, %dma_start3A_146] : memref<8x128xi32, #tpu.memory_space<vmem>> -> memref<1x128xi32, #tpu.memory_space<vmem>>
      %dma_start3A_148 = tpu.memref_squeeze %dma_start3A_147 : memref<1x128xi32, #tpu.memory_space<vmem>> -> memref<128xi32, #tpu.memory_space<vmem>>
      %dma_start3A_149 = arith.constant 0 : i32
      %dma_start3A_150 = arith.constant 0 : i32
      %dma_start3A_151 = tpu.memref_slice %arg12[%dma_start3A_149, %dma_start3A_150] : memref<25088x32xf32, #tpu.memory_space<vmem_shared>> -> memref<25088x32xf32, #tpu.memory_space<vmem_shared>>
      tpu.enqueue_indirect_dma source(%dma_start3A_145 : memref<128x32xf32, #tpu.memory_space<vmem>>) target(%dma_start3A_151 : memref<25088x32xf32, #tpu.memory_space<vmem_shared>>) offsets(%dma_start3A_148 : memref<128xi32, #tpu.memory_space<vmem>>) semaphore(%arg21 : memref<!tpu.dma_semaphore, #tpu.memory_space<semaphore_mem>>) {add = true}
      %dma_wait3A_152 = arith.constant 1 : i32
      %dma_wait3A_153 = arith.constant 1 : i32
      %dma_wait3A_154 = arith.constant 0 : i32
      %dma_wait3A_155 = arith.constant 0 : i32
      %dma_wait3A_156 = tpu.memref_slice %arg10[%dma_wait3A_153, %dma_wait3A_154, %dma_wait3A_155] : memref<8x128x32xf32, #tpu.memory_space<vmem>> -> memref<1x128x32xf32, #tpu.memory_space<vmem>>
      %dma_wait3A_157 = tpu.memref_squeeze %dma_wait3A_156 : memref<1x128x32xf32, #tpu.memory_space<vmem>> -> memref<128x32xf32, #tpu.memory_space<vmem>>
      %dma_wait3A_158 = arith.constant 0 : i32
      %dma_wait3A_159 = tpu.memref_slice %arg8[%dma_wait3A_152, %dma_wait3A_158] : memref<8x128xi32, #tpu.memory_space<vmem>> -> memref<1x128xi32, #tpu.memory_space<vmem>>
      %dma_wait3A_160 = tpu.memref_squeeze %dma_wait3A_159 : memref<1x128xi32, #tpu.memory_space<vmem>> -> memref<128xi32, #tpu.memory_space<vmem>>
      %dma_wait3A_161 = arith.constant 0 : i32
      %dma_wait3A_162 = arith.constant 0 : i32
      %dma_wait3A_163 = tpu.memref_slice %arg5[%dma_wait3A_161, %dma_wait3A_162] : memref<50000x32xf32, #tpu.memory_space<hbm>> -> memref<50000x32xf32, #tpu.memory_space<hbm>>
      tpu.wait_indirect_dma semaphore(%arg14 : memref<!tpu.dma_semaphore, #tpu.memory_space<semaphore_mem>>) src(%dma_wait3A_163 : memref<50000x32xf32, #tpu.memory_space<hbm>>) dst(%dma_wait3A_157 : memref<128x32xf32, #tpu.memory_space<vmem>>)
      %dma_start3A_164 = arith.constant 1 : i32
      %dma_start3A_165 = arith.constant 1 : i32
      %dma_start3A_166 = arith.constant 0 : i32
      %dma_start3A_167 = arith.constant 0 : i32
      %dma_start3A_168 = tpu.memref_slice %arg10[%dma_start3A_164, %dma_start3A_166, %dma_start3A_167] : memref<8x128x32xf32, #tpu.memory_space<vmem>> -> memref<1x128x32xf32, #tpu.memory_space<vmem>>
      %dma_start3A_169 = tpu.memref_squeeze %dma_start3A_168 : memref<1x128x32xf32, #tpu.memory_space<vmem>> -> memref<128x32xf32, #tpu.memory_space<vmem>>
      %dma_start3A_170 = arith.constant 0 : i32
      %dma_start3A_171 = tpu.memref_slice %arg9[%dma_start3A_165, %dma_start3A_170] : memref<8x128xi32, #tpu.memory_space<vmem>> -> memref<1x128xi32, #tpu.memory_space<vmem>>
      %dma_start3A_172 = tpu.memref_squeeze %dma_start3A_171 : memref<1x128xi32, #tpu.memory_space<vmem>> -> memref<128xi32, #tpu.memory_space<vmem>>
      %dma_start3A_173 = arith.constant 0 : i32
      %dma_start3A_174 = arith.constant 0 : i32
      %dma_start3A_175 = tpu.memref_slice %arg12[%dma_start3A_173, %dma_start3A_174] : memref<25088x32xf32, #tpu.memory_space<vmem_shared>> -> memref<25088x32xf32, #tpu.memory_space<vmem_shared>>
      tpu.enqueue_indirect_dma source(%dma_start3A_169 : memref<128x32xf32, #tpu.memory_space<vmem>>) target(%dma_start3A_175 : memref<25088x32xf32, #tpu.memory_space<vmem_shared>>) offsets(%dma_start3A_172 : memref<128xi32, #tpu.memory_space<vmem>>) semaphore(%arg22 : memref<!tpu.dma_semaphore, #tpu.memory_space<semaphore_mem>>) {add = true}
      %dma_wait3A_176 = arith.constant 2 : i32
      %dma_wait3A_177 = arith.constant 2 : i32
      %dma_wait3A_178 = arith.constant 0 : i32
      %dma_wait3A_179 = arith.constant 0 : i32
      %dma_wait3A_180 = tpu.memref_slice %arg10[%dma_wait3A_177, %dma_wait3A_178, %dma_wait3A_179] : memref<8x128x32xf32, #tpu.memory_space<vmem>> -> memref<1x128x32xf32, #tpu.memory_space<vmem>>
      %dma_wait3A_181 = tpu.memref_squeeze %dma_wait3A_180 : memref<1x128x32xf32, #tpu.memory_space<vmem>> -> memref<128x32xf32, #tpu.memory_space<vmem>>
      %dma_wait3A_182 = arith.constant 0 : i32
      %dma_wait3A_183 = tpu.memref_slice %arg8[%dma_wait3A_176, %dma_wait3A_182] : memref<8x128xi32, #tpu.memory_space<vmem>> -> memref<1x128xi32, #tpu.memory_space<vmem>>
      %dma_wait3A_184 = tpu.memref_squeeze %dma_wait3A_183 : memref<1x128xi32, #tpu.memory_space<vmem>> -> memref<128xi32, #tpu.memory_space<vmem>>
      %dma_wait3A_185 = arith.constant 0 : i32
      %dma_wait3A_186 = arith.constant 0 : i32
      %dma_wait3A_187 = tpu.memref_slice %arg5[%dma_wait3A_185, %dma_wait3A_186] : memref<50000x32xf32, #tpu.memory_space<hbm>> -> memref<50000x32xf32, #tpu.memory_space<hbm>>
      tpu.wait_indirect_dma semaphore(%arg15 : memref<!tpu.dma_semaphore, #tpu.memory_space<semaphore_mem>>) src(%dma_wait3A_187 : memref<50000x32xf32, #tpu.memory_space<hbm>>) dst(%dma_wait3A_181 : memref<128x32xf32, #tpu.memory_space<vmem>>)
      %dma_start3A_188 = arith.constant 2 : i32
      %dma_start3A_189 = arith.constant 2 : i32
      %dma_start3A_190 = arith.constant 0 : i32
      %dma_start3A_191 = arith.constant 0 : i32
      %dma_start3A_192 = tpu.memref_slice %arg10[%dma_start3A_188, %dma_start3A_190, %dma_start3A_191] : memref<8x128x32xf32, #tpu.memory_space<vmem>> -> memref<1x128x32xf32, #tpu.memory_space<vmem>>
      %dma_start3A_193 = tpu.memref_squeeze %dma_start3A_192 : memref<1x128x32xf32, #tpu.memory_space<vmem>> -> memref<128x32xf32, #tpu.memory_space<vmem>>
      %dma_start3A_194 = arith.constant 0 : i32
      %dma_start3A_195 = tpu.memref_slice %arg9[%dma_start3A_189, %dma_start3A_194] : memref<8x128xi32, #tpu.memory_space<vmem>> -> memref<1x128xi32, #tpu.memory_space<vmem>>
      %dma_start3A_196 = tpu.memref_squeeze %dma_start3A_195 : memref<1x128xi32, #tpu.memory_space<vmem>> -> memref<128xi32, #tpu.memory_space<vmem>>
      %dma_start3A_197 = arith.constant 0 : i32
      %dma_start3A_198 = arith.constant 0 : i32
      %dma_start3A_199 = tpu.memref_slice %arg12[%dma_start3A_197, %dma_start3A_198] : memref<25088x32xf32, #tpu.memory_space<vmem_shared>> -> memref<25088x32xf32, #tpu.memory_space<vmem_shared>>
      tpu.enqueue_indirect_dma source(%dma_start3A_193 : memref<128x32xf32, #tpu.memory_space<vmem>>) target(%dma_start3A_199 : memref<25088x32xf32, #tpu.memory_space<vmem_shared>>) offsets(%dma_start3A_196 : memref<128xi32, #tpu.memory_space<vmem>>) semaphore(%arg23 : memref<!tpu.dma_semaphore, #tpu.memory_space<semaphore_mem>>) {add = true}
      %dma_wait3A_200 = arith.constant 3 : i32
      %dma_wait3A_201 = arith.constant 3 : i32
      %dma_wait3A_202 = arith.constant 0 : i32
      %dma_wait3A_203 = arith.constant 0 : i32
      %dma_wait3A_204 = tpu.memref_slice %arg10[%dma_wait3A_201, %dma_wait3A_202, %dma_wait3A_203] : memref<8x128x32xf32, #tpu.memory_space<vmem>> -> memref<1x128x32xf32, #tpu.memory_space<vmem>>
      %dma_wait3A_205 = tpu.memref_squeeze %dma_wait3A_204 : memref<1x128x32xf32, #tpu.memory_space<vmem>> -> memref<128x32xf32, #tpu.memory_space<vmem>>
      %dma_wait3A_206 = arith.constant 0 : i32
      %dma_wait3A_207 = tpu.memref_slice %arg8[%dma_wait3A_200, %dma_wait3A_206] : memref<8x128xi32, #tpu.memory_space<vmem>> -> memref<1x128xi32, #tpu.memory_space<vmem>>
      %dma_wait3A_208 = tpu.memref_squeeze %dma_wait3A_207 : memref<1x128xi32, #tpu.memory_space<vmem>> -> memref<128xi32, #tpu.memory_space<vmem>>
      %dma_wait3A_209 = arith.constant 0 : i32
      %dma_wait3A_210 = arith.constant 0 : i32
      %dma_wait3A_211 = tpu.memref_slice %arg5[%dma_wait3A_209, %dma_wait3A_210] : memref<50000x32xf32, #tpu.memory_space<hbm>> -> memref<50000x32xf32, #tpu.memory_space<hbm>>
      tpu.wait_indirect_dma semaphore(%arg16 : memref<!tpu.dma_semaphore, #tpu.memory_space<semaphore_mem>>) src(%dma_wait3A_211 : memref<50000x32xf32, #tpu.memory_space<hbm>>) dst(%dma_wait3A_205 : memref<128x32xf32, #tpu.memory_space<vmem>>)
      %dma_start3A_212 = arith.constant 3 : i32
      %dma_start3A_213 = arith.constant 3 : i32
      %dma_start3A_214 = arith.constant 0 : i32
      %dma_start3A_215 = arith.constant 0 : i32
      %dma_start3A_216 = tpu.memref_slice %arg10[%dma_start3A_212, %dma_start3A_214, %dma_start3A_215] : memref<8x128x32xf32, #tpu.memory_space<vmem>> -> memref<1x128x32xf32, #tpu.memory_space<vmem>>
      %dma_start3A_217 = tpu.memref_squeeze %dma_start3A_216 : memref<1x128x32xf32, #tpu.memory_space<vmem>> -> memref<128x32xf32, #tpu.memory_space<vmem>>
      %dma_start3A_218 = arith.constant 0 : i32
      %dma_start3A_219 = tpu.memref_slice %arg9[%dma_start3A_213, %dma_start3A_218] : memref<8x128xi32, #tpu.memory_space<vmem>> -> memref<1x128xi32, #tpu.memory_space<vmem>>
      %dma_start3A_220 = tpu.memref_squeeze %dma_start3A_219 : memref<1x128xi32, #tpu.memory_space<vmem>> -> memref<128xi32, #tpu.memory_space<vmem>>
      %dma_start3A_221 = arith.constant 0 : i32
      %dma_start3A_222 = arith.constant 0 : i32
      %dma_start3A_223 = tpu.memref_slice %arg12[%dma_start3A_221, %dma_start3A_222] : memref<25088x32xf32, #tpu.memory_space<vmem_shared>> -> memref<25088x32xf32, #tpu.memory_space<vmem_shared>>
      tpu.enqueue_indirect_dma source(%dma_start3A_217 : memref<128x32xf32, #tpu.memory_space<vmem>>) target(%dma_start3A_223 : memref<25088x32xf32, #tpu.memory_space<vmem_shared>>) offsets(%dma_start3A_220 : memref<128xi32, #tpu.memory_space<vmem>>) semaphore(%arg24 : memref<!tpu.dma_semaphore, #tpu.memory_space<semaphore_mem>>) {add = true}
      %dma_wait3A_224 = arith.constant 4 : i32
      %dma_wait3A_225 = arith.constant 4 : i32
      %dma_wait3A_226 = arith.constant 0 : i32
      %dma_wait3A_227 = arith.constant 0 : i32
      %dma_wait3A_228 = tpu.memref_slice %arg10[%dma_wait3A_225, %dma_wait3A_226, %dma_wait3A_227] : memref<8x128x32xf32, #tpu.memory_space<vmem>> -> memref<1x128x32xf32, #tpu.memory_space<vmem>>
      %dma_wait3A_229 = tpu.memref_squeeze %dma_wait3A_228 : memref<1x128x32xf32, #tpu.memory_space<vmem>> -> memref<128x32xf32, #tpu.memory_space<vmem>>
      %dma_wait3A_230 = arith.constant 0 : i32
      %dma_wait3A_231 = tpu.memref_slice %arg8[%dma_wait3A_224, %dma_wait3A_230] : memref<8x128xi32, #tpu.memory_space<vmem>> -> memref<1x128xi32, #tpu.memory_space<vmem>>
      %dma_wait3A_232 = tpu.memref_squeeze %dma_wait3A_231 : memref<1x128xi32, #tpu.memory_space<vmem>> -> memref<128xi32, #tpu.memory_space<vmem>>
      %dma_wait3A_233 = arith.constant 0 : i32
      %dma_wait3A_234 = arith.constant 0 : i32
      %dma_wait3A_235 = tpu.memref_slice %arg5[%dma_wait3A_233, %dma_wait3A_234] : memref<50000x32xf32, #tpu.memory_space<hbm>> -> memref<50000x32xf32, #tpu.memory_space<hbm>>
      tpu.wait_indirect_dma semaphore(%arg17 : memref<!tpu.dma_semaphore, #tpu.memory_space<semaphore_mem>>) src(%dma_wait3A_235 : memref<50000x32xf32, #tpu.memory_space<hbm>>) dst(%dma_wait3A_229 : memref<128x32xf32, #tpu.memory_space<vmem>>)
      %dma_start3A_236 = arith.constant 4 : i32
      %dma_start3A_237 = arith.constant 4 : i32
      %dma_start3A_238 = arith.constant 0 : i32
      %dma_start3A_239 = arith.constant 0 : i32
      %dma_start3A_240 = tpu.memref_slice %arg10[%dma_start3A_236, %dma_start3A_238, %dma_start3A_239] : memref<8x128x32xf32, #tpu.memory_space<vmem>> -> memref<1x128x32xf32, #tpu.memory_space<vmem>>
      %dma_start3A_241 = tpu.memref_squeeze %dma_start3A_240 : memref<1x128x32xf32, #tpu.memory_space<vmem>> -> memref<128x32xf32, #tpu.memory_space<vmem>>
      %dma_start3A_242 = arith.constant 0 : i32
      %dma_start3A_243 = tpu.memref_slice %arg9[%dma_start3A_237, %dma_start3A_242] : memref<8x128xi32, #tpu.memory_space<vmem>> -> memref<1x128xi32, #tpu.memory_space<vmem>>
      %dma_start3A_244 = tpu.memref_squeeze %dma_start3A_243 : memref<1x128xi32, #tpu.memory_space<vmem>> -> memref<128xi32, #tpu.memory_space<vmem>>
      %dma_start3A_245 = arith.constant 0 : i32
      %dma_start3A_246 = arith.constant 0 : i32
      %dma_start3A_247 = tpu.memref_slice %arg12[%dma_start3A_245, %dma_start3A_246] : memref<25088x32xf32, #tpu.memory_space<vmem_shared>> -> memref<25088x32xf32, #tpu.memory_space<vmem_shared>>
      tpu.enqueue_indirect_dma source(%dma_start3A_241 : memref<128x32xf32, #tpu.memory_space<vmem>>) target(%dma_start3A_247 : memref<25088x32xf32, #tpu.memory_space<vmem_shared>>) offsets(%dma_start3A_244 : memref<128xi32, #tpu.memory_space<vmem>>) semaphore(%arg25 : memref<!tpu.dma_semaphore, #tpu.memory_space<semaphore_mem>>) {add = true}
      %dma_wait3A_248 = arith.constant 5 : i32
      %dma_wait3A_249 = arith.constant 5 : i32
      %dma_wait3A_250 = arith.constant 0 : i32
      %dma_wait3A_251 = arith.constant 0 : i32
      %dma_wait3A_252 = tpu.memref_slice %arg10[%dma_wait3A_249, %dma_wait3A_250, %dma_wait3A_251] : memref<8x128x32xf32, #tpu.memory_space<vmem>> -> memref<1x128x32xf32, #tpu.memory_space<vmem>>
      %dma_wait3A_253 = tpu.memref_squeeze %dma_wait3A_252 : memref<1x128x32xf32, #tpu.memory_space<vmem>> -> memref<128x32xf32, #tpu.memory_space<vmem>>
      %dma_wait3A_254 = arith.constant 0 : i32
      %dma_wait3A_255 = tpu.memref_slice %arg8[%dma_wait3A_248, %dma_wait3A_254] : memref<8x128xi32, #tpu.memory_space<vmem>> -> memref<1x128xi32, #tpu.memory_space<vmem>>
      %dma_wait3A_256 = tpu.memref_squeeze %dma_wait3A_255 : memref<1x128xi32, #tpu.memory_space<vmem>> -> memref<128xi32, #tpu.memory_space<vmem>>
      %dma_wait3A_257 = arith.constant 0 : i32
      %dma_wait3A_258 = arith.constant 0 : i32
      %dma_wait3A_259 = tpu.memref_slice %arg5[%dma_wait3A_257, %dma_wait3A_258] : memref<50000x32xf32, #tpu.memory_space<hbm>> -> memref<50000x32xf32, #tpu.memory_space<hbm>>
      tpu.wait_indirect_dma semaphore(%arg18 : memref<!tpu.dma_semaphore, #tpu.memory_space<semaphore_mem>>) src(%dma_wait3A_259 : memref<50000x32xf32, #tpu.memory_space<hbm>>) dst(%dma_wait3A_253 : memref<128x32xf32, #tpu.memory_space<vmem>>)
      %dma_start3A_260 = arith.constant 5 : i32
      %dma_start3A_261 = arith.constant 5 : i32
      %dma_start3A_262 = arith.constant 0 : i32
      %dma_start3A_263 = arith.constant 0 : i32
      %dma_start3A_264 = tpu.memref_slice %arg10[%dma_start3A_260, %dma_start3A_262, %dma_start3A_263] : memref<8x128x32xf32, #tpu.memory_space<vmem>> -> memref<1x128x32xf32, #tpu.memory_space<vmem>>
      %dma_start3A_265 = tpu.memref_squeeze %dma_start3A_264 : memref<1x128x32xf32, #tpu.memory_space<vmem>> -> memref<128x32xf32, #tpu.memory_space<vmem>>
      %dma_start3A_266 = arith.constant 0 : i32
      %dma_start3A_267 = tpu.memref_slice %arg9[%dma_start3A_261, %dma_start3A_266] : memref<8x128xi32, #tpu.memory_space<vmem>> -> memref<1x128xi32, #tpu.memory_space<vmem>>
      %dma_start3A_268 = tpu.memref_squeeze %dma_start3A_267 : memref<1x128xi32, #tpu.memory_space<vmem>> -> memref<128xi32, #tpu.memory_space<vmem>>
      %dma_start3A_269 = arith.constant 0 : i32
      %dma_start3A_270 = arith.constant 0 : i32
      %dma_start3A_271 = tpu.memref_slice %arg12[%dma_start3A_269, %dma_start3A_270] : memref<25088x32xf32, #tpu.memory_space<vmem_shared>> -> memref<25088x32xf32, #tpu.memory_space<vmem_shared>>
      tpu.enqueue_indirect_dma source(%dma_start3A_265 : memref<128x32xf32, #tpu.memory_space<vmem>>) target(%dma_start3A_271 : memref<25088x32xf32, #tpu.memory_space<vmem_shared>>) offsets(%dma_start3A_268 : memref<128xi32, #tpu.memory_space<vmem>>) semaphore(%arg26 : memref<!tpu.dma_semaphore, #tpu.memory_space<semaphore_mem>>) {add = true}
      %dma_wait3A_272 = arith.constant 6 : i32
      %dma_wait3A_273 = arith.constant 6 : i32
      %dma_wait3A_274 = arith.constant 0 : i32
      %dma_wait3A_275 = arith.constant 0 : i32
      %dma_wait3A_276 = tpu.memref_slice %arg10[%dma_wait3A_273, %dma_wait3A_274, %dma_wait3A_275] : memref<8x128x32xf32, #tpu.memory_space<vmem>> -> memref<1x128x32xf32, #tpu.memory_space<vmem>>
      %dma_wait3A_277 = tpu.memref_squeeze %dma_wait3A_276 : memref<1x128x32xf32, #tpu.memory_space<vmem>> -> memref<128x32xf32, #tpu.memory_space<vmem>>
      %dma_wait3A_278 = arith.constant 0 : i32
      %dma_wait3A_279 = tpu.memref_slice %arg8[%dma_wait3A_272, %dma_wait3A_278] : memref<8x128xi32, #tpu.memory_space<vmem>> -> memref<1x128xi32, #tpu.memory_space<vmem>>
      %dma_wait3A_280 = tpu.memref_squeeze %dma_wait3A_279 : memref<1x128xi32, #tpu.memory_space<vmem>> -> memref<128xi32, #tpu.memory_space<vmem>>
      %dma_wait3A_281 = arith.constant 0 : i32
      %dma_wait3A_282 = arith.constant 0 : i32
      %dma_wait3A_283 = tpu.memref_slice %arg5[%dma_wait3A_281, %dma_wait3A_282] : memref<50000x32xf32, #tpu.memory_space<hbm>> -> memref<50000x32xf32, #tpu.memory_space<hbm>>
      tpu.wait_indirect_dma semaphore(%arg19 : memref<!tpu.dma_semaphore, #tpu.memory_space<semaphore_mem>>) src(%dma_wait3A_283 : memref<50000x32xf32, #tpu.memory_space<hbm>>) dst(%dma_wait3A_277 : memref<128x32xf32, #tpu.memory_space<vmem>>)
      %dma_start3A_284 = arith.constant 6 : i32
      %dma_start3A_285 = arith.constant 6 : i32
      %dma_start3A_286 = arith.constant 0 : i32
      %dma_start3A_287 = arith.constant 0 : i32
      %dma_start3A_288 = tpu.memref_slice %arg10[%dma_start3A_284, %dma_start3A_286, %dma_start3A_287] : memref<8x128x32xf32, #tpu.memory_space<vmem>> -> memref<1x128x32xf32, #tpu.memory_space<vmem>>
      %dma_start3A_289 = tpu.memref_squeeze %dma_start3A_288 : memref<1x128x32xf32, #tpu.memory_space<vmem>> -> memref<128x32xf32, #tpu.memory_space<vmem>>
      %dma_start3A_290 = arith.constant 0 : i32
      %dma_start3A_291 = tpu.memref_slice %arg9[%dma_start3A_285, %dma_start3A_290] : memref<8x128xi32, #tpu.memory_space<vmem>> -> memref<1x128xi32, #tpu.memory_space<vmem>>
      %dma_start3A_292 = tpu.memref_squeeze %dma_start3A_291 : memref<1x128xi32, #tpu.memory_space<vmem>> -> memref<128xi32, #tpu.memory_space<vmem>>
      %dma_start3A_293 = arith.constant 0 : i32
      %dma_start3A_294 = arith.constant 0 : i32
      %dma_start3A_295 = tpu.memref_slice %arg12[%dma_start3A_293, %dma_start3A_294] : memref<25088x32xf32, #tpu.memory_space<vmem_shared>> -> memref<25088x32xf32, #tpu.memory_space<vmem_shared>>
      tpu.enqueue_indirect_dma source(%dma_start3A_289 : memref<128x32xf32, #tpu.memory_space<vmem>>) target(%dma_start3A_295 : memref<25088x32xf32, #tpu.memory_space<vmem_shared>>) offsets(%dma_start3A_292 : memref<128xi32, #tpu.memory_space<vmem>>) semaphore(%arg27 : memref<!tpu.dma_semaphore, #tpu.memory_space<semaphore_mem>>) {add = true}
      %dma_wait3A_296 = arith.constant 7 : i32
      %dma_wait3A_297 = arith.constant 7 : i32
      %dma_wait3A_298 = arith.constant 0 : i32
      %dma_wait3A_299 = arith.constant 0 : i32
      %dma_wait3A_300 = tpu.memref_slice %arg10[%dma_wait3A_297, %dma_wait3A_298, %dma_wait3A_299] : memref<8x128x32xf32, #tpu.memory_space<vmem>> -> memref<1x128x32xf32, #tpu.memory_space<vmem>>
      %dma_wait3A_301 = tpu.memref_squeeze %dma_wait3A_300 : memref<1x128x32xf32, #tpu.memory_space<vmem>> -> memref<128x32xf32, #tpu.memory_space<vmem>>
      %dma_wait3A_302 = arith.constant 0 : i32
      %dma_wait3A_303 = tpu.memref_slice %arg8[%dma_wait3A_296, %dma_wait3A_302] : memref<8x128xi32, #tpu.memory_space<vmem>> -> memref<1x128xi32, #tpu.memory_space<vmem>>
      %dma_wait3A_304 = tpu.memref_squeeze %dma_wait3A_303 : memref<1x128xi32, #tpu.memory_space<vmem>> -> memref<128xi32, #tpu.memory_space<vmem>>
      %dma_wait3A_305 = arith.constant 0 : i32
      %dma_wait3A_306 = arith.constant 0 : i32
      %dma_wait3A_307 = tpu.memref_slice %arg5[%dma_wait3A_305, %dma_wait3A_306] : memref<50000x32xf32, #tpu.memory_space<hbm>> -> memref<50000x32xf32, #tpu.memory_space<hbm>>
      tpu.wait_indirect_dma semaphore(%arg20 : memref<!tpu.dma_semaphore, #tpu.memory_space<semaphore_mem>>) src(%dma_wait3A_307 : memref<50000x32xf32, #tpu.memory_space<hbm>>) dst(%dma_wait3A_301 : memref<128x32xf32, #tpu.memory_space<vmem>>)
      %dma_start3A_308 = arith.constant 7 : i32
      %dma_start3A_309 = arith.constant 7 : i32
      %dma_start3A_310 = arith.constant 0 : i32
      %dma_start3A_311 = arith.constant 0 : i32
      %dma_start3A_312 = tpu.memref_slice %arg10[%dma_start3A_308, %dma_start3A_310, %dma_start3A_311] : memref<8x128x32xf32, #tpu.memory_space<vmem>> -> memref<1x128x32xf32, #tpu.memory_space<vmem>>
      %dma_start3A_313 = tpu.memref_squeeze %dma_start3A_312 : memref<1x128x32xf32, #tpu.memory_space<vmem>> -> memref<128x32xf32, #tpu.memory_space<vmem>>
      %dma_start3A_314 = arith.constant 0 : i32
      %dma_start3A_315 = tpu.memref_slice %arg9[%dma_start3A_309, %dma_start3A_314] : memref<8x128xi32, #tpu.memory_space<vmem>> -> memref<1x128xi32, #tpu.memory_space<vmem>>
      %dma_start3A_316 = tpu.memref_squeeze %dma_start3A_315 : memref<1x128xi32, #tpu.memory_space<vmem>> -> memref<128xi32, #tpu.memory_space<vmem>>
      %dma_start3A_317 = arith.constant 0 : i32
      %dma_start3A_318 = arith.constant 0 : i32
      %dma_start3A_319 = tpu.memref_slice %arg12[%dma_start3A_317, %dma_start3A_318] : memref<25088x32xf32, #tpu.memory_space<vmem_shared>> -> memref<25088x32xf32, #tpu.memory_space<vmem_shared>>
      tpu.enqueue_indirect_dma source(%dma_start3A_313 : memref<128x32xf32, #tpu.memory_space<vmem>>) target(%dma_start3A_319 : memref<25088x32xf32, #tpu.memory_space<vmem_shared>>) offsets(%dma_start3A_316 : memref<128xi32, #tpu.memory_space<vmem>>) semaphore(%arg28 : memref<!tpu.dma_semaphore, #tpu.memory_space<semaphore_mem>>) {add = true}
      %dma_wait3A_320 = arith.constant 0 : i32
      %dma_wait3A_321 = arith.constant 0 : i32
      %dma_wait3A_322 = arith.constant 0 : i32
      %dma_wait3A_323 = arith.constant 0 : i32
      %dma_wait3A_324 = tpu.memref_slice %arg10[%dma_wait3A_320, %dma_wait3A_322, %dma_wait3A_323] : memref<8x128x32xf32, #tpu.memory_space<vmem>> -> memref<1x128x32xf32, #tpu.memory_space<vmem>>
      %dma_wait3A_325 = tpu.memref_squeeze %dma_wait3A_324 : memref<1x128x32xf32, #tpu.memory_space<vmem>> -> memref<128x32xf32, #tpu.memory_space<vmem>>
      %dma_wait3A_326 = arith.constant 0 : i32
      %dma_wait3A_327 = tpu.memref_slice %arg9[%dma_wait3A_321, %dma_wait3A_326] : memref<8x128xi32, #tpu.memory_space<vmem>> -> memref<1x128xi32, #tpu.memory_space<vmem>>
      %dma_wait3A_328 = tpu.memref_squeeze %dma_wait3A_327 : memref<1x128xi32, #tpu.memory_space<vmem>> -> memref<128xi32, #tpu.memory_space<vmem>>
      %dma_wait3A_329 = arith.constant 0 : i32
      %dma_wait3A_330 = arith.constant 0 : i32
      %dma_wait3A_331 = tpu.memref_slice %arg12[%dma_wait3A_329, %dma_wait3A_330] : memref<25088x32xf32, #tpu.memory_space<vmem_shared>> -> memref<25088x32xf32, #tpu.memory_space<vmem_shared>>
      tpu.wait_indirect_dma semaphore(%arg21 : memref<!tpu.dma_semaphore, #tpu.memory_space<semaphore_mem>>) src(%dma_wait3A_325 : memref<128x32xf32, #tpu.memory_space<vmem>>) dst(%dma_wait3A_331 : memref<25088x32xf32, #tpu.memory_space<vmem_shared>>)
      %dma_wait3A_332 = arith.constant 1 : i32
      %dma_wait3A_333 = arith.constant 1 : i32
      %dma_wait3A_334 = arith.constant 0 : i32
      %dma_wait3A_335 = arith.constant 0 : i32
      %dma_wait3A_336 = tpu.memref_slice %arg10[%dma_wait3A_332, %dma_wait3A_334, %dma_wait3A_335] : memref<8x128x32xf32, #tpu.memory_space<vmem>> -> memref<1x128x32xf32, #tpu.memory_space<vmem>>
      %dma_wait3A_337 = tpu.memref_squeeze %dma_wait3A_336 : memref<1x128x32xf32, #tpu.memory_space<vmem>> -> memref<128x32xf32, #tpu.memory_space<vmem>>
      %dma_wait3A_338 = arith.constant 0 : i32
      %dma_wait3A_339 = tpu.memref_slice %arg9[%dma_wait3A_333, %dma_wait3A_338] : memref<8x128xi32, #tpu.memory_space<vmem>> -> memref<1x128xi32, #tpu.memory_space<vmem>>
      %dma_wait3A_340 = tpu.memref_squeeze %dma_wait3A_339 : memref<1x128xi32, #tpu.memory_space<vmem>> -> memref<128xi32, #tpu.memory_space<vmem>>
      %dma_wait3A_341 = arith.constant 0 : i32
      %dma_wait3A_342 = arith.constant 0 : i32
      %dma_wait3A_343 = tpu.memref_slice %arg12[%dma_wait3A_341, %dma_wait3A_342] : memref<25088x32xf32, #tpu.memory_space<vmem_shared>> -> memref<25088x32xf32, #tpu.memory_space<vmem_shared>>
      tpu.wait_indirect_dma semaphore(%arg22 : memref<!tpu.dma_semaphore, #tpu.memory_space<semaphore_mem>>) src(%dma_wait3A_337 : memref<128x32xf32, #tpu.memory_space<vmem>>) dst(%dma_wait3A_343 : memref<25088x32xf32, #tpu.memory_space<vmem_shared>>)
      %dma_wait3A_344 = arith.constant 2 : i32
      %dma_wait3A_345 = arith.constant 2 : i32
      %dma_wait3A_346 = arith.constant 0 : i32
      %dma_wait3A_347 = arith.constant 0 : i32
      %dma_wait3A_348 = tpu.memref_slice %arg10[%dma_wait3A_344, %dma_wait3A_346, %dma_wait3A_347] : memref<8x128x32xf32, #tpu.memory_space<vmem>> -> memref<1x128x32xf32, #tpu.memory_space<vmem>>
      %dma_wait3A_349 = tpu.memref_squeeze %dma_wait3A_348 : memref<1x128x32xf32, #tpu.memory_space<vmem>> -> memref<128x32xf32, #tpu.memory_space<vmem>>
      %dma_wait3A_350 = arith.constant 0 : i32
      %dma_wait3A_351 = tpu.memref_slice %arg9[%dma_wait3A_345, %dma_wait3A_350] : memref<8x128xi32, #tpu.memory_space<vmem>> -> memref<1x128xi32, #tpu.memory_space<vmem>>
      %dma_wait3A_352 = tpu.memref_squeeze %dma_wait3A_351 : memref<1x128xi32, #tpu.memory_space<vmem>> -> memref<128xi32, #tpu.memory_space<vmem>>
      %dma_wait3A_353 = arith.constant 0 : i32
      %dma_wait3A_354 = arith.constant 0 : i32
      %dma_wait3A_355 = tpu.memref_slice %arg12[%dma_wait3A_353, %dma_wait3A_354] : memref<25088x32xf32, #tpu.memory_space<vmem_shared>> -> memref<25088x32xf32, #tpu.memory_space<vmem_shared>>
      tpu.wait_indirect_dma semaphore(%arg23 : memref<!tpu.dma_semaphore, #tpu.memory_space<semaphore_mem>>) src(%dma_wait3A_349 : memref<128x32xf32, #tpu.memory_space<vmem>>) dst(%dma_wait3A_355 : memref<25088x32xf32, #tpu.memory_space<vmem_shared>>)
      %dma_wait3A_356 = arith.constant 3 : i32
      %dma_wait3A_357 = arith.constant 3 : i32
      %dma_wait3A_358 = arith.constant 0 : i32
      %dma_wait3A_359 = arith.constant 0 : i32
      %dma_wait3A_360 = tpu.memref_slice %arg10[%dma_wait3A_356, %dma_wait3A_358, %dma_wait3A_359] : memref<8x128x32xf32, #tpu.memory_space<vmem>> -> memref<1x128x32xf32, #tpu.memory_space<vmem>>
      %dma_wait3A_361 = tpu.memref_squeeze %dma_wait3A_360 : memref<1x128x32xf32, #tpu.memory_space<vmem>> -> memref<128x32xf32, #tpu.memory_space<vmem>>
      %dma_wait3A_362 = arith.constant 0 : i32
      %dma_wait3A_363 = tpu.memref_slice %arg9[%dma_wait3A_357, %dma_wait3A_362] : memref<8x128xi32, #tpu.memory_space<vmem>> -> memref<1x128xi32, #tpu.memory_space<vmem>>
      %dma_wait3A_364 = tpu.memref_squeeze %dma_wait3A_363 : memref<1x128xi32, #tpu.memory_space<vmem>> -> memref<128xi32, #tpu.memory_space<vmem>>
      %dma_wait3A_365 = arith.constant 0 : i32
      %dma_wait3A_366 = arith.constant 0 : i32
      %dma_wait3A_367 = tpu.memref_slice %arg12[%dma_wait3A_365, %dma_wait3A_366] : memref<25088x32xf32, #tpu.memory_space<vmem_shared>> -> memref<25088x32xf32, #tpu.memory_space<vmem_shared>>
      tpu.wait_indirect_dma semaphore(%arg24 : memref<!tpu.dma_semaphore, #tpu.memory_space<semaphore_mem>>) src(%dma_wait3A_361 : memref<128x32xf32, #tpu.memory_space<vmem>>) dst(%dma_wait3A_367 : memref<25088x32xf32, #tpu.memory_space<vmem_shared>>)
      %dma_wait3A_368 = arith.constant 4 : i32
      %dma_wait3A_369 = arith.constant 4 : i32
      %dma_wait3A_370 = arith.constant 0 : i32
      %dma_wait3A_371 = arith.constant 0 : i32
      %dma_wait3A_372 = tpu.memref_slice %arg10[%dma_wait3A_368, %dma_wait3A_370, %dma_wait3A_371] : memref<8x128x32xf32, #tpu.memory_space<vmem>> -> memref<1x128x32xf32, #tpu.memory_space<vmem>>
      %dma_wait3A_373 = tpu.memref_squeeze %dma_wait3A_372 : memref<1x128x32xf32, #tpu.memory_space<vmem>> -> memref<128x32xf32, #tpu.memory_space<vmem>>
      %dma_wait3A_374 = arith.constant 0 : i32
      %dma_wait3A_375 = tpu.memref_slice %arg9[%dma_wait3A_369, %dma_wait3A_374] : memref<8x128xi32, #tpu.memory_space<vmem>> -> memref<1x128xi32, #tpu.memory_space<vmem>>
      %dma_wait3A_376 = tpu.memref_squeeze %dma_wait3A_375 : memref<1x128xi32, #tpu.memory_space<vmem>> -> memref<128xi32, #tpu.memory_space<vmem>>
      %dma_wait3A_377 = arith.constant 0 : i32
      %dma_wait3A_378 = arith.constant 0 : i32
      %dma_wait3A_379 = tpu.memref_slice %arg12[%dma_wait3A_377, %dma_wait3A_378] : memref<25088x32xf32, #tpu.memory_space<vmem_shared>> -> memref<25088x32xf32, #tpu.memory_space<vmem_shared>>
      tpu.wait_indirect_dma semaphore(%arg25 : memref<!tpu.dma_semaphore, #tpu.memory_space<semaphore_mem>>) src(%dma_wait3A_373 : memref<128x32xf32, #tpu.memory_space<vmem>>) dst(%dma_wait3A_379 : memref<25088x32xf32, #tpu.memory_space<vmem_shared>>)
      %dma_wait3A_380 = arith.constant 5 : i32
      %dma_wait3A_381 = arith.constant 5 : i32
      %dma_wait3A_382 = arith.constant 0 : i32
      %dma_wait3A_383 = arith.constant 0 : i32
      %dma_wait3A_384 = tpu.memref_slice %arg10[%dma_wait3A_380, %dma_wait3A_382, %dma_wait3A_383] : memref<8x128x32xf32, #tpu.memory_space<vmem>> -> memref<1x128x32xf32, #tpu.memory_space<vmem>>
      %dma_wait3A_385 = tpu.memref_squeeze %dma_wait3A_384 : memref<1x128x32xf32, #tpu.memory_space<vmem>> -> memref<128x32xf32, #tpu.memory_space<vmem>>
      %dma_wait3A_386 = arith.constant 0 : i32
      %dma_wait3A_387 = tpu.memref_slice %arg9[%dma_wait3A_381, %dma_wait3A_386] : memref<8x128xi32, #tpu.memory_space<vmem>> -> memref<1x128xi32, #tpu.memory_space<vmem>>
      %dma_wait3A_388 = tpu.memref_squeeze %dma_wait3A_387 : memref<1x128xi32, #tpu.memory_space<vmem>> -> memref<128xi32, #tpu.memory_space<vmem>>
      %dma_wait3A_389 = arith.constant 0 : i32
      %dma_wait3A_390 = arith.constant 0 : i32
      %dma_wait3A_391 = tpu.memref_slice %arg12[%dma_wait3A_389, %dma_wait3A_390] : memref<25088x32xf32, #tpu.memory_space<vmem_shared>> -> memref<25088x32xf32, #tpu.memory_space<vmem_shared>>
      tpu.wait_indirect_dma semaphore(%arg26 : memref<!tpu.dma_semaphore, #tpu.memory_space<semaphore_mem>>) src(%dma_wait3A_385 : memref<128x32xf32, #tpu.memory_space<vmem>>) dst(%dma_wait3A_391 : memref<25088x32xf32, #tpu.memory_space<vmem_shared>>)
      %dma_wait3A_392 = arith.constant 6 : i32
      %dma_wait3A_393 = arith.constant 6 : i32
      %dma_wait3A_394 = arith.constant 0 : i32
      %dma_wait3A_395 = arith.constant 0 : i32
      %dma_wait3A_396 = tpu.memref_slice %arg10[%dma_wait3A_392, %dma_wait3A_394, %dma_wait3A_395] : memref<8x128x32xf32, #tpu.memory_space<vmem>> -> memref<1x128x32xf32, #tpu.memory_space<vmem>>
      %dma_wait3A_397 = tpu.memref_squeeze %dma_wait3A_396 : memref<1x128x32xf32, #tpu.memory_space<vmem>> -> memref<128x32xf32, #tpu.memory_space<vmem>>
      %dma_wait3A_398 = arith.constant 0 : i32
      %dma_wait3A_399 = tpu.memref_slice %arg9[%dma_wait3A_393, %dma_wait3A_398] : memref<8x128xi32, #tpu.memory_space<vmem>> -> memref<1x128xi32, #tpu.memory_space<vmem>>
      %dma_wait3A_400 = tpu.memref_squeeze %dma_wait3A_399 : memref<1x128xi32, #tpu.memory_space<vmem>> -> memref<128xi32, #tpu.memory_space<vmem>>
      %dma_wait3A_401 = arith.constant 0 : i32
      %dma_wait3A_402 = arith.constant 0 : i32
      %dma_wait3A_403 = tpu.memref_slice %arg12[%dma_wait3A_401, %dma_wait3A_402] : memref<25088x32xf32, #tpu.memory_space<vmem_shared>> -> memref<25088x32xf32, #tpu.memory_space<vmem_shared>>
      tpu.wait_indirect_dma semaphore(%arg27 : memref<!tpu.dma_semaphore, #tpu.memory_space<semaphore_mem>>) src(%dma_wait3A_397 : memref<128x32xf32, #tpu.memory_space<vmem>>) dst(%dma_wait3A_403 : memref<25088x32xf32, #tpu.memory_space<vmem_shared>>)
      %dma_wait3A_404 = arith.constant 7 : i32
      %dma_wait3A_405 = arith.constant 7 : i32
      %dma_wait3A_406 = arith.constant 0 : i32
      %dma_wait3A_407 = arith.constant 0 : i32
      %dma_wait3A_408 = tpu.memref_slice %arg10[%dma_wait3A_404, %dma_wait3A_406, %dma_wait3A_407] : memref<8x128x32xf32, #tpu.memory_space<vmem>> -> memref<1x128x32xf32, #tpu.memory_space<vmem>>
      %dma_wait3A_409 = tpu.memref_squeeze %dma_wait3A_408 : memref<1x128x32xf32, #tpu.memory_space<vmem>> -> memref<128x32xf32, #tpu.memory_space<vmem>>
      %dma_wait3A_410 = arith.constant 0 : i32
      %dma_wait3A_411 = tpu.memref_slice %arg9[%dma_wait3A_405, %dma_wait3A_410] : memref<8x128xi32, #tpu.memory_space<vmem>> -> memref<1x128xi32, #tpu.memory_space<vmem>>
      %dma_wait3A_412 = tpu.memref_squeeze %dma_wait3A_411 : memref<1x128xi32, #tpu.memory_space<vmem>> -> memref<128xi32, #tpu.memory_space<vmem>>
      %dma_wait3A_413 = arith.constant 0 : i32
      %dma_wait3A_414 = arith.constant 0 : i32
      %dma_wait3A_415 = tpu.memref_slice %arg12[%dma_wait3A_413, %dma_wait3A_414] : memref<25088x32xf32, #tpu.memory_space<vmem_shared>> -> memref<25088x32xf32, #tpu.memory_space<vmem_shared>>
      tpu.wait_indirect_dma semaphore(%arg28 : memref<!tpu.dma_semaphore, #tpu.memory_space<semaphore_mem>>) src(%dma_wait3A_409 : memref<128x32xf32, #tpu.memory_space<vmem>>) dst(%dma_wait3A_415 : memref<25088x32xf32, #tpu.memory_space<vmem_shared>>)
      %while3A_416 = arith.constant 0 : i32
      scf.yield %while3A_416 : i32
    }
    %while3A_26 = arith.constant 1 : i32
    %while3A_27 = scf.for %while3A_29 = %while3A_23 to %while3A_19 step %while3A_26 iter_args(%while3A_30 = %while3A_25) -> (i32)  : i32 {
      %mul3A_31 = arith.constant 16 : i32
      %mul3A_32 = arith.muli %while3A_29, %mul3A_31 : i32
      %add3A_33 = arith.addi %arg1, %mul3A_32 : i32
      "tpu.region"() ({
        %run_scoped3A = tpu.sem_alloc : memref<!tpu.dma_semaphore, #tpu.memory_space<semaphore_mem>>
        %dma_start3A_417 = arith.constant 0 : i32
        %dma_start3A_418 = arith.constant 0 : i32
        %dma_start3A_419 = arith.constant 0 : i32
        %dma_start3A_420 = tpu.memref_slice %arg2[%arg0, %dma_start3A_417, %dma_start3A_418, %dma_start3A_419] : memref<2x784x8x128xi32, #tpu.memory_space<hbm>> -> memref<1x784x8x128xi32, #tpu.memory_space<hbm>>
        %dma_start3A_421 = tpu.memref_squeeze %dma_start3A_420 : memref<1x784x8x128xi32, #tpu.memory_space<hbm>> -> memref<784x8x128xi32, #tpu.memory_space<hbm>>
        %dma_start3A_422 = arith.constant 0 : i32
        %dma_start3A_423 = arith.constant 0 : i32
        %dma_start3A_424 = tpu.memref_slice %dma_start3A_421[%add3A_33, %dma_start3A_422, %dma_start3A_423] : memref<784x8x128xi32, #tpu.memory_space<hbm>> -> memref<1x8x128xi32, #tpu.memory_space<hbm>>
        %dma_start3A_425 = tpu.memref_squeeze %dma_start3A_424 : memref<1x8x128xi32, #tpu.memory_space<hbm>> -> memref<8x128xi32, #tpu.memory_space<hbm>>
        %dma_start3A_426 = arith.constant 0 : i32
        %dma_start3A_427 = arith.constant 0 : i32
        %dma_start3A_428 = arith.constant 0 : i32
        %dma_start3A_429 = tpu.memref_slice %arg2[%arg0, %dma_start3A_426, %dma_start3A_427, %dma_start3A_428] : memref<2x784x8x128xi32, #tpu.memory_space<hbm>> -> memref<1x784x8x128xi32, #tpu.memory_space<hbm>>
        %dma_start3A_430 = tpu.memref_squeeze %dma_start3A_429 : memref<1x784x8x128xi32, #tpu.memory_space<hbm>> -> memref<784x8x128xi32, #tpu.memory_space<hbm>>
        %dma_start3A_431 = arith.constant 0 : i32
        %dma_start3A_432 = arith.constant 0 : i32
        %dma_start3A_433 = tpu.memref_slice %dma_start3A_430[%add3A_33, %dma_start3A_431, %dma_start3A_432] : memref<784x8x128xi32, #tpu.memory_space<hbm>> -> memref<1x8x128xi32, #tpu.memory_space<hbm>>
        %dma_start3A_434 = tpu.memref_squeeze %dma_start3A_433 : memref<1x8x128xi32, #tpu.memory_space<hbm>> -> memref<8x128xi32, #tpu.memory_space<hbm>>
        tpu.enqueue_dma source(%dma_start3A_434 : memref<8x128xi32, #tpu.memory_space<hbm>>) target(%arg8 : memref<8x128xi32, #tpu.memory_space<vmem>>) target_semaphore(%run_scoped3A : memref<!tpu.dma_semaphore, #tpu.memory_space<semaphore_mem>>)
        %dma_wait3A_435 = arith.constant 0 : i32
        %dma_wait3A_436 = arith.constant 0 : i32
        %dma_wait3A_437 = arith.constant 0 : i32
        %dma_wait3A_438 = tpu.memref_slice %arg2[%arg0, %dma_wait3A_435, %dma_wait3A_436, %dma_wait3A_437] : memref<2x784x8x128xi32, #tpu.memory_space<hbm>> -> memref<1x784x8x128xi32, #tpu.memory_space<hbm>>
        %dma_wait3A_439 = tpu.memref_squeeze %dma_wait3A_438 : memref<1x784x8x128xi32, #tpu.memory_space<hbm>> -> memref<784x8x128xi32, #tpu.memory_space<hbm>>
        %dma_wait3A_440 = arith.constant 0 : i32
        %dma_wait3A_441 = arith.constant 0 : i32
        %dma_wait3A_442 = tpu.memref_slice %dma_wait3A_439[%add3A_33, %dma_wait3A_440, %dma_wait3A_441] : memref<784x8x128xi32, #tpu.memory_space<hbm>> -> memref<1x8x128xi32, #tpu.memory_space<hbm>>
        %dma_wait3A_443 = tpu.memref_squeeze %dma_wait3A_442 : memref<1x8x128xi32, #tpu.memory_space<hbm>> -> memref<8x128xi32, #tpu.memory_space<hbm>>
        %dma_wait3A_444 = arith.constant 0 : i32
        %dma_wait3A_445 = arith.constant 0 : i32
        %dma_wait3A_446 = arith.constant 0 : i32
        %dma_wait3A_447 = tpu.memref_slice %arg2[%arg0, %dma_wait3A_444, %dma_wait3A_445, %dma_wait3A_446] : memref<2x784x8x128xi32, #tpu.memory_space<hbm>> -> memref<1x784x8x128xi32, #tpu.memory_space<hbm>>
        %dma_wait3A_448 = tpu.memref_squeeze %dma_wait3A_447 : memref<1x784x8x128xi32, #tpu.memory_space<hbm>> -> memref<784x8x128xi32, #tpu.memory_space<hbm>>
        %dma_wait3A_449 = arith.constant 0 : i32
        %dma_wait3A_450 = arith.constant 0 : i32
        %dma_wait3A_451 = tpu.memref_slice %dma_wait3A_448[%add3A_33, %dma_wait3A_449, %dma_wait3A_450] : memref<784x8x128xi32, #tpu.memory_space<hbm>> -> memref<1x8x128xi32, #tpu.memory_space<hbm>>
        %dma_wait3A_452 = tpu.memref_squeeze %dma_wait3A_451 : memref<1x8x128xi32, #tpu.memory_space<hbm>> -> memref<8x128xi32, #tpu.memory_space<hbm>>
        tpu.wait_dma2 semaphore(%run_scoped3A : memref<!tpu.dma_semaphore, #tpu.memory_space<semaphore_mem>>) src(%dma_wait3A_452 : memref<8x128xi32, #tpu.memory_space<hbm>>) dst(%arg8 : memref<8x128xi32, #tpu.memory_space<vmem>>)
        tpu.yield
      }) : () -> ()
      "tpu.region"() ({
        %run_scoped3A = tpu.sem_alloc : memref<!tpu.dma_semaphore, #tpu.memory_space<semaphore_mem>>
        %dma_start3A_417 = arith.constant 0 : i32
        %dma_start3A_418 = arith.constant 0 : i32
        %dma_start3A_419 = arith.constant 0 : i32
        %dma_start3A_420 = tpu.memref_slice %arg3[%arg0, %dma_start3A_417, %dma_start3A_418, %dma_start3A_419] : memref<2x784x8x128xi32, #tpu.memory_space<hbm>> -> memref<1x784x8x128xi32, #tpu.memory_space<hbm>>
        %dma_start3A_421 = tpu.memref_squeeze %dma_start3A_420 : memref<1x784x8x128xi32, #tpu.memory_space<hbm>> -> memref<784x8x128xi32, #tpu.memory_space<hbm>>
        %dma_start3A_422 = arith.constant 0 : i32
        %dma_start3A_423 = arith.constant 0 : i32
        %dma_start3A_424 = tpu.memref_slice %dma_start3A_421[%add3A_33, %dma_start3A_422, %dma_start3A_423] : memref<784x8x128xi32, #tpu.memory_space<hbm>> -> memref<1x8x128xi32, #tpu.memory_space<hbm>>
        %dma_start3A_425 = tpu.memref_squeeze %dma_start3A_424 : memref<1x8x128xi32, #tpu.memory_space<hbm>> -> memref<8x128xi32, #tpu.memory_space<hbm>>
        %dma_start3A_426 = arith.constant 0 : i32
        %dma_start3A_427 = arith.constant 0 : i32
        %dma_start3A_428 = arith.constant 0 : i32
        %dma_start3A_429 = tpu.memref_slice %arg3[%arg0, %dma_start3A_426, %dma_start3A_427, %dma_start3A_428] : memref<2x784x8x128xi32, #tpu.memory_space<hbm>> -> memref<1x784x8x128xi32, #tpu.memory_space<hbm>>
        %dma_start3A_430 = tpu.memref_squeeze %dma_start3A_429 : memref<1x784x8x128xi32, #tpu.memory_space<hbm>> -> memref<784x8x128xi32, #tpu.memory_space<hbm>>
        %dma_start3A_431 = arith.constant 0 : i32
        %dma_start3A_432 = arith.constant 0 : i32
        %dma_start3A_433 = tpu.memref_slice %dma_start3A_430[%add3A_33, %dma_start3A_431, %dma_start3A_432] : memref<784x8x128xi32, #tpu.memory_space<hbm>> -> memref<1x8x128xi32, #tpu.memory_space<hbm>>
        %dma_start3A_434 = tpu.memref_squeeze %dma_start3A_433 : memref<1x8x128xi32, #tpu.memory_space<hbm>> -> memref<8x128xi32, #tpu.memory_space<hbm>>
        tpu.enqueue_dma source(%dma_start3A_434 : memref<8x128xi32, #tpu.memory_space<hbm>>) target(%arg9 : memref<8x128xi32, #tpu.memory_space<vmem>>) target_semaphore(%run_scoped3A : memref<!tpu.dma_semaphore, #tpu.memory_space<semaphore_mem>>)
        %dma_wait3A_435 = arith.constant 0 : i32
        %dma_wait3A_436 = arith.constant 0 : i32
        %dma_wait3A_437 = arith.constant 0 : i32
        %dma_wait3A_438 = tpu.memref_slice %arg3[%arg0, %dma_wait3A_435, %dma_wait3A_436, %dma_wait3A_437] : memref<2x784x8x128xi32, #tpu.memory_space<hbm>> -> memref<1x784x8x128xi32, #tpu.memory_space<hbm>>
        %dma_wait3A_439 = tpu.memref_squeeze %dma_wait3A_438 : memref<1x784x8x128xi32, #tpu.memory_space<hbm>> -> memref<784x8x128xi32, #tpu.memory_space<hbm>>
        %dma_wait3A_440 = arith.constant 0 : i32
        %dma_wait3A_441 = arith.constant 0 : i32
        %dma_wait3A_442 = tpu.memref_slice %dma_wait3A_439[%add3A_33, %dma_wait3A_440, %dma_wait3A_441] : memref<784x8x128xi32, #tpu.memory_space<hbm>> -> memref<1x8x128xi32, #tpu.memory_space<hbm>>
        %dma_wait3A_443 = tpu.memref_squeeze %dma_wait3A_442 : memref<1x8x128xi32, #tpu.memory_space<hbm>> -> memref<8x128xi32, #tpu.memory_space<hbm>>
        %dma_wait3A_444 = arith.constant 0 : i32
        %dma_wait3A_445 = arith.constant 0 : i32
        %dma_wait3A_446 = arith.constant 0 : i32
        %dma_wait3A_447 = tpu.memref_slice %arg3[%arg0, %dma_wait3A_444, %dma_wait3A_445, %dma_wait3A_446] : memref<2x784x8x128xi32, #tpu.memory_space<hbm>> -> memref<1x784x8x128xi32, #tpu.memory_space<hbm>>
        %dma_wait3A_448 = tpu.memref_squeeze %dma_wait3A_447 : memref<1x784x8x128xi32, #tpu.memory_space<hbm>> -> memref<784x8x128xi32, #tpu.memory_space<hbm>>
        %dma_wait3A_449 = arith.constant 0 : i32
        %dma_wait3A_450 = arith.constant 0 : i32
        %dma_wait3A_451 = tpu.memref_slice %dma_wait3A_448[%add3A_33, %dma_wait3A_449, %dma_wait3A_450] : memref<784x8x128xi32, #tpu.memory_space<hbm>> -> memref<1x8x128xi32, #tpu.memory_space<hbm>>
        %dma_wait3A_452 = tpu.memref_squeeze %dma_wait3A_451 : memref<1x8x128xi32, #tpu.memory_space<hbm>> -> memref<8x128xi32, #tpu.memory_space<hbm>>
        tpu.wait_dma2 semaphore(%run_scoped3A : memref<!tpu.dma_semaphore, #tpu.memory_space<semaphore_mem>>) src(%dma_wait3A_452 : memref<8x128xi32, #tpu.memory_space<hbm>>) dst(%arg9 : memref<8x128xi32, #tpu.memory_space<vmem>>)
        tpu.yield
      }) : () -> ()
      %dma_start3A = arith.constant 0 : i32
      %dma_start3A_34 = arith.constant 0 : i32
      %dma_start3A_35 = arith.constant 0 : i32
      %dma_start3A_36 = arith.constant 0 : i32
      %dma_start3A_37 = tpu.memref_slice %arg10[%dma_start3A_34, %dma_start3A_35, %dma_start3A_36] : memref<8x128x32xf32, #tpu.memory_space<vmem>> -> memref<1x128x32xf32, #tpu.memory_space<vmem>>
      %dma_start3A_38 = tpu.memref_squeeze %dma_start3A_37 : memref<1x128x32xf32, #tpu.memory_space<vmem>> -> memref<128x32xf32, #tpu.memory_space<vmem>>
      %dma_start3A_39 = arith.constant 0 : i32
      %dma_start3A_40 = tpu.memref_slice %arg8[%dma_start3A, %dma_start3A_39] : memref<8x128xi32, #tpu.memory_space<vmem>> -> memref<1x128xi32, #tpu.memory_space<vmem>>
      %dma_start3A_41 = tpu.memref_squeeze %dma_start3A_40 : memref<1x128xi32, #tpu.memory_space<vmem>> -> memref<128xi32, #tpu.memory_space<vmem>>
      %dma_start3A_42 = arith.constant 0 : i32
      %dma_start3A_43 = arith.constant 0 : i32
      %dma_start3A_44 = tpu.memref_slice %arg5[%dma_start3A_42, %dma_start3A_43] : memref<50000x32xf32, #tpu.memory_space<hbm>> -> memref<50000x32xf32, #tpu.memory_space<hbm>>
      tpu.enqueue_indirect_dma source(%dma_start3A_44 : memref<50000x32xf32, #tpu.memory_space<hbm>>) target(%dma_start3A_38 : memref<128x32xf32, #tpu.memory_space<vmem>>) offsets(%dma_start3A_41 : memref<128xi32, #tpu.memory_space<vmem>>) semaphore(%arg13 : memref<!tpu.dma_semaphore, #tpu.memory_space<semaphore_mem>>)
      %dma_start3A_45 = arith.constant 1 : i32
      %dma_start3A_46 = arith.constant 1 : i32
      %dma_start3A_47 = arith.constant 0 : i32
      %dma_start3A_48 = arith.constant 0 : i32
      %dma_start3A_49 = tpu.memref_slice %arg10[%dma_start3A_46, %dma_start3A_47, %dma_start3A_48] : memref<8x128x32xf32, #tpu.memory_space<vmem>> -> memref<1x128x32xf32, #tpu.memory_space<vmem>>
      %dma_start3A_50 = tpu.memref_squeeze %dma_start3A_49 : memref<1x128x32xf32, #tpu.memory_space<vmem>> -> memref<128x32xf32, #tpu.memory_space<vmem>>
      %dma_start3A_51 = arith.constant 0 : i32
      %dma_start3A_52 = tpu.memref_slice %arg8[%dma_start3A_45, %dma_start3A_51] : memref<8x128xi32, #tpu.memory_space<vmem>> -> memref<1x128xi32, #tpu.memory_space<vmem>>
      %dma_start3A_53 = tpu.memref_squeeze %dma_start3A_52 : memref<1x128xi32, #tpu.memory_space<vmem>> -> memref<128xi32, #tpu.memory_space<vmem>>
      %dma_start3A_54 = arith.constant 0 : i32
      %dma_start3A_55 = arith.constant 0 : i32
      %dma_start3A_56 = tpu.memref_slice %arg5[%dma_start3A_54, %dma_start3A_55] : memref<50000x32xf32, #tpu.memory_space<hbm>> -> memref<50000x32xf32, #tpu.memory_space<hbm>>
      tpu.enqueue_indirect_dma source(%dma_start3A_56 : memref<50000x32xf32, #tpu.memory_space<hbm>>) target(%dma_start3A_50 : memref<128x32xf32, #tpu.memory_space<vmem>>) offsets(%dma_start3A_53 : memref<128xi32, #tpu.memory_space<vmem>>) semaphore(%arg14 : memref<!tpu.dma_semaphore, #tpu.memory_space<semaphore_mem>>)
      %dma_start3A_57 = arith.constant 2 : i32
      %dma_start3A_58 = arith.constant 2 : i32
      %dma_start3A_59 = arith.constant 0 : i32
      %dma_start3A_60 = arith.constant 0 : i32
      %dma_start3A_61 = tpu.memref_slice %arg10[%dma_start3A_58, %dma_start3A_59, %dma_start3A_60] : memref<8x128x32xf32, #tpu.memory_space<vmem>> -> memref<1x128x32xf32, #tpu.memory_space<vmem>>
      %dma_start3A_62 = tpu.memref_squeeze %dma_start3A_61 : memref<1x128x32xf32, #tpu.memory_space<vmem>> -> memref<128x32xf32, #tpu.memory_space<vmem>>
      %dma_start3A_63 = arith.constant 0 : i32
      %dma_start3A_64 = tpu.memref_slice %arg8[%dma_start3A_57, %dma_start3A_63] : memref<8x128xi32, #tpu.memory_space<vmem>> -> memref<1x128xi32, #tpu.memory_space<vmem>>
      %dma_start3A_65 = tpu.memref_squeeze %dma_start3A_64 : memref<1x128xi32, #tpu.memory_space<vmem>> -> memref<128xi32, #tpu.memory_space<vmem>>
      %dma_start3A_66 = arith.constant 0 : i32
      %dma_start3A_67 = arith.constant 0 : i32
      %dma_start3A_68 = tpu.memref_slice %arg5[%dma_start3A_66, %dma_start3A_67] : memref<50000x32xf32, #tpu.memory_space<hbm>> -> memref<50000x32xf32, #tpu.memory_space<hbm>>
      tpu.enqueue_indirect_dma source(%dma_start3A_68 : memref<50000x32xf32, #tpu.memory_space<hbm>>) target(%dma_start3A_62 : memref<128x32xf32, #tpu.memory_space<vmem>>) offsets(%dma_start3A_65 : memref<128xi32, #tpu.memory_space<vmem>>) semaphore(%arg15 : memref<!tpu.dma_semaphore, #tpu.memory_space<semaphore_mem>>)
      %dma_start3A_69 = arith.constant 3 : i32
      %dma_start3A_70 = arith.constant 3 : i32
      %dma_start3A_71 = arith.constant 0 : i32
      %dma_start3A_72 = arith.constant 0 : i32
      %dma_start3A_73 = tpu.memref_slice %arg10[%dma_start3A_70, %dma_start3A_71, %dma_start3A_72] : memref<8x128x32xf32, #tpu.memory_space<vmem>> -> memref<1x128x32xf32, #tpu.memory_space<vmem>>
      %dma_start3A_74 = tpu.memref_squeeze %dma_start3A_73 : memref<1x128x32xf32, #tpu.memory_space<vmem>> -> memref<128x32xf32, #tpu.memory_space<vmem>>
      %dma_start3A_75 = arith.constant 0 : i32
      %dma_start3A_76 = tpu.memref_slice %arg8[%dma_start3A_69, %dma_start3A_75] : memref<8x128xi32, #tpu.memory_space<vmem>> -> memref<1x128xi32, #tpu.memory_space<vmem>>
      %dma_start3A_77 = tpu.memref_squeeze %dma_start3A_76 : memref<1x128xi32, #tpu.memory_space<vmem>> -> memref<128xi32, #tpu.memory_space<vmem>>
      %dma_start3A_78 = arith.constant 0 : i32
      %dma_start3A_79 = arith.constant 0 : i32
      %dma_start3A_80 = tpu.memref_slice %arg5[%dma_start3A_78, %dma_start3A_79] : memref<50000x32xf32, #tpu.memory_space<hbm>> -> memref<50000x32xf32, #tpu.memory_space<hbm>>
      tpu.enqueue_indirect_dma source(%dma_start3A_80 : memref<50000x32xf32, #tpu.memory_space<hbm>>) target(%dma_start3A_74 : memref<128x32xf32, #tpu.memory_space<vmem>>) offsets(%dma_start3A_77 : memref<128xi32, #tpu.memory_space<vmem>>) semaphore(%arg16 : memref<!tpu.dma_semaphore, #tpu.memory_space<semaphore_mem>>)
      %dma_start3A_81 = arith.constant 4 : i32
      %dma_start3A_82 = arith.constant 4 : i32
      %dma_start3A_83 = arith.constant 0 : i32
      %dma_start3A_84 = arith.constant 0 : i32
      %dma_start3A_85 = tpu.memref_slice %arg10[%dma_start3A_82, %dma_start3A_83, %dma_start3A_84] : memref<8x128x32xf32, #tpu.memory_space<vmem>> -> memref<1x128x32xf32, #tpu.memory_space<vmem>>
      %dma_start3A_86 = tpu.memref_squeeze %dma_start3A_85 : memref<1x128x32xf32, #tpu.memory_space<vmem>> -> memref<128x32xf32, #tpu.memory_space<vmem>>
      %dma_start3A_87 = arith.constant 0 : i32
      %dma_start3A_88 = tpu.memref_slice %arg8[%dma_start3A_81, %dma_start3A_87] : memref<8x128xi32, #tpu.memory_space<vmem>> -> memref<1x128xi32, #tpu.memory_space<vmem>>
      %dma_start3A_89 = tpu.memref_squeeze %dma_start3A_88 : memref<1x128xi32, #tpu.memory_space<vmem>> -> memref<128xi32, #tpu.memory_space<vmem>>
      %dma_start3A_90 = arith.constant 0 : i32
      %dma_start3A_91 = arith.constant 0 : i32
      %dma_start3A_92 = tpu.memref_slice %arg5[%dma_start3A_90, %dma_start3A_91] : memref<50000x32xf32, #tpu.memory_space<hbm>> -> memref<50000x32xf32, #tpu.memory_space<hbm>>
      tpu.enqueue_indirect_dma source(%dma_start3A_92 : memref<50000x32xf32, #tpu.memory_space<hbm>>) target(%dma_start3A_86 : memref<128x32xf32, #tpu.memory_space<vmem>>) offsets(%dma_start3A_89 : memref<128xi32, #tpu.memory_space<vmem>>) semaphore(%arg17 : memref<!tpu.dma_semaphore, #tpu.memory_space<semaphore_mem>>)
      %dma_start3A_93 = arith.constant 5 : i32
      %dma_start3A_94 = arith.constant 5 : i32
      %dma_start3A_95 = arith.constant 0 : i32
      %dma_start3A_96 = arith.constant 0 : i32
      %dma_start3A_97 = tpu.memref_slice %arg10[%dma_start3A_94, %dma_start3A_95, %dma_start3A_96] : memref<8x128x32xf32, #tpu.memory_space<vmem>> -> memref<1x128x32xf32, #tpu.memory_space<vmem>>
      %dma_start3A_98 = tpu.memref_squeeze %dma_start3A_97 : memref<1x128x32xf32, #tpu.memory_space<vmem>> -> memref<128x32xf32, #tpu.memory_space<vmem>>
      %dma_start3A_99 = arith.constant 0 : i32
      %dma_start3A_100 = tpu.memref_slice %arg8[%dma_start3A_93, %dma_start3A_99] : memref<8x128xi32, #tpu.memory_space<vmem>> -> memref<1x128xi32, #tpu.memory_space<vmem>>
      %dma_start3A_101 = tpu.memref_squeeze %dma_start3A_100 : memref<1x128xi32, #tpu.memory_space<vmem>> -> memref<128xi32, #tpu.memory_space<vmem>>
      %dma_start3A_102 = arith.constant 0 : i32
      %dma_start3A_103 = arith.constant 0 : i32
      %dma_start3A_104 = tpu.memref_slice %arg5[%dma_start3A_102, %dma_start3A_103] : memref<50000x32xf32, #tpu.memory_space<hbm>> -> memref<50000x32xf32, #tpu.memory_space<hbm>>
      tpu.enqueue_indirect_dma source(%dma_start3A_104 : memref<50000x32xf32, #tpu.memory_space<hbm>>) target(%dma_start3A_98 : memref<128x32xf32, #tpu.memory_space<vmem>>) offsets(%dma_start3A_101 : memref<128xi32, #tpu.memory_space<vmem>>) semaphore(%arg18 : memref<!tpu.dma_semaphore, #tpu.memory_space<semaphore_mem>>)
      %dma_start3A_105 = arith.constant 6 : i32
      %dma_start3A_106 = arith.constant 6 : i32
      %dma_start3A_107 = arith.constant 0 : i32
      %dma_start3A_108 = arith.constant 0 : i32
      %dma_start3A_109 = tpu.memref_slice %arg10[%dma_start3A_106, %dma_start3A_107, %dma_start3A_108] : memref<8x128x32xf32, #tpu.memory_space<vmem>> -> memref<1x128x32xf32, #tpu.memory_space<vmem>>
      %dma_start3A_110 = tpu.memref_squeeze %dma_start3A_109 : memref<1x128x32xf32, #tpu.memory_space<vmem>> -> memref<128x32xf32, #tpu.memory_space<vmem>>
      %dma_start3A_111 = arith.constant 0 : i32
      %dma_start3A_112 = tpu.memref_slice %arg8[%dma_start3A_105, %dma_start3A_111] : memref<8x128xi32, #tpu.memory_space<vmem>> -> memref<1x128xi32, #tpu.memory_space<vmem>>
      %dma_start3A_113 = tpu.memref_squeeze %dma_start3A_112 : memref<1x128xi32, #tpu.memory_space<vmem>> -> memref<128xi32, #tpu.memory_space<vmem>>
      %dma_start3A_114 = arith.constant 0 : i32
      %dma_start3A_115 = arith.constant 0 : i32
      %dma_start3A_116 = tpu.memref_slice %arg5[%dma_start3A_114, %dma_start3A_115] : memref<50000x32xf32, #tpu.memory_space<hbm>> -> memref<50000x32xf32, #tpu.memory_space<hbm>>
      tpu.enqueue_indirect_dma source(%dma_start3A_116 : memref<50000x32xf32, #tpu.memory_space<hbm>>) target(%dma_start3A_110 : memref<128x32xf32, #tpu.memory_space<vmem>>) offsets(%dma_start3A_113 : memref<128xi32, #tpu.memory_space<vmem>>) semaphore(%arg19 : memref<!tpu.dma_semaphore, #tpu.memory_space<semaphore_mem>>)
      %dma_start3A_117 = arith.constant 7 : i32
      %dma_start3A_118 = arith.constant 7 : i32
      %dma_start3A_119 = arith.constant 0 : i32
      %dma_start3A_120 = arith.constant 0 : i32
      %dma_start3A_121 = tpu.memref_slice %arg10[%dma_start3A_118, %dma_start3A_119, %dma_start3A_120] : memref<8x128x32xf32, #tpu.memory_space<vmem>> -> memref<1x128x32xf32, #tpu.memory_space<vmem>>
      %dma_start3A_122 = tpu.memref_squeeze %dma_start3A_121 : memref<1x128x32xf32, #tpu.memory_space<vmem>> -> memref<128x32xf32, #tpu.memory_space<vmem>>
      %dma_start3A_123 = arith.constant 0 : i32
      %dma_start3A_124 = tpu.memref_slice %arg8[%dma_start3A_117, %dma_start3A_123] : memref<8x128xi32, #tpu.memory_space<vmem>> -> memref<1x128xi32, #tpu.memory_space<vmem>>
      %dma_start3A_125 = tpu.memref_squeeze %dma_start3A_124 : memref<1x128xi32, #tpu.memory_space<vmem>> -> memref<128xi32, #tpu.memory_space<vmem>>
      %dma_start3A_126 = arith.constant 0 : i32
      %dma_start3A_127 = arith.constant 0 : i32
      %dma_start3A_128 = tpu.memref_slice %arg5[%dma_start3A_126, %dma_start3A_127] : memref<50000x32xf32, #tpu.memory_space<hbm>> -> memref<50000x32xf32, #tpu.memory_space<hbm>>
      tpu.enqueue_indirect_dma source(%dma_start3A_128 : memref<50000x32xf32, #tpu.memory_space<hbm>>) target(%dma_start3A_122 : memref<128x32xf32, #tpu.memory_space<vmem>>) offsets(%dma_start3A_125 : memref<128xi32, #tpu.memory_space<vmem>>) semaphore(%arg20 : memref<!tpu.dma_semaphore, #tpu.memory_space<semaphore_mem>>)
      %dma_wait3A = arith.constant 0 : i32
      %dma_wait3A_129 = arith.constant 0 : i32
      %dma_wait3A_130 = arith.constant 0 : i32
      %dma_wait3A_131 = arith.constant 0 : i32
      %dma_wait3A_132 = tpu.memref_slice %arg10[%dma_wait3A_129, %dma_wait3A_130, %dma_wait3A_131] : memref<8x128x32xf32, #tpu.memory_space<vmem>> -> memref<1x128x32xf32, #tpu.memory_space<vmem>>
      %dma_wait3A_133 = tpu.memref_squeeze %dma_wait3A_132 : memref<1x128x32xf32, #tpu.memory_space<vmem>> -> memref<128x32xf32, #tpu.memory_space<vmem>>
      %dma_wait3A_134 = arith.constant 0 : i32
      %dma_wait3A_135 = tpu.memref_slice %arg8[%dma_wait3A, %dma_wait3A_134] : memref<8x128xi32, #tpu.memory_space<vmem>> -> memref<1x128xi32, #tpu.memory_space<vmem>>
      %dma_wait3A_136 = tpu.memref_squeeze %dma_wait3A_135 : memref<1x128xi32, #tpu.memory_space<vmem>> -> memref<128xi32, #tpu.memory_space<vmem>>
      %dma_wait3A_137 = arith.constant 0 : i32
      %dma_wait3A_138 = arith.constant 0 : i32
      %dma_wait3A_139 = tpu.memref_slice %arg5[%dma_wait3A_137, %dma_wait3A_138] : memref<50000x32xf32, #tpu.memory_space<hbm>> -> memref<50000x32xf32, #tpu.memory_space<hbm>>
      tpu.wait_indirect_dma semaphore(%arg13 : memref<!tpu.dma_semaphore, #tpu.memory_space<semaphore_mem>>) src(%dma_wait3A_139 : memref<50000x32xf32, #tpu.memory_space<hbm>>) dst(%dma_wait3A_133 : memref<128x32xf32, #tpu.memory_space<vmem>>)
      %dma_start3A_140 = arith.constant 0 : i32
      %dma_start3A_141 = arith.constant 0 : i32
      %dma_start3A_142 = arith.constant 0 : i32
      %dma_start3A_143 = arith.constant 0 : i32
      %dma_start3A_144 = tpu.memref_slice %arg10[%dma_start3A_140, %dma_start3A_142, %dma_start3A_143] : memref<8x128x32xf32, #tpu.memory_space<vmem>> -> memref<1x128x32xf32, #tpu.memory_space<vmem>>
      %dma_start3A_145 = tpu.memref_squeeze %dma_start3A_144 : memref<1x128x32xf32, #tpu.memory_space<vmem>> -> memref<128x32xf32, #tpu.memory_space<vmem>>
      %dma_start3A_146 = arith.constant 0 : i32
      %dma_start3A_147 = tpu.memref_slice %arg9[%dma_start3A_141, %dma_start3A_146] : memref<8x128xi32, #tpu.memory_space<vmem>> -> memref<1x128xi32, #tpu.memory_space<vmem>>
      %dma_start3A_148 = tpu.memref_squeeze %dma_start3A_147 : memref<1x128xi32, #tpu.memory_space<vmem>> -> memref<128xi32, #tpu.memory_space<vmem>>
      %dma_start3A_149 = arith.constant 0 : i32
      %dma_start3A_150 = arith.constant 0 : i32
      %dma_start3A_151 = tpu.memref_slice %arg12[%dma_start3A_149, %dma_start3A_150] : memref<25088x32xf32, #tpu.memory_space<vmem_shared>> -> memref<25088x32xf32, #tpu.memory_space<vmem_shared>>
      tpu.enqueue_indirect_dma source(%dma_start3A_145 : memref<128x32xf32, #tpu.memory_space<vmem>>) target(%dma_start3A_151 : memref<25088x32xf32, #tpu.memory_space<vmem_shared>>) offsets(%dma_start3A_148 : memref<128xi32, #tpu.memory_space<vmem>>) semaphore(%arg21 : memref<!tpu.dma_semaphore, #tpu.memory_space<semaphore_mem>>) {add = true}
      %dma_wait3A_152 = arith.constant 1 : i32
      %dma_wait3A_153 = arith.constant 1 : i32
      %dma_wait3A_154 = arith.constant 0 : i32
      %dma_wait3A_155 = arith.constant 0 : i32
      %dma_wait3A_156 = tpu.memref_slice %arg10[%dma_wait3A_153, %dma_wait3A_154, %dma_wait3A_155] : memref<8x128x32xf32, #tpu.memory_space<vmem>> -> memref<1x128x32xf32, #tpu.memory_space<vmem>>
      %dma_wait3A_157 = tpu.memref_squeeze %dma_wait3A_156 : memref<1x128x32xf32, #tpu.memory_space<vmem>> -> memref<128x32xf32, #tpu.memory_space<vmem>>
      %dma_wait3A_158 = arith.constant 0 : i32
      %dma_wait3A_159 = tpu.memref_slice %arg8[%dma_wait3A_152, %dma_wait3A_158] : memref<8x128xi32, #tpu.memory_space<vmem>> -> memref<1x128xi32, #tpu.memory_space<vmem>>
      %dma_wait3A_160 = tpu.memref_squeeze %dma_wait3A_159 : memref<1x128xi32, #tpu.memory_space<vmem>> -> memref<128xi32, #tpu.memory_space<vmem>>
      %dma_wait3A_161 = arith.constant 0 : i32
      %dma_wait3A_162 = arith.constant 0 : i32
      %dma_wait3A_163 = tpu.memref_slice %arg5[%dma_wait3A_161, %dma_wait3A_162] : memref<50000x32xf32, #tpu.memory_space<hbm>> -> memref<50000x32xf32, #tpu.memory_space<hbm>>
      tpu.wait_indirect_dma semaphore(%arg14 : memref<!tpu.dma_semaphore, #tpu.memory_space<semaphore_mem>>) src(%dma_wait3A_163 : memref<50000x32xf32, #tpu.memory_space<hbm>>) dst(%dma_wait3A_157 : memref<128x32xf32, #tpu.memory_space<vmem>>)
      %dma_start3A_164 = arith.constant 1 : i32
      %dma_start3A_165 = arith.constant 1 : i32
      %dma_start3A_166 = arith.constant 0 : i32
      %dma_start3A_167 = arith.constant 0 : i32
      %dma_start3A_168 = tpu.memref_slice %arg10[%dma_start3A_164, %dma_start3A_166, %dma_start3A_167] : memref<8x128x32xf32, #tpu.memory_space<vmem>> -> memref<1x128x32xf32, #tpu.memory_space<vmem>>
      %dma_start3A_169 = tpu.memref_squeeze %dma_start3A_168 : memref<1x128x32xf32, #tpu.memory_space<vmem>> -> memref<128x32xf32, #tpu.memory_space<vmem>>
      %dma_start3A_170 = arith.constant 0 : i32
      %dma_start3A_171 = tpu.memref_slice %arg9[%dma_start3A_165, %dma_start3A_170] : memref<8x128xi32, #tpu.memory_space<vmem>> -> memref<1x128xi32, #tpu.memory_space<vmem>>
      %dma_start3A_172 = tpu.memref_squeeze %dma_start3A_171 : memref<1x128xi32, #tpu.memory_space<vmem>> -> memref<128xi32, #tpu.memory_space<vmem>>
      %dma_start3A_173 = arith.constant 0 : i32
      %dma_start3A_174 = arith.constant 0 : i32
      %dma_start3A_175 = tpu.memref_slice %arg12[%dma_start3A_173, %dma_start3A_174] : memref<25088x32xf32, #tpu.memory_space<vmem_shared>> -> memref<25088x32xf32, #tpu.memory_space<vmem_shared>>
      tpu.enqueue_indirect_dma source(%dma_start3A_169 : memref<128x32xf32, #tpu.memory_space<vmem>>) target(%dma_start3A_175 : memref<25088x32xf32, #tpu.memory_space<vmem_shared>>) offsets(%dma_start3A_172 : memref<128xi32, #tpu.memory_space<vmem>>) semaphore(%arg22 : memref<!tpu.dma_semaphore, #tpu.memory_space<semaphore_mem>>) {add = true}
      %dma_wait3A_176 = arith.constant 2 : i32
      %dma_wait3A_177 = arith.constant 2 : i32
      %dma_wait3A_178 = arith.constant 0 : i32
      %dma_wait3A_179 = arith.constant 0 : i32
      %dma_wait3A_180 = tpu.memref_slice %arg10[%dma_wait3A_177, %dma_wait3A_178, %dma_wait3A_179] : memref<8x128x32xf32, #tpu.memory_space<vmem>> -> memref<1x128x32xf32, #tpu.memory_space<vmem>>
      %dma_wait3A_181 = tpu.memref_squeeze %dma_wait3A_180 : memref<1x128x32xf32, #tpu.memory_space<vmem>> -> memref<128x32xf32, #tpu.memory_space<vmem>>
      %dma_wait3A_182 = arith.constant 0 : i32
      %dma_wait3A_183 = tpu.memref_slice %arg8[%dma_wait3A_176, %dma_wait3A_182] : memref<8x128xi32, #tpu.memory_space<vmem>> -> memref<1x128xi32, #tpu.memory_space<vmem>>
      %dma_wait3A_184 = tpu.memref_squeeze %dma_wait3A_183 : memref<1x128xi32, #tpu.memory_space<vmem>> -> memref<128xi32, #tpu.memory_space<vmem>>
      %dma_wait3A_185 = arith.constant 0 : i32
      %dma_wait3A_186 = arith.constant 0 : i32
      %dma_wait3A_187 = tpu.memref_slice %arg5[%dma_wait3A_185, %dma_wait3A_186] : memref<50000x32xf32, #tpu.memory_space<hbm>> -> memref<50000x32xf32, #tpu.memory_space<hbm>>
      tpu.wait_indirect_dma semaphore(%arg15 : memref<!tpu.dma_semaphore, #tpu.memory_space<semaphore_mem>>) src(%dma_wait3A_187 : memref<50000x32xf32, #tpu.memory_space<hbm>>) dst(%dma_wait3A_181 : memref<128x32xf32, #tpu.memory_space<vmem>>)
      %dma_start3A_188 = arith.constant 2 : i32
      %dma_start3A_189 = arith.constant 2 : i32
      %dma_start3A_190 = arith.constant 0 : i32
      %dma_start3A_191 = arith.constant 0 : i32
      %dma_start3A_192 = tpu.memref_slice %arg10[%dma_start3A_188, %dma_start3A_190, %dma_start3A_191] : memref<8x128x32xf32, #tpu.memory_space<vmem>> -> memref<1x128x32xf32, #tpu.memory_space<vmem>>
      %dma_start3A_193 = tpu.memref_squeeze %dma_start3A_192 : memref<1x128x32xf32, #tpu.memory_space<vmem>> -> memref<128x32xf32, #tpu.memory_space<vmem>>
      %dma_start3A_194 = arith.constant 0 : i32
      %dma_start3A_195 = tpu.memref_slice %arg9[%dma_start3A_189, %dma_start3A_194] : memref<8x128xi32, #tpu.memory_space<vmem>> -> memref<1x128xi32, #tpu.memory_space<vmem>>
      %dma_start3A_196 = tpu.memref_squeeze %dma_start3A_195 : memref<1x128xi32, #tpu.memory_space<vmem>> -> memref<128xi32, #tpu.memory_space<vmem>>
      %dma_start3A_197 = arith.constant 0 : i32
      %dma_start3A_198 = arith.constant 0 : i32
      %dma_start3A_199 = tpu.memref_slice %arg12[%dma_start3A_197, %dma_start3A_198] : memref<25088x32xf32, #tpu.memory_space<vmem_shared>> -> memref<25088x32xf32, #tpu.memory_space<vmem_shared>>
      tpu.enqueue_indirect_dma source(%dma_start3A_193 : memref<128x32xf32, #tpu.memory_space<vmem>>) target(%dma_start3A_199 : memref<25088x32xf32, #tpu.memory_space<vmem_shared>>) offsets(%dma_start3A_196 : memref<128xi32, #tpu.memory_space<vmem>>) semaphore(%arg23 : memref<!tpu.dma_semaphore, #tpu.memory_space<semaphore_mem>>) {add = true}
      %dma_wait3A_200 = arith.constant 3 : i32
      %dma_wait3A_201 = arith.constant 3 : i32
      %dma_wait3A_202 = arith.constant 0 : i32
      %dma_wait3A_203 = arith.constant 0 : i32
      %dma_wait3A_204 = tpu.memref_slice %arg10[%dma_wait3A_201, %dma_wait3A_202, %dma_wait3A_203] : memref<8x128x32xf32, #tpu.memory_space<vmem>> -> memref<1x128x32xf32, #tpu.memory_space<vmem>>
      %dma_wait3A_205 = tpu.memref_squeeze %dma_wait3A_204 : memref<1x128x32xf32, #tpu.memory_space<vmem>> -> memref<128x32xf32, #tpu.memory_space<vmem>>
      %dma_wait3A_206 = arith.constant 0 : i32
      %dma_wait3A_207 = tpu.memref_slice %arg8[%dma_wait3A_200, %dma_wait3A_206] : memref<8x128xi32, #tpu.memory_space<vmem>> -> memref<1x128xi32, #tpu.memory_space<vmem>>
      %dma_wait3A_208 = tpu.memref_squeeze %dma_wait3A_207 : memref<1x128xi32, #tpu.memory_space<vmem>> -> memref<128xi32, #tpu.memory_space<vmem>>
      %dma_wait3A_209 = arith.constant 0 : i32
      %dma_wait3A_210 = arith.constant 0 : i32
      %dma_wait3A_211 = tpu.memref_slice %arg5[%dma_wait3A_209, %dma_wait3A_210] : memref<50000x32xf32, #tpu.memory_space<hbm>> -> memref<50000x32xf32, #tpu.memory_space<hbm>>
      tpu.wait_indirect_dma semaphore(%arg16 : memref<!tpu.dma_semaphore, #tpu.memory_space<semaphore_mem>>) src(%dma_wait3A_211 : memref<50000x32xf32, #tpu.memory_space<hbm>>) dst(%dma_wait3A_205 : memref<128x32xf32, #tpu.memory_space<vmem>>)
      %dma_start3A_212 = arith.constant 3 : i32
      %dma_start3A_213 = arith.constant 3 : i32
      %dma_start3A_214 = arith.constant 0 : i32
      %dma_start3A_215 = arith.constant 0 : i32
      %dma_start3A_216 = tpu.memref_slice %arg10[%dma_start3A_212, %dma_start3A_214, %dma_start3A_215] : memref<8x128x32xf32, #tpu.memory_space<vmem>> -> memref<1x128x32xf32, #tpu.memory_space<vmem>>
      %dma_start3A_217 = tpu.memref_squeeze %dma_start3A_216 : memref<1x128x32xf32, #tpu.memory_space<vmem>> -> memref<128x32xf32, #tpu.memory_space<vmem>>
      %dma_start3A_218 = arith.constant 0 : i32
      %dma_start3A_219 = tpu.memref_slice %arg9[%dma_start3A_213, %dma_start3A_218] : memref<8x128xi32, #tpu.memory_space<vmem>> -> memref<1x128xi32, #tpu.memory_space<vmem>>
      %dma_start3A_220 = tpu.memref_squeeze %dma_start3A_219 : memref<1x128xi32, #tpu.memory_space<vmem>> -> memref<128xi32, #tpu.memory_space<vmem>>
      %dma_start3A_221 = arith.constant 0 : i32
      %dma_start3A_222 = arith.constant 0 : i32
      %dma_start3A_223 = tpu.memref_slice %arg12[%dma_start3A_221, %dma_start3A_222] : memref<25088x32xf32, #tpu.memory_space<vmem_shared>> -> memref<25088x32xf32, #tpu.memory_space<vmem_shared>>
      tpu.enqueue_indirect_dma source(%dma_start3A_217 : memref<128x32xf32, #tpu.memory_space<vmem>>) target(%dma_start3A_223 : memref<25088x32xf32, #tpu.memory_space<vmem_shared>>) offsets(%dma_start3A_220 : memref<128xi32, #tpu.memory_space<vmem>>) semaphore(%arg24 : memref<!tpu.dma_semaphore, #tpu.memory_space<semaphore_mem>>) {add = true}
      %dma_wait3A_224 = arith.constant 4 : i32
      %dma_wait3A_225 = arith.constant 4 : i32
      %dma_wait3A_226 = arith.constant 0 : i32
      %dma_wait3A_227 = arith.constant 0 : i32
      %dma_wait3A_228 = tpu.memref_slice %arg10[%dma_wait3A_225, %dma_wait3A_226, %dma_wait3A_227] : memref<8x128x32xf32, #tpu.memory_space<vmem>> -> memref<1x128x32xf32, #tpu.memory_space<vmem>>
      %dma_wait3A_229 = tpu.memref_squeeze %dma_wait3A_228 : memref<1x128x32xf32, #tpu.memory_space<vmem>> -> memref<128x32xf32, #tpu.memory_space<vmem>>
      %dma_wait3A_230 = arith.constant 0 : i32
      %dma_wait3A_231 = tpu.memref_slice %arg8[%dma_wait3A_224, %dma_wait3A_230] : memref<8x128xi32, #tpu.memory_space<vmem>> -> memref<1x128xi32, #tpu.memory_space<vmem>>
      %dma_wait3A_232 = tpu.memref_squeeze %dma_wait3A_231 : memref<1x128xi32, #tpu.memory_space<vmem>> -> memref<128xi32, #tpu.memory_space<vmem>>
      %dma_wait3A_233 = arith.constant 0 : i32
      %dma_wait3A_234 = arith.constant 0 : i32
      %dma_wait3A_235 = tpu.memref_slice %arg5[%dma_wait3A_233, %dma_wait3A_234] : memref<50000x32xf32, #tpu.memory_space<hbm>> -> memref<50000x32xf32, #tpu.memory_space<hbm>>
      tpu.wait_indirect_dma semaphore(%arg17 : memref<!tpu.dma_semaphore, #tpu.memory_space<semaphore_mem>>) src(%dma_wait3A_235 : memref<50000x32xf32, #tpu.memory_space<hbm>>) dst(%dma_wait3A_229 : memref<128x32xf32, #tpu.memory_space<vmem>>)
      %dma_start3A_236 = arith.constant 4 : i32
      %dma_start3A_237 = arith.constant 4 : i32
      %dma_start3A_238 = arith.constant 0 : i32
      %dma_start3A_239 = arith.constant 0 : i32
      %dma_start3A_240 = tpu.memref_slice %arg10[%dma_start3A_236, %dma_start3A_238, %dma_start3A_239] : memref<8x128x32xf32, #tpu.memory_space<vmem>> -> memref<1x128x32xf32, #tpu.memory_space<vmem>>
      %dma_start3A_241 = tpu.memref_squeeze %dma_start3A_240 : memref<1x128x32xf32, #tpu.memory_space<vmem>> -> memref<128x32xf32, #tpu.memory_space<vmem>>
      %dma_start3A_242 = arith.constant 0 : i32
      %dma_start3A_243 = tpu.memref_slice %arg9[%dma_start3A_237, %dma_start3A_242] : memref<8x128xi32, #tpu.memory_space<vmem>> -> memref<1x128xi32, #tpu.memory_space<vmem>>
      %dma_start3A_244 = tpu.memref_squeeze %dma_start3A_243 : memref<1x128xi32, #tpu.memory_space<vmem>> -> memref<128xi32, #tpu.memory_space<vmem>>
      %dma_start3A_245 = arith.constant 0 : i32
      %dma_start3A_246 = arith.constant 0 : i32
      %dma_start3A_247 = tpu.memref_slice %arg12[%dma_start3A_245, %dma_start3A_246] : memref<25088x32xf32, #tpu.memory_space<vmem_shared>> -> memref<25088x32xf32, #tpu.memory_space<vmem_shared>>
      tpu.enqueue_indirect_dma source(%dma_start3A_241 : memref<128x32xf32, #tpu.memory_space<vmem>>) target(%dma_start3A_247 : memref<25088x32xf32, #tpu.memory_space<vmem_shared>>) offsets(%dma_start3A_244 : memref<128xi32, #tpu.memory_space<vmem>>) semaphore(%arg25 : memref<!tpu.dma_semaphore, #tpu.memory_space<semaphore_mem>>) {add = true}
      %dma_wait3A_248 = arith.constant 5 : i32
      %dma_wait3A_249 = arith.constant 5 : i32
      %dma_wait3A_250 = arith.constant 0 : i32
      %dma_wait3A_251 = arith.constant 0 : i32
      %dma_wait3A_252 = tpu.memref_slice %arg10[%dma_wait3A_249, %dma_wait3A_250, %dma_wait3A_251] : memref<8x128x32xf32, #tpu.memory_space<vmem>> -> memref<1x128x32xf32, #tpu.memory_space<vmem>>
      %dma_wait3A_253 = tpu.memref_squeeze %dma_wait3A_252 : memref<1x128x32xf32, #tpu.memory_space<vmem>> -> memref<128x32xf32, #tpu.memory_space<vmem>>
      %dma_wait3A_254 = arith.constant 0 : i32
      %dma_wait3A_255 = tpu.memref_slice %arg8[%dma_wait3A_248, %dma_wait3A_254] : memref<8x128xi32, #tpu.memory_space<vmem>> -> memref<1x128xi32, #tpu.memory_space<vmem>>
      %dma_wait3A_256 = tpu.memref_squeeze %dma_wait3A_255 : memref<1x128xi32, #tpu.memory_space<vmem>> -> memref<128xi32, #tpu.memory_space<vmem>>
      %dma_wait3A_257 = arith.constant 0 : i32
      %dma_wait3A_258 = arith.constant 0 : i32
      %dma_wait3A_259 = tpu.memref_slice %arg5[%dma_wait3A_257, %dma_wait3A_258] : memref<50000x32xf32, #tpu.memory_space<hbm>> -> memref<50000x32xf32, #tpu.memory_space<hbm>>
      tpu.wait_indirect_dma semaphore(%arg18 : memref<!tpu.dma_semaphore, #tpu.memory_space<semaphore_mem>>) src(%dma_wait3A_259 : memref<50000x32xf32, #tpu.memory_space<hbm>>) dst(%dma_wait3A_253 : memref<128x32xf32, #tpu.memory_space<vmem>>)
      %dma_start3A_260 = arith.constant 5 : i32
      %dma_start3A_261 = arith.constant 5 : i32
      %dma_start3A_262 = arith.constant 0 : i32
      %dma_start3A_263 = arith.constant 0 : i32
      %dma_start3A_264 = tpu.memref_slice %arg10[%dma_start3A_260, %dma_start3A_262, %dma_start3A_263] : memref<8x128x32xf32, #tpu.memory_space<vmem>> -> memref<1x128x32xf32, #tpu.memory_space<vmem>>
      %dma_start3A_265 = tpu.memref_squeeze %dma_start3A_264 : memref<1x128x32xf32, #tpu.memory_space<vmem>> -> memref<128x32xf32, #tpu.memory_space<vmem>>
      %dma_start3A_266 = arith.constant 0 : i32
      %dma_start3A_267 = tpu.memref_slice %arg9[%dma_start3A_261, %dma_start3A_266] : memref<8x128xi32, #tpu.memory_space<vmem>> -> memref<1x128xi32, #tpu.memory_space<vmem>>
      %dma_start3A_268 = tpu.memref_squeeze %dma_start3A_267 : memref<1x128xi32, #tpu.memory_space<vmem>> -> memref<128xi32, #tpu.memory_space<vmem>>
      %dma_start3A_269 = arith.constant 0 : i32
      %dma_start3A_270 = arith.constant 0 : i32
      %dma_start3A_271 = tpu.memref_slice %arg12[%dma_start3A_269, %dma_start3A_270] : memref<25088x32xf32, #tpu.memory_space<vmem_shared>> -> memref<25088x32xf32, #tpu.memory_space<vmem_shared>>
      tpu.enqueue_indirect_dma source(%dma_start3A_265 : memref<128x32xf32, #tpu.memory_space<vmem>>) target(%dma_start3A_271 : memref<25088x32xf32, #tpu.memory_space<vmem_shared>>) offsets(%dma_start3A_268 : memref<128xi32, #tpu.memory_space<vmem>>) semaphore(%arg26 : memref<!tpu.dma_semaphore, #tpu.memory_space<semaphore_mem>>) {add = true}
      %dma_wait3A_272 = arith.constant 6 : i32
      %dma_wait3A_273 = arith.constant 6 : i32
      %dma_wait3A_274 = arith.constant 0 : i32
      %dma_wait3A_275 = arith.constant 0 : i32
      %dma_wait3A_276 = tpu.memref_slice %arg10[%dma_wait3A_273, %dma_wait3A_274, %dma_wait3A_275] : memref<8x128x32xf32, #tpu.memory_space<vmem>> -> memref<1x128x32xf32, #tpu.memory_space<vmem>>
      %dma_wait3A_277 = tpu.memref_squeeze %dma_wait3A_276 : memref<1x128x32xf32, #tpu.memory_space<vmem>> -> memref<128x32xf32, #tpu.memory_space<vmem>>
      %dma_wait3A_278 = arith.constant 0 : i32
      %dma_wait3A_279 = tpu.memref_slice %arg8[%dma_wait3A_272, %dma_wait3A_278] : memref<8x128xi32, #tpu.memory_space<vmem>> -> memref<1x128xi32, #tpu.memory_space<vmem>>
      %dma_wait3A_280 = tpu.memref_squeeze %dma_wait3A_279 : memref<1x128xi32, #tpu.memory_space<vmem>> -> memref<128xi32, #tpu.memory_space<vmem>>
      %dma_wait3A_281 = arith.constant 0 : i32
      %dma_wait3A_282 = arith.constant 0 : i32
      %dma_wait3A_283 = tpu.memref_slice %arg5[%dma_wait3A_281, %dma_wait3A_282] : memref<50000x32xf32, #tpu.memory_space<hbm>> -> memref<50000x32xf32, #tpu.memory_space<hbm>>
      tpu.wait_indirect_dma semaphore(%arg19 : memref<!tpu.dma_semaphore, #tpu.memory_space<semaphore_mem>>) src(%dma_wait3A_283 : memref<50000x32xf32, #tpu.memory_space<hbm>>) dst(%dma_wait3A_277 : memref<128x32xf32, #tpu.memory_space<vmem>>)
      %dma_start3A_284 = arith.constant 6 : i32
      %dma_start3A_285 = arith.constant 6 : i32
      %dma_start3A_286 = arith.constant 0 : i32
      %dma_start3A_287 = arith.constant 0 : i32
      %dma_start3A_288 = tpu.memref_slice %arg10[%dma_start3A_284, %dma_start3A_286, %dma_start3A_287] : memref<8x128x32xf32, #tpu.memory_space<vmem>> -> memref<1x128x32xf32, #tpu.memory_space<vmem>>
      %dma_start3A_289 = tpu.memref_squeeze %dma_start3A_288 : memref<1x128x32xf32, #tpu.memory_space<vmem>> -> memref<128x32xf32, #tpu.memory_space<vmem>>
      %dma_start3A_290 = arith.constant 0 : i32
      %dma_start3A_291 = tpu.memref_slice %arg9[%dma_start3A_285, %dma_start3A_290] : memref<8x128xi32, #tpu.memory_space<vmem>> -> memref<1x128xi32, #tpu.memory_space<vmem>>
      %dma_start3A_292 = tpu.memref_squeeze %dma_start3A_291 : memref<1x128xi32, #tpu.memory_space<vmem>> -> memref<128xi32, #tpu.memory_space<vmem>>
      %dma_start3A_293 = arith.constant 0 : i32
      %dma_start3A_294 = arith.constant 0 : i32
      %dma_start3A_295 = tpu.memref_slice %arg12[%dma_start3A_293, %dma_start3A_294] : memref<25088x32xf32, #tpu.memory_space<vmem_shared>> -> memref<25088x32xf32, #tpu.memory_space<vmem_shared>>
      tpu.enqueue_indirect_dma source(%dma_start3A_289 : memref<128x32xf32, #tpu.memory_space<vmem>>) target(%dma_start3A_295 : memref<25088x32xf32, #tpu.memory_space<vmem_shared>>) offsets(%dma_start3A_292 : memref<128xi32, #tpu.memory_space<vmem>>) semaphore(%arg27 : memref<!tpu.dma_semaphore, #tpu.memory_space<semaphore_mem>>) {add = true}
      %dma_wait3A_296 = arith.constant 7 : i32
      %dma_wait3A_297 = arith.constant 7 : i32
      %dma_wait3A_298 = arith.constant 0 : i32
      %dma_wait3A_299 = arith.constant 0 : i32
      %dma_wait3A_300 = tpu.memref_slice %arg10[%dma_wait3A_297, %dma_wait3A_298, %dma_wait3A_299] : memref<8x128x32xf32, #tpu.memory_space<vmem>> -> memref<1x128x32xf32, #tpu.memory_space<vmem>>
      %dma_wait3A_301 = tpu.memref_squeeze %dma_wait3A_300 : memref<1x128x32xf32, #tpu.memory_space<vmem>> -> memref<128x32xf32, #tpu.memory_space<vmem>>
      %dma_wait3A_302 = arith.constant 0 : i32
      %dma_wait3A_303 = tpu.memref_slice %arg8[%dma_wait3A_296, %dma_wait3A_302] : memref<8x128xi32, #tpu.memory_space<vmem>> -> memref<1x128xi32, #tpu.memory_space<vmem>>
      %dma_wait3A_304 = tpu.memref_squeeze %dma_wait3A_303 : memref<1x128xi32, #tpu.memory_space<vmem>> -> memref<128xi32, #tpu.memory_space<vmem>>
      %dma_wait3A_305 = arith.constant 0 : i32
      %dma_wait3A_306 = arith.constant 0 : i32
      %dma_wait3A_307 = tpu.memref_slice %arg5[%dma_wait3A_305, %dma_wait3A_306] : memref<50000x32xf32, #tpu.memory_space<hbm>> -> memref<50000x32xf32, #tpu.memory_space<hbm>>
      tpu.wait_indirect_dma semaphore(%arg20 : memref<!tpu.dma_semaphore, #tpu.memory_space<semaphore_mem>>) src(%dma_wait3A_307 : memref<50000x32xf32, #tpu.memory_space<hbm>>) dst(%dma_wait3A_301 : memref<128x32xf32, #tpu.memory_space<vmem>>)
      %dma_start3A_308 = arith.constant 7 : i32
      %dma_start3A_309 = arith.constant 7 : i32
      %dma_start3A_310 = arith.constant 0 : i32
      %dma_start3A_311 = arith.constant 0 : i32
      %dma_start3A_312 = tpu.memref_slice %arg10[%dma_start3A_308, %dma_start3A_310, %dma_start3A_311] : memref<8x128x32xf32, #tpu.memory_space<vmem>> -> memref<1x128x32xf32, #tpu.memory_space<vmem>>
      %dma_start3A_313 = tpu.memref_squeeze %dma_start3A_312 : memref<1x128x32xf32, #tpu.memory_space<vmem>> -> memref<128x32xf32, #tpu.memory_space<vmem>>
      %dma_start3A_314 = arith.constant 0 : i32
      %dma_start3A_315 = tpu.memref_slice %arg9[%dma_start3A_309, %dma_start3A_314] : memref<8x128xi32, #tpu.memory_space<vmem>> -> memref<1x128xi32, #tpu.memory_space<vmem>>
      %dma_start3A_316 = tpu.memref_squeeze %dma_start3A_315 : memref<1x128xi32, #tpu.memory_space<vmem>> -> memref<128xi32, #tpu.memory_space<vmem>>
      %dma_start3A_317 = arith.constant 0 : i32
      %dma_start3A_318 = arith.constant 0 : i32
      %dma_start3A_319 = tpu.memref_slice %arg12[%dma_start3A_317, %dma_start3A_318] : memref<25088x32xf32, #tpu.memory_space<vmem_shared>> -> memref<25088x32xf32, #tpu.memory_space<vmem_shared>>
      tpu.enqueue_indirect_dma source(%dma_start3A_313 : memref<128x32xf32, #tpu.memory_space<vmem>>) target(%dma_start3A_319 : memref<25088x32xf32, #tpu.memory_space<vmem_shared>>) offsets(%dma_start3A_316 : memref<128xi32, #tpu.memory_space<vmem>>) semaphore(%arg28 : memref<!tpu.dma_semaphore, #tpu.memory_space<semaphore_mem>>) {add = true}
      %dma_wait3A_320 = arith.constant 0 : i32
      %dma_wait3A_321 = arith.constant 0 : i32
      %dma_wait3A_322 = arith.constant 0 : i32
      %dma_wait3A_323 = arith.constant 0 : i32
      %dma_wait3A_324 = tpu.memref_slice %arg10[%dma_wait3A_320, %dma_wait3A_322, %dma_wait3A_323] : memref<8x128x32xf32, #tpu.memory_space<vmem>> -> memref<1x128x32xf32, #tpu.memory_space<vmem>>
      %dma_wait3A_325 = tpu.memref_squeeze %dma_wait3A_324 : memref<1x128x32xf32, #tpu.memory_space<vmem>> -> memref<128x32xf32, #tpu.memory_space<vmem>>
      %dma_wait3A_326 = arith.constant 0 : i32
      %dma_wait3A_327 = tpu.memref_slice %arg9[%dma_wait3A_321, %dma_wait3A_326] : memref<8x128xi32, #tpu.memory_space<vmem>> -> memref<1x128xi32, #tpu.memory_space<vmem>>
      %dma_wait3A_328 = tpu.memref_squeeze %dma_wait3A_327 : memref<1x128xi32, #tpu.memory_space<vmem>> -> memref<128xi32, #tpu.memory_space<vmem>>
      %dma_wait3A_329 = arith.constant 0 : i32
      %dma_wait3A_330 = arith.constant 0 : i32
      %dma_wait3A_331 = tpu.memref_slice %arg12[%dma_wait3A_329, %dma_wait3A_330] : memref<25088x32xf32, #tpu.memory_space<vmem_shared>> -> memref<25088x32xf32, #tpu.memory_space<vmem_shared>>
      tpu.wait_indirect_dma semaphore(%arg21 : memref<!tpu.dma_semaphore, #tpu.memory_space<semaphore_mem>>) src(%dma_wait3A_325 : memref<128x32xf32, #tpu.memory_space<vmem>>) dst(%dma_wait3A_331 : memref<25088x32xf32, #tpu.memory_space<vmem_shared>>)
      %dma_wait3A_332 = arith.constant 1 : i32
      %dma_wait3A_333 = arith.constant 1 : i32
      %dma_wait3A_334 = arith.constant 0 : i32
      %dma_wait3A_335 = arith.constant 0 : i32
      %dma_wait3A_336 = tpu.memref_slice %arg10[%dma_wait3A_332, %dma_wait3A_334, %dma_wait3A_335] : memref<8x128x32xf32, #tpu.memory_space<vmem>> -> memref<1x128x32xf32, #tpu.memory_space<vmem>>
      %dma_wait3A_337 = tpu.memref_squeeze %dma_wait3A_336 : memref<1x128x32xf32, #tpu.memory_space<vmem>> -> memref<128x32xf32, #tpu.memory_space<vmem>>
      %dma_wait3A_338 = arith.constant 0 : i32
      %dma_wait3A_339 = tpu.memref_slice %arg9[%dma_wait3A_333, %dma_wait3A_338] : memref<8x128xi32, #tpu.memory_space<vmem>> -> memref<1x128xi32, #tpu.memory_space<vmem>>
      %dma_wait3A_340 = tpu.memref_squeeze %dma_wait3A_339 : memref<1x128xi32, #tpu.memory_space<vmem>> -> memref<128xi32, #tpu.memory_space<vmem>>
      %dma_wait3A_341 = arith.constant 0 : i32
      %dma_wait3A_342 = arith.constant 0 : i32
      %dma_wait3A_343 = tpu.memref_slice %arg12[%dma_wait3A_341, %dma_wait3A_342] : memref<25088x32xf32, #tpu.memory_space<vmem_shared>> -> memref<25088x32xf32, #tpu.memory_space<vmem_shared>>
      tpu.wait_indirect_dma semaphore(%arg22 : memref<!tpu.dma_semaphore, #tpu.memory_space<semaphore_mem>>) src(%dma_wait3A_337 : memref<128x32xf32, #tpu.memory_space<vmem>>) dst(%dma_wait3A_343 : memref<25088x32xf32, #tpu.memory_space<vmem_shared>>)
      %dma_wait3A_344 = arith.constant 2 : i32
      %dma_wait3A_345 = arith.constant 2 : i32
      %dma_wait3A_346 = arith.constant 0 : i32
      %dma_wait3A_347 = arith.constant 0 : i32
      %dma_wait3A_348 = tpu.memref_slice %arg10[%dma_wait3A_344, %dma_wait3A_346, %dma_wait3A_347] : memref<8x128x32xf32, #tpu.memory_space<vmem>> -> memref<1x128x32xf32, #tpu.memory_space<vmem>>
      %dma_wait3A_349 = tpu.memref_squeeze %dma_wait3A_348 : memref<1x128x32xf32, #tpu.memory_space<vmem>> -> memref<128x32xf32, #tpu.memory_space<vmem>>
      %dma_wait3A_350 = arith.constant 0 : i32
      %dma_wait3A_351 = tpu.memref_slice %arg9[%dma_wait3A_345, %dma_wait3A_350] : memref<8x128xi32, #tpu.memory_space<vmem>> -> memref<1x128xi32, #tpu.memory_space<vmem>>
      %dma_wait3A_352 = tpu.memref_squeeze %dma_wait3A_351 : memref<1x128xi32, #tpu.memory_space<vmem>> -> memref<128xi32, #tpu.memory_space<vmem>>
      %dma_wait3A_353 = arith.constant 0 : i32
      %dma_wait3A_354 = arith.constant 0 : i32
      %dma_wait3A_355 = tpu.memref_slice %arg12[%dma_wait3A_353, %dma_wait3A_354] : memref<25088x32xf32, #tpu.memory_space<vmem_shared>> -> memref<25088x32xf32, #tpu.memory_space<vmem_shared>>
      tpu.wait_indirect_dma semaphore(%arg23 : memref<!tpu.dma_semaphore, #tpu.memory_space<semaphore_mem>>) src(%dma_wait3A_349 : memref<128x32xf32, #tpu.memory_space<vmem>>) dst(%dma_wait3A_355 : memref<25088x32xf32, #tpu.memory_space<vmem_shared>>)
      %dma_wait3A_356 = arith.constant 3 : i32
      %dma_wait3A_357 = arith.constant 3 : i32
      %dma_wait3A_358 = arith.constant 0 : i32
      %dma_wait3A_359 = arith.constant 0 : i32
      %dma_wait3A_360 = tpu.memref_slice %arg10[%dma_wait3A_356, %dma_wait3A_358, %dma_wait3A_359] : memref<8x128x32xf32, #tpu.memory_space<vmem>> -> memref<1x128x32xf32, #tpu.memory_space<vmem>>
      %dma_wait3A_361 = tpu.memref_squeeze %dma_wait3A_360 : memref<1x128x32xf32, #tpu.memory_space<vmem>> -> memref<128x32xf32, #tpu.memory_space<vmem>>
      %dma_wait3A_362 = arith.constant 0 : i32
      %dma_wait3A_363 = tpu.memref_slice %arg9[%dma_wait3A_357, %dma_wait3A_362] : memref<8x128xi32, #tpu.memory_space<vmem>> -> memref<1x128xi32, #tpu.memory_space<vmem>>
      %dma_wait3A_364 = tpu.memref_squeeze %dma_wait3A_363 : memref<1x128xi32, #tpu.memory_space<vmem>> -> memref<128xi32, #tpu.memory_space<vmem>>
      %dma_wait3A_365 = arith.constant 0 : i32
      %dma_wait3A_366 = arith.constant 0 : i32
      %dma_wait3A_367 = tpu.memref_slice %arg12[%dma_wait3A_365, %dma_wait3A_366] : memref<25088x32xf32, #tpu.memory_space<vmem_shared>> -> memref<25088x32xf32, #tpu.memory_space<vmem_shared>>
      tpu.wait_indirect_dma semaphore(%arg24 : memref<!tpu.dma_semaphore, #tpu.memory_space<semaphore_mem>>) src(%dma_wait3A_361 : memref<128x32xf32, #tpu.memory_space<vmem>>) dst(%dma_wait3A_367 : memref<25088x32xf32, #tpu.memory_space<vmem_shared>>)
      %dma_wait3A_368 = arith.constant 4 : i32
      %dma_wait3A_369 = arith.constant 4 : i32
      %dma_wait3A_370 = arith.constant 0 : i32
      %dma_wait3A_371 = arith.constant 0 : i32
      %dma_wait3A_372 = tpu.memref_slice %arg10[%dma_wait3A_368, %dma_wait3A_370, %dma_wait3A_371] : memref<8x128x32xf32, #tpu.memory_space<vmem>> -> memref<1x128x32xf32, #tpu.memory_space<vmem>>
      %dma_wait3A_373 = tpu.memref_squeeze %dma_wait3A_372 : memref<1x128x32xf32, #tpu.memory_space<vmem>> -> memref<128x32xf32, #tpu.memory_space<vmem>>
      %dma_wait3A_374 = arith.constant 0 : i32
      %dma_wait3A_375 = tpu.memref_slice %arg9[%dma_wait3A_369, %dma_wait3A_374] : memref<8x128xi32, #tpu.memory_space<vmem>> -> memref<1x128xi32, #tpu.memory_space<vmem>>
      %dma_wait3A_376 = tpu.memref_squeeze %dma_wait3A_375 : memref<1x128xi32, #tpu.memory_space<vmem>> -> memref<128xi32, #tpu.memory_space<vmem>>
      %dma_wait3A_377 = arith.constant 0 : i32
      %dma_wait3A_378 = arith.constant 0 : i32
      %dma_wait3A_379 = tpu.memref_slice %arg12[%dma_wait3A_377, %dma_wait3A_378] : memref<25088x32xf32, #tpu.memory_space<vmem_shared>> -> memref<25088x32xf32, #tpu.memory_space<vmem_shared>>
      tpu.wait_indirect_dma semaphore(%arg25 : memref<!tpu.dma_semaphore, #tpu.memory_space<semaphore_mem>>) src(%dma_wait3A_373 : memref<128x32xf32, #tpu.memory_space<vmem>>) dst(%dma_wait3A_379 : memref<25088x32xf32, #tpu.memory_space<vmem_shared>>)
      %dma_wait3A_380 = arith.constant 5 : i32
      %dma_wait3A_381 = arith.constant 5 : i32
      %dma_wait3A_382 = arith.constant 0 : i32
      %dma_wait3A_383 = arith.constant 0 : i32
      %dma_wait3A_384 = tpu.memref_slice %arg10[%dma_wait3A_380, %dma_wait3A_382, %dma_wait3A_383] : memref<8x128x32xf32, #tpu.memory_space<vmem>> -> memref<1x128x32xf32, #tpu.memory_space<vmem>>
      %dma_wait3A_385 = tpu.memref_squeeze %dma_wait3A_384 : memref<1x128x32xf32, #tpu.memory_space<vmem>> -> memref<128x32xf32, #tpu.memory_space<vmem>>
      %dma_wait3A_386 = arith.constant 0 : i32
      %dma_wait3A_387 = tpu.memref_slice %arg9[%dma_wait3A_381, %dma_wait3A_386] : memref<8x128xi32, #tpu.memory_space<vmem>> -> memref<1x128xi32, #tpu.memory_space<vmem>>
      %dma_wait3A_388 = tpu.memref_squeeze %dma_wait3A_387 : memref<1x128xi32, #tpu.memory_space<vmem>> -> memref<128xi32, #tpu.memory_space<vmem>>
      %dma_wait3A_389 = arith.constant 0 : i32
      %dma_wait3A_390 = arith.constant 0 : i32
      %dma_wait3A_391 = tpu.memref_slice %arg12[%dma_wait3A_389, %dma_wait3A_390] : memref<25088x32xf32, #tpu.memory_space<vmem_shared>> -> memref<25088x32xf32, #tpu.memory_space<vmem_shared>>
      tpu.wait_indirect_dma semaphore(%arg26 : memref<!tpu.dma_semaphore, #tpu.memory_space<semaphore_mem>>) src(%dma_wait3A_385 : memref<128x32xf32, #tpu.memory_space<vmem>>) dst(%dma_wait3A_391 : memref<25088x32xf32, #tpu.memory_space<vmem_shared>>)
      %dma_wait3A_392 = arith.constant 6 : i32
      %dma_wait3A_393 = arith.constant 6 : i32
      %dma_wait3A_394 = arith.constant 0 : i32
      %dma_wait3A_395 = arith.constant 0 : i32
      %dma_wait3A_396 = tpu.memref_slice %arg10[%dma_wait3A_392, %dma_wait3A_394, %dma_wait3A_395] : memref<8x128x32xf32, #tpu.memory_space<vmem>> -> memref<1x128x32xf32, #tpu.memory_space<vmem>>
      %dma_wait3A_397 = tpu.memref_squeeze %dma_wait3A_396 : memref<1x128x32xf32, #tpu.memory_space<vmem>> -> memref<128x32xf32, #tpu.memory_space<vmem>>
      %dma_wait3A_398 = arith.constant 0 : i32
      %dma_wait3A_399 = tpu.memref_slice %arg9[%dma_wait3A_393, %dma_wait3A_398] : memref<8x128xi32, #tpu.memory_space<vmem>> -> memref<1x128xi32, #tpu.memory_space<vmem>>
      %dma_wait3A_400 = tpu.memref_squeeze %dma_wait3A_399 : memref<1x128xi32, #tpu.memory_space<vmem>> -> memref<128xi32, #tpu.memory_space<vmem>>
      %dma_wait3A_401 = arith.constant 0 : i32
      %dma_wait3A_402 = arith.constant 0 : i32
      %dma_wait3A_403 = tpu.memref_slice %arg12[%dma_wait3A_401, %dma_wait3A_402] : memref<25088x32xf32, #tpu.memory_space<vmem_shared>> -> memref<25088x32xf32, #tpu.memory_space<vmem_shared>>
      tpu.wait_indirect_dma semaphore(%arg27 : memref<!tpu.dma_semaphore, #tpu.memory_space<semaphore_mem>>) src(%dma_wait3A_397 : memref<128x32xf32, #tpu.memory_space<vmem>>) dst(%dma_wait3A_403 : memref<25088x32xf32, #tpu.memory_space<vmem_shared>>)
      %dma_wait3A_404 = arith.constant 7 : i32
      %dma_wait3A_405 = arith.constant 7 : i32
      %dma_wait3A_406 = arith.constant 0 : i32
      %dma_wait3A_407 = arith.constant 0 : i32
      %dma_wait3A_408 = tpu.memref_slice %arg10[%dma_wait3A_404, %dma_wait3A_406, %dma_wait3A_407] : memref<8x128x32xf32, #tpu.memory_space<vmem>> -> memref<1x128x32xf32, #tpu.memory_space<vmem>>
      %dma_wait3A_409 = tpu.memref_squeeze %dma_wait3A_408 : memref<1x128x32xf32, #tpu.memory_space<vmem>> -> memref<128x32xf32, #tpu.memory_space<vmem>>
      %dma_wait3A_410 = arith.constant 0 : i32
      %dma_wait3A_411 = tpu.memref_slice %arg9[%dma_wait3A_405, %dma_wait3A_410] : memref<8x128xi32, #tpu.memory_space<vmem>> -> memref<1x128xi32, #tpu.memory_space<vmem>>
      %dma_wait3A_412 = tpu.memref_squeeze %dma_wait3A_411 : memref<1x128xi32, #tpu.memory_space<vmem>> -> memref<128xi32, #tpu.memory_space<vmem>>
      %dma_wait3A_413 = arith.constant 0 : i32
      %dma_wait3A_414 = arith.constant 0 : i32
      %dma_wait3A_415 = tpu.memref_slice %arg12[%dma_wait3A_413, %dma_wait3A_414] : memref<25088x32xf32, #tpu.memory_space<vmem_shared>> -> memref<25088x32xf32, #tpu.memory_space<vmem_shared>>
      tpu.wait_indirect_dma semaphore(%arg28 : memref<!tpu.dma_semaphore, #tpu.memory_space<semaphore_mem>>) src(%dma_wait3A_409 : memref<128x32xf32, #tpu.memory_space<vmem>>) dst(%dma_wait3A_415 : memref<25088x32xf32, #tpu.memory_space<vmem_shared>>)
      %while3A_416 = arith.constant 0 : i32
      scf.yield %while3A_416 : i32
    }
    %barrier3A_28 = arith.constant 0 : index
    tpu.barrier barrier_id(%barrier3A_28)
    "tpu.region"() ({
      %run_scoped3A = tpu.sem_alloc : memref<!tpu.dma_semaphore, #tpu.memory_space<semaphore_mem>>
      %dma_start3A = arith.constant 0 : i32
      %dma_start3A_29 = arith.constant 0 : i32
      %dma_start3A_30 = tpu.memref_slice %arg6[%arg0, %dma_start3A, %dma_start3A_29] : memref<2x25088x32xf32, #tpu.memory_space<hbm>> -> memref<1x25088x32xf32, #tpu.memory_space<hbm>>
      %dma_start3A_31 = tpu.memref_squeeze %dma_start3A_30 : memref<1x25088x32xf32, #tpu.memory_space<hbm>> -> memref<25088x32xf32, #tpu.memory_space<hbm>>
      %dma_start3A_32 = arith.constant 0 : i32
      %dma_start3A_33 = tpu.memref_slice %dma_start3A_31[%mul3A_0, %dma_start3A_32] : memref<25088x32xf32, #tpu.memory_space<hbm>> -> memref<1568x32xf32, #tpu.memory_space<hbm>>
      %dma_start3A_34 = arith.constant 0 : i32
      %dma_start3A_35 = tpu.memref_slice %arg12[%mul3A_0, %dma_start3A_34] : memref<25088x32xf32, #tpu.memory_space<vmem_shared>> -> memref<1568x32xf32, #tpu.memory_space<vmem_shared>>
      tpu.enqueue_dma source(%dma_start3A_35 : memref<1568x32xf32, #tpu.memory_space<vmem_shared>>) target(%dma_start3A_33 : memref<1568x32xf32, #tpu.memory_space<hbm>>) target_semaphore(%run_scoped3A : memref<!tpu.dma_semaphore, #tpu.memory_space<semaphore_mem>>)
      %dma_wait3A = arith.constant 0 : i32
      %dma_wait3A_36 = arith.constant 0 : i32
      %dma_wait3A_37 = tpu.memref_slice %arg6[%arg0, %dma_wait3A, %dma_wait3A_36] : memref<2x25088x32xf32, #tpu.memory_space<hbm>> -> memref<1x25088x32xf32, #tpu.memory_space<hbm>>
      %dma_wait3A_38 = tpu.memref_squeeze %dma_wait3A_37 : memref<1x25088x32xf32, #tpu.memory_space<hbm>> -> memref<25088x32xf32, #tpu.memory_space<hbm>>
      %dma_wait3A_39 = arith.constant 0 : i32
      %dma_wait3A_40 = tpu.memref_slice %dma_wait3A_38[%mul3A_0, %dma_wait3A_39] : memref<25088x32xf32, #tpu.memory_space<hbm>> -> memref<1568x32xf32, #tpu.memory_space<hbm>>
      %dma_wait3A_41 = arith.constant 0 : i32
      %dma_wait3A_42 = tpu.memref_slice %arg12[%mul3A_0, %dma_wait3A_41] : memref<25088x32xf32, #tpu.memory_space<vmem_shared>> -> memref<1568x32xf32, #tpu.memory_space<vmem_shared>>
      tpu.wait_dma2 semaphore(%run_scoped3A : memref<!tpu.dma_semaphore, #tpu.memory_space<semaphore_mem>>) src(%dma_wait3A_42 : memref<1568x32xf32, #tpu.memory_space<vmem_shared>>) dst(%dma_wait3A_40 : memref<1568x32xf32, #tpu.memory_space<hbm>>)
      tpu.yield
    }) : () -> ()
    return
  }
}

module attributes {stable_mosaic.version = 14 : i64} {
  func.func @_embed_body(%arg0: i32, %arg1: memref<400x1xi32, #tpu.memory_space<vmem>>, %arg2: memref<400x1xi32, #tpu.memory_space<vmem>>, %arg3: memref<64x32xf32, #tpu.memory_space<vmem>>, %arg4: memref<16x32xf32, #tpu.memory_space<vmem>>, %arg5: memref<32x32xf32, #tpu.memory_space<vmem>>, %arg6: memref<32x32xf32, #tpu.memory_space<vmem>>, %arg7: memref<400x32xf32, #tpu.memory_space<vmem>>, %arg8: memref<400x32xf32, #tpu.memory_space<vmem>>, %arg9: memref<400x32xf32, #tpu.memory_space<vmem>>) attributes {dimension_semantics = [#tpu.dimension_semantics<arbitrary>], iteration_bounds = array<i64: 125>, scalar_prefetch = 0 : i64, scratch_operands = 0 : i64, tpu.core_type = #tpu.core_type<tc>, window_params = [{transform_indices = @transform_0, window_bounds = array<i64: 400, 1>}, {transform_indices = @transform_1, window_bounds = array<i64: 400, 1>}, {pipeline_mode = #tpu.pipeline_mode<synchronous>, transform_indices = @transform_2, window_bounds = array<i64: 64, 32>}, {pipeline_mode = #tpu.pipeline_mode<synchronous>, transform_indices = @transform_3, window_bounds = array<i64: 16, 32>}, {pipeline_mode = #tpu.pipeline_mode<synchronous>, transform_indices = @transform_4, window_bounds = array<i64: 32, 32>}, {pipeline_mode = #tpu.pipeline_mode<synchronous>, transform_indices = @transform_5, window_bounds = array<i64: 32, 32>}, {transform_indices = @transform_6, window_bounds = array<i64: 400, 32>}, {transform_indices = @transform_7, window_bounds = array<i64: 400, 32>}, {transform_indices = @transform_8, window_bounds = array<i64: 400, 32>}]} {
    %get3A = arith.constant 0 : index
    %get3A_0 = arith.constant 0 : index
    %get3A_1 = vector.load %arg1[%get3A, %get3A_0] : memref<400x1xi32, #tpu.memory_space<vmem>>, vector<400x1xi32>
    %get3A_2 = arith.constant 0 : index
    %get3A_3 = arith.constant 0 : index
    %get3A_4 = vector.load %arg2[%get3A_2, %get3A_3] : memref<400x1xi32, #tpu.memory_space<vmem>>, vector<400x1xi32>
    %iota3A = tpu.iota {dimensions = array<i32: 1>} : vector<400x64xi32>
    %eq3A = vector.broadcast %get3A_1 : vector<400x1xi32> to vector<400x64xi32>
    %eq3A_5 = arith.cmpi eq, %eq3A, %iota3A : vector<400x64xi32>
    %convert_element_type3A = arith.extui %eq3A_5 : vector<400x64xi1> to vector<400x64xi32>
    %convert_element_type3A_6 = arith.sitofp %convert_element_type3A : vector<400x64xi32> to vector<400x64xf32>
    %iota3A_7 = tpu.iota {dimensions = array<i32: 1>} : vector<400x16xi32>
    %eq3A_8 = vector.broadcast %get3A_4 : vector<400x1xi32> to vector<400x16xi32>
    %eq3A_9 = arith.cmpi eq, %eq3A_8, %iota3A_7 : vector<400x16xi32>
    %convert_element_type3A_10 = arith.extui %eq3A_9 : vector<400x16xi1> to vector<400x16xi32>
    %convert_element_type3A_11 = arith.sitofp %convert_element_type3A_10 : vector<400x16xi32> to vector<400x16xf32>
    %get3A_12 = arith.constant 0 : index
    %get3A_13 = arith.constant 0 : index
    %get3A_14 = vector.load %arg3[%get3A_12, %get3A_13] : memref<64x32xf32, #tpu.memory_space<vmem>>, vector<64x32xf32>
    %dot_general3A = arith.constant dense<0.000000e+00> : vector<400x32xf32>
    %dot_general3A_15 = tpu.matmul %convert_element_type3A_6, %get3A_14, %dot_general3A {dimension_numbers = #tpu.dot_dimension_numbers<[1], [0], [0], [1], [0, 0, 1, 1], [], []>, transpose_lhs_hint = false} : vector<400x64xf32>, vector<64x32xf32>, vector<400x32xf32> -> vector<400x32xf32>
    %get3A_16 = arith.constant 0 : index
    %get3A_17 = arith.constant 0 : index
    %get3A_18 = vector.load %arg4[%get3A_16, %get3A_17] : memref<16x32xf32, #tpu.memory_space<vmem>>, vector<16x32xf32>
    %dot_general3A_19 = arith.constant dense<0.000000e+00> : vector<400x32xf32>
    %dot_general3A_20 = tpu.matmul %convert_element_type3A_11, %get3A_18, %dot_general3A_19 {dimension_numbers = #tpu.dot_dimension_numbers<[1], [0], [0], [1], [0, 0, 1, 1], [], []>, transpose_lhs_hint = false} : vector<400x16xf32>, vector<16x32xf32>, vector<400x32xf32> -> vector<400x32xf32>
    %swap3A = arith.constant 0 : index
    %swap3A_21 = arith.constant 0 : index
    %swap3A_22 = vector.load %arg7[%swap3A, %swap3A_21] : memref<400x32xf32, #tpu.memory_space<vmem>>, vector<400x32xf32>
    tpu.vector_store %arg7[%swap3A, %swap3A_21], %dot_general3A_15 {strides = array<i32>} : memref<400x32xf32, #tpu.memory_space<vmem>>, vector<400x32xf32>,
    %swap3A_23 = arith.constant 0 : index
    %swap3A_24 = arith.constant 0 : index
    %swap3A_25 = vector.load %arg8[%swap3A_23, %swap3A_24] : memref<400x32xf32, #tpu.memory_space<vmem>>, vector<400x32xf32>
    tpu.vector_store %arg8[%swap3A_23, %swap3A_24], %dot_general3A_20 {strides = array<i32>} : memref<400x32xf32, #tpu.memory_space<vmem>>, vector<400x32xf32>,
    %get3A_26 = arith.constant 0 : index
    %get3A_27 = arith.constant 0 : index
    %get3A_28 = vector.load %arg5[%get3A_26, %get3A_27] : memref<32x32xf32, #tpu.memory_space<vmem>>, vector<32x32xf32>
    %dot_general3A_29 = arith.constant dense<0.000000e+00> : vector<400x32xf32>
    %dot_general3A_30 = tpu.matmul %dot_general3A_15, %get3A_28, %dot_general3A_29 {dimension_numbers = #tpu.dot_dimension_numbers<[1], [0], [0], [1], [0, 0, 1, 1], [], []>, transpose_lhs_hint = false} : vector<400x32xf32>, vector<32x32xf32>, vector<400x32xf32> -> vector<400x32xf32>
    %get3A_31 = arith.constant 0 : index
    %get3A_32 = arith.constant 0 : index
    %get3A_33 = vector.load %arg6[%get3A_31, %get3A_32] : memref<32x32xf32, #tpu.memory_space<vmem>>, vector<32x32xf32>
    %dot_general3A_34 = arith.constant dense<0.000000e+00> : vector<400x32xf32>
    %dot_general3A_35 = tpu.matmul %dot_general3A_20, %get3A_33, %dot_general3A_34 {dimension_numbers = #tpu.dot_dimension_numbers<[1], [0], [0], [1], [0, 0, 1, 1], [], []>, transpose_lhs_hint = false} : vector<400x32xf32>, vector<32x32xf32>, vector<400x32xf32> -> vector<400x32xf32>
    %add3A = arith.addf %dot_general3A_30, %dot_general3A_35 : vector<400x32xf32>
    %swap3A_36 = arith.constant 0 : index
    %swap3A_37 = arith.constant 0 : index
    %swap3A_38 = vector.load %arg9[%swap3A_36, %swap3A_37] : memref<400x32xf32, #tpu.memory_space<vmem>>, vector<400x32xf32>
    tpu.vector_store %arg9[%swap3A_36, %swap3A_37], %add3A {strides = array<i32>} : memref<400x32xf32, #tpu.memory_space<vmem>>, vector<400x32xf32>,
    return
  }
  func.func @transform_0(%arg0: i32) -> (i32, i32) {
    %c0_i32 = arith.constant 0 : i32
    %c0_i32_0 = arith.constant 0 : i32
    return %arg0, %c0_i32 : i32, i32
  }
  func.func @transform_1(%arg0: i32) -> (i32, i32) {
    %c0_i32 = arith.constant 0 : i32
    %c0_i32_0 = arith.constant 0 : i32
    return %arg0, %c0_i32 : i32, i32
  }
  func.func @transform_2(%arg0: i32) -> (i32, i32) {
    %c0_i32 = arith.constant 0 : i32
    %c0_i32_0 = arith.constant 0 : i32
    %c0_i32_1 = arith.constant 0 : i32
    return %c0_i32, %c0_i32_0 : i32, i32
  }
  func.func @transform_3(%arg0: i32) -> (i32, i32) {
    %c0_i32 = arith.constant 0 : i32
    %c0_i32_0 = arith.constant 0 : i32
    %c0_i32_1 = arith.constant 0 : i32
    return %c0_i32, %c0_i32_0 : i32, i32
  }
  func.func @transform_4(%arg0: i32) -> (i32, i32) {
    %c0_i32 = arith.constant 0 : i32
    %c0_i32_0 = arith.constant 0 : i32
    %c0_i32_1 = arith.constant 0 : i32
    return %c0_i32, %c0_i32_0 : i32, i32
  }
  func.func @transform_5(%arg0: i32) -> (i32, i32) {
    %c0_i32 = arith.constant 0 : i32
    %c0_i32_0 = arith.constant 0 : i32
    %c0_i32_1 = arith.constant 0 : i32
    return %c0_i32, %c0_i32_0 : i32, i32
  }
  func.func @transform_6(%arg0: i32) -> (i32, i32) {
    %c0_i32 = arith.constant 0 : i32
    %c0_i32_0 = arith.constant 0 : i32
    return %arg0, %c0_i32 : i32, i32
  }
  func.func @transform_7(%arg0: i32) -> (i32, i32) {
    %c0_i32 = arith.constant 0 : i32
    %c0_i32_0 = arith.constant 0 : i32
    return %arg0, %c0_i32 : i32, i32
  }
  func.func @transform_8(%arg0: i32) -> (i32, i32) {
    %c0_i32 = arith.constant 0 : i32
    %c0_i32_0 = arith.constant 0 : i32
    return %arg0, %c0_i32 : i32, i32
  }
}

module attributes {stable_mosaic.version = 14 : i64} {
  func.func @_add_stats_body(%arg0: i32, %arg1: memref<400x32xf32, #tpu.memory_space<vmem>>, %arg2: memref<400x32xf32, #tpu.memory_space<vmem>>, %arg3: memref<1x32xf32, #tpu.memory_space<vmem>>, %arg4: memref<400x32xf32, #tpu.memory_space<vmem>>, %arg5: memref<2x32xf32, #tpu.memory_space<vmem>>) attributes {dimension_semantics = [#tpu.dimension_semantics<arbitrary>], iteration_bounds = array<i64: 125>, scalar_prefetch = 0 : i64, scratch_operands = 0 : i64, tpu.core_type = #tpu.core_type<tc>, window_params = [{transform_indices = @transform_0, window_bounds = array<i64: 400, 32>}, {transform_indices = @transform_1, window_bounds = array<i64: 400, 32>}, {pipeline_mode = #tpu.pipeline_mode<synchronous>, transform_indices = @transform_2, window_bounds = array<i64: 1, 32>}, {transform_indices = @transform_3, window_bounds = array<i64: 400, 32>}, {pipeline_mode = #tpu.pipeline_mode<synchronous>, transform_indices = @transform_4, window_bounds = array<i64: 2, 32>}]} {
    %get3A = arith.constant 0 : index
    %get3A_0 = arith.constant 0 : index
    %get3A_1 = vector.load %arg1[%get3A, %get3A_0] : memref<400x32xf32, #tpu.memory_space<vmem>>, vector<400x32xf32>
    %get3A_2 = arith.constant 0 : index
    %get3A_3 = arith.constant 0 : index
    %get3A_4 = vector.load %arg2[%get3A_2, %get3A_3] : memref<400x32xf32, #tpu.memory_space<vmem>>, vector<400x32xf32>
    %add3A = arith.addf %get3A_1, %get3A_4 : vector<400x32xf32>
    %get3A_5 = arith.constant 0 : index
    %get3A_6 = arith.constant 0 : index
    %get3A_7 = vector.load %arg3[%get3A_5, %get3A_6] : memref<1x32xf32, #tpu.memory_space<vmem>>, vector<1x32xf32>
    %add3A_8 = vector.broadcast %get3A_7 : vector<1x32xf32> to vector<400x32xf32>
    %add3A_9 = arith.addf %add3A, %add3A_8 : vector<400x32xf32>
    %swap3A = arith.constant 0 : index
    %swap3A_10 = arith.constant 0 : index
    %swap3A_11 = vector.load %arg4[%swap3A, %swap3A_10] : memref<400x32xf32, #tpu.memory_space<vmem>>, vector<400x32xf32>
    tpu.vector_store %arg4[%swap3A, %swap3A_10], %add3A_9 {strides = array<i32>} : memref<400x32xf32, #tpu.memory_space<vmem>>, vector<400x32xf32>,
    %reduce_sum3A = arith.constant dense<0.000000e+00> : vector<32xf32>
    %reduce_sum3A_12 = vector.multi_reduction <add>, %add3A_9, %reduce_sum3A [0] : vector<400x32xf32> to vector<32xf32>
    %broadcast_in_dim3A = vector.shape_cast %reduce_sum3A_12 : vector<32xf32> to vector<1x32xf32>
    %mul3A = arith.mulf %add3A_9, %add3A_9 : vector<400x32xf32>
    %reduce_sum3A_13 = arith.constant dense<0.000000e+00> : vector<32xf32>
    %reduce_sum3A_14 = vector.multi_reduction <add>, %mul3A, %reduce_sum3A_13 [0] : vector<400x32xf32> to vector<32xf32>
    %broadcast_in_dim3A_15 = vector.shape_cast %reduce_sum3A_14 : vector<32xf32> to vector<1x32xf32>
    %concatenate3A = tpu.concatenate %broadcast_in_dim3A, %broadcast_in_dim3A_15 in 0 : vector<1x32xf32>, vector<1x32xf32> -> vector<2x32xf32>
    %eq3A = arith.constant 0 : i32
    %eq3A_16 = arith.cmpi eq, %arg0, %eq3A : i32
    %convert_element_type3A = arith.extui %eq3A_16 : i1 to i32
    %cond3A = arith.constant 0 : i32
    %cond3A_17 = arith.cmpi ne, %convert_element_type3A, %cond3A : i32
    scf.if %cond3A_17 {
      %swap3A_22 = arith.constant 0 : index
      %swap3A_23 = arith.constant 0 : index
      %swap3A_24 = vector.load %arg5[%swap3A_22, %swap3A_23] : memref<2x32xf32, #tpu.memory_space<vmem>>, vector<2x32xf32>
      tpu.vector_store %arg5[%swap3A_22, %swap3A_23], %concatenate3A {strides = array<i32>} : memref<2x32xf32, #tpu.memory_space<vmem>>, vector<2x32xf32>,
    } else {
    }
    %gt3A = arith.constant 0 : i32
    %gt3A_18 = arith.cmpi sgt, %arg0, %gt3A : i32
    %convert_element_type3A_19 = arith.extui %gt3A_18 : i1 to i32
    %cond3A_20 = arith.constant 0 : i32
    %cond3A_21 = arith.cmpi ne, %convert_element_type3A_19, %cond3A_20 : i32
    scf.if %cond3A_21 {
      %get3A_22 = arith.constant 0 : index
      %get3A_23 = arith.constant 0 : index
      %get3A_24 = vector.load %arg5[%get3A_22, %get3A_23] : memref<2x32xf32, #tpu.memory_space<vmem>>, vector<2x32xf32>
      %add3A_25 = arith.addf %get3A_24, %concatenate3A : vector<2x32xf32>
      %swap3A_26 = arith.constant 0 : index
      %swap3A_27 = arith.constant 0 : index
      %swap3A_28 = vector.load %arg5[%swap3A_26, %swap3A_27] : memref<2x32xf32, #tpu.memory_space<vmem>>, vector<2x32xf32>
      tpu.vector_store %arg5[%swap3A_26, %swap3A_27], %add3A_25 {strides = array<i32>} : memref<2x32xf32, #tpu.memory_space<vmem>>, vector<2x32xf32>,
    } else {
    }
    return
  }
  func.func @transform_0(%arg0: i32) -> (i32, i32) {
    %c0_i32 = arith.constant 0 : i32
    %c0_i32_0 = arith.constant 0 : i32
    return %arg0, %c0_i32 : i32, i32
  }
  func.func @transform_1(%arg0: i32) -> (i32, i32) {
    %c0_i32 = arith.constant 0 : i32
    %c0_i32_0 = arith.constant 0 : i32
    return %arg0, %c0_i32 : i32, i32
  }
  func.func @transform_2(%arg0: i32) -> (i32, i32) {
    %c0_i32 = arith.constant 0 : i32
    %c0_i32_0 = arith.constant 0 : i32
    %c0_i32_1 = arith.constant 0 : i32
    return %c0_i32, %c0_i32_0 : i32, i32
  }
  func.func @transform_3(%arg0: i32) -> (i32, i32) {
    %c0_i32 = arith.constant 0 : i32
    %c0_i32_0 = arith.constant 0 : i32
    return %arg0, %c0_i32 : i32, i32
  }
  func.func @transform_4(%arg0: i32) -> (i32, i32) {
    %c0_i32 = arith.constant 0 : i32
    %c0_i32_0 = arith.constant 0 : i32
    %c0_i32_1 = arith.constant 0 : i32
    return %c0_i32, %c0_i32_0 : i32, i32
  }
}

module attributes {stable_mosaic.version = 14 : i64} {
  func.func @_bnact_mm_body(%arg0: i32, %arg1: memref<400x32xf32, #tpu.memory_space<vmem>>, %arg2: memref<2x32xf32, #tpu.memory_space<vmem>>, %arg3: memref<1x32xf32, #tpu.memory_space<vmem>>, %arg4: memref<1x32xf32, #tpu.memory_space<vmem>>, %arg5: memref<32x32xf32, #tpu.memory_space<vmem>>, %arg6: memref<400x32xf32, #tpu.memory_space<vmem>>, %arg7: memref<400x32xf32, #tpu.memory_space<vmem>>) attributes {dimension_semantics = [#tpu.dimension_semantics<arbitrary>], iteration_bounds = array<i64: 125>, scalar_prefetch = 0 : i64, scratch_operands = 0 : i64, tpu.core_type = #tpu.core_type<tc>, window_params = [{transform_indices = @transform_0, window_bounds = array<i64: 400, 32>}, {pipeline_mode = #tpu.pipeline_mode<synchronous>, transform_indices = @transform_1, window_bounds = array<i64: 2, 32>}, {pipeline_mode = #tpu.pipeline_mode<synchronous>, transform_indices = @transform_2, window_bounds = array<i64: 1, 32>}, {pipeline_mode = #tpu.pipeline_mode<synchronous>, transform_indices = @transform_3, window_bounds = array<i64: 1, 32>}, {pipeline_mode = #tpu.pipeline_mode<synchronous>, transform_indices = @transform_4, window_bounds = array<i64: 32, 32>}, {transform_indices = @transform_5, window_bounds = array<i64: 400, 32>}, {transform_indices = @transform_6, window_bounds = array<i64: 400, 32>}]} {
    %get3A = arith.constant 0 : index
    %get3A_0 = arith.constant 0 : index
    %get3A_1 = vector.load %arg1[%get3A, %get3A_0] : memref<400x32xf32, #tpu.memory_space<vmem>>, vector<400x32xf32>
    %get3A_2 = arith.constant 0 : index
    %get3A_3 = arith.constant 0 : index
    %get3A_4 = vector.load %arg2[%get3A_2, %get3A_3] : memref<2x32xf32, #tpu.memory_space<vmem>>, vector<2x32xf32>
    %slice3A = vector.extract_strided_slice %get3A_4 {offsets = [0, 0], sizes = [1, 32], strides = [1, 1]} : vector<2x32xf32> to vector<1x32xf32>
    %mul3A = arith.constant 2.000000e-05 : f32
    %mul3A_5 = vector.broadcast %mul3A : f32 to vector<1x32xf32>
    %mul3A_6 = arith.mulf %slice3A, %mul3A_5 : vector<1x32xf32>
    %slice3A_7 = vector.extract_strided_slice %get3A_4 {offsets = [1, 0], sizes = [1, 32], strides = [1, 1]} : vector<2x32xf32> to vector<1x32xf32>
    %mul3A_8 = arith.constant 2.000000e-05 : f32
    %mul3A_9 = vector.broadcast %mul3A_8 : f32 to vector<1x32xf32>
    %mul3A_10 = arith.mulf %slice3A_7, %mul3A_9 : vector<1x32xf32>
    %mul3A_11 = arith.mulf %mul3A_6, %mul3A_6 : vector<1x32xf32>
    %sub3A = arith.subf %mul3A_10, %mul3A_11 : vector<1x32xf32>
    %get3A_12 = arith.constant 0 : index
    %get3A_13 = arith.constant 0 : index
    %get3A_14 = vector.load %arg3[%get3A_12, %get3A_13] : memref<1x32xf32, #tpu.memory_space<vmem>>, vector<1x32xf32>
    %add3A = arith.constant 9.99999974E-6 : f32
    %add3A_15 = vector.broadcast %add3A : f32 to vector<1x32xf32>
    %add3A_16 = arith.addf %sub3A, %add3A_15 : vector<1x32xf32>
    %rsqrt3A = math.rsqrt %add3A_16 : vector<1x32xf32>
    %mul3A_17 = arith.mulf %get3A_14, %rsqrt3A : vector<1x32xf32>
    %get3A_18 = arith.constant 0 : index
    %get3A_19 = arith.constant 0 : index
    %get3A_20 = vector.load %arg4[%get3A_18, %get3A_19] : memref<1x32xf32, #tpu.memory_space<vmem>>, vector<1x32xf32>
    %mul3A_21 = arith.mulf %mul3A_6, %mul3A_17 : vector<1x32xf32>
    %sub3A_22 = arith.subf %get3A_20, %mul3A_21 : vector<1x32xf32>
    %mul3A_23 = vector.broadcast %mul3A_17 : vector<1x32xf32> to vector<400x32xf32>
    %mul3A_24 = arith.mulf %get3A_1, %mul3A_23 : vector<400x32xf32>
    %add3A_25 = vector.broadcast %sub3A_22 : vector<1x32xf32> to vector<400x32xf32>
    %add3A_26 = arith.addf %mul3A_24, %add3A_25 : vector<400x32xf32>
    %ge3A = arith.constant 0.000000e+00 : f32
    %ge3A_27 = vector.broadcast %ge3A : f32 to vector<400x32xf32>
    %ge3A_28 = arith.cmpf oge, %add3A_26, %ge3A_27 : vector<400x32xf32>
    %mul3A_29 = arith.constant 0.00999999977 : f32
    %mul3A_30 = vector.broadcast %mul3A_29 : f32 to vector<400x32xf32>
    %mul3A_31 = arith.mulf %mul3A_30, %add3A_26 : vector<400x32xf32>
    %select_n3A = arith.select %ge3A_28, %add3A_26, %mul3A_31 : vector<400x32xi1>, vector<400x32xf32>
    %swap3A = arith.constant 0 : index
    %swap3A_32 = arith.constant 0 : index
    %swap3A_33 = vector.load %arg6[%swap3A, %swap3A_32] : memref<400x32xf32, #tpu.memory_space<vmem>>, vector<400x32xf32>
    tpu.vector_store %arg6[%swap3A, %swap3A_32], %select_n3A {strides = array<i32>} : memref<400x32xf32, #tpu.memory_space<vmem>>, vector<400x32xf32>,
    %get3A_34 = arith.constant 0 : index
    %get3A_35 = arith.constant 0 : index
    %get3A_36 = vector.load %arg5[%get3A_34, %get3A_35] : memref<32x32xf32, #tpu.memory_space<vmem>>, vector<32x32xf32>
    %dot_general3A = arith.constant dense<0.000000e+00> : vector<400x32xf32>
    %dot_general3A_37 = tpu.matmul %select_n3A, %get3A_36, %dot_general3A {dimension_numbers = #tpu.dot_dimension_numbers<[1], [0], [0], [1], [0, 0, 1, 1], [], []>, transpose_lhs_hint = false} : vector<400x32xf32>, vector<32x32xf32>, vector<400x32xf32> -> vector<400x32xf32>
    %swap3A_38 = arith.constant 0 : index
    %swap3A_39 = arith.constant 0 : index
    %swap3A_40 = vector.load %arg7[%swap3A_38, %swap3A_39] : memref<400x32xf32, #tpu.memory_space<vmem>>, vector<400x32xf32>
    tpu.vector_store %arg7[%swap3A_38, %swap3A_39], %dot_general3A_37 {strides = array<i32>} : memref<400x32xf32, #tpu.memory_space<vmem>>, vector<400x32xf32>,
    return
  }
  func.func @transform_0(%arg0: i32) -> (i32, i32) {
    %c0_i32 = arith.constant 0 : i32
    %c0_i32_0 = arith.constant 0 : i32
    return %arg0, %c0_i32 : i32, i32
  }
  func.func @transform_1(%arg0: i32) -> (i32, i32) {
    %c0_i32 = arith.constant 0 : i32
    %c0_i32_0 = arith.constant 0 : i32
    %c0_i32_1 = arith.constant 0 : i32
    return %c0_i32, %c0_i32_0 : i32, i32
  }
  func.func @transform_2(%arg0: i32) -> (i32, i32) {
    %c0_i32 = arith.constant 0 : i32
    %c0_i32_0 = arith.constant 0 : i32
    %c0_i32_1 = arith.constant 0 : i32
    return %c0_i32, %c0_i32_0 : i32, i32
  }
  func.func @transform_3(%arg0: i32) -> (i32, i32) {
    %c0_i32 = arith.constant 0 : i32
    %c0_i32_0 = arith.constant 0 : i32
    %c0_i32_1 = arith.constant 0 : i32
    return %c0_i32, %c0_i32_0 : i32, i32
  }
  func.func @transform_4(%arg0: i32) -> (i32, i32) {
    %c0_i32 = arith.constant 0 : i32
    %c0_i32_0 = arith.constant 0 : i32
    %c0_i32_1 = arith.constant 0 : i32
    return %c0_i32, %c0_i32_0 : i32, i32
  }
  func.func @transform_5(%arg0: i32) -> (i32, i32) {
    %c0_i32 = arith.constant 0 : i32
    %c0_i32_0 = arith.constant 0 : i32
    return %arg0, %c0_i32 : i32, i32
  }
  func.func @transform_6(%arg0: i32) -> (i32, i32) {
    %c0_i32 = arith.constant 0 : i32
    %c0_i32_0 = arith.constant 0 : i32
    return %arg0, %c0_i32 : i32, i32
  }
}

module attributes {stable_mosaic.version = 14 : i64} {
  func.func @_final_mm_body(%arg0: i32, %arg1: memref<400x32xf32, #tpu.memory_space<vmem>>, %arg2: memref<2x32xf32, #tpu.memory_space<vmem>>, %arg3: memref<1x32xf32, #tpu.memory_space<vmem>>, %arg4: memref<1x32xf32, #tpu.memory_space<vmem>>, %arg5: memref<400x32xf32, #tpu.memory_space<vmem>>, %arg6: memref<400x32xf32, #tpu.memory_space<vmem>>, %arg7: memref<400x32xf32, #tpu.memory_space<vmem>>, %arg8: memref<32x32xf32, #tpu.memory_space<vmem>>, %arg9: memref<32x32xf32, #tpu.memory_space<vmem>>, %arg10: memref<32x32xf32, #tpu.memory_space<vmem>>, %arg11: memref<32x32xf32, #tpu.memory_space<vmem>>, %arg12: memref<1x32xf32, #tpu.memory_space<vmem>>, %arg13: memref<400x32xf32, #tpu.memory_space<vmem>>, %arg14: memref<2x32xf32, #tpu.memory_space<vmem>>) attributes {dimension_semantics = [#tpu.dimension_semantics<arbitrary>], iteration_bounds = array<i64: 125>, scalar_prefetch = 0 : i64, scratch_operands = 0 : i64, tpu.core_type = #tpu.core_type<tc>, window_params = [{transform_indices = @transform_0, window_bounds = array<i64: 400, 32>}, {pipeline_mode = #tpu.pipeline_mode<synchronous>, transform_indices = @transform_1, window_bounds = array<i64: 2, 32>}, {pipeline_mode = #tpu.pipeline_mode<synchronous>, transform_indices = @transform_2, window_bounds = array<i64: 1, 32>}, {pipeline_mode = #tpu.pipeline_mode<synchronous>, transform_indices = @transform_3, window_bounds = array<i64: 1, 32>}, {transform_indices = @transform_4, window_bounds = array<i64: 400, 32>}, {transform_indices = @transform_5, window_bounds = array<i64: 400, 32>}, {transform_indices = @transform_6, window_bounds = array<i64: 400, 32>}, {pipeline_mode = #tpu.pipeline_mode<synchronous>, transform_indices = @transform_7, window_bounds = array<i64: 32, 32>}, {pipeline_mode = #tpu.pipeline_mode<synchronous>, transform_indices = @transform_8, window_bounds = array<i64: 32, 32>}, {pipeline_mode = #tpu.pipeline_mode<synchronous>, transform_indices = @transform_9, window_bounds = array<i64: 32, 32>}, {pipeline_mode = #tpu.pipeline_mode<synchronous>, transform_indices = @transform_10, window_bounds = array<i64: 32, 32>}, {pipeline_mode = #tpu.pipeline_mode<synchronous>, transform_indices = @transform_11, window_bounds = array<i64: 1, 32>}, {transform_indices = @transform_12, window_bounds = array<i64: 400, 32>}, {pipeline_mode = #tpu.pipeline_mode<synchronous>, transform_indices = @transform_13, window_bounds = array<i64: 2, 32>}]} {
    %get3A = arith.constant 0 : index
    %get3A_0 = arith.constant 0 : index
    %get3A_1 = vector.load %arg1[%get3A, %get3A_0] : memref<400x32xf32, #tpu.memory_space<vmem>>, vector<400x32xf32>
    %get3A_2 = arith.constant 0 : index
    %get3A_3 = arith.constant 0 : index
    %get3A_4 = vector.load %arg2[%get3A_2, %get3A_3] : memref<2x32xf32, #tpu.memory_space<vmem>>, vector<2x32xf32>
    %slice3A = vector.extract_strided_slice %get3A_4 {offsets = [0, 0], sizes = [1, 32], strides = [1, 1]} : vector<2x32xf32> to vector<1x32xf32>
    %mul3A = arith.constant 2.000000e-05 : f32
    %mul3A_5 = vector.broadcast %mul3A : f32 to vector<1x32xf32>
    %mul3A_6 = arith.mulf %slice3A, %mul3A_5 : vector<1x32xf32>
    %slice3A_7 = vector.extract_strided_slice %get3A_4 {offsets = [1, 0], sizes = [1, 32], strides = [1, 1]} : vector<2x32xf32> to vector<1x32xf32>
    %mul3A_8 = arith.constant 2.000000e-05 : f32
    %mul3A_9 = vector.broadcast %mul3A_8 : f32 to vector<1x32xf32>
    %mul3A_10 = arith.mulf %slice3A_7, %mul3A_9 : vector<1x32xf32>
    %mul3A_11 = arith.mulf %mul3A_6, %mul3A_6 : vector<1x32xf32>
    %sub3A = arith.subf %mul3A_10, %mul3A_11 : vector<1x32xf32>
    %get3A_12 = arith.constant 0 : index
    %get3A_13 = arith.constant 0 : index
    %get3A_14 = vector.load %arg3[%get3A_12, %get3A_13] : memref<1x32xf32, #tpu.memory_space<vmem>>, vector<1x32xf32>
    %add3A = arith.constant 9.99999974E-6 : f32
    %add3A_15 = vector.broadcast %add3A : f32 to vector<1x32xf32>
    %add3A_16 = arith.addf %sub3A, %add3A_15 : vector<1x32xf32>
    %rsqrt3A = math.rsqrt %add3A_16 : vector<1x32xf32>
    %mul3A_17 = arith.mulf %get3A_14, %rsqrt3A : vector<1x32xf32>
    %get3A_18 = arith.constant 0 : index
    %get3A_19 = arith.constant 0 : index
    %get3A_20 = vector.load %arg4[%get3A_18, %get3A_19] : memref<1x32xf32, #tpu.memory_space<vmem>>, vector<1x32xf32>
    %mul3A_21 = arith.mulf %mul3A_6, %mul3A_17 : vector<1x32xf32>
    %sub3A_22 = arith.subf %get3A_20, %mul3A_21 : vector<1x32xf32>
    %mul3A_23 = vector.broadcast %mul3A_17 : vector<1x32xf32> to vector<400x32xf32>
    %mul3A_24 = arith.mulf %get3A_1, %mul3A_23 : vector<400x32xf32>
    %add3A_25 = vector.broadcast %sub3A_22 : vector<1x32xf32> to vector<400x32xf32>
    %add3A_26 = arith.addf %mul3A_24, %add3A_25 : vector<400x32xf32>
    %ge3A = arith.constant 0.000000e+00 : f32
    %ge3A_27 = vector.broadcast %ge3A : f32 to vector<400x32xf32>
    %ge3A_28 = arith.cmpf oge, %add3A_26, %ge3A_27 : vector<400x32xf32>
    %mul3A_29 = arith.constant 0.00999999977 : f32
    %mul3A_30 = vector.broadcast %mul3A_29 : f32 to vector<400x32xf32>
    %mul3A_31 = arith.mulf %mul3A_30, %add3A_26 : vector<400x32xf32>
    %select_n3A = arith.select %ge3A_28, %add3A_26, %mul3A_31 : vector<400x32xi1>, vector<400x32xf32>
    %get3A_32 = arith.constant 0 : index
    %get3A_33 = arith.constant 0 : index
    %get3A_34 = vector.load %arg5[%get3A_32, %get3A_33] : memref<400x32xf32, #tpu.memory_space<vmem>>, vector<400x32xf32>
    %get3A_35 = arith.constant 0 : index
    %get3A_36 = arith.constant 0 : index
    %get3A_37 = vector.load %arg8[%get3A_35, %get3A_36] : memref<32x32xf32, #tpu.memory_space<vmem>>, vector<32x32xf32>
    %dot_general3A = arith.constant dense<0.000000e+00> : vector<400x32xf32>
    %dot_general3A_38 = tpu.matmul %get3A_34, %get3A_37, %dot_general3A {dimension_numbers = #tpu.dot_dimension_numbers<[1], [0], [0], [1], [0, 0, 1, 1], [], []>, transpose_lhs_hint = false} : vector<400x32xf32>, vector<32x32xf32>, vector<400x32xf32> -> vector<400x32xf32>
    %get3A_39 = arith.constant 0 : index
    %get3A_40 = arith.constant 0 : index
    %get3A_41 = vector.load %arg6[%get3A_39, %get3A_40] : memref<400x32xf32, #tpu.memory_space<vmem>>, vector<400x32xf32>
    %get3A_42 = arith.constant 0 : index
    %get3A_43 = arith.constant 0 : index
    %get3A_44 = vector.load %arg9[%get3A_42, %get3A_43] : memref<32x32xf32, #tpu.memory_space<vmem>>, vector<32x32xf32>
    %dot_general3A_45 = arith.constant dense<0.000000e+00> : vector<400x32xf32>
    %dot_general3A_46 = tpu.matmul %get3A_41, %get3A_44, %dot_general3A_45 {dimension_numbers = #tpu.dot_dimension_numbers<[1], [0], [0], [1], [0, 0, 1, 1], [], []>, transpose_lhs_hint = false} : vector<400x32xf32>, vector<32x32xf32>, vector<400x32xf32> -> vector<400x32xf32>
    %add3A_47 = arith.addf %dot_general3A_38, %dot_general3A_46 : vector<400x32xf32>
    %get3A_48 = arith.constant 0 : index
    %get3A_49 = arith.constant 0 : index
    %get3A_50 = vector.load %arg7[%get3A_48, %get3A_49] : memref<400x32xf32, #tpu.memory_space<vmem>>, vector<400x32xf32>
    %get3A_51 = arith.constant 0 : index
    %get3A_52 = arith.constant 0 : index
    %get3A_53 = vector.load %arg10[%get3A_51, %get3A_52] : memref<32x32xf32, #tpu.memory_space<vmem>>, vector<32x32xf32>
    %dot_general3A_54 = arith.constant dense<0.000000e+00> : vector<400x32xf32>
    %dot_general3A_55 = tpu.matmul %get3A_50, %get3A_53, %dot_general3A_54 {dimension_numbers = #tpu.dot_dimension_numbers<[1], [0], [0], [1], [0, 0, 1, 1], [], []>, transpose_lhs_hint = false} : vector<400x32xf32>, vector<32x32xf32>, vector<400x32xf32> -> vector<400x32xf32>
    %add3A_56 = arith.addf %add3A_47, %dot_general3A_55 : vector<400x32xf32>
    %get3A_57 = arith.constant 0 : index
    %get3A_58 = arith.constant 0 : index
    %get3A_59 = vector.load %arg11[%get3A_57, %get3A_58] : memref<32x32xf32, #tpu.memory_space<vmem>>, vector<32x32xf32>
    %dot_general3A_60 = arith.constant dense<0.000000e+00> : vector<400x32xf32>
    %dot_general3A_61 = tpu.matmul %select_n3A, %get3A_59, %dot_general3A_60 {dimension_numbers = #tpu.dot_dimension_numbers<[1], [0], [0], [1], [0, 0, 1, 1], [], []>, transpose_lhs_hint = false} : vector<400x32xf32>, vector<32x32xf32>, vector<400x32xf32> -> vector<400x32xf32>
    %add3A_62 = arith.addf %add3A_56, %dot_general3A_61 : vector<400x32xf32>
    %get3A_63 = arith.constant 0 : index
    %get3A_64 = arith.constant 0 : index
    %get3A_65 = vector.load %arg12[%get3A_63, %get3A_64] : memref<1x32xf32, #tpu.memory_space<vmem>>, vector<1x32xf32>
    %add3A_66 = vector.broadcast %get3A_65 : vector<1x32xf32> to vector<400x32xf32>
    %add3A_67 = arith.addf %add3A_62, %add3A_66 : vector<400x32xf32>
    %swap3A = arith.constant 0 : index
    %swap3A_68 = arith.constant 0 : index
    %swap3A_69 = vector.load %arg13[%swap3A, %swap3A_68] : memref<400x32xf32, #tpu.memory_space<vmem>>, vector<400x32xf32>
    tpu.vector_store %arg13[%swap3A, %swap3A_68], %add3A_67 {strides = array<i32>} : memref<400x32xf32, #tpu.memory_space<vmem>>, vector<400x32xf32>,
    %reduce_sum3A = arith.constant dense<0.000000e+00> : vector<32xf32>
    %reduce_sum3A_70 = vector.multi_reduction <add>, %add3A_67, %reduce_sum3A [0] : vector<400x32xf32> to vector<32xf32>
    %broadcast_in_dim3A = vector.shape_cast %reduce_sum3A_70 : vector<32xf32> to vector<1x32xf32>
    %mul3A_71 = arith.mulf %add3A_67, %add3A_67 : vector<400x32xf32>
    %reduce_sum3A_72 = arith.constant dense<0.000000e+00> : vector<32xf32>
    %reduce_sum3A_73 = vector.multi_reduction <add>, %mul3A_71, %reduce_sum3A_72 [0] : vector<400x32xf32> to vector<32xf32>
    %broadcast_in_dim3A_74 = vector.shape_cast %reduce_sum3A_73 : vector<32xf32> to vector<1x32xf32>
    %concatenate3A = tpu.concatenate %broadcast_in_dim3A, %broadcast_in_dim3A_74 in 0 : vector<1x32xf32>, vector<1x32xf32> -> vector<2x32xf32>
    %eq3A = arith.constant 0 : i32
    %eq3A_75 = arith.cmpi eq, %arg0, %eq3A : i32
    %convert_element_type3A = arith.extui %eq3A_75 : i1 to i32
    %cond3A = arith.constant 0 : i32
    %cond3A_76 = arith.cmpi ne, %convert_element_type3A, %cond3A : i32
    scf.if %cond3A_76 {
      %swap3A_81 = arith.constant 0 : index
      %swap3A_82 = arith.constant 0 : index
      %swap3A_83 = vector.load %arg14[%swap3A_81, %swap3A_82] : memref<2x32xf32, #tpu.memory_space<vmem>>, vector<2x32xf32>
      tpu.vector_store %arg14[%swap3A_81, %swap3A_82], %concatenate3A {strides = array<i32>} : memref<2x32xf32, #tpu.memory_space<vmem>>, vector<2x32xf32>,
    } else {
    }
    %gt3A = arith.constant 0 : i32
    %gt3A_77 = arith.cmpi sgt, %arg0, %gt3A : i32
    %convert_element_type3A_78 = arith.extui %gt3A_77 : i1 to i32
    %cond3A_79 = arith.constant 0 : i32
    %cond3A_80 = arith.cmpi ne, %convert_element_type3A_78, %cond3A_79 : i32
    scf.if %cond3A_80 {
      %get3A_81 = arith.constant 0 : index
      %get3A_82 = arith.constant 0 : index
      %get3A_83 = vector.load %arg14[%get3A_81, %get3A_82] : memref<2x32xf32, #tpu.memory_space<vmem>>, vector<2x32xf32>
      %add3A_84 = arith.addf %get3A_83, %concatenate3A : vector<2x32xf32>
      %swap3A_85 = arith.constant 0 : index
      %swap3A_86 = arith.constant 0 : index
      %swap3A_87 = vector.load %arg14[%swap3A_85, %swap3A_86] : memref<2x32xf32, #tpu.memory_space<vmem>>, vector<2x32xf32>
      tpu.vector_store %arg14[%swap3A_85, %swap3A_86], %add3A_84 {strides = array<i32>} : memref<2x32xf32, #tpu.memory_space<vmem>>, vector<2x32xf32>,
    } else {
    }
    return
  }
  func.func @transform_0(%arg0: i32) -> (i32, i32) {
    %c0_i32 = arith.constant 0 : i32
    %c0_i32_0 = arith.constant 0 : i32
    return %arg0, %c0_i32 : i32, i32
  }
  func.func @transform_1(%arg0: i32) -> (i32, i32) {
    %c0_i32 = arith.constant 0 : i32
    %c0_i32_0 = arith.constant 0 : i32
    %c0_i32_1 = arith.constant 0 : i32
    return %c0_i32, %c0_i32_0 : i32, i32
  }
  func.func @transform_2(%arg0: i32) -> (i32, i32) {
    %c0_i32 = arith.constant 0 : i32
    %c0_i32_0 = arith.constant 0 : i32
    %c0_i32_1 = arith.constant 0 : i32
    return %c0_i32, %c0_i32_0 : i32, i32
  }
  func.func @transform_3(%arg0: i32) -> (i32, i32) {
    %c0_i32 = arith.constant 0 : i32
    %c0_i32_0 = arith.constant 0 : i32
    %c0_i32_1 = arith.constant 0 : i32
    return %c0_i32, %c0_i32_0 : i32, i32
  }
  func.func @transform_4(%arg0: i32) -> (i32, i32) {
    %c0_i32 = arith.constant 0 : i32
    %c0_i32_0 = arith.constant 0 : i32
    return %arg0, %c0_i32 : i32, i32
  }
  func.func @transform_5(%arg0: i32) -> (i32, i32) {
    %c0_i32 = arith.constant 0 : i32
    %c0_i32_0 = arith.constant 0 : i32
    return %arg0, %c0_i32 : i32, i32
  }
  func.func @transform_6(%arg0: i32) -> (i32, i32) {
    %c0_i32 = arith.constant 0 : i32
    %c0_i32_0 = arith.constant 0 : i32
    return %arg0, %c0_i32 : i32, i32
  }
  func.func @transform_7(%arg0: i32) -> (i32, i32) {
    %c0_i32 = arith.constant 0 : i32
    %c0_i32_0 = arith.constant 0 : i32
    %c0_i32_1 = arith.constant 0 : i32
    return %c0_i32, %c0_i32_0 : i32, i32
  }
  func.func @transform_8(%arg0: i32) -> (i32, i32) {
    %c0_i32 = arith.constant 0 : i32
    %c0_i32_0 = arith.constant 0 : i32
    %c0_i32_1 = arith.constant 0 : i32
    return %c0_i32, %c0_i32_0 : i32, i32
  }
  func.func @transform_9(%arg0: i32) -> (i32, i32) {
    %c0_i32 = arith.constant 0 : i32
    %c0_i32_0 = arith.constant 0 : i32
    %c0_i32_1 = arith.constant 0 : i32
    return %c0_i32, %c0_i32_0 : i32, i32
  }
  func.func @transform_10(%arg0: i32) -> (i32, i32) {
    %c0_i32 = arith.constant 0 : i32
    %c0_i32_0 = arith.constant 0 : i32
    %c0_i32_1 = arith.constant 0 : i32
    return %c0_i32, %c0_i32_0 : i32, i32
  }
  func.func @transform_11(%arg0: i32) -> (i32, i32) {
    %c0_i32 = arith.constant 0 : i32
    %c0_i32_0 = arith.constant 0 : i32
    %c0_i32_1 = arith.constant 0 : i32
    return %c0_i32, %c0_i32_0 : i32, i32
  }
  func.func @transform_12(%arg0: i32) -> (i32, i32) {
    %c0_i32 = arith.constant 0 : i32
    %c0_i32_0 = arith.constant 0 : i32
    return %arg0, %c0_i32 : i32, i32
  }
  func.func @transform_13(%arg0: i32) -> (i32, i32) {
    %c0_i32 = arith.constant 0 : i32
    %c0_i32_0 = arith.constant 0 : i32
    %c0_i32_1 = arith.constant 0 : i32
    return %c0_i32, %c0_i32_0 : i32, i32
  }
}

module attributes {stable_mosaic.version = 14 : i64} {
  func.func @_head_body(%arg0: i32, %arg1: memref<400x32xf32, #tpu.memory_space<vmem>>, %arg2: memref<2x32xf32, #tpu.memory_space<vmem>>, %arg3: memref<1x32xf32, #tpu.memory_space<vmem>>, %arg4: memref<1x32xf32, #tpu.memory_space<vmem>>, %arg5: memref<32x1xf32, #tpu.memory_space<vmem>>, %arg6: memref<1x1xf32, #tpu.memory_space<vmem>>, %arg7: memref<400x1xf32, #tpu.memory_space<vmem>>) attributes {dimension_semantics = [#tpu.dimension_semantics<arbitrary>], iteration_bounds = array<i64: 125>, scalar_prefetch = 0 : i64, scratch_operands = 0 : i64, tpu.core_type = #tpu.core_type<tc>, window_params = [{transform_indices = @transform_0, window_bounds = array<i64: 400, 32>}, {pipeline_mode = #tpu.pipeline_mode<synchronous>, transform_indices = @transform_1, window_bounds = array<i64: 2, 32>}, {pipeline_mode = #tpu.pipeline_mode<synchronous>, transform_indices = @transform_2, window_bounds = array<i64: 1, 32>}, {pipeline_mode = #tpu.pipeline_mode<synchronous>, transform_indices = @transform_3, window_bounds = array<i64: 1, 32>}, {pipeline_mode = #tpu.pipeline_mode<synchronous>, transform_indices = @transform_4, window_bounds = array<i64: 32, 1>}, {pipeline_mode = #tpu.pipeline_mode<synchronous>, transform_indices = @transform_5, window_bounds = array<i64: 1, 1>}, {transform_indices = @transform_6, window_bounds = array<i64: 400, 1>}]} {
    %get3A = arith.constant 0 : index
    %get3A_0 = arith.constant 0 : index
    %get3A_1 = vector.load %arg1[%get3A, %get3A_0] : memref<400x32xf32, #tpu.memory_space<vmem>>, vector<400x32xf32>
    %get3A_2 = arith.constant 0 : index
    %get3A_3 = arith.constant 0 : index
    %get3A_4 = vector.load %arg2[%get3A_2, %get3A_3] : memref<2x32xf32, #tpu.memory_space<vmem>>, vector<2x32xf32>
    %slice3A = vector.extract_strided_slice %get3A_4 {offsets = [0, 0], sizes = [1, 32], strides = [1, 1]} : vector<2x32xf32> to vector<1x32xf32>
    %mul3A = arith.constant 2.000000e-05 : f32
    %mul3A_5 = vector.broadcast %mul3A : f32 to vector<1x32xf32>
    %mul3A_6 = arith.mulf %slice3A, %mul3A_5 : vector<1x32xf32>
    %slice3A_7 = vector.extract_strided_slice %get3A_4 {offsets = [1, 0], sizes = [1, 32], strides = [1, 1]} : vector<2x32xf32> to vector<1x32xf32>
    %mul3A_8 = arith.constant 2.000000e-05 : f32
    %mul3A_9 = vector.broadcast %mul3A_8 : f32 to vector<1x32xf32>
    %mul3A_10 = arith.mulf %slice3A_7, %mul3A_9 : vector<1x32xf32>
    %mul3A_11 = arith.mulf %mul3A_6, %mul3A_6 : vector<1x32xf32>
    %sub3A = arith.subf %mul3A_10, %mul3A_11 : vector<1x32xf32>
    %get3A_12 = arith.constant 0 : index
    %get3A_13 = arith.constant 0 : index
    %get3A_14 = vector.load %arg3[%get3A_12, %get3A_13] : memref<1x32xf32, #tpu.memory_space<vmem>>, vector<1x32xf32>
    %add3A = arith.constant 9.99999974E-6 : f32
    %add3A_15 = vector.broadcast %add3A : f32 to vector<1x32xf32>
    %add3A_16 = arith.addf %sub3A, %add3A_15 : vector<1x32xf32>
    %rsqrt3A = math.rsqrt %add3A_16 : vector<1x32xf32>
    %mul3A_17 = arith.mulf %get3A_14, %rsqrt3A : vector<1x32xf32>
    %get3A_18 = arith.constant 0 : index
    %get3A_19 = arith.constant 0 : index
    %get3A_20 = vector.load %arg4[%get3A_18, %get3A_19] : memref<1x32xf32, #tpu.memory_space<vmem>>, vector<1x32xf32>
    %mul3A_21 = arith.mulf %mul3A_6, %mul3A_17 : vector<1x32xf32>
    %sub3A_22 = arith.subf %get3A_20, %mul3A_21 : vector<1x32xf32>
    %mul3A_23 = vector.broadcast %mul3A_17 : vector<1x32xf32> to vector<400x32xf32>
    %mul3A_24 = arith.mulf %get3A_1, %mul3A_23 : vector<400x32xf32>
    %add3A_25 = vector.broadcast %sub3A_22 : vector<1x32xf32> to vector<400x32xf32>
    %add3A_26 = arith.addf %mul3A_24, %add3A_25 : vector<400x32xf32>
    %ge3A = arith.constant 0.000000e+00 : f32
    %ge3A_27 = vector.broadcast %ge3A : f32 to vector<400x32xf32>
    %ge3A_28 = arith.cmpf oge, %add3A_26, %ge3A_27 : vector<400x32xf32>
    %mul3A_29 = arith.constant 0.00999999977 : f32
    %mul3A_30 = vector.broadcast %mul3A_29 : f32 to vector<400x32xf32>
    %mul3A_31 = arith.mulf %mul3A_30, %add3A_26 : vector<400x32xf32>
    %select_n3A = arith.select %ge3A_28, %add3A_26, %mul3A_31 : vector<400x32xi1>, vector<400x32xf32>
    %get3A_32 = arith.constant 0 : index
    %get3A_33 = arith.constant 0 : index
    %get3A_34 = vector.load %arg5[%get3A_32, %get3A_33] : memref<32x1xf32, #tpu.memory_space<vmem>>, vector<32x1xf32>
    %dot_general3A = arith.constant dense<0.000000e+00> : vector<400x1xf32>
    %dot_general3A_35 = tpu.matmul %select_n3A, %get3A_34, %dot_general3A {dimension_numbers = #tpu.dot_dimension_numbers<[1], [0], [0], [1], [0, 0, 1, 1], [], []>, transpose_lhs_hint = false} : vector<400x32xf32>, vector<32x1xf32>, vector<400x1xf32> -> vector<400x1xf32>
    %get3A_36 = arith.constant 0 : index
    %get3A_37 = arith.constant 0 : index
    %get3A_38 = vector.load %arg6[%get3A_36, %get3A_37] : memref<1x1xf32, #tpu.memory_space<vmem>>, vector<1x1xf32>
    %add3A_39 = vector.broadcast %get3A_38 : vector<1x1xf32> to vector<400x1xf32>
    %add3A_40 = arith.addf %dot_general3A_35, %add3A_39 : vector<400x1xf32>
    %neg3A = arith.constant 0.000000e+00 : f32
    %neg3A_41 = vector.broadcast %neg3A : f32 to vector<400x1xf32>
    %neg3A_42 = arith.subf %neg3A_41, %add3A_40 : vector<400x1xf32>
    %exp3A = math.exp %neg3A_42 : vector<400x1xf32>
    %add3A_43 = arith.constant 1.000000e+00 : f32
    %add3A_44 = vector.broadcast %add3A_43 : f32 to vector<400x1xf32>
    %add3A_45 = arith.addf %add3A_44, %exp3A : vector<400x1xf32>
    %div3A = arith.constant 1.000000e+00 : f32
    %div3A_46 = vector.broadcast %div3A : f32 to vector<400x1xf32>
    %div3A_47 = arith.divf %div3A_46, %add3A_45 : vector<400x1xf32>
    %swap3A = arith.constant 0 : index
    %swap3A_48 = arith.constant 0 : index
    %swap3A_49 = vector.load %arg7[%swap3A, %swap3A_48] : memref<400x1xf32, #tpu.memory_space<vmem>>, vector<400x1xf32>
    tpu.vector_store %arg7[%swap3A, %swap3A_48], %div3A_47 {strides = array<i32>} : memref<400x1xf32, #tpu.memory_space<vmem>>, vector<400x1xf32>,
    return
  }
  func.func @transform_0(%arg0: i32) -> (i32, i32) {
    %c0_i32 = arith.constant 0 : i32
    %c0_i32_0 = arith.constant 0 : i32
    return %arg0, %c0_i32 : i32, i32
  }
  func.func @transform_1(%arg0: i32) -> (i32, i32) {
    %c0_i32 = arith.constant 0 : i32
    %c0_i32_0 = arith.constant 0 : i32
    %c0_i32_1 = arith.constant 0 : i32
    return %c0_i32, %c0_i32_0 : i32, i32
  }
  func.func @transform_2(%arg0: i32) -> (i32, i32) {
    %c0_i32 = arith.constant 0 : i32
    %c0_i32_0 = arith.constant 0 : i32
    %c0_i32_1 = arith.constant 0 : i32
    return %c0_i32, %c0_i32_0 : i32, i32
  }
  func.func @transform_3(%arg0: i32) -> (i32, i32) {
    %c0_i32 = arith.constant 0 : i32
    %c0_i32_0 = arith.constant 0 : i32
    %c0_i32_1 = arith.constant 0 : i32
    return %c0_i32, %c0_i32_0 : i32, i32
  }
  func.func @transform_4(%arg0: i32) -> (i32, i32) {
    %c0_i32 = arith.constant 0 : i32
    %c0_i32_0 = arith.constant 0 : i32
    %c0_i32_1 = arith.constant 0 : i32
    return %c0_i32, %c0_i32_0 : i32, i32
  }
  func.func @transform_5(%arg0: i32) -> (i32, i32) {
    %c0_i32 = arith.constant 0 : i32
    %c0_i32_0 = arith.constant 0 : i32
    %c0_i32_1 = arith.constant 0 : i32
    return %c0_i32, %c0_i32_0 : i32, i32
  }
  func.func @transform_6(%arg0: i32) -> (i32, i32) {
    %c0_i32 = arith.constant 0 : i32
    %c0_i32_0 = arith.constant 0 : i32
    return %arg0, %c0_i32 : i32, i32
  }
}

</mosaic_0001>

<sc_bundles>
// kernel: kernel.10.cloned.1.call-start
scs
__scs_entry_jumppad:
0x0: {  	(pc) =	sbr.rel $0x88, $3  }
0x1: {  	(tag) =	ssettag $0x0;
	lr =	simm.s32 $0x1  }
0x2: {  	[smem:$0x3F8E] =	sst lr;
	_ =	strace $0xD0000000  }
0x3: {  	_ = 	snop  }
0x4: {  	_ = 	snop  }
0x5: {  	_ = 	snop  }
0x6: {  	_ = 	snop  }
0x7: {  	_ = 	snop  }
__scs_overlays_trampoline_lowered:
0x8: {  	[smem:$0x3F9D] =	sst s0  }
0x9: {  	[smem:$0x3F9E] =	sst s1  }
0xa: {  	[smem:$0x3F9F] =	sst s2  }
0xb: {  	[smem:$0x3FA0] =	sst s3  }
0xc: {  	[smem:$0x3FA1] =	sst s4  }
0xd: {  	[smem:$0x3FA2] =	sst s5  }
0xe: {  	[smem:$0x3FA3] =	sst s6  }
0xf: {  	[smem:$0x3FA4] =	sst s7  }
0x10: {  	[smem:$0x3FA5] =	sst s8  }
0x11: {  	[smem:$0x3FA6] =	sst s9;
	s0 =	simm.s32 @!p0 $0x0  }
0x12: {  	s1 =	sld [smem:$0x3F8C];
	s0 =	simm.s32 @p0 $0x1  }
0x13: {  	[smem:$0x3FA7] =	sst s0;
	s0 =	simm.s32 @!p1 $0x0  }
0x14: {  	s2 =	sld [smem:$0x3F8B];
	s0 =	simm.s32 @p1 $0x1  }
0x15: {  	[smem:$0x3FA8] =	sst s0;
	s0 =	simm.s32 @!p2 $0x0  }
0x16: {  	s3 =	sld [smem:$0x3FDB];
	s0 =	simm.s32 @p2 $0x1  }
0x17: {  	s4 =	simm.s32 $0x1BF5;
	[smem:$0x3FAA] =	sst s0  }
0x18: {  	s0 =	sld [smem:$0x3F8D];
	_ =	swait.ge [sflag:s4], $0x0  }
0x19: {  	s7 =	sld [smem:$0x3F8E]  }
0x1a: {  	s8 =	sadd.s32 $0xFFFFE003, lr  }
0x1b: {  	s9 =	sadd.s32 $0xFFFFFEF7, lr;
	s5 =	simm.s32 $0xFFFFFFFF;
	p2 =	slt.u32 s8, $0xFFFFF086  }
0x1c: {  	p1 =	slt.u32 s9, $0xF7A;
	s5 =	simm.s32 @!p2 $0x0  }
0x1d: {  	s5 =	simm.s32 @p1 $0x1;
	p0 =	seq.s32 s7, s2  }
0x1e: {  	s7 =	smul.u32 @!p0 $0xF7A, s2;
	p2 =	seq.s32 @!p0 s5, $0x0  }
0x1f: {  	s9 =	smul.u32 $0xF7A, s1;
	s8 =	simm.s32 @!p0 $0x1BF5;
	p2 =	por !p2, p0  }
0x20: {  	[sflag:s8] =	ssyncset.s32 @!p0 $0xFFFFF086;
	s6 =	sadd.s32 @!p0 s3, s7;
	s7 =	simm.s32 @!p0 $0x108  }
0x21: {  	s3 =	sadd.s32 s3, s9;
	s6 =	sadd.s32 @!p0 $0x88, s6;
	s7 =	simm.s32 @p2 $0x1082  }
0x22: {  	[simem:s7], [sflag:s8] =	dma.local @!p0 [hbm:s6], $0xF7A  }
0x23: {  	s9 =	sor.u32 $0xD0000000, s2;
	s6 =	simm.s32 $0x108;
	_ =	swait.ge @!p0 [sflag:s8], $0x0  }
0x24: {  	s3 =	sadd.s32 $0x88, s3;
	s6 =	simm.s32 @!p1 $0x1082;
	[sflag:s4] =	ssyncset.s32 $0xFFFFF086  }
0x25: {  	[simem:s6], [sflag:s4] =	dma.local [hbm:s3], $0xF7A  }
0x26: {  	[smem:$0x3F8E] =	sst s1;
	(tag) =	ssettag s2;
	_ =	strace s9  }
0x27: {  	s1 =	sld [smem:$0x3F9E]  }
0x28: {  	s2 =	sld [smem:$0x3F9F]  }
0x29: {  	s4 =	sld [smem:$0x3FA1]  }
0x2a: {  	p0 =	seq.s32 s5, $0x0;
	s5 =	sld [smem:$0x3FA2]  }
0x2b: {  	s6 =	sld [smem:$0x3FA3]  }
0x2c: {  	s7 =	sld [smem:$0x3FA4]  }
0x2d: {  	s3 =	simm.s32 $0x108;
	s8 =	sld [smem:$0x3FA5]  }
0x2e: {  	s3 =	simm.s32 @!p0 $0x1082;
	s9 =	sld [smem:$0x3FA6]  }
0x2f: {  	lr =	sadd.s32 s0, s3;
	s0 =	sld [smem:$0x3F9D]  }
0x30: {  	s3 =	sld [smem:$0x3FA0]  }
0x31: {  	[smem:$0x3FA9] =	sst s10  }
0x32: {  	s10 =	sld [smem:$0x3FA7];
	_ =	sdelay $0x3  }
0x33: {  	p0 =	seq.s32 s10, $0x1;
	s10 =	sld [smem:$0x3FA9];
	_ =	sdelay $0x3  }
0x34: {  	[smem:$0x3FA9] =	sst s10  }
0x35: {  	s10 =	sld [smem:$0x3FA8];
	_ =	sdelay $0x3  }
0x36: {  	p1 =	seq.s32 s10, $0x1;
	s10 =	sld [smem:$0x3FA9];
	_ =	sdelay $0x3  }
0x37: {  	[smem:$0x3FA9] =	sst s10  }
0x38: {  	s10 =	sld [smem:$0x3FAA]  }
0x39: {  	_ = 	snop;
	(pc) =	sbr.ind lr, $3  }
0x3a: {  	_ = 	snop  }
0x3b: {  	_ = 	snop  }
0x3c: {  	p2 =	seq.s32 s10, $0x1;
	s10 =	sld [smem:$0x3FA9]  }
0x3d: {  	_ =	shalt  }
0x3e: {  	_ =	shalt  }
0x3f: {  	_ =	shalt  }
0x40: {  	_ =	shalt  }
0x41: {  	_ =	shalt  }
0x42: {  	_ =	shalt  }
0x43: {  	_ =	shalt  }
0x44: {  	_ =	shalt  }
0x45: {  	_ =	shalt  }
0x46: {  	_ =	shalt  }
0x47: {  	_ =	shalt  }
0x48: {  	_ =	shalt  }
0x49: {  	_ =	shalt  }
0x4a: {  	_ =	shalt  }
0x4b: {  	_ =	shalt  }
0x4c: {  	_ =	shalt  }
0x4d: {  	_ =	shalt  }
0x4e: {  	_ =	shalt  }
0x4f: {  	_ =	shalt  }
0x50: {  	_ =	shalt  }
0x51: {  	_ =	shalt  }
0x52: {  	_ =	shalt  }
0x53: {  	_ =	shalt  }
0x54: {  	_ =	shalt  }
0x55: {  	_ =	shalt  }
0x56: {  	_ =	shalt  }
0x57: {  	_ =	shalt  }
0x58: {  	_ =	shalt  }
0x59: {  	_ =	shalt  }
0x5a: {  	_ =	shalt  }
0x5b: {  	_ =	shalt  }
0x5c: {  	_ =	shalt  }
0x5d: {  	_ =	shalt  }
0x5e: {  	_ =	shalt  }
0x5f: {  	_ =	shalt  }
0x60: {  	_ =	shalt  }
0x61: {  	_ =	shalt  }
0x62: {  	_ =	shalt  }
0x63: {  	_ =	shalt  }
0x64: {  	_ =	shalt  }
0x65: {  	_ =	shalt  }
0x66: {  	_ =	shalt  }
0x67: {  	_ =	shalt  }
0x68: {  	_ =	shalt  }
0x69: {  	_ =	shalt  }
0x6a: {  	_ =	shalt  }
0x6b: {  	_ =	shalt  }
0x6c: {  	_ =	shalt  }
0x6d: {  	_ =	shalt  }
0x6e: {  	_ =	shalt  }
0x6f: {  	_ =	shalt  }
0x70: {  	_ =	shalt  }
0x71: {  	_ =	shalt  }
0x72: {  	_ =	shalt  }
0x73: {  	_ =	shalt  }
0x74: {  	_ =	shalt  }
0x75: {  	_ =	shalt  }
0x76: {  	_ =	shalt  }
0x77: {  	_ =	shalt  }
0x78: {  	_ =	shalt  }
0x79: {  	_ =	shalt  }
0x7a: {  	_ =	shalt  }
0x7b: {  	_ =	shalt  }
0x7c: {  	_ =	shalt  }
0x7d: {  	_ =	shalt  }
0x7e: {  	_ =	shalt  }
0x7f: {  	_ =	shalt  }
0x80: {  	_ =	shalt  }
0x81: {  	_ =	shalt  }
0x82: {  	_ =	shalt  }
0x83: {  	_ =	shalt  }
0x84: {  	_ =	shalt  }
0x85: {  	_ =	shalt  }
0x86: {  	_ =	shalt  }
0x87: {  	_ =	shalt  }
.Lfunc_end0:
.L_simem_size_0:
called_computation_lowered:
.L_overlay_start_0:
0x88: {  	s2 =	sld [smem:$0x3FD9]  }
0x89: {  	s3 =	sld [smem:$0x3FFE];
	_ =	sdelay $0x1  }
0x8a: {  	s1 =	srdreg.scid  }
0x8b: {  	s0 =	sand.u32 $0x1, s1  }
0x8c: {  	s17 =	sshll.u32 s0, $0xA;
	s2 =	sadd.s32 s3, s2  }
0x8d: {  	s2 =	sadd.s32 s2, s17  }
0x8e: {  	[smem:$0x3FB5] =	sst s2  }
0x8f: {  	_ = 	snop  }
0x90: {  	s2 =	sld [smem:$0x3FD0];
	(tm) =	ssettm $0x1  }
0x91: {  	s18 =	sld [smem:$0x3FFB];
	_ =	sdelay $0x3  }
0x92: {  	_ =	strace s18  }
0x93: {  	s3 =	sld [smem:$0x3FFC];
	_ =	sdelay $0x3  }
0x94: {  	_ =	strace s3  }
0x95: {  	s3 =	sld [smem:$0x3FFD];
	_ =	sdelay $0x3  }
0x96: {  	_ =	strace s3  }
0x97: {  	_ =	strace $0x8FFFFFFF  }
0x98: {  	s19 =	sld [smem:$0x3FDB];
	_ =	sdelay $0x1  }
0x99: {  	s4 =	simm.s32 $_scs_section_size  }
0x9a: {  	s5 =	simm.s32 $_size__tile_overlayer_lowered;
	s6 =	simm.s32 $_tile_overlayer_lowered  }
0x9b: {  	s22 =	simm.s32 $0x1BFF;
	s21 =	sshll.u32 s6, $0x1;
	s3 =	sadd.s32 s4, s19  }
0x9c: {  	s7 =	simm.s32 $0x0;
	s20 =	sshll.u32 s5, $0x1;
	s5 =	sadd.s32 s21, s3  }
0x9d: {  	[timem:s7], [sflag:s22] =	dma.local [hbm:s5], s20  }
0x9e: {  	_ =	swait.ge [sflag:s22], s20  }
0x9f: {  	s4 =	ssub.s32 $0x0, s20;
	[sflag:s22] =	ssyncset.done $0x0  }
0xa0: {  	[sflag:s22] =	ssyncadd.s32 s4;
	_ =	sdelay $0x1  }
0xa1: {  	s23 =	simm.s32 $0x1B8B  }
0xa2: {  	_ =	swait.ge [sflag:s23], $0x1  }
0xa3: {  	[sflag:s23] =	ssyncset.done $0x0  }
0xa4: {  	s25 =	simm.s32 $0x1B8E;
	s24 =	sld [smem:$0x3FFE];
	[sflag:s23] =	ssyncadd.s32 $0xFFFFFFFF  }
0xa5: {  	s26 =	simm.s32 $execute0_lowered;
	[smem:$0x3FD2] =	sst s25  }
0xa6: {  	s5 =	sshll.u32 s26, $0x1;
	_ =	strace $0x80000046;
	[dreg:$0x1] =	wrdreg $0xFFFFFFFF  }
0xa7: {  	s28 =	simm.s32 $_size_execute0_lowered;
	s3 =	sadd.s32 s3, s5;
	[dreg:$0x0] =	wrdreg $0x0  }
0xa8: {  	s5 =	sshll.u32 s28, $0x1;
	[dreg:$0x2] =	wrdreg s3  }
0xa9: {  	[dreg:$0x3] =	wrdreg s5  }
0xaa: {  	[dreg:$0x4] =	wrdreg $0xC0  }
0xab: {  	_ =	task [dreg:s7], $0x5FFFF  }
0xac: {  	[dreg:$0x1] =	wrdreg $0xFFFFFFFF  }
0xad: {  	[dreg:$0x0] =	wrdreg $0x60  }
0xae: {  	[dreg:$0x2] =	wrdreg s24  }
0xaf: {  	[dreg:$0x3] =	wrdreg s2  }
0xb0: {  	[dreg:$0x4] =	wrdreg $0x98100  }
0xb1: {  	[dreg:$0x5] =	wrdreg $0x9  }
0xb2: {  	_ =	task.clear_ibuf [dreg:s7], $0x6FFFF;
	_ =	strace $0x90000046  }
0xb3: {  	s29 =	simm.s32 $0x9;
	_ =	strace $0x80000048  }
0xb4: {  	_ =	swait.ge [sflag:s29], $0x1  }
0xb5: {  	[sflag:s29] =	ssyncadd.s32 $0xFFFFFFFF  }
0xb6: {  	_ =	strace $0x90000048  }
0xb7: {  	_ =	sfence  }
0xb8: {  	s30 =	sld [smem:$0x0];
	_ =	sdelay $0x2  }
0xb9: {  	s31 =	sshll.u32 s1, $0xD;
	s1 =	sshrl.u32 s1, $0x2  }
0xba: {  	s3 =	sand.u32 $0x4000, s31;
	s1 =	sadd.s32 s1, s30  }
0xbb: {  	s0 =	sor.u32 s3, s0;
	s1 =	sshll.u32 s1, $0x11  }
0xbc: {  	s0 =	sor.u32 s1, s0  }
0xbd: {  	s0 =	sadd.s32 $0x8F2B, s0  }
0xbe: {  	[sflag:s0] =	ssyncadd.remote.s32 $0x1  }
0xbf: {  	_ =	sfence.sel $0xFFFF  }
0xc0: {  	[dreg:$0x0] =	wrdreg $0xFFFFFFFF;
	(pc) =	sbr.abs _section_cstart, $3  }
0xc1: {  	[dreg:$0x1] =	wrdreg $0xFFFFFFFF  }
0xc2: {  	_ =	task.clear_ibuf [dreg:s7], $0x2FFFF;
	_ =	strace $0x9FFFFFFF  }
0xc3: {  	(tm) =	ssettm $0x7FFFFFFF  }
tec
execute0_lowered:
.L_overlay_start_1:
0x0: {  	(tag) =	ssettag $0x1  }
0x1: {  	s0 =	rddreg [dreg:$0x0]  }
0x2: {  	s2 =	rddreg [dreg:$0x1]  }
0x3: {  	s1 =	rddreg [dreg:$0x2]  }
0x4: {  	s30 =	simm.s32 $0x0;
	s3 =	srdreg.scid;
	s9 =	stileid.u32  }
0x5: {  	s21 =	simm.s32 $0x90;
	[smem:$0x7FF] =	sst s30;
	s20 =	sshll.u32 s9, $0xA  }
0x6: {  	s22 =	simm.s32 $0x110;
	_ =	strace $0x80000047;
	[dreg:$0x17] =	wrdreg s20  }
0x7: {  	s23 =	simm.s32 $0x190;
	s24 =	simm.s32 $0x210;
	[dreg:$0x5] =	wrdreg s21  }
0x8: {  	s26 =	simm.s32 $0x290;
	s11 =	simm.s32 $0x390;
	[dreg:$0x6] =	wrdreg s22  }
0x9: {  	s13 =	simm.s32 $0x490;
	s3 =	sand.u32 $0x1, s3;
	[dreg:$0x7] =	wrdreg s23  }
0xa: {  	s6 =	smul.u32 $0x31000, s9;
	s15 =	sshll.u32 s9, $0x1;
	[dreg:$0x8] =	wrdreg s24  }
0xb: {  	s19 =	smul.u32 $0xC400, s9;
	s9 =	simm.s32 $0x310;
	[dreg:$0x9] =	wrdreg s26  }
0xc: {  	s4 =	sadd.s32 $0x62000, s0;
	s5 =	ssub.s32 $0x2, s3;
	[dreg:$0xa] =	wrdreg s9  }
0xd: {  	s8 =	sshll.u32 s3, $0x5;
	s3 =	smul.u32 $0x18800, s3;
	[dreg:$0xb] =	wrdreg s11  }
0xe: {  	[dreg:$0xc] =	wrdreg s13;
	s21 =	simm.s32 $0x690;
	s23 =	simm.s32 $0x710  }
0xf: {  	s7 =	sshrl.u32 s5, $0x1;
	s2 =	sadd.s32 s2, s8;
	[dreg:$0x10] =	wrdreg s21  }
0x10: {  	s6 =	sshrl.u32 s6, $0x2;
	[dreg:$0x11] =	wrdreg s23;
	s5 =	ssub.s32 s5, s7  }
0x11: {  	s31 =	sadd.s32 s0, s3;
	s16 =	sadd.s32 s15, s2;
	s7 =	sadd.s32 s6, s1  }
0x12: {  	s6 =	sshrl.u32 s19, $0x3;
	s15 =	simm.s32 $0x510;
	[dreg:$0x14] =	wrdreg s16  }
0x13: {  	s0 =	sadd.s32 s19, s1;
	s19 =	simm.s32 $0x610;
	[dreg:$0xd] =	wrdreg s15  }
0x14: {  	[dreg:$0xf] =	wrdreg s19  }
0x15: {  	[dreg:$0x15] =	wrdreg s7  }
0x16: {  	s29 =	simm.s32 $0x80;
	s18 =	sadd.s32 $0xC000, s7;
	[dreg:$0x13] =	wrdreg s31  }
0x17: {  	s28 =	simm.s32 $0x0;
	s17 =	sadd.s32 $0x31000, s31;
	[dreg:$0x16] =	wrdreg s18  }
0x18: {  	s11 =	simm.s32 $0x4810;
	s5 =	smax.u32 s5, $0x1;
	[dreg:$0x4] =	wrdreg s17  }
0x19: {  	s13 =	simm.s32 $0x6810;
	s25 =	sadd.s32 $0x1000, s7;
	[dreg:$0x18] =	wrdreg s5  }
0x1a: {  	s9 =	simm.s32 $0xA;
	s8 =	sadd.s32 $0x2000, s7;
	[dreg:$0x19] =	wrdreg s25  }
0x1b: {  	s21 =	simm.s32 $0x7;
	s10 =	sadd.s32 $0x3000, s7;
	[dreg:$0x1a] =	wrdreg s8  }
0x1c: {  	s23 =	simm.s32 $0x8;
	s12 =	sadd.s32 $0x4000, s7;
	[dreg:$0x1b] =	wrdreg s10  }
0x1d: {  	s2 =	sadd.s32 $0x92E00, s31;
	s14 =	sadd.s32 $0x5000, s7;
	[dreg:$0x1c] =	wrdreg s12  }
0x1e: {  	s16 =	sadd.s32 $0x6000, s7;
	s20 =	sadd.s32 $0x8000, s7;
	[dreg:$0x1d] =	wrdreg s14  }
0x1f: {  	s22 =	sadd.s32 $0x9000, s7;
	s24 =	sadd.s32 $0xA000, s7;
	[dreg:$0x1e] =	wrdreg s16  }
0x20: {  	s26 =	sadd.s32 $0xB000, s7;
	s0 =	sshrl.u32 s0, $0x3;
	[smem:$0x7F8] =	sst s20  }
0x21: {  	s15 =	simm.s32 $0x1;
	s19 =	simm.s32 $0x5;
	[smem:$0x7F9] =	sst s22  }
0x22: {  	s17 =	simm.s32 $0x590;
	s18 =	sadd.s32 $0x7000, s7;
	[smem:$0x7FA] =	sst s24  }
0x23: {  	s25 =	simm.s32 $0x790;
	[smem:$0x7FB] =	sst s26;
	s22 =	simm.s32 $0x11  }
0x24: {  	s2 =	sadd.s32 s6, s2;
	[smem:$0x7FD] =	sst s0;
	s26 =	simm.s32 $0x10  }
0x25: {  	s6 =	simm.s32 $0x1810;
	s8 =	simm.s32 $0x2810;
	s10 =	simm.s32 $0x3810  }
.Ltmp0:
0x26: {  	s12 =	simm.s32 $0x5810;
	[dreg:$0x1f] =	wrdreg s18;
	(pc) =	sbr.rel .LBB2_1-.Ltmp0, $4  }
0x27: {  	s14 =	simm.s32 $0x7810;
	s16 =	simm.s32 $0x2;
	[dreg:$0xe] =	wrdreg s17  }
0x28: {  	s20 =	simm.s32 $0x6;
	s7 =	simm.s32 $0x9;
	[dreg:$0x12] =	wrdreg s25  }
0x29: {  	s24 =	simm.s32 $0xB;
	[smem:$0x7FC] =	sst s2;
	s2 =	simm.s32 $0x810  }
0x2a: {  	v0 =	vimm.f32 $0.0e+00;
	s17 =	simm.s32 $0x3;
	s18 =	simm.s32 $0x4;
	s25 =	simm.s32 $0xC  }
.LBB2_5:
0x2b: {  	s3 =	rddreg [dreg:$0x17]  }
.LBB2_10:
0x2c: {  	s3 =	sadd.s32 @p0 $0x4000, s3;
	s5 =	rddreg [dreg:$0x17]  }
0x2d: {  	s5 =	smov.u32 @p0 s3  }
0x2e: {  	s3 =	sshrl.u32 s5, $0x3  }
0x2f: {  	[sflag:s26] =	ssyncadd.s32 @p0 $0xFFFFF000;
	s5 =	sadd.s32 s3, s28  }
0x30: {  	[tilespmem:s26], [sflag:$0x11] =	stream.linear.gather [hbm4b:s5+s30], $0x400, $0x38;
	[tilespmem:$0x15C10] =	vst v63  }
0x31: {  	_ =	swait.ge [sflag:s22], $0x400  }
0x32: {  	[sflag:s22] =	ssyncset.done $0x0  }
0x33: {  	s0 =	simm.s32 $0x410;
	s3 =	sadd.s32 s3, s31;
	[sflag:s22] =	ssyncadd.s32 $0xFFFFFC00  }
0x34: {  	[tilespmem:s0], [sflag:$0x11] =	stream.linear.gather [hbm4b:s3+s30], $0x400, $0x38;
	[tilespmem:$0x15C10] =	vst v63  }
0x35: {  	_ =	swait.ge [sflag:s22], $0x400  }
0x36: {  	[sflag:s22] =	ssyncset.done $0x0  }
0x37: {  	[sflag:s22] =	ssyncadd.s32 $0xFFFFFC00  }
0x38: {  	[tilespmem:s2], [sflag:$0x1] =	stream.indirect.gather [hbm4b:s4+s29], $0x20, s26, s29, $0xb8;
	[tilespmem:$0x15C10] =	vst v63  }
0x39: {  	s3 =	rddreg [dreg:$0x5]  }
0x3a: {  	[tilespmem:s6], [sflag:$0x2] =	stream.indirect.gather [hbm4b:s4+s29], $0x20, s3, s29, $0xb8;
	[tilespmem:$0x15C10] =	vst v63  }
0x3b: {  	s5 =	rddreg [dreg:$0x6]  }
0x3c: {  	[tilespmem:s8], [sflag:$0x3] =	stream.indirect.gather [hbm4b:s4+s29], $0x20, s5, s29, $0xb8;
	[tilespmem:$0x15C10] =	vst v63  }
0x3d: {  	s3 =	rddreg [dreg:$0x7]  }
0x3e: {  	[tilespmem:s10], [sflag:$0x4] =	stream.indirect.gather [hbm4b:s4+s29], $0x20, s3, s29, $0xb8;
	[tilespmem:$0x15C10] =	vst v63  }
0x3f: {  	s5 =	rddreg [dreg:$0x8]  }
0x40: {  	[tilespmem:s11], [sflag:$0x5] =	stream.indirect.gather [hbm4b:s4+s29], $0x20, s5, s29, $0xb8;
	[tilespmem:$0x15C10] =	vst v63  }
0x41: {  	s3 =	rddreg [dreg:$0x9]  }
0x42: {  	[tilespmem:s12], [sflag:$0x6] =	stream.indirect.gather [hbm4b:s4+s29], $0x20, s3, s29, $0xb8;
	[tilespmem:$0x15C10] =	vst v63  }
0x43: {  	s5 =	rddreg [dreg:$0xa]  }
0x44: {  	[tilespmem:s13], [sflag:$0x7] =	stream.indirect.gather [hbm4b:s4+s29], $0x20, s5, s29, $0xb8;
	[tilespmem:$0x15C10] =	vst v63  }
0x45: {  	s3 =	rddreg [dreg:$0xb]  }
0x46: {  	[tilespmem:s14], [sflag:$0x8] =	stream.indirect.gather [hbm4b:s4+s29], $0x20, s3, s29, $0xb8;
	[tilespmem:$0x15C10] =	vst v63  }
0x47: {  	_ =	swait.ge [sflag:s15], $0x1000  }
0x48: {  	[sflag:s15] =	ssyncset.done $0x0  }
0x49: {  	[sflag:s15] =	ssyncadd.s32 $0xFFFFF000  }
0x4a: {  	[spmem:s1] =	stream.indirect.scatter.add.f32 [tilespmem:s2], [sflag:$0x9], $0x20, s0, s29, $0xb8;
	[tilespmem:$0x15C10] =	vst v63  }
0x4b: {  	_ =	swait.ge [sflag:s16], $0x1000  }
0x4c: {  	[sflag:s16] =	ssyncset.done $0x0  }
0x4d: {  	s0 =	rddreg [dreg:$0xc];
	[sflag:s16] =	ssyncadd.s32 $0xFFFFF000  }
0x4e: {  	[spmem:s1] =	stream.indirect.scatter.add.f32 [tilespmem:s6], [sflag:$0xA], $0x20, s0, s29, $0xb8;
	[tilespmem:$0x15C10] =	vst v63  }
0x4f: {  	_ =	swait.ge [sflag:s17], $0x1000  }
0x50: {  	[sflag:s17] =	ssyncset.done $0x0  }
0x51: {  	s5 =	rddreg [dreg:$0xd];
	[sflag:s17] =	ssyncadd.s32 $0xFFFFF000  }
0x52: {  	[spmem:s1] =	stream.indirect.scatter.add.f32 [tilespmem:s8], [sflag:$0xB], $0x20, s5, s29, $0xb8;
	[tilespmem:$0x15C10] =	vst v63  }
0x53: {  	_ =	swait.ge [sflag:s18], $0x1000  }
0x54: {  	[sflag:s18] =	ssyncset.done $0x0  }
0x55: {  	s0 =	rddreg [dreg:$0xe];
	[sflag:s18] =	ssyncadd.s32 $0xFFFFF000  }
0x56: {  	[spmem:s1] =	stream.indirect.scatter.add.f32 [tilespmem:s10], [sflag:$0xC], $0x20, s0, s29, $0xb8;
	[tilespmem:$0x15C10] =	vst v63  }
0x57: {  	_ =	swait.ge [sflag:s19], $0x1000  }
0x58: {  	[sflag:s19] =	ssyncset.done $0x0  }
0x59: {  	s5 =	rddreg [dreg:$0xf];
	[sflag:s19] =	ssyncadd.s32 $0xFFFFF000  }
0x5a: {  	[spmem:s1] =	stream.indirect.scatter.add.f32 [tilespmem:s11], [sflag:$0xD], $0x20, s5, s29, $0xb8;
	[tilespmem:$0x15C10] =	vst v63  }
0x5b: {  	_ =	swait.ge [sflag:s20], $0x1000  }
0x5c: {  	[sflag:s20] =	ssyncset.done $0x0  }
0x5d: {  	s0 =	rddreg [dreg:$0x10];
	[sflag:s20] =	ssyncadd.s32 $0xFFFFF000  }
0x5e: {  	[spmem:s1] =	stream.indirect.scatter.add.f32 [tilespmem:s12], [sflag:$0xE], $0x20, s0, s29, $0xb8;
	[tilespmem:$0x15C10] =	vst v63  }
0x5f: {  	_ =	swait.ge [sflag:s21], $0x1000  }
0x60: {  	[sflag:s21] =	ssyncset.done $0x0  }
0x61: {  	s5 =	rddreg [dreg:$0x11];
	[sflag:s21] =	ssyncadd.s32 $0xFFFFF000  }
0x62: {  	[spmem:s1] =	stream.indirect.scatter.add.f32 [tilespmem:s13], [sflag:$0xF], $0x20, s5, s29, $0xb8;
	[tilespmem:$0x15C10] =	vst v63  }
0x63: {  	_ =	swait.ge [sflag:s23], $0x1000  }
0x64: {  	[sflag:s23] =	ssyncset.done $0x0  }
0x65: {  	s0 =	rddreg [dreg:$0x12];
	[sflag:s23] =	ssyncadd.s32 $0xFFFFF000  }
0x66: {  	[spmem:s1] =	stream.indirect.scatter.add.f32 [tilespmem:s14], [sflag:$0x10], $0x20, s0, s29, $0xb8;
	[tilespmem:$0x15C10] =	vst v63  }
0x67: {  	_ =	swait.ge [sflag:s7], $0x1000  }
0x68: {  	[sflag:s7] =	ssyncset.done $0x0  }
0x69: {  	[sflag:s7] =	ssyncadd.s32 $0xFFFFF000  }
0x6a: {  	_ =	swait.ge [sflag:s9], $0x1000  }
0x6b: {  	[sflag:s9] =	ssyncset.done $0x0  }
0x6c: {  	[sflag:s9] =	ssyncadd.s32 $0xFFFFF000  }
0x6d: {  	_ =	swait.ge [sflag:s24], $0x1000  }
0x6e: {  	[sflag:s24] =	ssyncset.done $0x0  }
0x6f: {  	[sflag:s24] =	ssyncadd.s32 $0xFFFFF000  }
0x70: {  	_ =	swait.ge [sflag:s25], $0x1000  }
0x71: {  	[sflag:s25] =	ssyncset.done $0x0  }
0x72: {  	s5 =	simm.s32 $0xD;
	[sflag:s25] =	ssyncadd.s32 $0xFFFFF000  }
0x73: {  	_ =	swait.ge [sflag:s5], $0x1000  }
0x74: {  	[sflag:s5] =	ssyncset.done $0x0  }
0x75: {  	s3 =	simm.s32 $0xE;
	[sflag:s5] =	ssyncadd.s32 $0xFFFFF000  }
0x76: {  	_ =	swait.ge [sflag:s3], $0x1000  }
0x77: {  	[sflag:s3] =	ssyncset.done $0x0  }
0x78: {  	s5 =	simm.s32 $0xF;
	[sflag:s3] =	ssyncadd.s32 $0xFFFFF000  }
0x79: {  	_ =	swait.ge [sflag:s5], $0x1000  }
0x7a: {  	[sflag:s5] =	ssyncset.done $0x0  }
0x7b: {  	[sflag:s5] =	ssyncadd.s32 $0xFFFFF000  }
0x7c: {  	_ =	swait.ge [sflag:s26], $0x1000  }
0x7d: {  	[sflag:s26] =	ssyncset.done $0x0  }
0x7e: {  	s28 =	sld [smem:$0x7F7];
	[sflag:s26] =	ssyncadd.s32 $0xFFFFF000  }
.LBB2_11:
0x7f: {  	[bflag:$0x0] =	sbarrier.arrive $0xFFFF  }
0x80: {  	s0 =	sld [smem:$0x7FC]  }
0x81: {  	s3 =	stileid.u32;
	s5 =	sld [smem:$0x7FD]  }
0x82: {  	s3 =	sshll.u32 s3, $0x6  }
0x83: {  	s3 =	sor.u32 $0x1C11, s3  }
0x84: {  	[hbm:s0], [sflag:s3] =	dma.local [spmem:s5], $0x1880  }
0x85: {  	_ =	swait.ge [sflag:s22], $0x1880  }
0x86: {  	s28 =	sadd.s32 $0x1, s28;
	s5 =	rddreg [dreg:$0x18]  }
0x87: {  	p0 =	sne.s32 s28, s5  }
.Ltmp1:
0x88: {  	_ = 	snop;
	(pc) =	sbr.rel @!p0 .LBB2_12-.Ltmp1, $3  }
0x89: {  	_ =	sdelay $0x1  }
0x8a: {  	[sflag:s22] =	ssyncset.done $0x0  }
0x8b: {  	[sflag:s22] =	ssyncadd.s32 $0xFFFFE780  }
.LBB2_1:
0x8c: {  	[smem:$0x7F7] =	sst s28  }
0x8d: {  	s0 =	rddreg [dreg:$0x14]  }
0x8e: {  	[tilespmem:s30], [sflag:$0x11] =	stream.linear.gather [hbm4b:s0+s30], $0x10, $0x38;
	[tilespmem:$0x15C10] =	vst v63  }
0x8f: {  	_ =	swait.ge [sflag:s22], $0x10  }
0x90: {  	[sflag:s22] =	ssyncset.done $0x0  }
0x91: {  	s3 =	simm.s32 $0x80;
	s5 =	simm.s32 $0x0;
	[sflag:s22] =	ssyncadd.s32 $0xFFFFFFF0  }
.LBB2_2:
0x92: {  	p0 =	sne.s32 s3, $0x3F80;
	[tilespmem:s5+$0x8810] =	vst v0;
	s28 =	smov.u32 s3;
	s3 =	sadd.s32 $0x80, s3  }
.Ltmp2:
0x93: {  	[tilespmem:s5+$0x8820] =	vst v0;
	(pc) =	sbr.rel @p0 .LBB2_2-.Ltmp2, $2  }
0x94: {  	_ =	sdelay $0x2  }
0x95: {  	s5 =	sshra.s32 s28, $0x2  }
0x96: {  	[tilespmem:s5+$0x8810] =	vst v0  }
0x97: {  	[tilespmem:s5+$0x8820] =	vst v0;
	s0 =	rddreg [dreg:$0x15];
	s3 =	simm.s32 $0x8810  }
0x98: {  	[spmem:s0] =	stream.linear.scatter [tilespmem:s3], [sflag:$0x11], $0x1000, $0x38;
	[tilespmem:$0x15C10] =	vst v63  }
0x99: {  	_ =	swait.ge [sflag:s22], $0x1000  }
0x9a: {  	[sflag:s22] =	ssyncset.done $0x0  }
0x9b: {  	s5 =	rddreg [dreg:$0x19];
	[sflag:s22] =	ssyncadd.s32 $0xFFFFF000  }
0x9c: {  	[spmem:s5] =	stream.linear.scatter [tilespmem:s3], [sflag:$0x11], $0x1000, $0x38;
	[tilespmem:$0x15C10] =	vst v63  }
0x9d: {  	_ =	swait.ge [sflag:s22], $0x1000  }
0x9e: {  	[sflag:s22] =	ssyncset.done $0x0  }
0x9f: {  	s5 =	rddreg [dreg:$0x1a];
	[sflag:s22] =	ssyncadd.s32 $0xFFFFF000  }
0xa0: {  	[spmem:s5] =	stream.linear.scatter [tilespmem:s3], [sflag:$0x11], $0x1000, $0x38;
	[tilespmem:$0x15C10] =	vst v63  }
0xa1: {  	_ =	swait.ge [sflag:s22], $0x1000  }
0xa2: {  	[sflag:s22] =	ssyncset.done $0x0  }
0xa3: {  	s5 =	rddreg [dreg:$0x1b];
	[sflag:s22] =	ssyncadd.s32 $0xFFFFF000  }
0xa4: {  	[spmem:s5] =	stream.linear.scatter [tilespmem:s3], [sflag:$0x11], $0x1000, $0x38;
	[tilespmem:$0x15C10] =	vst v63  }
0xa5: {  	_ =	swait.ge [sflag:s22], $0x1000  }
0xa6: {  	[sflag:s22] =	ssyncset.done $0x0  }
0xa7: {  	s5 =	rddreg [dreg:$0x1c];
	[sflag:s22] =	ssyncadd.s32 $0xFFFFF000  }
0xa8: {  	[spmem:s5] =	stream.linear.scatter [tilespmem:s3], [sflag:$0x11], $0x1000, $0x38;
	[tilespmem:$0x15C10] =	vst v63  }
0xa9: {  	_ =	swait.ge [sflag:s22], $0x1000  }
0xaa: {  	[sflag:s22] =	ssyncset.done $0x0  }
0xab: {  	s5 =	rddreg [dreg:$0x1d];
	[sflag:s22] =	ssyncadd.s32 $0xFFFFF000  }
0xac: {  	[spmem:s5] =	stream.linear.scatter [tilespmem:s3], [sflag:$0x11], $0x1000, $0x38;
	[tilespmem:$0x15C10] =	vst v63  }
0xad: {  	_ =	swait.ge [sflag:s22], $0x1000  }
0xae: {  	[sflag:s22] =	ssyncset.done $0x0  }
0xaf: {  	s5 =	rddreg [dreg:$0x1e];
	[sflag:s22] =	ssyncadd.s32 $0xFFFFF000  }
0xb0: {  	[spmem:s5] =	stream.linear.scatter [tilespmem:s3], [sflag:$0x11], $0x1000, $0x38;
	[tilespmem:$0x15C10] =	vst v63  }
0xb1: {  	_ =	swait.ge [sflag:s22], $0x1000  }
0xb2: {  	[sflag:s22] =	ssyncset.done $0x0  }
0xb3: {  	s5 =	rddreg [dreg:$0x1f];
	[sflag:s22] =	ssyncadd.s32 $0xFFFFF000  }
0xb4: {  	[spmem:s5] =	stream.linear.scatter [tilespmem:s3], [sflag:$0x11], $0x1000, $0x38;
	[tilespmem:$0x15C10] =	vst v63  }
0xb5: {  	_ =	swait.ge [sflag:s22], $0x1000  }
0xb6: {  	s5 =	sld [smem:$0x7F8]  }
0xb7: {  	[sflag:s22] =	ssyncset.done $0x0  }
0xb8: {  	[sflag:s22] =	ssyncadd.s32 $0xFFFFF000  }
0xb9: {  	[spmem:s5] =	stream.linear.scatter [tilespmem:s3], [sflag:$0x11], $0x1000, $0x38;
	[tilespmem:$0x15C10] =	vst v63  }
0xba: {  	_ =	swait.ge [sflag:s22], $0x1000  }
0xbb: {  	s5 =	sld [smem:$0x7F9]  }
0xbc: {  	[sflag:s22] =	ssyncset.done $0x0  }
0xbd: {  	[sflag:s22] =	ssyncadd.s32 $0xFFFFF000  }
0xbe: {  	[spmem:s5] =	stream.linear.scatter [tilespmem:s3], [sflag:$0x11], $0x1000, $0x38;
	[tilespmem:$0x15C10] =	vst v63  }
0xbf: {  	_ =	swait.ge [sflag:s22], $0x1000  }
0xc0: {  	s5 =	sld [smem:$0x7FA]  }
0xc1: {  	[sflag:s22] =	ssyncset.done $0x0  }
0xc2: {  	[sflag:s22] =	ssyncadd.s32 $0xFFFFF000  }
0xc3: {  	[spmem:s5] =	stream.linear.scatter [tilespmem:s3], [sflag:$0x11], $0x1000, $0x38;
	[tilespmem:$0x15C10] =	vst v63  }
0xc4: {  	_ =	swait.ge [sflag:s22], $0x1000  }
0xc5: {  	s5 =	sld [smem:$0x7FB]  }
0xc6: {  	[sflag:s22] =	ssyncset.done $0x0  }
0xc7: {  	[sflag:s22] =	ssyncadd.s32 $0xFFFFF000  }
0xc8: {  	[spmem:s5] =	stream.linear.scatter [tilespmem:s3], [sflag:$0x11], $0x1000, $0x38;
	[tilespmem:$0x15C10] =	vst v63  }
0xc9: {  	_ =	swait.ge [sflag:s22], $0x1000  }
0xca: {  	[sflag:s22] =	ssyncset.done $0x0  }
0xcb: {  	s5 =	rddreg [dreg:$0x16];
	[sflag:s22] =	ssyncadd.s32 $0xFFFFF000  }
0xcc: {  	[spmem:s5] =	stream.linear.scatter [tilespmem:s3], [sflag:$0x11], $0x400, $0x38;
	[tilespmem:$0x15C10] =	vst v63  }
0xcd: {  	_ =	swait.ge [sflag:s22], $0x400  }
0xce: {  	[sflag:s22] =	ssyncset.done $0x0  }
0xcf: {  	[sflag:s22] =	ssyncadd.s32 $0xFFFFFC00  }
0xd0: {  	[bflag:$0x0] =	sbarrier.arrive $0xFFFF  }
0xd1: {  	v1 =	vld [tilespmem:$0x0];
	_ =	sdelay $0x4  }
0xd2: {  	(v2sf) =	vpush v1, $0x0;
	_ =	sdelay $0xe  }
0xd3: {  	s3 =	spop (v2sf)  }
0xd4: {  	p0 =	slt.s32 s3, $0x1  }
.Ltmp3:
0xd5: {  	_ = 	snop;
	(pc) =	sbr.rel @p0 .LBB2_11-.Ltmp3, $2  }
0xd6: {  	_ =	sdelay $0x2  }
0xd7: {  	s28 =	sld [smem:$0x7F7]  }
0xd8: {  	p1 =	sne.s32 s3, $0x1  }
.Ltmp4:
0xd9: {  	_ = 	snop;
	(pc) =	sbr.rel @!p1 .LBB2_5-.Ltmp4, $2  }
0xda: {  	_ =	sdelay $0x2  }
0xdb: {  	s3 =	sadd.s32 $0xFFFFFFFF, s3;
	s28 =	rddreg [dreg:$0x4];
	p0 =	por $0x0, $0x0  }
0xdc: {  	s0 =	rddreg [dreg:$0x17]  }
0xdd: {  	s5 =	sshrl.u32 s0, $0x3  }
0xde: {  	s28 =	sadd.s32 s5, s28  }
0xdf: {  	[tilespmem:s26], [sflag:$0x11] =	stream.linear.gather [hbm4b:s28+s30], $0x400, $0x38;
	[tilespmem:$0x15C10] =	vst v63  }
0xe0: {  	_ =	swait.ge [sflag:s22], $0x400  }
0xe1: {  	[sflag:s22] =	ssyncset.done $0x0  }
0xe2: {  	s8 =	simm.s32 $0x410;
	s5 =	sadd.s32 s5, s31;
	[sflag:s22] =	ssyncadd.s32 $0xFFFFFC00  }
0xe3: {  	[tilespmem:s8], [sflag:$0x11] =	stream.linear.gather [hbm4b:s5+s30], $0x400, $0x38;
	[tilespmem:$0x15C10] =	vst v63  }
0xe4: {  	_ =	swait.ge [sflag:s22], $0x400  }
0xe5: {  	[sflag:s22] =	ssyncset.done $0x0  }
0xe6: {  	s2 =	simm.s32 $0x810;
	[sflag:s22] =	ssyncadd.s32 $0xFFFFFC00  }
0xe7: {  	[tilespmem:s2], [sflag:$0x1] =	stream.indirect.gather [hbm4b:s4+s29], $0x20, s26, s29, $0xb8;
	[tilespmem:$0x15C10] =	vst v63  }
0xe8: {  	s31 =	simm.s32 $0x1810;
	s30 =	rddreg [dreg:$0x5]  }
0xe9: {  	[tilespmem:s31], [sflag:$0x2] =	stream.indirect.gather [hbm4b:s4+s29], $0x20, s30, s29, $0xb8;
	[tilespmem:$0x15C10] =	vst v63  }
0xea: {  	s15 =	simm.s32 $0x2810;
	s28 =	rddreg [dreg:$0x6]  }
0xeb: {  	[tilespmem:s15], [sflag:$0x3] =	stream.indirect.gather [hbm4b:s4+s29], $0x20, s28, s29, $0xb8;
	[tilespmem:$0x15C10] =	vst v63  }
0xec: {  	s14 =	simm.s32 $0x3810;
	s30 =	rddreg [dreg:$0x7]  }
0xed: {  	[tilespmem:s14], [sflag:$0x4] =	stream.indirect.gather [hbm4b:s4+s29], $0x20, s30, s29, $0xb8;
	[tilespmem:$0x15C10] =	vst v63  }
0xee: {  	s10 =	simm.s32 $0x4810;
	s28 =	rddreg [dreg:$0x8]  }
0xef: {  	[tilespmem:s10], [sflag:$0x5] =	stream.indirect.gather [hbm4b:s4+s29], $0x20, s28, s29, $0xb8;
	[tilespmem:$0x15C10] =	vst v63  }
0xf0: {  	s11 =	simm.s32 $0x5810;
	s30 =	rddreg [dreg:$0x9]  }
0xf1: {  	[tilespmem:s11], [sflag:$0x6] =	stream.indirect.gather [hbm4b:s4+s29], $0x20, s30, s29, $0xb8;
	[tilespmem:$0x15C10] =	vst v63  }
0xf2: {  	s12 =	simm.s32 $0x6810;
	s28 =	rddreg [dreg:$0xa]  }
0xf3: {  	[tilespmem:s12], [sflag:$0x7] =	stream.indirect.gather [hbm4b:s4+s29], $0x20, s28, s29, $0xb8;
	[tilespmem:$0x15C10] =	vst v63  }
0xf4: {  	s16 =	simm.s32 $0x1;
	s13 =	simm.s32 $0x7810;
	s30 =	rddreg [dreg:$0xb]  }
0xf5: {  	[tilespmem:s13], [sflag:$0x8] =	stream.indirect.gather [hbm4b:s4+s29], $0x20, s30, s29, $0xb8;
	[tilespmem:$0x15C10] =	vst v63  }
0xf6: {  	_ =	swait.ge [sflag:s16], $0x1000  }
0xf7: {  	[sflag:s16] =	ssyncset.done $0x0  }
0xf8: {  	s17 =	simm.s32 $0x2;
	[sflag:s16] =	ssyncadd.s32 $0xFFFFF000  }
0xf9: {  	[spmem:s1] =	stream.indirect.scatter.add.f32 [tilespmem:s2], [sflag:$0x9], $0x20, s8, s29, $0xb8;
	[tilespmem:$0x15C10] =	vst v63  }
0xfa: {  	_ =	swait.ge [sflag:s17], $0x1000  }
0xfb: {  	[sflag:s17] =	ssyncset.done $0x0  }
0xfc: {  	s18 =	simm.s32 $0x3;
	s30 =	rddreg [dreg:$0xc];
	[sflag:s17] =	ssyncadd.s32 $0xFFFFF000  }
0xfd: {  	[spmem:s1] =	stream.indirect.scatter.add.f32 [tilespmem:s31], [sflag:$0xA], $0x20, s30, s29, $0xb8;
	[tilespmem:$0x15C10] =	vst v63  }
0xfe: {  	_ =	swait.ge [sflag:s18], $0x1000  }
0xff: {  	[sflag:s18] =	ssyncset.done $0x0  }
0x100: {  	s19 =	simm.s32 $0x4;
	s2 =	rddreg [dreg:$0xd];
	[sflag:s18] =	ssyncadd.s32 $0xFFFFF000  }
0x101: {  	[spmem:s1] =	stream.indirect.scatter.add.f32 [tilespmem:s15], [sflag:$0xB], $0x20, s2, s29, $0xb8;
	[tilespmem:$0x15C10] =	vst v63  }
0x102: {  	_ =	swait.ge [sflag:s19], $0x1000  }
0x103: {  	[sflag:s19] =	ssyncset.done $0x0  }
0x104: {  	s20 =	simm.s32 $0x5;
	s8 =	rddreg [dreg:$0xe];
	[sflag:s19] =	ssyncadd.s32 $0xFFFFF000  }
0x105: {  	[spmem:s1] =	stream.indirect.scatter.add.f32 [tilespmem:s14], [sflag:$0xC], $0x20, s8, s29, $0xb8;
	[tilespmem:$0x15C10] =	vst v63  }
0x106: {  	_ =	swait.ge [sflag:s20], $0x1000  }
0x107: {  	[sflag:s20] =	ssyncset.done $0x0  }
0x108: {  	s21 =	simm.s32 $0x6;
	s14 =	rddreg [dreg:$0xf];
	[sflag:s20] =	ssyncadd.s32 $0xFFFFF000  }
0x109: {  	[spmem:s1] =	stream.indirect.scatter.add.f32 [tilespmem:s10], [sflag:$0xD], $0x20, s14, s29, $0xb8;
	[tilespmem:$0x15C10] =	vst v63  }
0x10a: {  	_ =	swait.ge [sflag:s21], $0x1000  }
0x10b: {  	[sflag:s21] =	ssyncset.done $0x0  }
0x10c: {  	s23 =	simm.s32 $0x7;
	s15 =	rddreg [dreg:$0x10];
	[sflag:s21] =	ssyncadd.s32 $0xFFFFF000  }
0x10d: {  	[spmem:s1] =	stream.indirect.scatter.add.f32 [tilespmem:s11], [sflag:$0xE], $0x20, s15, s29, $0xb8;
	[tilespmem:$0x15C10] =	vst v63  }
0x10e: {  	_ =	swait.ge [sflag:s23], $0x1000  }
0x10f: {  	[sflag:s23] =	ssyncset.done $0x0  }
0x110: {  	s25 =	simm.s32 $0x8;
	s30 =	rddreg [dreg:$0x11];
	[sflag:s23] =	ssyncadd.s32 $0xFFFFF000  }
0x111: {  	[spmem:s1] =	stream.indirect.scatter.add.f32 [tilespmem:s12], [sflag:$0xF], $0x20, s30, s29, $0xb8;
	[tilespmem:$0x15C10] =	vst v63  }
0x112: {  	_ =	swait.ge [sflag:s25], $0x1000  }
0x113: {  	[sflag:s25] =	ssyncset.done $0x0  }
0x114: {  	s7 =	simm.s32 $0x9;
	s31 =	rddreg [dreg:$0x12];
	[sflag:s25] =	ssyncadd.s32 $0xFFFFF000  }
0x115: {  	[spmem:s1] =	stream.indirect.scatter.add.f32 [tilespmem:s13], [sflag:$0x10], $0x20, s31, s29, $0xb8;
	[tilespmem:$0x15C10] =	vst v63  }
0x116: {  	_ =	swait.ge [sflag:s7], $0x1000  }
0x117: {  	[sflag:s7] =	ssyncset.done $0x0  }
0x118: {  	s9 =	simm.s32 $0xA;
	[sflag:s7] =	ssyncadd.s32 $0xFFFFF000  }
0x119: {  	_ =	swait.ge [sflag:s9], $0x1000  }
0x11a: {  	[sflag:s9] =	ssyncset.done $0x0  }
0x11b: {  	s24 =	simm.s32 $0xB;
	[sflag:s9] =	ssyncadd.s32 $0xFFFFF000  }
0x11c: {  	_ =	swait.ge [sflag:s24], $0x1000  }
0x11d: {  	[sflag:s24] =	ssyncset.done $0x0  }
0x11e: {  	s6 =	simm.s32 $0xC;
	[sflag:s24] =	ssyncadd.s32 $0xFFFFF000  }
0x11f: {  	_ =	swait.ge [sflag:s6], $0x1000  }
0x120: {  	[sflag:s6] =	ssyncset.done $0x0  }
0x121: {  	s2 =	simm.s32 $0xD;
	[sflag:s6] =	ssyncadd.s32 $0xFFFFF000  }
0x122: {  	_ =	swait.ge [sflag:s2], $0x1000  }
0x123: {  	[sflag:s2] =	ssyncset.done $0x0  }
0x124: {  	s8 =	simm.s32 $0xE;
	[sflag:s2] =	ssyncadd.s32 $0xFFFFF000  }
0x125: {  	_ =	swait.ge [sflag:s8], $0x1000  }
0x126: {  	[sflag:s8] =	ssyncset.done $0x0  }
0x127: {  	p1 =	sne.s32 s3, $0x1;
	s10 =	simm.s32 $0xF;
	[sflag:s8] =	ssyncadd.s32 $0xFFFFF000  }
.Ltmp5:
0x128: {  	_ =	swait.ge [sflag:s10], $0x1000;
	(pc) =	sbr.rel @!p1 .LBB2_7-.Ltmp5, $4  }
0x129: {  	[sflag:s10] =	ssyncset.done $0x0  }
0x12a: {  	[sflag:s10] =	ssyncadd.s32 $0xFFFFF000  }
0x12b: {  	p0 =	por $0x1, $0x1;
	s5 =	sadd.s32 $0xFFFFFFFF, s3;
	_ =	swait.ge [sflag:s26], $0x1000  }
0x12c: {  	s3 =	smov.u32 s0;
	s28 =	rddreg [dreg:$0x4];
	[sflag:s26] =	ssyncset.done $0x0  }
.LBB2_8:
0x12d: {  	s3 =	sadd.s32 $0x4000, s3  }
0x12e: {  	s30 =	sshrl.u32 s3, $0x3  }
0x12f: {  	[sflag:s26] =	ssyncadd.s32 $0xFFFFF000;
	s11 =	simm.s32 $0x0;
	s28 =	sadd.s32 s30, s28  }
0x130: {  	[tilespmem:s26], [sflag:$0x11] =	stream.linear.gather [hbm4b:s28+s11], $0x400, $0x38;
	[tilespmem:$0x15C10] =	vst v63  }
0x131: {  	_ =	swait.ge [sflag:s22], $0x400  }
0x132: {  	[sflag:s22] =	ssyncset.done $0x0;
	s0 =	rddreg [dreg:$0x13]  }
0x133: {  	s12 =	simm.s32 $0x410;
	[sflag:s22] =	ssyncadd.s32 $0xFFFFFC00;
	s28 =	sadd.s32 s30, s0  }
0x134: {  	[tilespmem:s12], [sflag:$0x11] =	stream.linear.gather [hbm4b:s28+s11], $0x400, $0x38;
	[tilespmem:$0x15C10] =	vst v63  }
0x135: {  	_ =	swait.ge [sflag:s22], $0x400  }
0x136: {  	[sflag:s22] =	ssyncset.done $0x0  }
0x137: {  	s11 =	simm.s32 $0x810;
	[sflag:s22] =	ssyncadd.s32 $0xFFFFFC00  }
0x138: {  	[tilespmem:s11], [sflag:$0x1] =	stream.indirect.gather [hbm4b:s4+s29], $0x20, s26, s29, $0xb8;
	[tilespmem:$0x15C10] =	vst v63  }
0x139: {  	s31 =	simm.s32 $0x1810;
	s28 =	rddreg [dreg:$0x5]  }
0x13a: {  	[tilespmem:s31], [sflag:$0x2] =	stream.indirect.gather [hbm4b:s4+s29], $0x20, s28, s29, $0xb8;
	[tilespmem:$0x15C10] =	vst v63  }
0x13b: {  	s0 =	simm.s32 $0x2810;
	s14 =	rddreg [dreg:$0x6]  }
0x13c: {  	[tilespmem:s0], [sflag:$0x3] =	stream.indirect.gather [hbm4b:s4+s29], $0x20, s14, s29, $0xb8;
	[tilespmem:$0x15C10] =	vst v63  }
0x13d: {  	s26 =	simm.s32 $0x3810;
	s28 =	rddreg [dreg:$0x7]  }
0x13e: {  	[tilespmem:s26], [sflag:$0x4] =	stream.indirect.gather [hbm4b:s4+s29], $0x20, s28, s29, $0xb8;
	[tilespmem:$0x15C10] =	vst v63  }
0x13f: {  	s13 =	simm.s32 $0x4810;
	s15 =	rddreg [dreg:$0x8]  }
0x140: {  	[tilespmem:s13], [sflag:$0x5] =	stream.indirect.gather [hbm4b:s4+s29], $0x20, s15, s29, $0xb8;
	[tilespmem:$0x15C10] =	vst v63  }
0x141: {  	s14 =	simm.s32 $0x5810;
	s28 =	rddreg [dreg:$0x9]  }
0x142: {  	[tilespmem:s14], [sflag:$0x6] =	stream.indirect.gather [hbm4b:s4+s29], $0x20, s28, s29, $0xb8;
	[tilespmem:$0x15C10] =	vst v63  }
0x143: {  	s30 =	rddreg [dreg:$0xa];
	s15 =	simm.s32 $0x6810  }
0x144: {  	[tilespmem:s15], [sflag:$0x7] =	stream.indirect.gather [hbm4b:s4+s29], $0x20, s30, s29, $0xb8;
	[tilespmem:$0x15C10] =	vst v63  }
0x145: {  	s28 =	rddreg [dreg:$0xb];
	s30 =	simm.s32 $0x7810  }
0x146: {  	[tilespmem:s30], [sflag:$0x8] =	stream.indirect.gather [hbm4b:s4+s29], $0x20, s28, s29, $0xb8;
	[tilespmem:$0x15C10] =	vst v63  }
0x147: {  	_ =	swait.ge [sflag:s16], $0x1000  }
0x148: {  	[sflag:s16] =	ssyncset.done $0x0  }
0x149: {  	[sflag:s16] =	ssyncadd.s32 $0xFFFFF000  }
0x14a: {  	[spmem:s1] =	stream.indirect.scatter.add.f32 [tilespmem:s11], [sflag:$0x9], $0x20, s12, s29, $0xb8;
	[tilespmem:$0x15C10] =	vst v63  }
0x14b: {  	_ =	swait.ge [sflag:s17], $0x1000  }
0x14c: {  	[sflag:s17] =	ssyncset.done $0x0  }
0x14d: {  	s28 =	rddreg [dreg:$0xc];
	[sflag:s17] =	ssyncadd.s32 $0xFFFFF000  }
0x14e: {  	[spmem:s1] =	stream.indirect.scatter.add.f32 [tilespmem:s31], [sflag:$0xA], $0x20, s28, s29, $0xb8;
	[tilespmem:$0x15C10] =	vst v63  }
0x14f: {  	_ =	swait.ge [sflag:s18], $0x1000  }
0x150: {  	[sflag:s18] =	ssyncset.done $0x0  }
0x151: {  	s28 =	rddreg [dreg:$0xd];
	[sflag:s18] =	ssyncadd.s32 $0xFFFFF000  }
0x152: {  	[spmem:s1] =	stream.indirect.scatter.add.f32 [tilespmem:s0], [sflag:$0xB], $0x20, s28, s29, $0xb8;
	[tilespmem:$0x15C10] =	vst v63  }
0x153: {  	_ =	swait.ge [sflag:s19], $0x1000  }
0x154: {  	[sflag:s19] =	ssyncset.done $0x0  }
0x155: {  	s28 =	rddreg [dreg:$0xe];
	[sflag:s19] =	ssyncadd.s32 $0xFFFFF000  }
0x156: {  	[spmem:s1] =	stream.indirect.scatter.add.f32 [tilespmem:s26], [sflag:$0xC], $0x20, s28, s29, $0xb8;
	[tilespmem:$0x15C10] =	vst v63  }
0x157: {  	_ =	swait.ge [sflag:s20], $0x1000  }
0x158: {  	[sflag:s20] =	ssyncset.done $0x0  }
0x159: {  	s28 =	rddreg [dreg:$0xf];
	[sflag:s20] =	ssyncadd.s32 $0xFFFFF000  }
0x15a: {  	[spmem:s1] =	stream.indirect.scatter.add.f32 [tilespmem:s13], [sflag:$0xD], $0x20, s28, s29, $0xb8;
	[tilespmem:$0x15C10] =	vst v63  }
0x15b: {  	_ =	swait.ge [sflag:s21], $0x1000  }
0x15c: {  	[sflag:s21] =	ssyncset.done $0x0  }
0x15d: {  	s28 =	rddreg [dreg:$0x10];
	[sflag:s21] =	ssyncadd.s32 $0xFFFFF000  }
0x15e: {  	[spmem:s1] =	stream.indirect.scatter.add.f32 [tilespmem:s14], [sflag:$0xE], $0x20, s28, s29, $0xb8;
	[tilespmem:$0x15C10] =	vst v63  }
0x15f: {  	_ =	swait.ge [sflag:s23], $0x1000  }
0x160: {  	[sflag:s23] =	ssyncset.done $0x0  }
0x161: {  	s28 =	rddreg [dreg:$0x11];
	[sflag:s23] =	ssyncadd.s32 $0xFFFFF000  }
0x162: {  	[spmem:s1] =	stream.indirect.scatter.add.f32 [tilespmem:s15], [sflag:$0xF], $0x20, s28, s29, $0xb8;
	[tilespmem:$0x15C10] =	vst v63  }
0x163: {  	_ =	swait.ge [sflag:s25], $0x1000  }
0x164: {  	[sflag:s25] =	ssyncset.done $0x0  }
0x165: {  	s28 =	rddreg [dreg:$0x12];
	[sflag:s25] =	ssyncadd.s32 $0xFFFFF000  }
0x166: {  	[spmem:s1] =	stream.indirect.scatter.add.f32 [tilespmem:s30], [sflag:$0x10], $0x20, s28, s29, $0xb8;
	[tilespmem:$0x15C10] =	vst v63  }
0x167: {  	_ =	swait.ge [sflag:s7], $0x1000  }
0x168: {  	[sflag:s7] =	ssyncset.done $0x0  }
0x169: {  	[sflag:s7] =	ssyncadd.s32 $0xFFFFF000  }
0x16a: {  	_ =	swait.ge [sflag:s9], $0x1000  }
0x16b: {  	[sflag:s9] =	ssyncset.done $0x0  }
0x16c: {  	[sflag:s9] =	ssyncadd.s32 $0xFFFFF000  }
0x16d: {  	_ =	swait.ge [sflag:s24], $0x1000  }
0x16e: {  	[sflag:s24] =	ssyncset.done $0x0  }
0x16f: {  	[sflag:s24] =	ssyncadd.s32 $0xFFFFF000  }
0x170: {  	_ =	swait.ge [sflag:s6], $0x1000  }
0x171: {  	[sflag:s6] =	ssyncset.done $0x0  }
0x172: {  	[sflag:s6] =	ssyncadd.s32 $0xFFFFF000  }
0x173: {  	_ =	swait.ge [sflag:s2], $0x1000  }
0x174: {  	[sflag:s2] =	ssyncset.done $0x0  }
0x175: {  	[sflag:s2] =	ssyncadd.s32 $0xFFFFF000  }
0x176: {  	_ =	swait.ge [sflag:s8], $0x1000  }
0x177: {  	[sflag:s8] =	ssyncset.done $0x0  }
0x178: {  	p1 =	sne.s32 s5, $0x1;
	[sflag:s8] =	ssyncadd.s32 $0xFFFFF000  }
.Ltmp6:
0x179: {  	_ =	swait.ge [sflag:s10], $0x1000;
	(pc) =	sbr.rel @p1 .LBB2_8-.Ltmp6, $4  }
0x17a: {  	[sflag:s10] =	ssyncset.done $0x0  }
0x17b: {  	s26 =	simm.s32 $0x10;
	[sflag:s10] =	ssyncadd.s32 $0xFFFFF000  }
0x17c: {  	_ =	swait.ge [sflag:s26], $0x1000  }
0x17d: {  	s5 =	sadd.s32 $0xFFFFFFFF, s5;
	s28 =	rddreg [dreg:$0x4];
	[sflag:s26] =	ssyncset.done $0x0  }
0x17e: {  	s30 =	simm.s32 $0x0;
	s31 =	rddreg [dreg:$0x13]  }
0x17f: {  	s2 =	simm.s32 $0x810;
	s6 =	simm.s32 $0x1810;
	s8 =	simm.s32 $0x2810  }
0x180: {  	s10 =	simm.s32 $0x3810;
	s11 =	simm.s32 $0x4810;
	s12 =	simm.s32 $0x5810  }
.Ltmp7:
0x181: {  	s13 =	simm.s32 $0x6810;
	s14 =	simm.s32 $0x7810;
	(pc) =	sbr.rel .LBB2_10-.Ltmp7, $4  }
0x182: {  	s15 =	simm.s32 $0x1;
	s16 =	simm.s32 $0x2;
	s17 =	simm.s32 $0x3  }
0x183: {  	s18 =	simm.s32 $0x4;
	s19 =	simm.s32 $0x5;
	s20 =	simm.s32 $0x6  }
0x184: {  	s21 =	simm.s32 $0x7;
	s23 =	simm.s32 $0x8;
	s7 =	simm.s32 $0x9  }
0x185: {  	s9 =	simm.s32 $0xA;
	s24 =	simm.s32 $0xB;
	s25 =	simm.s32 $0xC  }
.LBB2_7:
0x186: {  	s3 =	rddreg [dreg:$0x17]  }
0x187: {  	s30 =	simm.s32 $0x0;
	s31 =	rddreg [dreg:$0x13]  }
0x188: {  	s2 =	simm.s32 $0x810;
	s6 =	simm.s32 $0x1810;
	s8 =	simm.s32 $0x2810  }
0x189: {  	s10 =	simm.s32 $0x3810;
	s11 =	simm.s32 $0x4810;
	s12 =	simm.s32 $0x5810  }
.Ltmp8:
0x18a: {  	s13 =	simm.s32 $0x6810;
	s14 =	simm.s32 $0x7810;
	(pc) =	sbr.rel .LBB2_10-.Ltmp8, $4  }
0x18b: {  	s15 =	simm.s32 $0x1;
	s16 =	simm.s32 $0x2;
	s17 =	simm.s32 $0x3  }
0x18c: {  	s18 =	simm.s32 $0x4;
	s19 =	simm.s32 $0x5;
	s20 =	simm.s32 $0x6  }
0x18d: {  	s21 =	simm.s32 $0x7;
	s23 =	simm.s32 $0x8;
	s7 =	simm.s32 $0x9  }
0x18e: {  	s9 =	simm.s32 $0xA;
	s24 =	simm.s32 $0xB;
	s25 =	simm.s32 $0xC  }
.LBB2_12:
0x18f: {  	_ =	sfence.sel $0x180000  }
0x190: {  	[bflag:$0x0] =	sbarrier.arrive $0xFFFF  }
0x191: {  	_ =	strace $0x90000047  }
0x192: {  	s0 =	stileid.u32;
	[bflag:$0x2] =	sbarrier.arrive $0xFFFF  }
0x193: {  	p0 =	sne.s32 s0, $0x0;
	s0 =	rddreg [dreg:$0x3]  }
0x194: {  	s0 =	sadd.s32 @!p0 $0x100000, s0  }
0x195: {  	[sflag:s0] =	ssyncadd.tile.s32 @!p0 $0x1;
	_ =	shalt  }
.Lfunc_end2:
_tile_overlayer_lowered:
.L_overlay_start_2:
0x196: {  	(tag) =	ssettag $0x2  }
0x197: {  	s0 =	rddreg [dreg:$0x0];
	s2 =	stileid.u32  }
0x198: {  	s1 =	rddreg [dreg:$0x1];
	p0 =	sne.s32 s2, $0x0  }
0x199: {  	s3 =	rddreg [dreg:$0x2];
	[bflag:$0x3] =	sbarrier.arrive $0xFFFF;
	s2 =	simm.s32 @!p0 $0x1C11  }
0x19a: {  	[timem:s3], [sflag:s2] =	dma.local @!p0 [hbm:s0], s1  }
0x19b: {  	s0 =	simm.s32 @!p0 $0x11  }
0x19c: {  	_ =	swait.ge @!p0 [sflag:s0], s1  }
0x19d: {  	s1 =	ssub.s32 @!p0 $0x0, s1;
	[sflag:s0] =	ssyncset.done @!p0 $0x0  }
0x19e: {  	[sflag:s0] =	ssyncadd.s32 @!p0 s1  }
0x19f: {  	[bflag:$0x3] =	sbarrier.arrive $0xFFFF  }
0x1a0: {  	_ =	shalt  }

// kernel: kernel.13.cloned.1.call-start
scs
__scs_entry_jumppad:
0x0: {  	(pc) =	sbr.rel $0x88, $3  }
0x1: {  	(tag) =	ssettag $0x0;
	lr =	simm.s32 $0x1  }
0x2: {  	[smem:$0x3F8E] =	sst lr;
	_ =	strace $0xD0000000  }
0x3: {  	_ = 	snop  }
0x4: {  	_ = 	snop  }
0x5: {  	_ = 	snop  }
0x6: {  	_ = 	snop  }
0x7: {  	_ = 	snop  }
__scs_overlays_trampoline_lowered:
0x8: {  	[smem:$0x3F9D] =	sst s0  }
0x9: {  	[smem:$0x3F9E] =	sst s1  }
0xa: {  	[smem:$0x3F9F] =	sst s2  }
0xb: {  	[smem:$0x3FA0] =	sst s3  }
0xc: {  	[smem:$0x3FA1] =	sst s4  }
0xd: {  	[smem:$0x3FA2] =	sst s5  }
0xe: {  	[smem:$0x3FA3] =	sst s6  }
0xf: {  	[smem:$0x3FA4] =	sst s7  }
0x10: {  	[smem:$0x3FA5] =	sst s8  }
0x11: {  	[smem:$0x3FA6] =	sst s9;
	s0 =	simm.s32 @!p0 $0x0  }
0x12: {  	s1 =	sld [smem:$0x3F8C];
	s0 =	simm.s32 @p0 $0x1  }
0x13: {  	[smem:$0x3FA7] =	sst s0;
	s0 =	simm.s32 @!p1 $0x0  }
0x14: {  	s2 =	sld [smem:$0x3F8B];
	s0 =	simm.s32 @p1 $0x1  }
0x15: {  	[smem:$0x3FA8] =	sst s0;
	s0 =	simm.s32 @!p2 $0x0  }
0x16: {  	s3 =	sld [smem:$0x3FDB];
	s0 =	simm.s32 @p2 $0x1  }
0x17: {  	s4 =	simm.s32 $0x1BF5;
	[smem:$0x3FAA] =	sst s0  }
0x18: {  	s0 =	sld [smem:$0x3F8D];
	_ =	swait.ge [sflag:s4], $0x0  }
0x19: {  	s7 =	sld [smem:$0x3F8E]  }
0x1a: {  	s8 =	sadd.s32 $0xFFFFE003, lr  }
0x1b: {  	s9 =	sadd.s32 $0xFFFFFEF7, lr;
	s5 =	simm.s32 $0xFFFFFFFF;
	p2 =	slt.u32 s8, $0xFFFFF086  }
0x1c: {  	p1 =	slt.u32 s9, $0xF7A;
	s5 =	simm.s32 @!p2 $0x0  }
0x1d: {  	s5 =	simm.s32 @p1 $0x1;
	p0 =	seq.s32 s7, s2  }
0x1e: {  	s7 =	smul.u32 @!p0 $0xF7A, s2;
	p2 =	seq.s32 @!p0 s5, $0x0  }
0x1f: {  	s9 =	smul.u32 $0xF7A, s1;
	s8 =	simm.s32 @!p0 $0x1BF5;
	p2 =	por !p2, p0  }
0x20: {  	[sflag:s8] =	ssyncset.s32 @!p0 $0xFFFFF086;
	s6 =	sadd.s32 @!p0 s3, s7;
	s7 =	simm.s32 @!p0 $0x108  }
0x21: {  	s3 =	sadd.s32 s3, s9;
	s6 =	sadd.s32 @!p0 $0x88, s6;
	s7 =	simm.s32 @p2 $0x1082  }
0x22: {  	[simem:s7], [sflag:s8] =	dma.local @!p0 [hbm:s6], $0xF7A  }
0x23: {  	s9 =	sor.u32 $0xD0000000, s2;
	s6 =	simm.s32 $0x108;
	_ =	swait.ge @!p0 [sflag:s8], $0x0  }
0x24: {  	s3 =	sadd.s32 $0x88, s3;
	s6 =	simm.s32 @!p1 $0x1082;
	[sflag:s4] =	ssyncset.s32 $0xFFFFF086  }
0x25: {  	[simem:s6], [sflag:s4] =	dma.local [hbm:s3], $0xF7A  }
0x26: {  	[smem:$0x3F8E] =	sst s1;
	(tag) =	ssettag s2;
	_ =	strace s9  }
0x27: {  	s1 =	sld [smem:$0x3F9E]  }
0x28: {  	s2 =	sld [smem:$0x3F9F]  }
0x29: {  	s4 =	sld [smem:$0x3FA1]  }
0x2a: {  	p0 =	seq.s32 s5, $0x0;
	s5 =	sld [smem:$0x3FA2]  }
0x2b: {  	s6 =	sld [smem:$0x3FA3]  }
0x2c: {  	s7 =	sld [smem:$0x3FA4]  }
0x2d: {  	s3 =	simm.s32 $0x108;
	s8 =	sld [smem:$0x3FA5]  }
0x2e: {  	s3 =	simm.s32 @!p0 $0x1082;
	s9 =	sld [smem:$0x3FA6]  }
0x2f: {  	lr =	sadd.s32 s0, s3;
	s0 =	sld [smem:$0x3F9D]  }
0x30: {  	s3 =	sld [smem:$0x3FA0]  }
0x31: {  	[smem:$0x3FA9] =	sst s10  }
0x32: {  	s10 =	sld [smem:$0x3FA7];
	_ =	sdelay $0x3  }
0x33: {  	p0 =	seq.s32 s10, $0x1;
	s10 =	sld [smem:$0x3FA9];
	_ =	sdelay $0x3  }
0x34: {  	[smem:$0x3FA9] =	sst s10  }
0x35: {  	s10 =	sld [smem:$0x3FA8];
	_ =	sdelay $0x3  }
0x36: {  	p1 =	seq.s32 s10, $0x1;
	s10 =	sld [smem:$0x3FA9];
	_ =	sdelay $0x3  }
0x37: {  	[smem:$0x3FA9] =	sst s10  }
0x38: {  	s10 =	sld [smem:$0x3FAA]  }
0x39: {  	_ = 	snop;
	(pc) =	sbr.ind lr, $3  }
0x3a: {  	_ = 	snop  }
0x3b: {  	_ = 	snop  }
0x3c: {  	p2 =	seq.s32 s10, $0x1;
	s10 =	sld [smem:$0x3FA9]  }
0x3d: {  	_ =	shalt  }
0x3e: {  	_ =	shalt  }
0x3f: {  	_ =	shalt  }
0x40: {  	_ =	shalt  }
0x41: {  	_ =	shalt  }
0x42: {  	_ =	shalt  }
0x43: {  	_ =	shalt  }
0x44: {  	_ =	shalt  }
0x45: {  	_ =	shalt  }
0x46: {  	_ =	shalt  }
0x47: {  	_ =	shalt  }
0x48: {  	_ =	shalt  }
0x49: {  	_ =	shalt  }
0x4a: {  	_ =	shalt  }
0x4b: {  	_ =	shalt  }
0x4c: {  	_ =	shalt  }
0x4d: {  	_ =	shalt  }
0x4e: {  	_ =	shalt  }
0x4f: {  	_ =	shalt  }
0x50: {  	_ =	shalt  }
0x51: {  	_ =	shalt  }
0x52: {  	_ =	shalt  }
0x53: {  	_ =	shalt  }
0x54: {  	_ =	shalt  }
0x55: {  	_ =	shalt  }
0x56: {  	_ =	shalt  }
0x57: {  	_ =	shalt  }
0x58: {  	_ =	shalt  }
0x59: {  	_ =	shalt  }
0x5a: {  	_ =	shalt  }
0x5b: {  	_ =	shalt  }
0x5c: {  	_ =	shalt  }
0x5d: {  	_ =	shalt  }
0x5e: {  	_ =	shalt  }
0x5f: {  	_ =	shalt  }
0x60: {  	_ =	shalt  }
0x61: {  	_ =	shalt  }
0x62: {  	_ =	shalt  }
0x63: {  	_ =	shalt  }
0x64: {  	_ =	shalt  }
0x65: {  	_ =	shalt  }
0x66: {  	_ =	shalt  }
0x67: {  	_ =	shalt  }
0x68: {  	_ =	shalt  }
0x69: {  	_ =	shalt  }
0x6a: {  	_ =	shalt  }
0x6b: {  	_ =	shalt  }
0x6c: {  	_ =	shalt  }
0x6d: {  	_ =	shalt  }
0x6e: {  	_ =	shalt  }
0x6f: {  	_ =	shalt  }
0x70: {  	_ =	shalt  }
0x71: {  	_ =	shalt  }
0x72: {  	_ =	shalt  }
0x73: {  	_ =	shalt  }
0x74: {  	_ =	shalt  }
0x75: {  	_ =	shalt  }
0x76: {  	_ =	shalt  }
0x77: {  	_ =	shalt  }
0x78: {  	_ =	shalt  }
0x79: {  	_ =	shalt  }
0x7a: {  	_ =	shalt  }
0x7b: {  	_ =	shalt  }
0x7c: {  	_ =	shalt  }
0x7d: {  	_ =	shalt  }
0x7e: {  	_ =	shalt  }
0x7f: {  	_ =	shalt  }
0x80: {  	_ =	shalt  }
0x81: {  	_ =	shalt  }
0x82: {  	_ =	shalt  }
0x83: {  	_ =	shalt  }
0x84: {  	_ =	shalt  }
0x85: {  	_ =	shalt  }
0x86: {  	_ =	shalt  }
0x87: {  	_ =	shalt  }
.Lfunc_end0:
.L_simem_size_0:
called_computation.1_lowered:
.L_overlay_start_0:
0x88: {  	s2 =	sld [smem:$0x3FD9]  }
0x89: {  	s3 =	sld [smem:$0x3FFE];
	_ =	sdelay $0x1  }
0x8a: {  	s1 =	srdreg.scid  }
0x8b: {  	s0 =	sand.u32 $0x1, s1  }
0x8c: {  	s17 =	sshll.u32 s0, $0xA;
	s2 =	sadd.s32 s3, s2  }
0x8d: {  	s2 =	sadd.s32 s2, s17  }
0x8e: {  	[smem:$0x3FB5] =	sst s2  }
0x8f: {  	_ = 	snop  }
0x90: {  	s2 =	sld [smem:$0x3FD0];
	(tm) =	ssettm $0x1  }
0x91: {  	s18 =	sld [smem:$0x3FFB];
	_ =	sdelay $0x3  }
0x92: {  	_ =	strace s18  }
0x93: {  	s3 =	sld [smem:$0x3FFC];
	_ =	sdelay $0x3  }
0x94: {  	_ =	strace s3  }
0x95: {  	s3 =	sld [smem:$0x3FFD];
	_ =	sdelay $0x3  }
0x96: {  	_ =	strace s3  }
0x97: {  	_ =	strace $0x8FFFFFFF  }
0x98: {  	s19 =	sld [smem:$0x3FDB];
	_ =	sdelay $0x1  }
0x99: {  	s4 =	simm.s32 $_scs_section_size  }
0x9a: {  	s5 =	simm.s32 $_size__tile_overlayer_lowered;
	s6 =	simm.s32 $_tile_overlayer_lowered  }
0x9b: {  	s22 =	simm.s32 $0x1BFF;
	s21 =	sshll.u32 s6, $0x1;
	s3 =	sadd.s32 s4, s19  }
0x9c: {  	s7 =	simm.s32 $0x0;
	s20 =	sshll.u32 s5, $0x1;
	s5 =	sadd.s32 s21, s3  }
0x9d: {  	[timem:s7], [sflag:s22] =	dma.local [hbm:s5], s20  }
0x9e: {  	_ =	swait.ge [sflag:s22], s20  }
0x9f: {  	s4 =	ssub.s32 $0x0, s20;
	[sflag:s22] =	ssyncset.done $0x0  }
0xa0: {  	[sflag:s22] =	ssyncadd.s32 s4;
	_ =	sdelay $0x1  }
0xa1: {  	s23 =	simm.s32 $0x1B8B  }
0xa2: {  	_ =	swait.ge [sflag:s23], $0x1  }
0xa3: {  	[sflag:s23] =	ssyncset.done $0x0  }
0xa4: {  	s25 =	simm.s32 $0x1B8E;
	s24 =	sld [smem:$0x3FFE];
	[sflag:s23] =	ssyncadd.s32 $0xFFFFFFFF  }
0xa5: {  	s26 =	simm.s32 $execute0_lowered;
	[smem:$0x3FD2] =	sst s25  }
0xa6: {  	s5 =	sshll.u32 s26, $0x1;
	_ =	strace $0x80000049;
	[dreg:$0x1] =	wrdreg $0xFFFFFFFF  }
0xa7: {  	s28 =	simm.s32 $_size_execute0_lowered;
	s3 =	sadd.s32 s3, s5;
	[dreg:$0x0] =	wrdreg $0x0  }
0xa8: {  	s5 =	sshll.u32 s28, $0x1;
	[dreg:$0x2] =	wrdreg s3  }
0xa9: {  	[dreg:$0x3] =	wrdreg s5  }
0xaa: {  	[dreg:$0x4] =	wrdreg $0xC0  }
0xab: {  	_ =	task [dreg:s7], $0x5FFFF  }
0xac: {  	[dreg:$0x1] =	wrdreg $0xFFFFFFFF  }
0xad: {  	[dreg:$0x0] =	wrdreg $0x60  }
0xae: {  	[dreg:$0x2] =	wrdreg s24  }
0xaf: {  	[dreg:$0x3] =	wrdreg s2  }
0xb0: {  	[dreg:$0x4] =	wrdreg $0x98100  }
0xb1: {  	[dreg:$0x5] =	wrdreg $0x9  }
0xb2: {  	_ =	task.clear_ibuf [dreg:s7], $0x6FFFF;
	_ =	strace $0x90000049  }
0xb3: {  	s29 =	simm.s32 $0x9;
	_ =	strace $0x8000004B  }
0xb4: {  	_ =	swait.ge [sflag:s29], $0x1  }
0xb5: {  	[sflag:s29] =	ssyncadd.s32 $0xFFFFFFFF  }
0xb6: {  	_ =	strace $0x9000004B  }
0xb7: {  	_ =	sfence  }
0xb8: {  	s30 =	sld [smem:$0x0];
	_ =	sdelay $0x2  }
0xb9: {  	s31 =	sshll.u32 s1, $0xD;
	s1 =	sshrl.u32 s1, $0x2  }
0xba: {  	s3 =	sand.u32 $0x4000, s31;
	s1 =	sadd.s32 s1, s30  }
0xbb: {  	s0 =	sor.u32 s3, s0;
	s1 =	sshll.u32 s1, $0x11  }
0xbc: {  	s0 =	sor.u32 s1, s0  }
0xbd: {  	s0 =	sadd.s32 $0x8F2B, s0  }
0xbe: {  	[sflag:s0] =	ssyncadd.remote.s32 $0x1  }
0xbf: {  	_ =	sfence.sel $0xFFFF  }
0xc0: {  	[dreg:$0x0] =	wrdreg $0xFFFFFFFF;
	(pc) =	sbr.abs _section_cstart, $3  }
0xc1: {  	[dreg:$0x1] =	wrdreg $0xFFFFFFFF  }
0xc2: {  	_ =	task.clear_ibuf [dreg:s7], $0x2FFFF;
	_ =	strace $0x9FFFFFFF  }
0xc3: {  	(tm) =	ssettm $0x7FFFFFFF  }
tec
execute0_lowered:
.L_overlay_start_1:
0x0: {  	(tag) =	ssettag $0x1  }
0x1: {  	s0 =	rddreg [dreg:$0x0]  }
0x2: {  	s2 =	rddreg [dreg:$0x1]  }
0x3: {  	s1 =	rddreg [dreg:$0x2]  }
0x4: {  	s30 =	simm.s32 $0x0;
	s3 =	srdreg.scid;
	s9 =	stileid.u32  }
0x5: {  	s21 =	simm.s32 $0x90;
	[smem:$0x7FF] =	sst s30;
	s20 =	sshll.u32 s9, $0xA  }
0x6: {  	s22 =	simm.s32 $0x110;
	_ =	strace $0x8000004A;
	[dreg:$0x17] =	wrdreg s20  }
0x7: {  	s23 =	simm.s32 $0x190;
	s24 =	simm.s32 $0x210;
	[dreg:$0x5] =	wrdreg s21  }
0x8: {  	s26 =	simm.s32 $0x290;
	s11 =	simm.s32 $0x390;
	[dreg:$0x6] =	wrdreg s22  }
0x9: {  	s13 =	simm.s32 $0x490;
	s3 =	sand.u32 $0x1, s3;
	[dreg:$0x7] =	wrdreg s23  }
0xa: {  	s6 =	smul.u32 $0x31000, s9;
	s15 =	sshll.u32 s9, $0x1;
	[dreg:$0x8] =	wrdreg s24  }
0xb: {  	s19 =	smul.u32 $0xC400, s9;
	s9 =	simm.s32 $0x310;
	[dreg:$0x9] =	wrdreg s26  }
0xc: {  	s4 =	sadd.s32 $0x62000, s0;
	s5 =	ssub.s32 $0x2, s3;
	[dreg:$0xa] =	wrdreg s9  }
0xd: {  	s8 =	sshll.u32 s3, $0x5;
	s3 =	smul.u32 $0x18800, s3;
	[dreg:$0xb] =	wrdreg s11  }
0xe: {  	[dreg:$0xc] =	wrdreg s13;
	s21 =	simm.s32 $0x690;
	s23 =	simm.s32 $0x710  }
0xf: {  	s7 =	sshrl.u32 s5, $0x1;
	s2 =	sadd.s32 s2, s8;
	[dreg:$0x10] =	wrdreg s21  }
0x10: {  	s6 =	sshrl.u32 s6, $0x2;
	[dreg:$0x11] =	wrdreg s23;
	s5 =	ssub.s32 s5, s7  }
0x11: {  	s31 =	sadd.s32 s0, s3;
	s16 =	sadd.s32 s15, s2;
	s7 =	sadd.s32 s6, s1  }
0x12: {  	s6 =	sshrl.u32 s19, $0x3;
	s15 =	simm.s32 $0x510;
	[dreg:$0x14] =	wrdreg s16  }
0x13: {  	s0 =	sadd.s32 s19, s1;
	s19 =	simm.s32 $0x610;
	[dreg:$0xd] =	wrdreg s15  }
0x14: {  	[dreg:$0xf] =	wrdreg s19  }
0x15: {  	[dreg:$0x15] =	wrdreg s7  }
0x16: {  	s29 =	simm.s32 $0x80;
	s18 =	sadd.s32 $0xC000, s7;
	[dreg:$0x13] =	wrdreg s31  }
0x17: {  	s28 =	simm.s32 $0x0;
	s17 =	sadd.s32 $0x31000, s31;
	[dreg:$0x16] =	wrdreg s18  }
0x18: {  	s11 =	simm.s32 $0x4810;
	s5 =	smax.u32 s5, $0x1;
	[dreg:$0x4] =	wrdreg s17  }
0x19: {  	s13 =	simm.s32 $0x6810;
	s25 =	sadd.s32 $0x1000, s7;
	[dreg:$0x18] =	wrdreg s5  }
0x1a: {  	s9 =	simm.s32 $0xA;
	s8 =	sadd.s32 $0x2000, s7;
	[dreg:$0x19] =	wrdreg s25  }
0x1b: {  	s21 =	simm.s32 $0x7;
	s10 =	sadd.s32 $0x3000, s7;
	[dreg:$0x1a] =	wrdreg s8  }
0x1c: {  	s23 =	simm.s32 $0x8;
	s12 =	sadd.s32 $0x4000, s7;
	[dreg:$0x1b] =	wrdreg s10  }
0x1d: {  	s2 =	sadd.s32 $0x92E00, s31;
	s14 =	sadd.s32 $0x5000, s7;
	[dreg:$0x1c] =	wrdreg s12  }
0x1e: {  	s16 =	sadd.s32 $0x6000, s7;
	s20 =	sadd.s32 $0x8000, s7;
	[dreg:$0x1d] =	wrdreg s14  }
0x1f: {  	s22 =	sadd.s32 $0x9000, s7;
	s24 =	sadd.s32 $0xA000, s7;
	[dreg:$0x1e] =	wrdreg s16  }
0x20: {  	s26 =	sadd.s32 $0xB000, s7;
	s0 =	sshrl.u32 s0, $0x3;
	[smem:$0x7F8] =	sst s20  }
0x21: {  	s15 =	simm.s32 $0x1;
	s19 =	simm.s32 $0x5;
	[smem:$0x7F9] =	sst s22  }
0x22: {  	s17 =	simm.s32 $0x590;
	s18 =	sadd.s32 $0x7000, s7;
	[smem:$0x7FA] =	sst s24  }
0x23: {  	s25 =	simm.s32 $0x790;
	[smem:$0x7FB] =	sst s26;
	s22 =	simm.s32 $0x11  }
0x24: {  	s2 =	sadd.s32 s6, s2;
	[smem:$0x7FD] =	sst s0;
	s26 =	simm.s32 $0x10  }
0x25: {  	s6 =	simm.s32 $0x1810;
	s8 =	simm.s32 $0x2810;
	s10 =	simm.s32 $0x3810  }
.Ltmp0:
0x26: {  	s12 =	simm.s32 $0x5810;
	[dreg:$0x1f] =	wrdreg s18;
	(pc) =	sbr.rel .LBB2_1-.Ltmp0, $4  }
0x27: {  	s14 =	simm.s32 $0x7810;
	s16 =	simm.s32 $0x2;
	[dreg:$0xe] =	wrdreg s17  }
0x28: {  	s20 =	simm.s32 $0x6;
	s7 =	simm.s32 $0x9;
	[dreg:$0x12] =	wrdreg s25  }
0x29: {  	s24 =	simm.s32 $0xB;
	[smem:$0x7FC] =	sst s2;
	s2 =	simm.s32 $0x810  }
0x2a: {  	v0 =	vimm.f32 $0.0e+00;
	s17 =	simm.s32 $0x3;
	s18 =	simm.s32 $0x4;
	s25 =	simm.s32 $0xC  }
.LBB2_5:
0x2b: {  	s3 =	rddreg [dreg:$0x17]  }
.LBB2_10:
0x2c: {  	s3 =	sadd.s32 @p0 $0x4000, s3;
	s5 =	rddreg [dreg:$0x17]  }
0x2d: {  	s5 =	smov.u32 @p0 s3  }
0x2e: {  	s3 =	sshrl.u32 s5, $0x3  }
0x2f: {  	[sflag:s26] =	ssyncadd.s32 @p0 $0xFFFFF000;
	s5 =	sadd.s32 s3, s28  }
0x30: {  	[tilespmem:s26], [sflag:$0x11] =	stream.linear.gather [hbm4b:s5+s30], $0x400, $0x38;
	[tilespmem:$0x15C10] =	vst v63  }
0x31: {  	_ =	swait.ge [sflag:s22], $0x400  }
0x32: {  	[sflag:s22] =	ssyncset.done $0x0  }
0x33: {  	s0 =	simm.s32 $0x410;
	s3 =	sadd.s32 s3, s31;
	[sflag:s22] =	ssyncadd.s32 $0xFFFFFC00  }
0x34: {  	[tilespmem:s0], [sflag:$0x11] =	stream.linear.gather [hbm4b:s3+s30], $0x400, $0x38;
	[tilespmem:$0x15C10] =	vst v63  }
0x35: {  	_ =	swait.ge [sflag:s22], $0x400  }
0x36: {  	[sflag:s22] =	ssyncset.done $0x0  }
0x37: {  	[sflag:s22] =	ssyncadd.s32 $0xFFFFFC00  }
0x38: {  	[tilespmem:s2], [sflag:$0x1] =	stream.indirect.gather [hbm4b:s4+s29], $0x20, s26, s29, $0xb8;
	[tilespmem:$0x15C10] =	vst v63  }
0x39: {  	s3 =	rddreg [dreg:$0x5]  }
0x3a: {  	[tilespmem:s6], [sflag:$0x2] =	stream.indirect.gather [hbm4b:s4+s29], $0x20, s3, s29, $0xb8;
	[tilespmem:$0x15C10] =	vst v63  }
0x3b: {  	s5 =	rddreg [dreg:$0x6]  }
0x3c: {  	[tilespmem:s8], [sflag:$0x3] =	stream.indirect.gather [hbm4b:s4+s29], $0x20, s5, s29, $0xb8;
	[tilespmem:$0x15C10] =	vst v63  }
0x3d: {  	s3 =	rddreg [dreg:$0x7]  }
0x3e: {  	[tilespmem:s10], [sflag:$0x4] =	stream.indirect.gather [hbm4b:s4+s29], $0x20, s3, s29, $0xb8;
	[tilespmem:$0x15C10] =	vst v63  }
0x3f: {  	s5 =	rddreg [dreg:$0x8]  }
0x40: {  	[tilespmem:s11], [sflag:$0x5] =	stream.indirect.gather [hbm4b:s4+s29], $0x20, s5, s29, $0xb8;
	[tilespmem:$0x15C10] =	vst v63  }
0x41: {  	s3 =	rddreg [dreg:$0x9]  }
0x42: {  	[tilespmem:s12], [sflag:$0x6] =	stream.indirect.gather [hbm4b:s4+s29], $0x20, s3, s29, $0xb8;
	[tilespmem:$0x15C10] =	vst v63  }
0x43: {  	s5 =	rddreg [dreg:$0xa]  }
0x44: {  	[tilespmem:s13], [sflag:$0x7] =	stream.indirect.gather [hbm4b:s4+s29], $0x20, s5, s29, $0xb8;
	[tilespmem:$0x15C10] =	vst v63  }
0x45: {  	s3 =	rddreg [dreg:$0xb]  }
0x46: {  	[tilespmem:s14], [sflag:$0x8] =	stream.indirect.gather [hbm4b:s4+s29], $0x20, s3, s29, $0xb8;
	[tilespmem:$0x15C10] =	vst v63  }
0x47: {  	_ =	swait.ge [sflag:s15], $0x1000  }
0x48: {  	[sflag:s15] =	ssyncset.done $0x0  }
0x49: {  	[sflag:s15] =	ssyncadd.s32 $0xFFFFF000  }
0x4a: {  	[spmem:s1] =	stream.indirect.scatter.add.f32 [tilespmem:s2], [sflag:$0x9], $0x20, s0, s29, $0xb8;
	[tilespmem:$0x15C10] =	vst v63  }
0x4b: {  	_ =	swait.ge [sflag:s16], $0x1000  }
0x4c: {  	[sflag:s16] =	ssyncset.done $0x0  }
0x4d: {  	s0 =	rddreg [dreg:$0xc];
	[sflag:s16] =	ssyncadd.s32 $0xFFFFF000  }
0x4e: {  	[spmem:s1] =	stream.indirect.scatter.add.f32 [tilespmem:s6], [sflag:$0xA], $0x20, s0, s29, $0xb8;
	[tilespmem:$0x15C10] =	vst v63  }
0x4f: {  	_ =	swait.ge [sflag:s17], $0x1000  }
0x50: {  	[sflag:s17] =	ssyncset.done $0x0  }
0x51: {  	s5 =	rddreg [dreg:$0xd];
	[sflag:s17] =	ssyncadd.s32 $0xFFFFF000  }
0x52: {  	[spmem:s1] =	stream.indirect.scatter.add.f32 [tilespmem:s8], [sflag:$0xB], $0x20, s5, s29, $0xb8;
	[tilespmem:$0x15C10] =	vst v63  }
0x53: {  	_ =	swait.ge [sflag:s18], $0x1000  }
0x54: {  	[sflag:s18] =	ssyncset.done $0x0  }
0x55: {  	s0 =	rddreg [dreg:$0xe];
	[sflag:s18] =	ssyncadd.s32 $0xFFFFF000  }
0x56: {  	[spmem:s1] =	stream.indirect.scatter.add.f32 [tilespmem:s10], [sflag:$0xC], $0x20, s0, s29, $0xb8;
	[tilespmem:$0x15C10] =	vst v63  }
0x57: {  	_ =	swait.ge [sflag:s19], $0x1000  }
0x58: {  	[sflag:s19] =	ssyncset.done $0x0  }
0x59: {  	s5 =	rddreg [dreg:$0xf];
	[sflag:s19] =	ssyncadd.s32 $0xFFFFF000  }
0x5a: {  	[spmem:s1] =	stream.indirect.scatter.add.f32 [tilespmem:s11], [sflag:$0xD], $0x20, s5, s29, $0xb8;
	[tilespmem:$0x15C10] =	vst v63  }
0x5b: {  	_ =	swait.ge [sflag:s20], $0x1000  }
0x5c: {  	[sflag:s20] =	ssyncset.done $0x0  }
0x5d: {  	s0 =	rddreg [dreg:$0x10];
	[sflag:s20] =	ssyncadd.s32 $0xFFFFF000  }
0x5e: {  	[spmem:s1] =	stream.indirect.scatter.add.f32 [tilespmem:s12], [sflag:$0xE], $0x20, s0, s29, $0xb8;
	[tilespmem:$0x15C10] =	vst v63  }
0x5f: {  	_ =	swait.ge [sflag:s21], $0x1000  }
0x60: {  	[sflag:s21] =	ssyncset.done $0x0  }
0x61: {  	s5 =	rddreg [dreg:$0x11];
	[sflag:s21] =	ssyncadd.s32 $0xFFFFF000  }
0x62: {  	[spmem:s1] =	stream.indirect.scatter.add.f32 [tilespmem:s13], [sflag:$0xF], $0x20, s5, s29, $0xb8;
	[tilespmem:$0x15C10] =	vst v63  }
0x63: {  	_ =	swait.ge [sflag:s23], $0x1000  }
0x64: {  	[sflag:s23] =	ssyncset.done $0x0  }
0x65: {  	s0 =	rddreg [dreg:$0x12];
	[sflag:s23] =	ssyncadd.s32 $0xFFFFF000  }
0x66: {  	[spmem:s1] =	stream.indirect.scatter.add.f32 [tilespmem:s14], [sflag:$0x10], $0x20, s0, s29, $0xb8;
	[tilespmem:$0x15C10] =	vst v63  }
0x67: {  	_ =	swait.ge [sflag:s7], $0x1000  }
0x68: {  	[sflag:s7] =	ssyncset.done $0x0  }
0x69: {  	[sflag:s7] =	ssyncadd.s32 $0xFFFFF000  }
0x6a: {  	_ =	swait.ge [sflag:s9], $0x1000  }
0x6b: {  	[sflag:s9] =	ssyncset.done $0x0  }
0x6c: {  	[sflag:s9] =	ssyncadd.s32 $0xFFFFF000  }
0x6d: {  	_ =	swait.ge [sflag:s24], $0x1000  }
0x6e: {  	[sflag:s24] =	ssyncset.done $0x0  }
0x6f: {  	[sflag:s24] =	ssyncadd.s32 $0xFFFFF000  }
0x70: {  	_ =	swait.ge [sflag:s25], $0x1000  }
0x71: {  	[sflag:s25] =	ssyncset.done $0x0  }
0x72: {  	s5 =	simm.s32 $0xD;
	[sflag:s25] =	ssyncadd.s32 $0xFFFFF000  }
0x73: {  	_ =	swait.ge [sflag:s5], $0x1000  }
0x74: {  	[sflag:s5] =	ssyncset.done $0x0  }
0x75: {  	s3 =	simm.s32 $0xE;
	[sflag:s5] =	ssyncadd.s32 $0xFFFFF000  }
0x76: {  	_ =	swait.ge [sflag:s3], $0x1000  }
0x77: {  	[sflag:s3] =	ssyncset.done $0x0  }
0x78: {  	s5 =	simm.s32 $0xF;
	[sflag:s3] =	ssyncadd.s32 $0xFFFFF000  }
0x79: {  	_ =	swait.ge [sflag:s5], $0x1000  }
0x7a: {  	[sflag:s5] =	ssyncset.done $0x0  }
0x7b: {  	[sflag:s5] =	ssyncadd.s32 $0xFFFFF000  }
0x7c: {  	_ =	swait.ge [sflag:s26], $0x1000  }
0x7d: {  	[sflag:s26] =	ssyncset.done $0x0  }
0x7e: {  	s28 =	sld [smem:$0x7F7];
	[sflag:s26] =	ssyncadd.s32 $0xFFFFF000  }
.LBB2_11:
0x7f: {  	[bflag:$0x0] =	sbarrier.arrive $0xFFFF  }
0x80: {  	s0 =	sld [smem:$0x7FC]  }
0x81: {  	s3 =	stileid.u32;
	s5 =	sld [smem:$0x7FD]  }
0x82: {  	s3 =	sshll.u32 s3, $0x6  }
0x83: {  	s3 =	sor.u32 $0x1C11, s3  }
0x84: {  	[hbm:s0], [sflag:s3] =	dma.local [spmem:s5], $0x1880  }
0x85: {  	_ =	swait.ge [sflag:s22], $0x1880  }
0x86: {  	s28 =	sadd.s32 $0x1, s28;
	s5 =	rddreg [dreg:$0x18]  }
0x87: {  	p0 =	sne.s32 s28, s5  }
.Ltmp1:
0x88: {  	_ = 	snop;
	(pc) =	sbr.rel @!p0 .LBB2_12-.Ltmp1, $3  }
0x89: {  	_ =	sdelay $0x1  }
0x8a: {  	[sflag:s22] =	ssyncset.done $0x0  }
0x8b: {  	[sflag:s22] =	ssyncadd.s32 $0xFFFFE780  }
.LBB2_1:
0x8c: {  	[smem:$0x7F7] =	sst s28  }
0x8d: {  	s0 =	rddreg [dreg:$0x14]  }
0x8e: {  	[tilespmem:s30], [sflag:$0x11] =	stream.linear.gather [hbm4b:s0+s30], $0x10, $0x38;
	[tilespmem:$0x15C10] =	vst v63  }
0x8f: {  	_ =	swait.ge [sflag:s22], $0x10  }
0x90: {  	[sflag:s22] =	ssyncset.done $0x0  }
0x91: {  	s3 =	simm.s32 $0x80;
	s5 =	simm.s32 $0x0;
	[sflag:s22] =	ssyncadd.s32 $0xFFFFFFF0  }
.LBB2_2:
0x92: {  	p0 =	sne.s32 s3, $0x3F80;
	[tilespmem:s5+$0x8810] =	vst v0;
	s28 =	smov.u32 s3;
	s3 =	sadd.s32 $0x80, s3  }
.Ltmp2:
0x93: {  	[tilespmem:s5+$0x8820] =	vst v0;
	(pc) =	sbr.rel @p0 .LBB2_2-.Ltmp2, $2  }
0x94: {  	_ =	sdelay $0x2  }
0x95: {  	s5 =	sshra.s32 s28, $0x2  }
0x96: {  	[tilespmem:s5+$0x8810] =	vst v0  }
0x97: {  	[tilespmem:s5+$0x8820] =	vst v0;
	s0 =	rddreg [dreg:$0x15];
	s3 =	simm.s32 $0x8810  }
0x98: {  	[spmem:s0] =	stream.linear.scatter [tilespmem:s3], [sflag:$0x11], $0x1000, $0x38;
	[tilespmem:$0x15C10] =	vst v63  }
0x99: {  	_ =	swait.ge [sflag:s22], $0x1000  }
0x9a: {  	[sflag:s22] =	ssyncset.done $0x0  }
0x9b: {  	s5 =	rddreg [dreg:$0x19];
	[sflag:s22] =	ssyncadd.s32 $0xFFFFF000  }
0x9c: {  	[spmem:s5] =	stream.linear.scatter [tilespmem:s3], [sflag:$0x11], $0x1000, $0x38;
	[tilespmem:$0x15C10] =	vst v63  }
0x9d: {  	_ =	swait.ge [sflag:s22], $0x1000  }
0x9e: {  	[sflag:s22] =	ssyncset.done $0x0  }
0x9f: {  	s5 =	rddreg [dreg:$0x1a];
	[sflag:s22] =	ssyncadd.s32 $0xFFFFF000  }
0xa0: {  	[spmem:s5] =	stream.linear.scatter [tilespmem:s3], [sflag:$0x11], $0x1000, $0x38;
	[tilespmem:$0x15C10] =	vst v63  }
0xa1: {  	_ =	swait.ge [sflag:s22], $0x1000  }
0xa2: {  	[sflag:s22] =	ssyncset.done $0x0  }
0xa3: {  	s5 =	rddreg [dreg:$0x1b];
	[sflag:s22] =	ssyncadd.s32 $0xFFFFF000  }
0xa4: {  	[spmem:s5] =	stream.linear.scatter [tilespmem:s3], [sflag:$0x11], $0x1000, $0x38;
	[tilespmem:$0x15C10] =	vst v63  }
0xa5: {  	_ =	swait.ge [sflag:s22], $0x1000  }
0xa6: {  	[sflag:s22] =	ssyncset.done $0x0  }
0xa7: {  	s5 =	rddreg [dreg:$0x1c];
	[sflag:s22] =	ssyncadd.s32 $0xFFFFF000  }
0xa8: {  	[spmem:s5] =	stream.linear.scatter [tilespmem:s3], [sflag:$0x11], $0x1000, $0x38;
	[tilespmem:$0x15C10] =	vst v63  }
0xa9: {  	_ =	swait.ge [sflag:s22], $0x1000  }
0xaa: {  	[sflag:s22] =	ssyncset.done $0x0  }
0xab: {  	s5 =	rddreg [dreg:$0x1d];
	[sflag:s22] =	ssyncadd.s32 $0xFFFFF000  }
0xac: {  	[spmem:s5] =	stream.linear.scatter [tilespmem:s3], [sflag:$0x11], $0x1000, $0x38;
	[tilespmem:$0x15C10] =	vst v63  }
0xad: {  	_ =	swait.ge [sflag:s22], $0x1000  }
0xae: {  	[sflag:s22] =	ssyncset.done $0x0  }
0xaf: {  	s5 =	rddreg [dreg:$0x1e];
	[sflag:s22] =	ssyncadd.s32 $0xFFFFF000  }
0xb0: {  	[spmem:s5] =	stream.linear.scatter [tilespmem:s3], [sflag:$0x11], $0x1000, $0x38;
	[tilespmem:$0x15C10] =	vst v63  }
0xb1: {  	_ =	swait.ge [sflag:s22], $0x1000  }
0xb2: {  	[sflag:s22] =	ssyncset.done $0x0  }
0xb3: {  	s5 =	rddreg [dreg:$0x1f];
	[sflag:s22] =	ssyncadd.s32 $0xFFFFF000  }
0xb4: {  	[spmem:s5] =	stream.linear.scatter [tilespmem:s3], [sflag:$0x11], $0x1000, $0x38;
	[tilespmem:$0x15C10] =	vst v63  }
0xb5: {  	_ =	swait.ge [sflag:s22], $0x1000  }
0xb6: {  	s5 =	sld [smem:$0x7F8]  }
0xb7: {  	[sflag:s22] =	ssyncset.done $0x0  }
0xb8: {  	[sflag:s22] =	ssyncadd.s32 $0xFFFFF000  }
0xb9: {  	[spmem:s5] =	stream.linear.scatter [tilespmem:s3], [sflag:$0x11], $0x1000, $0x38;
	[tilespmem:$0x15C10] =	vst v63  }
0xba: {  	_ =	swait.ge [sflag:s22], $0x1000  }
0xbb: {  	s5 =	sld [smem:$0x7F9]  }
0xbc: {  	[sflag:s22] =	ssyncset.done $0x0  }
0xbd: {  	[sflag:s22] =	ssyncadd.s32 $0xFFFFF000  }
0xbe: {  	[spmem:s5] =	stream.linear.scatter [tilespmem:s3], [sflag:$0x11], $0x1000, $0x38;
	[tilespmem:$0x15C10] =	vst v63  }
0xbf: {  	_ =	swait.ge [sflag:s22], $0x1000  }
0xc0: {  	s5 =	sld [smem:$0x7FA]  }
0xc1: {  	[sflag:s22] =	ssyncset.done $0x0  }
0xc2: {  	[sflag:s22] =	ssyncadd.s32 $0xFFFFF000  }
0xc3: {  	[spmem:s5] =	stream.linear.scatter [tilespmem:s3], [sflag:$0x11], $0x1000, $0x38;
	[tilespmem:$0x15C10] =	vst v63  }
0xc4: {  	_ =	swait.ge [sflag:s22], $0x1000  }
0xc5: {  	s5 =	sld [smem:$0x7FB]  }
0xc6: {  	[sflag:s22] =	ssyncset.done $0x0  }
0xc7: {  	[sflag:s22] =	ssyncadd.s32 $0xFFFFF000  }
0xc8: {  	[spmem:s5] =	stream.linear.scatter [tilespmem:s3], [sflag:$0x11], $0x1000, $0x38;
	[tilespmem:$0x15C10] =	vst v63  }
0xc9: {  	_ =	swait.ge [sflag:s22], $0x1000  }
0xca: {  	[sflag:s22] =	ssyncset.done $0x0  }
0xcb: {  	s5 =	rddreg [dreg:$0x16];
	[sflag:s22] =	ssyncadd.s32 $0xFFFFF000  }
0xcc: {  	[spmem:s5] =	stream.linear.scatter [tilespmem:s3], [sflag:$0x11], $0x400, $0x38;
	[tilespmem:$0x15C10] =	vst v63  }
0xcd: {  	_ =	swait.ge [sflag:s22], $0x400  }
0xce: {  	[sflag:s22] =	ssyncset.done $0x0  }
0xcf: {  	[sflag:s22] =	ssyncadd.s32 $0xFFFFFC00  }
0xd0: {  	[bflag:$0x0] =	sbarrier.arrive $0xFFFF  }
0xd1: {  	v1 =	vld [tilespmem:$0x0];
	_ =	sdelay $0x4  }
0xd2: {  	(v2sf) =	vpush v1, $0x0;
	_ =	sdelay $0xe  }
0xd3: {  	s3 =	spop (v2sf)  }
0xd4: {  	p0 =	slt.s32 s3, $0x1  }
.Ltmp3:
0xd5: {  	_ = 	snop;
	(pc) =	sbr.rel @p0 .LBB2_11-.Ltmp3, $2  }
0xd6: {  	_ =	sdelay $0x2  }
0xd7: {  	s28 =	sld [smem:$0x7F7]  }
0xd8: {  	p1 =	sne.s32 s3, $0x1  }
.Ltmp4:
0xd9: {  	_ = 	snop;
	(pc) =	sbr.rel @!p1 .LBB2_5-.Ltmp4, $2  }
0xda: {  	_ =	sdelay $0x2  }
0xdb: {  	s3 =	sadd.s32 $0xFFFFFFFF, s3;
	s28 =	rddreg [dreg:$0x4];
	p0 =	por $0x0, $0x0  }
0xdc: {  	s0 =	rddreg [dreg:$0x17]  }
0xdd: {  	s5 =	sshrl.u32 s0, $0x3  }
0xde: {  	s28 =	sadd.s32 s5, s28  }
0xdf: {  	[tilespmem:s26], [sflag:$0x11] =	stream.linear.gather [hbm4b:s28+s30], $0x400, $0x38;
	[tilespmem:$0x15C10] =	vst v63  }
0xe0: {  	_ =	swait.ge [sflag:s22], $0x400  }
0xe1: {  	[sflag:s22] =	ssyncset.done $0x0  }
0xe2: {  	s8 =	simm.s32 $0x410;
	s5 =	sadd.s32 s5, s31;
	[sflag:s22] =	ssyncadd.s32 $0xFFFFFC00  }
0xe3: {  	[tilespmem:s8], [sflag:$0x11] =	stream.linear.gather [hbm4b:s5+s30], $0x400, $0x38;
	[tilespmem:$0x15C10] =	vst v63  }
0xe4: {  	_ =	swait.ge [sflag:s22], $0x400  }
0xe5: {  	[sflag:s22] =	ssyncset.done $0x0  }
0xe6: {  	s2 =	simm.s32 $0x810;
	[sflag:s22] =	ssyncadd.s32 $0xFFFFFC00  }
0xe7: {  	[tilespmem:s2], [sflag:$0x1] =	stream.indirect.gather [hbm4b:s4+s29], $0x20, s26, s29, $0xb8;
	[tilespmem:$0x15C10] =	vst v63  }
0xe8: {  	s31 =	simm.s32 $0x1810;
	s30 =	rddreg [dreg:$0x5]  }
0xe9: {  	[tilespmem:s31], [sflag:$0x2] =	stream.indirect.gather [hbm4b:s4+s29], $0x20, s30, s29, $0xb8;
	[tilespmem:$0x15C10] =	vst v63  }
0xea: {  	s15 =	simm.s32 $0x2810;
	s28 =	rddreg [dreg:$0x6]  }
0xeb: {  	[tilespmem:s15], [sflag:$0x3] =	stream.indirect.gather [hbm4b:s4+s29], $0x20, s28, s29, $0xb8;
	[tilespmem:$0x15C10] =	vst v63  }
0xec: {  	s14 =	simm.s32 $0x3810;
	s30 =	rddreg [dreg:$0x7]  }
0xed: {  	[tilespmem:s14], [sflag:$0x4] =	stream.indirect.gather [hbm4b:s4+s29], $0x20, s30, s29, $0xb8;
	[tilespmem:$0x15C10] =	vst v63  }
0xee: {  	s10 =	simm.s32 $0x4810;
	s28 =	rddreg [dreg:$0x8]  }
0xef: {  	[tilespmem:s10], [sflag:$0x5] =	stream.indirect.gather [hbm4b:s4+s29], $0x20, s28, s29, $0xb8;
	[tilespmem:$0x15C10] =	vst v63  }
0xf0: {  	s11 =	simm.s32 $0x5810;
	s30 =	rddreg [dreg:$0x9]  }
0xf1: {  	[tilespmem:s11], [sflag:$0x6] =	stream.indirect.gather [hbm4b:s4+s29], $0x20, s30, s29, $0xb8;
	[tilespmem:$0x15C10] =	vst v63  }
0xf2: {  	s12 =	simm.s32 $0x6810;
	s28 =	rddreg [dreg:$0xa]  }
0xf3: {  	[tilespmem:s12], [sflag:$0x7] =	stream.indirect.gather [hbm4b:s4+s29], $0x20, s28, s29, $0xb8;
	[tilespmem:$0x15C10] =	vst v63  }
0xf4: {  	s16 =	simm.s32 $0x1;
	s13 =	simm.s32 $0x7810;
	s30 =	rddreg [dreg:$0xb]  }
0xf5: {  	[tilespmem:s13], [sflag:$0x8] =	stream.indirect.gather [hbm4b:s4+s29], $0x20, s30, s29, $0xb8;
	[tilespmem:$0x15C10] =	vst v63  }
0xf6: {  	_ =	swait.ge [sflag:s16], $0x1000  }
0xf7: {  	[sflag:s16] =	ssyncset.done $0x0  }
0xf8: {  	s17 =	simm.s32 $0x2;
	[sflag:s16] =	ssyncadd.s32 $0xFFFFF000  }
0xf9: {  	[spmem:s1] =	stream.indirect.scatter.add.f32 [tilespmem:s2], [sflag:$0x9], $0x20, s8, s29, $0xb8;
	[tilespmem:$0x15C10] =	vst v63  }
0xfa: {  	_ =	swait.ge [sflag:s17], $0x1000  }
0xfb: {  	[sflag:s17] =	ssyncset.done $0x0  }
0xfc: {  	s18 =	simm.s32 $0x3;
	s30 =	rddreg [dreg:$0xc];
	[sflag:s17] =	ssyncadd.s32 $0xFFFFF000  }
0xfd: {  	[spmem:s1] =	stream.indirect.scatter.add.f32 [tilespmem:s31], [sflag:$0xA], $0x20, s30, s29, $0xb8;
	[tilespmem:$0x15C10] =	vst v63  }
0xfe: {  	_ =	swait.ge [sflag:s18], $0x1000  }
0xff: {  	[sflag:s18] =	ssyncset.done $0x0  }
0x100: {  	s19 =	simm.s32 $0x4;
	s2 =	rddreg [dreg:$0xd];
	[sflag:s18] =	ssyncadd.s32 $0xFFFFF000  }
0x101: {  	[spmem:s1] =	stream.indirect.scatter.add.f32 [tilespmem:s15], [sflag:$0xB], $0x20, s2, s29, $0xb8;
	[tilespmem:$0x15C10] =	vst v63  }
0x102: {  	_ =	swait.ge [sflag:s19], $0x1000  }
0x103: {  	[sflag:s19] =	ssyncset.done $0x0  }
0x104: {  	s20 =	simm.s32 $0x5;
	s8 =	rddreg [dreg:$0xe];
	[sflag:s19] =	ssyncadd.s32 $0xFFFFF000  }
0x105: {  	[spmem:s1] =	stream.indirect.scatter.add.f32 [tilespmem:s14], [sflag:$0xC], $0x20, s8, s29, $0xb8;
	[tilespmem:$0x15C10] =	vst v63  }
0x106: {  	_ =	swait.ge [sflag:s20], $0x1000  }
0x107: {  	[sflag:s20] =	ssyncset.done $0x0  }
0x108: {  	s21 =	simm.s32 $0x6;
	s14 =	rddreg [dreg:$0xf];
	[sflag:s20] =	ssyncadd.s32 $0xFFFFF000  }
0x109: {  	[spmem:s1] =	stream.indirect.scatter.add.f32 [tilespmem:s10], [sflag:$0xD], $0x20, s14, s29, $0xb8;
	[tilespmem:$0x15C10] =	vst v63  }
0x10a: {  	_ =	swait.ge [sflag:s21], $0x1000  }
0x10b: {  	[sflag:s21] =	ssyncset.done $0x0  }
0x10c: {  	s23 =	simm.s32 $0x7;
	s15 =	rddreg [dreg:$0x10];
	[sflag:s21] =	ssyncadd.s32 $0xFFFFF000  }
0x10d: {  	[spmem:s1] =	stream.indirect.scatter.add.f32 [tilespmem:s11], [sflag:$0xE], $0x20, s15, s29, $0xb8;
	[tilespmem:$0x15C10] =	vst v63  }
0x10e: {  	_ =	swait.ge [sflag:s23], $0x1000  }
0x10f: {  	[sflag:s23] =	ssyncset.done $0x0  }
0x110: {  	s25 =	simm.s32 $0x8;
	s30 =	rddreg [dreg:$0x11];
	[sflag:s23] =	ssyncadd.s32 $0xFFFFF000  }
0x111: {  	[spmem:s1] =	stream.indirect.scatter.add.f32 [tilespmem:s12], [sflag:$0xF], $0x20, s30, s29, $0xb8;
	[tilespmem:$0x15C10] =	vst v63  }
0x112: {  	_ =	swait.ge [sflag:s25], $0x1000  }
0x113: {  	[sflag:s25] =	ssyncset.done $0x0  }
0x114: {  	s7 =	simm.s32 $0x9;
	s31 =	rddreg [dreg:$0x12];
	[sflag:s25] =	ssyncadd.s32 $0xFFFFF000  }
0x115: {  	[spmem:s1] =	stream.indirect.scatter.add.f32 [tilespmem:s13], [sflag:$0x10], $0x20, s31, s29, $0xb8;
	[tilespmem:$0x15C10] =	vst v63  }
0x116: {  	_ =	swait.ge [sflag:s7], $0x1000  }
0x117: {  	[sflag:s7] =	ssyncset.done $0x0  }
0x118: {  	s9 =	simm.s32 $0xA;
	[sflag:s7] =	ssyncadd.s32 $0xFFFFF000  }
0x119: {  	_ =	swait.ge [sflag:s9], $0x1000  }
0x11a: {  	[sflag:s9] =	ssyncset.done $0x0  }
0x11b: {  	s24 =	simm.s32 $0xB;
	[sflag:s9] =	ssyncadd.s32 $0xFFFFF000  }
0x11c: {  	_ =	swait.ge [sflag:s24], $0x1000  }
0x11d: {  	[sflag:s24] =	ssyncset.done $0x0  }
0x11e: {  	s6 =	simm.s32 $0xC;
	[sflag:s24] =	ssyncadd.s32 $0xFFFFF000  }
0x11f: {  	_ =	swait.ge [sflag:s6], $0x1000  }
0x120: {  	[sflag:s6] =	ssyncset.done $0x0  }
0x121: {  	s2 =	simm.s32 $0xD;
	[sflag:s6] =	ssyncadd.s32 $0xFFFFF000  }
0x122: {  	_ =	swait.ge [sflag:s2], $0x1000  }
0x123: {  	[sflag:s2] =	ssyncset.done $0x0  }
0x124: {  	s8 =	simm.s32 $0xE;
	[sflag:s2] =	ssyncadd.s32 $0xFFFFF000  }
0x125: {  	_ =	swait.ge [sflag:s8], $0x1000  }
0x126: {  	[sflag:s8] =	ssyncset.done $0x0  }
0x127: {  	p1 =	sne.s32 s3, $0x1;
	s10 =	simm.s32 $0xF;
	[sflag:s8] =	ssyncadd.s32 $0xFFFFF000  }
.Ltmp5:
0x128: {  	_ =	swait.ge [sflag:s10], $0x1000;
	(pc) =	sbr.rel @!p1 .LBB2_7-.Ltmp5, $4  }
0x129: {  	[sflag:s10] =	ssyncset.done $0x0  }
0x12a: {  	[sflag:s10] =	ssyncadd.s32 $0xFFFFF000  }
0x12b: {  	p0 =	por $0x1, $0x1;
	s5 =	sadd.s32 $0xFFFFFFFF, s3;
	_ =	swait.ge [sflag:s26], $0x1000  }
0x12c: {  	s3 =	smov.u32 s0;
	s28 =	rddreg [dreg:$0x4];
	[sflag:s26] =	ssyncset.done $0x0  }
.LBB2_8:
0x12d: {  	s3 =	sadd.s32 $0x4000, s3  }
0x12e: {  	s30 =	sshrl.u32 s3, $0x3  }
0x12f: {  	[sflag:s26] =	ssyncadd.s32 $0xFFFFF000;
	s11 =	simm.s32 $0x0;
	s28 =	sadd.s32 s30, s28  }
0x130: {  	[tilespmem:s26], [sflag:$0x11] =	stream.linear.gather [hbm4b:s28+s11], $0x400, $0x38;
	[tilespmem:$0x15C10] =	vst v63  }
0x131: {  	_ =	swait.ge [sflag:s22], $0x400  }
0x132: {  	[sflag:s22] =	ssyncset.done $0x0;
	s0 =	rddreg [dreg:$0x13]  }
0x133: {  	s12 =	simm.s32 $0x410;
	[sflag:s22] =	ssyncadd.s32 $0xFFFFFC00;
	s28 =	sadd.s32 s30, s0  }
0x134: {  	[tilespmem:s12], [sflag:$0x11] =	stream.linear.gather [hbm4b:s28+s11], $0x400, $0x38;
	[tilespmem:$0x15C10] =	vst v63  }
0x135: {  	_ =	swait.ge [sflag:s22], $0x400  }
0x136: {  	[sflag:s22] =	ssyncset.done $0x0  }
0x137: {  	s11 =	simm.s32 $0x810;
	[sflag:s22] =	ssyncadd.s32 $0xFFFFFC00  }
0x138: {  	[tilespmem:s11], [sflag:$0x1] =	stream.indirect.gather [hbm4b:s4+s29], $0x20, s26, s29, $0xb8;
	[tilespmem:$0x15C10] =	vst v63  }
0x139: {  	s31 =	simm.s32 $0x1810;
	s28 =	rddreg [dreg:$0x5]  }
0x13a: {  	[tilespmem:s31], [sflag:$0x2] =	stream.indirect.gather [hbm4b:s4+s29], $0x20, s28, s29, $0xb8;
	[tilespmem:$0x15C10] =	vst v63  }
0x13b: {  	s0 =	simm.s32 $0x2810;
	s14 =	rddreg [dreg:$0x6]  }
0x13c: {  	[tilespmem:s0], [sflag:$0x3] =	stream.indirect.gather [hbm4b:s4+s29], $0x20, s14, s29, $0xb8;
	[tilespmem:$0x15C10] =	vst v63  }
0x13d: {  	s26 =	simm.s32 $0x3810;
	s28 =	rddreg [dreg:$0x7]  }
0x13e: {  	[tilespmem:s26], [sflag:$0x4] =	stream.indirect.gather [hbm4b:s4+s29], $0x20, s28, s29, $0xb8;
	[tilespmem:$0x15C10] =	vst v63  }
0x13f: {  	s13 =	simm.s32 $0x4810;
	s15 =	rddreg [dreg:$0x8]  }
0x140: {  	[tilespmem:s13], [sflag:$0x5] =	stream.indirect.gather [hbm4b:s4+s29], $0x20, s15, s29, $0xb8;
	[tilespmem:$0x15C10] =	vst v63  }
0x141: {  	s14 =	simm.s32 $0x5810;
	s28 =	rddreg [dreg:$0x9]  }
0x142: {  	[tilespmem:s14], [sflag:$0x6] =	stream.indirect.gather [hbm4b:s4+s29], $0x20, s28, s29, $0xb8;
	[tilespmem:$0x15C10] =	vst v63  }
0x143: {  	s30 =	rddreg [dreg:$0xa];
	s15 =	simm.s32 $0x6810  }
0x144: {  	[tilespmem:s15], [sflag:$0x7] =	stream.indirect.gather [hbm4b:s4+s29], $0x20, s30, s29, $0xb8;
	[tilespmem:$0x15C10] =	vst v63  }
0x145: {  	s28 =	rddreg [dreg:$0xb];
	s30 =	simm.s32 $0x7810  }
0x146: {  	[tilespmem:s30], [sflag:$0x8] =	stream.indirect.gather [hbm4b:s4+s29], $0x20, s28, s29, $0xb8;
	[tilespmem:$0x15C10] =	vst v63  }
0x147: {  	_ =	swait.ge [sflag:s16], $0x1000  }
0x148: {  	[sflag:s16] =	ssyncset.done $0x0  }
0x149: {  	[sflag:s16] =	ssyncadd.s32 $0xFFFFF000  }
0x14a: {  	[spmem:s1] =	stream.indirect.scatter.add.f32 [tilespmem:s11], [sflag:$0x9], $0x20, s12, s29, $0xb8;
	[tilespmem:$0x15C10] =	vst v63  }
0x14b: {  	_ =	swait.ge [sflag:s17], $0x1000  }
0x14c: {  	[sflag:s17] =	ssyncset.done $0x0  }
0x14d: {  	s28 =	rddreg [dreg:$0xc];
	[sflag:s17] =	ssyncadd.s32 $0xFFFFF000  }
0x14e: {  	[spmem:s1] =	stream.indirect.scatter.add.f32 [tilespmem:s31], [sflag:$0xA], $0x20, s28, s29, $0xb8;
	[tilespmem:$0x15C10] =	vst v63  }
0x14f: {  	_ =	swait.ge [sflag:s18], $0x1000  }
0x150: {  	[sflag:s18] =	ssyncset.done $0x0  }
0x151: {  	s28 =	rddreg [dreg:$0xd];
	[sflag:s18] =	ssyncadd.s32 $0xFFFFF000  }
0x152: {  	[spmem:s1] =	stream.indirect.scatter.add.f32 [tilespmem:s0], [sflag:$0xB], $0x20, s28, s29, $0xb8;
	[tilespmem:$0x15C10] =	vst v63  }
0x153: {  	_ =	swait.ge [sflag:s19], $0x1000  }
0x154: {  	[sflag:s19] =	ssyncset.done $0x0  }
0x155: {  	s28 =	rddreg [dreg:$0xe];
	[sflag:s19] =	ssyncadd.s32 $0xFFFFF000  }
0x156: {  	[spmem:s1] =	stream.indirect.scatter.add.f32 [tilespmem:s26], [sflag:$0xC], $0x20, s28, s29, $0xb8;
	[tilespmem:$0x15C10] =	vst v63  }
0x157: {  	_ =	swait.ge [sflag:s20], $0x1000  }
0x158: {  	[sflag:s20] =	ssyncset.done $0x0  }
0x159: {  	s28 =	rddreg [dreg:$0xf];
	[sflag:s20] =	ssyncadd.s32 $0xFFFFF000  }
0x15a: {  	[spmem:s1] =	stream.indirect.scatter.add.f32 [tilespmem:s13], [sflag:$0xD], $0x20, s28, s29, $0xb8;
	[tilespmem:$0x15C10] =	vst v63  }
0x15b: {  	_ =	swait.ge [sflag:s21], $0x1000  }
0x15c: {  	[sflag:s21] =	ssyncset.done $0x0  }
0x15d: {  	s28 =	rddreg [dreg:$0x10];
	[sflag:s21] =	ssyncadd.s32 $0xFFFFF000  }
0x15e: {  	[spmem:s1] =	stream.indirect.scatter.add.f32 [tilespmem:s14], [sflag:$0xE], $0x20, s28, s29, $0xb8;
	[tilespmem:$0x15C10] =	vst v63  }
0x15f: {  	_ =	swait.ge [sflag:s23], $0x1000  }
0x160: {  	[sflag:s23] =	ssyncset.done $0x0  }
0x161: {  	s28 =	rddreg [dreg:$0x11];
	[sflag:s23] =	ssyncadd.s32 $0xFFFFF000  }
0x162: {  	[spmem:s1] =	stream.indirect.scatter.add.f32 [tilespmem:s15], [sflag:$0xF], $0x20, s28, s29, $0xb8;
	[tilespmem:$0x15C10] =	vst v63  }
0x163: {  	_ =	swait.ge [sflag:s25], $0x1000  }
0x164: {  	[sflag:s25] =	ssyncset.done $0x0  }
0x165: {  	s28 =	rddreg [dreg:$0x12];
	[sflag:s25] =	ssyncadd.s32 $0xFFFFF000  }
0x166: {  	[spmem:s1] =	stream.indirect.scatter.add.f32 [tilespmem:s30], [sflag:$0x10], $0x20, s28, s29, $0xb8;
	[tilespmem:$0x15C10] =	vst v63  }
0x167: {  	_ =	swait.ge [sflag:s7], $0x1000  }
0x168: {  	[sflag:s7] =	ssyncset.done $0x0  }
0x169: {  	[sflag:s7] =	ssyncadd.s32 $0xFFFFF000  }
0x16a: {  	_ =	swait.ge [sflag:s9], $0x1000  }
0x16b: {  	[sflag:s9] =	ssyncset.done $0x0  }
0x16c: {  	[sflag:s9] =	ssyncadd.s32 $0xFFFFF000  }
0x16d: {  	_ =	swait.ge [sflag:s24], $0x1000  }
0x16e: {  	[sflag:s24] =	ssyncset.done $0x0  }
0x16f: {  	[sflag:s24] =	ssyncadd.s32 $0xFFFFF000  }
0x170: {  	_ =	swait.ge [sflag:s6], $0x1000  }
0x171: {  	[sflag:s6] =	ssyncset.done $0x0  }
0x172: {  	[sflag:s6] =	ssyncadd.s32 $0xFFFFF000  }
0x173: {  	_ =	swait.ge [sflag:s2], $0x1000  }
0x174: {  	[sflag:s2] =	ssyncset.done $0x0  }
0x175: {  	[sflag:s2] =	ssyncadd.s32 $0xFFFFF000  }
0x176: {  	_ =	swait.ge [sflag:s8], $0x1000  }
0x177: {  	[sflag:s8] =	ssyncset.done $0x0  }
0x178: {  	p1 =	sne.s32 s5, $0x1;
	[sflag:s8] =	ssyncadd.s32 $0xFFFFF000  }
.Ltmp6:
0x179: {  	_ =	swait.ge [sflag:s10], $0x1000;
	(pc) =	sbr.rel @p1 .LBB2_8-.Ltmp6, $4  }
0x17a: {  	[sflag:s10] =	ssyncset.done $0x0  }
0x17b: {  	s26 =	simm.s32 $0x10;
	[sflag:s10] =	ssyncadd.s32 $0xFFFFF000  }
0x17c: {  	_ =	swait.ge [sflag:s26], $0x1000  }
0x17d: {  	s5 =	sadd.s32 $0xFFFFFFFF, s5;
	s28 =	rddreg [dreg:$0x4];
	[sflag:s26] =	ssyncset.done $0x0  }
0x17e: {  	s30 =	simm.s32 $0x0;
	s31 =	rddreg [dreg:$0x13]  }
0x17f: {  	s2 =	simm.s32 $0x810;
	s6 =	simm.s32 $0x1810;
	s8 =	simm.s32 $0x2810  }
0x180: {  	s10 =	simm.s32 $0x3810;
	s11 =	simm.s32 $0x4810;
	s12 =	simm.s32 $0x5810  }
.Ltmp7:
0x181: {  	s13 =	simm.s32 $0x6810;
	s14 =	simm.s32 $0x7810;
	(pc) =	sbr.rel .LBB2_10-.Ltmp7, $4  }
0x182: {  	s15 =	simm.s32 $0x1;
	s16 =	simm.s32 $0x2;
	s17 =	simm.s32 $0x3  }
0x183: {  	s18 =	simm.s32 $0x4;
	s19 =	simm.s32 $0x5;
	s20 =	simm.s32 $0x6  }
0x184: {  	s21 =	simm.s32 $0x7;
	s23 =	simm.s32 $0x8;
	s7 =	simm.s32 $0x9  }
0x185: {  	s9 =	simm.s32 $0xA;
	s24 =	simm.s32 $0xB;
	s25 =	simm.s32 $0xC  }
.LBB2_7:
0x186: {  	s3 =	rddreg [dreg:$0x17]  }
0x187: {  	s30 =	simm.s32 $0x0;
	s31 =	rddreg [dreg:$0x13]  }
0x188: {  	s2 =	simm.s32 $0x810;
	s6 =	simm.s32 $0x1810;
	s8 =	simm.s32 $0x2810  }
0x189: {  	s10 =	simm.s32 $0x3810;
	s11 =	simm.s32 $0x4810;
	s12 =	simm.s32 $0x5810  }
.Ltmp8:
0x18a: {  	s13 =	simm.s32 $0x6810;
	s14 =	simm.s32 $0x7810;
	(pc) =	sbr.rel .LBB2_10-.Ltmp8, $4  }
0x18b: {  	s15 =	simm.s32 $0x1;
	s16 =	simm.s32 $0x2;
	s17 =	simm.s32 $0x3  }
0x18c: {  	s18 =	simm.s32 $0x4;
	s19 =	simm.s32 $0x5;
	s20 =	simm.s32 $0x6  }
0x18d: {  	s21 =	simm.s32 $0x7;
	s23 =	simm.s32 $0x8;
	s7 =	simm.s32 $0x9  }
0x18e: {  	s9 =	simm.s32 $0xA;
	s24 =	simm.s32 $0xB;
	s25 =	simm.s32 $0xC  }
.LBB2_12:
0x18f: {  	_ =	sfence.sel $0x180000  }
0x190: {  	[bflag:$0x0] =	sbarrier.arrive $0xFFFF  }
0x191: {  	_ =	strace $0x9000004A  }
0x192: {  	s0 =	stileid.u32;
	[bflag:$0x2] =	sbarrier.arrive $0xFFFF  }
0x193: {  	p0 =	sne.s32 s0, $0x0;
	s0 =	rddreg [dreg:$0x3]  }
0x194: {  	s0 =	sadd.s32 @!p0 $0x100000, s0  }
0x195: {  	[sflag:s0] =	ssyncadd.tile.s32 @!p0 $0x1;
	_ =	shalt  }
.Lfunc_end2:
_tile_overlayer_lowered:
.L_overlay_start_2:
0x196: {  	(tag) =	ssettag $0x2  }
0x197: {  	s0 =	rddreg [dreg:$0x0];
	s2 =	stileid.u32  }
0x198: {  	s1 =	rddreg [dreg:$0x1];
	p0 =	sne.s32 s2, $0x0  }
0x199: {  	s3 =	rddreg [dreg:$0x2];
	[bflag:$0x3] =	sbarrier.arrive $0xFFFF;
	s2 =	simm.s32 @!p0 $0x1C11  }
0x19a: {  	[timem:s3], [sflag:s2] =	dma.local @!p0 [hbm:s0], s1  }
0x19b: {  	s0 =	simm.s32 @!p0 $0x11  }
0x19c: {  	_ =	swait.ge @!p0 [sflag:s0], s1  }
0x19d: {  	s1 =	ssub.s32 @!p0 $0x0, s1;
	[sflag:s0] =	ssyncset.done @!p0 $0x0  }
0x19e: {  	[sflag:s0] =	ssyncadd.s32 @!p0 s1  }
0x19f: {  	[bflag:$0x3] =	sbarrier.arrive $0xFFFF  }
0x1a0: {  	_ =	shalt  }

</sc_bundles>
